<compile_context>
chip_gen: v7x
topology: tpu7x:2x2x1
jax: 0.10.2.dev20260603
libtpu: 0.0.44.dev20260713+nightly
codegen_flags: <defaults>
</compile_context>

<pallas_src>
import functools

import jax
import jax.numpy as jnp
from jax import lax
from jax.experimental import pallas as pl
from jax.experimental.pallas import tpu as pltpu
from jax.experimental.pallas import tpu_sc as plsc

_D = 32
_L = 16
_NC = 2
_NS = 16
_NW = _NC * _NS
_TS = 8
_TB = 128
_CH = _TS * _TB


@functools.lru_cache(maxsize=None)
def _gather_call(bsz, seq):
    nst = seq // _TS
    ndt = _D // _TS
    nqg = _TB // _L
    mesh = plsc.VectorSubcoreMesh(core_axis_name="c", subcore_axis_name="s")

    @functools.partial(
        pl.kernel,
        mesh=mesh,
        out_type=jax.ShapeDtypeStruct((seq, ndt, _NW, _TS, _TB), jnp.float32),
        scratch_types=[
            pltpu.VMEM((2, _TS, _TB), jnp.int32),
            pltpu.VMEM((2, _CH, _D), jnp.float32),
            pltpu.VMEM((_TS, _D, _TB), jnp.float32),
            (pltpu.SemaphoreType.DMA, pltpu.SemaphoreType.DMA),
            pltpu.SemaphoreType.DMA,
        ],
        compiler_params=pltpu.CompilerParams(
            use_tc_tiling_on_sc=False, needs_layout_passes=False),
    )
    def k(idx4_hbm, tab_hbm, out5_hbm, idx_t, rows_v, trans_v, gsems, wsem):
        wid = lax.axis_index("s") * _NC + lax.axis_index("c")
        iota = lax.iota(jnp.int32, _L)
        qvecs = [iota + qg * _L for qg in range(nqg)]

        def fire(g, b):
            pltpu.sync_copy(idx4_hbm.at[g, wid], idx_t.at[b])
            for p in range(_TS):
                pltpu.make_async_copy(
                    tab_hbm.at[idx_t.at[b, p]],
                    rows_v.at[b, pl.ds(p * _TB, _TB)],
                    gsems[b],
                ).start()

        def drain(b):
            for p in range(_TS):
                pltpu.make_async_copy(
                    tab_hbm.at[idx_t.at[b, p]],
                    rows_v.at[b, pl.ds(p * _TB, _TB)],
                    gsems[b],
                ).wait()

        def wb_copies(g):
            return [
                pltpu.make_async_copy(
                    trans_v.at[:, pl.ds(di * _TS, _TS)],
                    out5_hbm.at[pl.ds(g * _TS, _TS), di, wid],
                    wsem,
                )
                for di in range(ndt)
            ]

        def transpose_wb(g, b):
            @pl.when(g > 0)
            def _():
                for c in wb_copies(0):
                    c.wait()

            def tbody(ps, tcarry):
                psvec = jnp.full((_L,), ps, jnp.int32)
                ps128 = jnp.full((_L,), ps * _TB, jnp.int32)
                rowvecs = [ps128 + qv for qv in qvecs]

                def cbody(c2, ccarry):
                    c = c2 * 2
                    dvecs = []
                    for dc in range(2):
                        d = [(iota + (c + dc)) & (_L - 1)]
                        for d0 in range(_L, _D, _L):
                            d.append(d[0] + d0)
                        dvecs += d
                    for qg in range(nqg):
                        for dvec in dvecs:
                            vals = plsc.load_gather(
                                rows_v.at[b], [rowvecs[qg], dvec])
                            plsc.store_scatter(
                                trans_v, [psvec, dvec, qvecs[qg]], vals)
                    return ccarry

                lax.fori_loop(0, _L // 2, cbody, 0)
                return tcarry

            lax.fori_loop(0, _TS, tbody, 0)
            for c in wb_copies(g):
                c.start()

        fire(0, 0)

        def body(hb, carry):
            e = hb * 2
            fire(e + 1, 1)
            drain(0)
            transpose_wb(e, 0)
            fire(e + 2, 0)
            drain(1)
            transpose_wb(e + 1, 1)
            return carry

        lax.fori_loop(0, (nst - 1) // 2, body, 0)
        drain(0)
        transpose_wb(nst - 1, 0)
        for c in wb_copies(0):
            c.wait()

    return k


def kernel(x, w):
    bsz, seq = x.shape
    assert bsz == _NW * _TB and seq % (2 * _TS) == _TS and _D % _TS == 0
    nst = seq // _TS
    x4 = (x.astype(jnp.int32).T
          .reshape(nst, _TS, _NW, _TB).transpose(0, 2, 1, 3))
    out5 = _gather_call(bsz, seq)(x4, w)
    return out5.transpose(2, 4, 0, 1, 3).reshape(bsz, seq, _D)

# --- scband reference (transcript-rebuilt; emitter-appended) ---
"""Pipeline reference for scband-fixed-embedding-8186207666590 (READ-ONLY COPY).

The authoritative reference and input builder live on the scoring server;
editing this copy changes nothing except your own understanding.
"""

import jax, jax.numpy as jnp
import numpy as np

VOCAB = 1000000
EMBED_DIM = 32
BATCH = 4096
SEQ_LEN = 200


def setup_inputs(seed: int = 0) -> dict:
    key = jax.random.key(seed)
    k_w, k_x = jax.random.split(key)
    w = jax.random.normal(k_w, (VOCAB, EMBED_DIM), dtype=jnp.float32)
    x = jax.random.randint(k_x, (BATCH, SEQ_LEN), 0, VOCAB, dtype=jnp.int64)
    return {"x": x, "w": w}


def reference(x, w):
    # FixedEmbedding.call: cast to int64 then tf.gather(self.w, x)
    x = x.astype(jnp.int64)
    y = jnp.take(w, x, axis=0)
    return y

if __name__ == "__main__":
    import jax
    _d = setup_inputs()
    print(jax.jit(kernel)(*tuple(_d.values())))

</pallas_src>

<mosaic_0001>
#map = affine_map<(d0, d1) -> (0, 0, 0, 0)>
#map1 = affine_map<(d0, d1) -> (0, 0)>
#map2 = affine_map<(d0, d1) -> (0, 0, 0, 0, 0)>
module attributes {stable_mosaic.version = 14 : i64} {
  func.func @k(%arg0: i32, %arg1: i32, %arg2: memref<25x32x8x128xi32, #tpu.memory_space<hbm>>, %arg3: memref<1000000x32xf32, #tpu.memory_space<hbm>>, %arg4: memref<200x4x32x8x128xf32, #tpu.memory_space<hbm>>, %arg5: memref<2x8x128xi32, #tpu.memory_space<vmem>>, %arg6: memref<2x1024x32xf32, #tpu.memory_space<vmem>>, %arg7: memref<8x32x128xf32, #tpu.memory_space<vmem>>, %arg8: memref<!tpu.dma_semaphore, #tpu.memory_space<semaphore_mem>>, %arg9: memref<!tpu.dma_semaphore, #tpu.memory_space<semaphore_mem>>, %arg10: memref<!tpu.dma_semaphore, #tpu.memory_space<semaphore_mem>>) attributes {dimension_semantics = [#tpu.dimension_semantics<core_parallel>, #tpu.dimension_semantics<subcore_parallel>], iteration_bounds = array<i64: 2, 16>, scalar_prefetch = 0 : i64, scratch_operands = 6 : i64, tpu.core_type = #tpu.core_type<sc_vector_subcore>, window_params = [{transform_indices = #map}, {transform_indices = #map1}, {transform_indices = #map2}]} {
    %mul3A = arith.constant 2 : i32
    %mul3A_0 = arith.muli %arg1, %mul3A : i32
    %add3A = arith.addi %mul3A_0, %arg0 : i32
    %iota3A = tpu.iota {dimensions = array<i32: 0>} : vector<16xi32>
    %add3A_1 = arith.constant 0 : i32
    %add3A_2 = vector.broadcast %add3A_1 : i32 to vector<16xi32>
    %add3A_3 = arith.addi %iota3A, %add3A_2 : vector<16xi32>
    %add3A_4 = arith.constant 16 : i32
    %add3A_5 = vector.broadcast %add3A_4 : i32 to vector<16xi32>
    %add3A_6 = arith.addi %iota3A, %add3A_5 : vector<16xi32>
    %add3A_7 = arith.constant 32 : i32
    %add3A_8 = vector.broadcast %add3A_7 : i32 to vector<16xi32>
    %add3A_9 = arith.addi %iota3A, %add3A_8 : vector<16xi32>
    %add3A_10 = arith.constant 48 : i32
    %add3A_11 = vector.broadcast %add3A_10 : i32 to vector<16xi32>
    %add3A_12 = arith.addi %iota3A, %add3A_11 : vector<16xi32>
    %add3A_13 = arith.constant 64 : i32
    %add3A_14 = vector.broadcast %add3A_13 : i32 to vector<16xi32>
    %add3A_15 = arith.addi %iota3A, %add3A_14 : vector<16xi32>
    %add3A_16 = arith.constant 80 : i32
    %add3A_17 = vector.broadcast %add3A_16 : i32 to vector<16xi32>
    %add3A_18 = arith.addi %iota3A, %add3A_17 : vector<16xi32>
    %add3A_19 = arith.constant 96 : i32
    %add3A_20 = vector.broadcast %add3A_19 : i32 to vector<16xi32>
    %add3A_21 = arith.addi %iota3A, %add3A_20 : vector<16xi32>
    %add3A_22 = arith.constant 112 : i32
    %add3A_23 = vector.broadcast %add3A_22 : i32 to vector<16xi32>
    %add3A_24 = arith.addi %iota3A, %add3A_23 : vector<16xi32>
    %run_scoped3A = arith.constant 0 : i32
    %run_scoped3A_25 = arith.constant 0 : i32
    "tpu.region"() ({
      %run_scoped3A_471 = tpu.sem_alloc : memref<!tpu.dma_semaphore, #tpu.memory_space<semaphore_mem>>
      %dma_start3A_472 = arith.constant 0 : i32
      %dma_start3A_473 = arith.constant 0 : i32
      %dma_start3A_474 = tpu.memref_slice %arg5[%run_scoped3A_25, %dma_start3A_472, %dma_start3A_473] : memref<2x8x128xi32, #tpu.memory_space<vmem>> -> memref<1x8x128xi32, #tpu.memory_space<vmem>>
      %dma_start3A_475 = tpu.memref_squeeze %dma_start3A_474 : memref<1x8x128xi32, #tpu.memory_space<vmem>> -> memref<8x128xi32, #tpu.memory_space<vmem>>
      %dma_start3A_476 = arith.constant 0 : i32
      %dma_start3A_477 = arith.constant 0 : i32
      %dma_start3A_478 = tpu.memref_slice %arg2[%run_scoped3A, %add3A, %dma_start3A_476, %dma_start3A_477] : memref<25x32x8x128xi32, #tpu.memory_space<hbm>> -> memref<1x1x8x128xi32, #tpu.memory_space<hbm>>
      %dma_start3A_479 = tpu.memref_squeeze %dma_start3A_478 : memref<1x1x8x128xi32, #tpu.memory_space<hbm>> -> memref<8x128xi32, #tpu.memory_space<hbm>>
      %dma_start3A_480 = arith.constant 0 : i32
      %dma_start3A_481 = arith.constant 0 : i32
      %dma_start3A_482 = tpu.memref_slice %arg5[%run_scoped3A_25, %dma_start3A_480, %dma_start3A_481] : memref<2x8x128xi32, #tpu.memory_space<vmem>> -> memref<1x8x128xi32, #tpu.memory_space<vmem>>
      %dma_start3A_483 = tpu.memref_squeeze %dma_start3A_482 : memref<1x8x128xi32, #tpu.memory_space<vmem>> -> memref<8x128xi32, #tpu.memory_space<vmem>>
      %dma_start3A_484 = arith.constant 0 : i32
      %dma_start3A_485 = arith.constant 0 : i32
      %dma_start3A_486 = tpu.memref_slice %arg2[%run_scoped3A, %add3A, %dma_start3A_484, %dma_start3A_485] : memref<25x32x8x128xi32, #tpu.memory_space<hbm>> -> memref<1x1x8x128xi32, #tpu.memory_space<hbm>>
      %dma_start3A_487 = tpu.memref_squeeze %dma_start3A_486 : memref<1x1x8x128xi32, #tpu.memory_space<hbm>> -> memref<8x128xi32, #tpu.memory_space<hbm>>
      tpu.enqueue_dma source(%dma_start3A_487 : memref<8x128xi32, #tpu.memory_space<hbm>>) target(%dma_start3A_483 : memref<8x128xi32, #tpu.memory_space<vmem>>) target_semaphore(%run_scoped3A_471 : memref<!tpu.dma_semaphore, #tpu.memory_space<semaphore_mem>>)
      %dma_wait3A_488 = arith.constant 0 : i32
      %dma_wait3A_489 = arith.constant 0 : i32
      %dma_wait3A_490 = tpu.memref_slice %arg5[%run_scoped3A_25, %dma_wait3A_488, %dma_wait3A_489] : memref<2x8x128xi32, #tpu.memory_space<vmem>> -> memref<1x8x128xi32, #tpu.memory_space<vmem>>
      %dma_wait3A_491 = tpu.memref_squeeze %dma_wait3A_490 : memref<1x8x128xi32, #tpu.memory_space<vmem>> -> memref<8x128xi32, #tpu.memory_space<vmem>>
      %dma_wait3A_492 = arith.constant 0 : i32
      %dma_wait3A_493 = arith.constant 0 : i32
      %dma_wait3A_494 = tpu.memref_slice %arg2[%run_scoped3A, %add3A, %dma_wait3A_492, %dma_wait3A_493] : memref<25x32x8x128xi32, #tpu.memory_space<hbm>> -> memref<1x1x8x128xi32, #tpu.memory_space<hbm>>
      %dma_wait3A_495 = tpu.memref_squeeze %dma_wait3A_494 : memref<1x1x8x128xi32, #tpu.memory_space<hbm>> -> memref<8x128xi32, #tpu.memory_space<hbm>>
      %dma_wait3A_496 = arith.constant 0 : i32
      %dma_wait3A_497 = arith.constant 0 : i32
      %dma_wait3A_498 = tpu.memref_slice %arg5[%run_scoped3A_25, %dma_wait3A_496, %dma_wait3A_497] : memref<2x8x128xi32, #tpu.memory_space<vmem>> -> memref<1x8x128xi32, #tpu.memory_space<vmem>>
      %dma_wait3A_499 = tpu.memref_squeeze %dma_wait3A_498 : memref<1x8x128xi32, #tpu.memory_space<vmem>> -> memref<8x128xi32, #tpu.memory_space<vmem>>
      %dma_wait3A_500 = arith.constant 0 : i32
      %dma_wait3A_501 = arith.constant 0 : i32
      %dma_wait3A_502 = tpu.memref_slice %arg2[%run_scoped3A, %add3A, %dma_wait3A_500, %dma_wait3A_501] : memref<25x32x8x128xi32, #tpu.memory_space<hbm>> -> memref<1x1x8x128xi32, #tpu.memory_space<hbm>>
      %dma_wait3A_503 = tpu.memref_squeeze %dma_wait3A_502 : memref<1x1x8x128xi32, #tpu.memory_space<hbm>> -> memref<8x128xi32, #tpu.memory_space<hbm>>
      tpu.wait_dma2 semaphore(%run_scoped3A_471 : memref<!tpu.dma_semaphore, #tpu.memory_space<semaphore_mem>>) src(%dma_wait3A_503 : memref<8x128xi32, #tpu.memory_space<hbm>>) dst(%dma_wait3A_499 : memref<8x128xi32, #tpu.memory_space<vmem>>)
      tpu.yield
    }) : () -> ()
    %dma_start3A = arith.constant 0 : i32
    %dma_start3A_26 = arith.constant 0 : i32
    %dma_start3A_27 = arith.constant 0 : i32
    %dma_start3A_28 = arith.constant 0 : i32
    %dma_start3A_29 = arith.constant 0 : i32
    %dma_start3A_30 = tpu.memref_slice %arg6[%dma_start3A_27, %dma_start3A_28, %dma_start3A_29] : memref<2x1024x32xf32, #tpu.memory_space<vmem>> -> memref<1x128x32xf32, #tpu.memory_space<vmem>>
    %dma_start3A_31 = tpu.memref_squeeze %dma_start3A_30 : memref<1x128x32xf32, #tpu.memory_space<vmem>> -> memref<128x32xf32, #tpu.memory_space<vmem>>
    %dma_start3A_32 = arith.constant 0 : i32
    %dma_start3A_33 = tpu.memref_slice %arg5[%dma_start3A, %dma_start3A_26, %dma_start3A_32] : memref<2x8x128xi32, #tpu.memory_space<vmem>> -> memref<1x1x128xi32, #tpu.memory_space<vmem>>
    %dma_start3A_34 = tpu.memref_squeeze %dma_start3A_33 : memref<1x1x128xi32, #tpu.memory_space<vmem>> -> memref<128xi32, #tpu.memory_space<vmem>>
    %dma_start3A_35 = arith.constant 0 : i32
    %dma_start3A_36 = arith.constant 0 : i32
    %dma_start3A_37 = tpu.memref_slice %arg3[%dma_start3A_35, %dma_start3A_36] : memref<1000000x32xf32, #tpu.memory_space<hbm>> -> memref<1000000x32xf32, #tpu.memory_space<hbm>>
    tpu.enqueue_indirect_dma source(%dma_start3A_37 : memref<1000000x32xf32, #tpu.memory_space<hbm>>) target(%dma_start3A_31 : memref<128x32xf32, #tpu.memory_space<vmem>>) offsets(%dma_start3A_34 : memref<128xi32, #tpu.memory_space<vmem>>) semaphore(%arg8 : memref<!tpu.dma_semaphore, #tpu.memory_space<semaphore_mem>>)
    %dma_start3A_38 = arith.constant 0 : i32
    %dma_start3A_39 = arith.constant 1 : i32
    %dma_start3A_40 = arith.constant 0 : i32
    %dma_start3A_41 = arith.constant 128 : i32
    %dma_start3A_42 = arith.constant 0 : i32
    %dma_start3A_43 = tpu.memref_slice %arg6[%dma_start3A_40, %dma_start3A_41, %dma_start3A_42] : memref<2x1024x32xf32, #tpu.memory_space<vmem>> -> memref<1x128x32xf32, #tpu.memory_space<vmem>>
    %dma_start3A_44 = tpu.memref_squeeze %dma_start3A_43 : memref<1x128x32xf32, #tpu.memory_space<vmem>> -> memref<128x32xf32, #tpu.memory_space<vmem>>
    %dma_start3A_45 = arith.constant 0 : i32
    %dma_start3A_46 = tpu.memref_slice %arg5[%dma_start3A_38, %dma_start3A_39, %dma_start3A_45] : memref<2x8x128xi32, #tpu.memory_space<vmem>> -> memref<1x1x128xi32, #tpu.memory_space<vmem>>
    %dma_start3A_47 = tpu.memref_squeeze %dma_start3A_46 : memref<1x1x128xi32, #tpu.memory_space<vmem>> -> memref<128xi32, #tpu.memory_space<vmem>>
    %dma_start3A_48 = arith.constant 0 : i32
    %dma_start3A_49 = arith.constant 0 : i32
    %dma_start3A_50 = tpu.memref_slice %arg3[%dma_start3A_48, %dma_start3A_49] : memref<1000000x32xf32, #tpu.memory_space<hbm>> -> memref<1000000x32xf32, #tpu.memory_space<hbm>>
    tpu.enqueue_indirect_dma source(%dma_start3A_50 : memref<1000000x32xf32, #tpu.memory_space<hbm>>) target(%dma_start3A_44 : memref<128x32xf32, #tpu.memory_space<vmem>>) offsets(%dma_start3A_47 : memref<128xi32, #tpu.memory_space<vmem>>) semaphore(%arg8 : memref<!tpu.dma_semaphore, #tpu.memory_space<semaphore_mem>>)
    %dma_start3A_51 = arith.constant 0 : i32
    %dma_start3A_52 = arith.constant 2 : i32
    %dma_start3A_53 = arith.constant 0 : i32
    %dma_start3A_54 = arith.constant 256 : i32
    %dma_start3A_55 = arith.constant 0 : i32
    %dma_start3A_56 = tpu.memref_slice %arg6[%dma_start3A_53, %dma_start3A_54, %dma_start3A_55] : memref<2x1024x32xf32, #tpu.memory_space<vmem>> -> memref<1x128x32xf32, #tpu.memory_space<vmem>>
    %dma_start3A_57 = tpu.memref_squeeze %dma_start3A_56 : memref<1x128x32xf32, #tpu.memory_space<vmem>> -> memref<128x32xf32, #tpu.memory_space<vmem>>
    %dma_start3A_58 = arith.constant 0 : i32
    %dma_start3A_59 = tpu.memref_slice %arg5[%dma_start3A_51, %dma_start3A_52, %dma_start3A_58] : memref<2x8x128xi32, #tpu.memory_space<vmem>> -> memref<1x1x128xi32, #tpu.memory_space<vmem>>
    %dma_start3A_60 = tpu.memref_squeeze %dma_start3A_59 : memref<1x1x128xi32, #tpu.memory_space<vmem>> -> memref<128xi32, #tpu.memory_space<vmem>>
    %dma_start3A_61 = arith.constant 0 : i32
    %dma_start3A_62 = arith.constant 0 : i32
    %dma_start3A_63 = tpu.memref_slice %arg3[%dma_start3A_61, %dma_start3A_62] : memref<1000000x32xf32, #tpu.memory_space<hbm>> -> memref<1000000x32xf32, #tpu.memory_space<hbm>>
    tpu.enqueue_indirect_dma source(%dma_start3A_63 : memref<1000000x32xf32, #tpu.memory_space<hbm>>) target(%dma_start3A_57 : memref<128x32xf32, #tpu.memory_space<vmem>>) offsets(%dma_start3A_60 : memref<128xi32, #tpu.memory_space<vmem>>) semaphore(%arg8 : memref<!tpu.dma_semaphore, #tpu.memory_space<semaphore_mem>>)
    %dma_start3A_64 = arith.constant 0 : i32
    %dma_start3A_65 = arith.constant 3 : i32
    %dma_start3A_66 = arith.constant 0 : i32
    %dma_start3A_67 = arith.constant 384 : i32
    %dma_start3A_68 = arith.constant 0 : i32
    %dma_start3A_69 = tpu.memref_slice %arg6[%dma_start3A_66, %dma_start3A_67, %dma_start3A_68] : memref<2x1024x32xf32, #tpu.memory_space<vmem>> -> memref<1x128x32xf32, #tpu.memory_space<vmem>>
    %dma_start3A_70 = tpu.memref_squeeze %dma_start3A_69 : memref<1x128x32xf32, #tpu.memory_space<vmem>> -> memref<128x32xf32, #tpu.memory_space<vmem>>
    %dma_start3A_71 = arith.constant 0 : i32
    %dma_start3A_72 = tpu.memref_slice %arg5[%dma_start3A_64, %dma_start3A_65, %dma_start3A_71] : memref<2x8x128xi32, #tpu.memory_space<vmem>> -> memref<1x1x128xi32, #tpu.memory_space<vmem>>
    %dma_start3A_73 = tpu.memref_squeeze %dma_start3A_72 : memref<1x1x128xi32, #tpu.memory_space<vmem>> -> memref<128xi32, #tpu.memory_space<vmem>>
    %dma_start3A_74 = arith.constant 0 : i32
    %dma_start3A_75 = arith.constant 0 : i32
    %dma_start3A_76 = tpu.memref_slice %arg3[%dma_start3A_74, %dma_start3A_75] : memref<1000000x32xf32, #tpu.memory_space<hbm>> -> memref<1000000x32xf32, #tpu.memory_space<hbm>>
    tpu.enqueue_indirect_dma source(%dma_start3A_76 : memref<1000000x32xf32, #tpu.memory_space<hbm>>) target(%dma_start3A_70 : memref<128x32xf32, #tpu.memory_space<vmem>>) offsets(%dma_start3A_73 : memref<128xi32, #tpu.memory_space<vmem>>) semaphore(%arg8 : memref<!tpu.dma_semaphore, #tpu.memory_space<semaphore_mem>>)
    %dma_start3A_77 = arith.constant 0 : i32
    %dma_start3A_78 = arith.constant 4 : i32
    %dma_start3A_79 = arith.constant 0 : i32
    %dma_start3A_80 = arith.constant 512 : i32
    %dma_start3A_81 = arith.constant 0 : i32
    %dma_start3A_82 = tpu.memref_slice %arg6[%dma_start3A_79, %dma_start3A_80, %dma_start3A_81] : memref<2x1024x32xf32, #tpu.memory_space<vmem>> -> memref<1x128x32xf32, #tpu.memory_space<vmem>>
    %dma_start3A_83 = tpu.memref_squeeze %dma_start3A_82 : memref<1x128x32xf32, #tpu.memory_space<vmem>> -> memref<128x32xf32, #tpu.memory_space<vmem>>
    %dma_start3A_84 = arith.constant 0 : i32
    %dma_start3A_85 = tpu.memref_slice %arg5[%dma_start3A_77, %dma_start3A_78, %dma_start3A_84] : memref<2x8x128xi32, #tpu.memory_space<vmem>> -> memref<1x1x128xi32, #tpu.memory_space<vmem>>
    %dma_start3A_86 = tpu.memref_squeeze %dma_start3A_85 : memref<1x1x128xi32, #tpu.memory_space<vmem>> -> memref<128xi32, #tpu.memory_space<vmem>>
    %dma_start3A_87 = arith.constant 0 : i32
    %dma_start3A_88 = arith.constant 0 : i32
    %dma_start3A_89 = tpu.memref_slice %arg3[%dma_start3A_87, %dma_start3A_88] : memref<1000000x32xf32, #tpu.memory_space<hbm>> -> memref<1000000x32xf32, #tpu.memory_space<hbm>>
    tpu.enqueue_indirect_dma source(%dma_start3A_89 : memref<1000000x32xf32, #tpu.memory_space<hbm>>) target(%dma_start3A_83 : memref<128x32xf32, #tpu.memory_space<vmem>>) offsets(%dma_start3A_86 : memref<128xi32, #tpu.memory_space<vmem>>) semaphore(%arg8 : memref<!tpu.dma_semaphore, #tpu.memory_space<semaphore_mem>>)
    %dma_start3A_90 = arith.constant 0 : i32
    %dma_start3A_91 = arith.constant 5 : i32
    %dma_start3A_92 = arith.constant 0 : i32
    %dma_start3A_93 = arith.constant 640 : i32
    %dma_start3A_94 = arith.constant 0 : i32
    %dma_start3A_95 = tpu.memref_slice %arg6[%dma_start3A_92, %dma_start3A_93, %dma_start3A_94] : memref<2x1024x32xf32, #tpu.memory_space<vmem>> -> memref<1x128x32xf32, #tpu.memory_space<vmem>>
    %dma_start3A_96 = tpu.memref_squeeze %dma_start3A_95 : memref<1x128x32xf32, #tpu.memory_space<vmem>> -> memref<128x32xf32, #tpu.memory_space<vmem>>
    %dma_start3A_97 = arith.constant 0 : i32
    %dma_start3A_98 = tpu.memref_slice %arg5[%dma_start3A_90, %dma_start3A_91, %dma_start3A_97] : memref<2x8x128xi32, #tpu.memory_space<vmem>> -> memref<1x1x128xi32, #tpu.memory_space<vmem>>
    %dma_start3A_99 = tpu.memref_squeeze %dma_start3A_98 : memref<1x1x128xi32, #tpu.memory_space<vmem>> -> memref<128xi32, #tpu.memory_space<vmem>>
    %dma_start3A_100 = arith.constant 0 : i32
    %dma_start3A_101 = arith.constant 0 : i32
    %dma_start3A_102 = tpu.memref_slice %arg3[%dma_start3A_100, %dma_start3A_101] : memref<1000000x32xf32, #tpu.memory_space<hbm>> -> memref<1000000x32xf32, #tpu.memory_space<hbm>>
    tpu.enqueue_indirect_dma source(%dma_start3A_102 : memref<1000000x32xf32, #tpu.memory_space<hbm>>) target(%dma_start3A_96 : memref<128x32xf32, #tpu.memory_space<vmem>>) offsets(%dma_start3A_99 : memref<128xi32, #tpu.memory_space<vmem>>) semaphore(%arg8 : memref<!tpu.dma_semaphore, #tpu.memory_space<semaphore_mem>>)
    %dma_start3A_103 = arith.constant 0 : i32
    %dma_start3A_104 = arith.constant 6 : i32
    %dma_start3A_105 = arith.constant 0 : i32
    %dma_start3A_106 = arith.constant 768 : i32
    %dma_start3A_107 = arith.constant 0 : i32
    %dma_start3A_108 = tpu.memref_slice %arg6[%dma_start3A_105, %dma_start3A_106, %dma_start3A_107] : memref<2x1024x32xf32, #tpu.memory_space<vmem>> -> memref<1x128x32xf32, #tpu.memory_space<vmem>>
    %dma_start3A_109 = tpu.memref_squeeze %dma_start3A_108 : memref<1x128x32xf32, #tpu.memory_space<vmem>> -> memref<128x32xf32, #tpu.memory_space<vmem>>
    %dma_start3A_110 = arith.constant 0 : i32
    %dma_start3A_111 = tpu.memref_slice %arg5[%dma_start3A_103, %dma_start3A_104, %dma_start3A_110] : memref<2x8x128xi32, #tpu.memory_space<vmem>> -> memref<1x1x128xi32, #tpu.memory_space<vmem>>
    %dma_start3A_112 = tpu.memref_squeeze %dma_start3A_111 : memref<1x1x128xi32, #tpu.memory_space<vmem>> -> memref<128xi32, #tpu.memory_space<vmem>>
    %dma_start3A_113 = arith.constant 0 : i32
    %dma_start3A_114 = arith.constant 0 : i32
    %dma_start3A_115 = tpu.memref_slice %arg3[%dma_start3A_113, %dma_start3A_114] : memref<1000000x32xf32, #tpu.memory_space<hbm>> -> memref<1000000x32xf32, #tpu.memory_space<hbm>>
    tpu.enqueue_indirect_dma source(%dma_start3A_115 : memref<1000000x32xf32, #tpu.memory_space<hbm>>) target(%dma_start3A_109 : memref<128x32xf32, #tpu.memory_space<vmem>>) offsets(%dma_start3A_112 : memref<128xi32, #tpu.memory_space<vmem>>) semaphore(%arg8 : memref<!tpu.dma_semaphore, #tpu.memory_space<semaphore_mem>>)
    %dma_start3A_116 = arith.constant 0 : i32
    %dma_start3A_117 = arith.constant 7 : i32
    %dma_start3A_118 = arith.constant 0 : i32
    %dma_start3A_119 = arith.constant 896 : i32
    %dma_start3A_120 = arith.constant 0 : i32
    %dma_start3A_121 = tpu.memref_slice %arg6[%dma_start3A_118, %dma_start3A_119, %dma_start3A_120] : memref<2x1024x32xf32, #tpu.memory_space<vmem>> -> memref<1x128x32xf32, #tpu.memory_space<vmem>>
    %dma_start3A_122 = tpu.memref_squeeze %dma_start3A_121 : memref<1x128x32xf32, #tpu.memory_space<vmem>> -> memref<128x32xf32, #tpu.memory_space<vmem>>
    %dma_start3A_123 = arith.constant 0 : i32
    %dma_start3A_124 = tpu.memref_slice %arg5[%dma_start3A_116, %dma_start3A_117, %dma_start3A_123] : memref<2x8x128xi32, #tpu.memory_space<vmem>> -> memref<1x1x128xi32, #tpu.memory_space<vmem>>
    %dma_start3A_125 = tpu.memref_squeeze %dma_start3A_124 : memref<1x1x128xi32, #tpu.memory_space<vmem>> -> memref<128xi32, #tpu.memory_space<vmem>>
    %dma_start3A_126 = arith.constant 0 : i32
    %dma_start3A_127 = arith.constant 0 : i32
    %dma_start3A_128 = tpu.memref_slice %arg3[%dma_start3A_126, %dma_start3A_127] : memref<1000000x32xf32, #tpu.memory_space<hbm>> -> memref<1000000x32xf32, #tpu.memory_space<hbm>>
    tpu.enqueue_indirect_dma source(%dma_start3A_128 : memref<1000000x32xf32, #tpu.memory_space<hbm>>) target(%dma_start3A_122 : memref<128x32xf32, #tpu.memory_space<vmem>>) offsets(%dma_start3A_125 : memref<128xi32, #tpu.memory_space<vmem>>) semaphore(%arg8 : memref<!tpu.dma_semaphore, #tpu.memory_space<semaphore_mem>>)
    %scan3A = arith.constant 0 : i32
    %scan3A_129 = arith.constant 0 : i32
    %scan3A_130 = arith.constant 12 : i32
    %scan3A_131 = arith.addi %scan3A_129, %scan3A_130 : i32
    %scan3A_132 = arith.constant 1 : i32
    scf.for %scan3A_471 = %scan3A_129 to %scan3A_131 step %scan3A_132  : i32 {
      %mul3A_472 = arith.constant 2 : i32
      %mul3A_473 = arith.muli %scan3A_471, %mul3A_472 : i32
      %add3A_474 = arith.constant 1 : i32
      %add3A_475 = arith.addi %mul3A_473, %add3A_474 : i32
      %run_scoped3A_476 = arith.constant 1 : i32
      "tpu.region"() ({
        %run_scoped3A_1069 = tpu.sem_alloc : memref<!tpu.dma_semaphore, #tpu.memory_space<semaphore_mem>>
        %dma_start3A_1070 = arith.constant 0 : i32
        %dma_start3A_1071 = arith.constant 0 : i32
        %dma_start3A_1072 = tpu.memref_slice %arg5[%run_scoped3A_476, %dma_start3A_1070, %dma_start3A_1071] : memref<2x8x128xi32, #tpu.memory_space<vmem>> -> memref<1x8x128xi32, #tpu.memory_space<vmem>>
        %dma_start3A_1073 = tpu.memref_squeeze %dma_start3A_1072 : memref<1x8x128xi32, #tpu.memory_space<vmem>> -> memref<8x128xi32, #tpu.memory_space<vmem>>
        %dma_start3A_1074 = arith.constant 0 : i32
        %dma_start3A_1075 = arith.constant 0 : i32
        %dma_start3A_1076 = tpu.memref_slice %arg2[%add3A_475, %add3A, %dma_start3A_1074, %dma_start3A_1075] : memref<25x32x8x128xi32, #tpu.memory_space<hbm>> -> memref<1x1x8x128xi32, #tpu.memory_space<hbm>>
        %dma_start3A_1077 = tpu.memref_squeeze %dma_start3A_1076 : memref<1x1x8x128xi32, #tpu.memory_space<hbm>> -> memref<8x128xi32, #tpu.memory_space<hbm>>
        %dma_start3A_1078 = arith.constant 0 : i32
        %dma_start3A_1079 = arith.constant 0 : i32
        %dma_start3A_1080 = tpu.memref_slice %arg5[%run_scoped3A_476, %dma_start3A_1078, %dma_start3A_1079] : memref<2x8x128xi32, #tpu.memory_space<vmem>> -> memref<1x8x128xi32, #tpu.memory_space<vmem>>
        %dma_start3A_1081 = tpu.memref_squeeze %dma_start3A_1080 : memref<1x8x128xi32, #tpu.memory_space<vmem>> -> memref<8x128xi32, #tpu.memory_space<vmem>>
        %dma_start3A_1082 = arith.constant 0 : i32
        %dma_start3A_1083 = arith.constant 0 : i32
        %dma_start3A_1084 = tpu.memref_slice %arg2[%add3A_475, %add3A, %dma_start3A_1082, %dma_start3A_1083] : memref<25x32x8x128xi32, #tpu.memory_space<hbm>> -> memref<1x1x8x128xi32, #tpu.memory_space<hbm>>
        %dma_start3A_1085 = tpu.memref_squeeze %dma_start3A_1084 : memref<1x1x8x128xi32, #tpu.memory_space<hbm>> -> memref<8x128xi32, #tpu.memory_space<hbm>>
        tpu.enqueue_dma source(%dma_start3A_1085 : memref<8x128xi32, #tpu.memory_space<hbm>>) target(%dma_start3A_1081 : memref<8x128xi32, #tpu.memory_space<vmem>>) target_semaphore(%run_scoped3A_1069 : memref<!tpu.dma_semaphore, #tpu.memory_space<semaphore_mem>>)
        %dma_wait3A_1086 = arith.constant 0 : i32
        %dma_wait3A_1087 = arith.constant 0 : i32
        %dma_wait3A_1088 = tpu.memref_slice %arg5[%run_scoped3A_476, %dma_wait3A_1086, %dma_wait3A_1087] : memref<2x8x128xi32, #tpu.memory_space<vmem>> -> memref<1x8x128xi32, #tpu.memory_space<vmem>>
        %dma_wait3A_1089 = tpu.memref_squeeze %dma_wait3A_1088 : memref<1x8x128xi32, #tpu.memory_space<vmem>> -> memref<8x128xi32, #tpu.memory_space<vmem>>
        %dma_wait3A_1090 = arith.constant 0 : i32
        %dma_wait3A_1091 = arith.constant 0 : i32
        %dma_wait3A_1092 = tpu.memref_slice %arg2[%add3A_475, %add3A, %dma_wait3A_1090, %dma_wait3A_1091] : memref<25x32x8x128xi32, #tpu.memory_space<hbm>> -> memref<1x1x8x128xi32, #tpu.memory_space<hbm>>
        %dma_wait3A_1093 = tpu.memref_squeeze %dma_wait3A_1092 : memref<1x1x8x128xi32, #tpu.memory_space<hbm>> -> memref<8x128xi32, #tpu.memory_space<hbm>>
        %dma_wait3A_1094 = arith.constant 0 : i32
        %dma_wait3A_1095 = arith.constant 0 : i32
        %dma_wait3A_1096 = tpu.memref_slice %arg5[%run_scoped3A_476, %dma_wait3A_1094, %dma_wait3A_1095] : memref<2x8x128xi32, #tpu.memory_space<vmem>> -> memref<1x8x128xi32, #tpu.memory_space<vmem>>
        %dma_wait3A_1097 = tpu.memref_squeeze %dma_wait3A_1096 : memref<1x8x128xi32, #tpu.memory_space<vmem>> -> memref<8x128xi32, #tpu.memory_space<vmem>>
        %dma_wait3A_1098 = arith.constant 0 : i32
        %dma_wait3A_1099 = arith.constant 0 : i32
        %dma_wait3A_1100 = tpu.memref_slice %arg2[%add3A_475, %add3A, %dma_wait3A_1098, %dma_wait3A_1099] : memref<25x32x8x128xi32, #tpu.memory_space<hbm>> -> memref<1x1x8x128xi32, #tpu.memory_space<hbm>>
        %dma_wait3A_1101 = tpu.memref_squeeze %dma_wait3A_1100 : memref<1x1x8x128xi32, #tpu.memory_space<hbm>> -> memref<8x128xi32, #tpu.memory_space<hbm>>
        tpu.wait_dma2 semaphore(%run_scoped3A_1069 : memref<!tpu.dma_semaphore, #tpu.memory_space<semaphore_mem>>) src(%dma_wait3A_1101 : memref<8x128xi32, #tpu.memory_space<hbm>>) dst(%dma_wait3A_1097 : memref<8x128xi32, #tpu.memory_space<vmem>>)
        tpu.yield
      }) : () -> ()
      %dma_start3A_477 = arith.constant 1 : i32
      %dma_start3A_478 = arith.constant 0 : i32
      %dma_start3A_479 = arith.constant 1 : i32
      %dma_start3A_480 = arith.constant 0 : i32
      %dma_start3A_481 = arith.constant 0 : i32
      %dma_start3A_482 = tpu.memref_slice %arg6[%dma_start3A_479, %dma_start3A_480, %dma_start3A_481] : memref<2x1024x32xf32, #tpu.memory_space<vmem>> -> memref<1x128x32xf32, #tpu.memory_space<vmem>>
      %dma_start3A_483 = tpu.memref_squeeze %dma_start3A_482 : memref<1x128x32xf32, #tpu.memory_space<vmem>> -> memref<128x32xf32, #tpu.memory_space<vmem>>
      %dma_start3A_484 = arith.constant 0 : i32
      %dma_start3A_485 = tpu.memref_slice %arg5[%dma_start3A_477, %dma_start3A_478, %dma_start3A_484] : memref<2x8x128xi32, #tpu.memory_space<vmem>> -> memref<1x1x128xi32, #tpu.memory_space<vmem>>
      %dma_start3A_486 = tpu.memref_squeeze %dma_start3A_485 : memref<1x1x128xi32, #tpu.memory_space<vmem>> -> memref<128xi32, #tpu.memory_space<vmem>>
      %dma_start3A_487 = arith.constant 0 : i32
      %dma_start3A_488 = arith.constant 0 : i32
      %dma_start3A_489 = tpu.memref_slice %arg3[%dma_start3A_487, %dma_start3A_488] : memref<1000000x32xf32, #tpu.memory_space<hbm>> -> memref<1000000x32xf32, #tpu.memory_space<hbm>>
      tpu.enqueue_indirect_dma source(%dma_start3A_489 : memref<1000000x32xf32, #tpu.memory_space<hbm>>) target(%dma_start3A_483 : memref<128x32xf32, #tpu.memory_space<vmem>>) offsets(%dma_start3A_486 : memref<128xi32, #tpu.memory_space<vmem>>) semaphore(%arg9 : memref<!tpu.dma_semaphore, #tpu.memory_space<semaphore_mem>>)
      %dma_start3A_490 = arith.constant 1 : i32
      %dma_start3A_491 = arith.constant 1 : i32
      %dma_start3A_492 = arith.constant 1 : i32
      %dma_start3A_493 = arith.constant 128 : i32
      %dma_start3A_494 = arith.constant 0 : i32
      %dma_start3A_495 = tpu.memref_slice %arg6[%dma_start3A_492, %dma_start3A_493, %dma_start3A_494] : memref<2x1024x32xf32, #tpu.memory_space<vmem>> -> memref<1x128x32xf32, #tpu.memory_space<vmem>>
      %dma_start3A_496 = tpu.memref_squeeze %dma_start3A_495 : memref<1x128x32xf32, #tpu.memory_space<vmem>> -> memref<128x32xf32, #tpu.memory_space<vmem>>
      %dma_start3A_497 = arith.constant 0 : i32
      %dma_start3A_498 = tpu.memref_slice %arg5[%dma_start3A_490, %dma_start3A_491, %dma_start3A_497] : memref<2x8x128xi32, #tpu.memory_space<vmem>> -> memref<1x1x128xi32, #tpu.memory_space<vmem>>
      %dma_start3A_499 = tpu.memref_squeeze %dma_start3A_498 : memref<1x1x128xi32, #tpu.memory_space<vmem>> -> memref<128xi32, #tpu.memory_space<vmem>>
      %dma_start3A_500 = arith.constant 0 : i32
      %dma_start3A_501 = arith.constant 0 : i32
      %dma_start3A_502 = tpu.memref_slice %arg3[%dma_start3A_500, %dma_start3A_501] : memref<1000000x32xf32, #tpu.memory_space<hbm>> -> memref<1000000x32xf32, #tpu.memory_space<hbm>>
      tpu.enqueue_indirect_dma source(%dma_start3A_502 : memref<1000000x32xf32, #tpu.memory_space<hbm>>) target(%dma_start3A_496 : memref<128x32xf32, #tpu.memory_space<vmem>>) offsets(%dma_start3A_499 : memref<128xi32, #tpu.memory_space<vmem>>) semaphore(%arg9 : memref<!tpu.dma_semaphore, #tpu.memory_space<semaphore_mem>>)
      %dma_start3A_503 = arith.constant 1 : i32
      %dma_start3A_504 = arith.constant 2 : i32
      %dma_start3A_505 = arith.constant 1 : i32
      %dma_start3A_506 = arith.constant 256 : i32
      %dma_start3A_507 = arith.constant 0 : i32
      %dma_start3A_508 = tpu.memref_slice %arg6[%dma_start3A_505, %dma_start3A_506, %dma_start3A_507] : memref<2x1024x32xf32, #tpu.memory_space<vmem>> -> memref<1x128x32xf32, #tpu.memory_space<vmem>>
      %dma_start3A_509 = tpu.memref_squeeze %dma_start3A_508 : memref<1x128x32xf32, #tpu.memory_space<vmem>> -> memref<128x32xf32, #tpu.memory_space<vmem>>
      %dma_start3A_510 = arith.constant 0 : i32
      %dma_start3A_511 = tpu.memref_slice %arg5[%dma_start3A_503, %dma_start3A_504, %dma_start3A_510] : memref<2x8x128xi32, #tpu.memory_space<vmem>> -> memref<1x1x128xi32, #tpu.memory_space<vmem>>
      %dma_start3A_512 = tpu.memref_squeeze %dma_start3A_511 : memref<1x1x128xi32, #tpu.memory_space<vmem>> -> memref<128xi32, #tpu.memory_space<vmem>>
      %dma_start3A_513 = arith.constant 0 : i32
      %dma_start3A_514 = arith.constant 0 : i32
      %dma_start3A_515 = tpu.memref_slice %arg3[%dma_start3A_513, %dma_start3A_514] : memref<1000000x32xf32, #tpu.memory_space<hbm>> -> memref<1000000x32xf32, #tpu.memory_space<hbm>>
      tpu.enqueue_indirect_dma source(%dma_start3A_515 : memref<1000000x32xf32, #tpu.memory_space<hbm>>) target(%dma_start3A_509 : memref<128x32xf32, #tpu.memory_space<vmem>>) offsets(%dma_start3A_512 : memref<128xi32, #tpu.memory_space<vmem>>) semaphore(%arg9 : memref<!tpu.dma_semaphore, #tpu.memory_space<semaphore_mem>>)
      %dma_start3A_516 = arith.constant 1 : i32
      %dma_start3A_517 = arith.constant 3 : i32
      %dma_start3A_518 = arith.constant 1 : i32
      %dma_start3A_519 = arith.constant 384 : i32
      %dma_start3A_520 = arith.constant 0 : i32
      %dma_start3A_521 = tpu.memref_slice %arg6[%dma_start3A_518, %dma_start3A_519, %dma_start3A_520] : memref<2x1024x32xf32, #tpu.memory_space<vmem>> -> memref<1x128x32xf32, #tpu.memory_space<vmem>>
      %dma_start3A_522 = tpu.memref_squeeze %dma_start3A_521 : memref<1x128x32xf32, #tpu.memory_space<vmem>> -> memref<128x32xf32, #tpu.memory_space<vmem>>
      %dma_start3A_523 = arith.constant 0 : i32
      %dma_start3A_524 = tpu.memref_slice %arg5[%dma_start3A_516, %dma_start3A_517, %dma_start3A_523] : memref<2x8x128xi32, #tpu.memory_space<vmem>> -> memref<1x1x128xi32, #tpu.memory_space<vmem>>
      %dma_start3A_525 = tpu.memref_squeeze %dma_start3A_524 : memref<1x1x128xi32, #tpu.memory_space<vmem>> -> memref<128xi32, #tpu.memory_space<vmem>>
      %dma_start3A_526 = arith.constant 0 : i32
      %dma_start3A_527 = arith.constant 0 : i32
      %dma_start3A_528 = tpu.memref_slice %arg3[%dma_start3A_526, %dma_start3A_527] : memref<1000000x32xf32, #tpu.memory_space<hbm>> -> memref<1000000x32xf32, #tpu.memory_space<hbm>>
      tpu.enqueue_indirect_dma source(%dma_start3A_528 : memref<1000000x32xf32, #tpu.memory_space<hbm>>) target(%dma_start3A_522 : memref<128x32xf32, #tpu.memory_space<vmem>>) offsets(%dma_start3A_525 : memref<128xi32, #tpu.memory_space<vmem>>) semaphore(%arg9 : memref<!tpu.dma_semaphore, #tpu.memory_space<semaphore_mem>>)
      %dma_start3A_529 = arith.constant 1 : i32
      %dma_start3A_530 = arith.constant 4 : i32
      %dma_start3A_531 = arith.constant 1 : i32
      %dma_start3A_532 = arith.constant 512 : i32
      %dma_start3A_533 = arith.constant 0 : i32
      %dma_start3A_534 = tpu.memref_slice %arg6[%dma_start3A_531, %dma_start3A_532, %dma_start3A_533] : memref<2x1024x32xf32, #tpu.memory_space<vmem>> -> memref<1x128x32xf32, #tpu.memory_space<vmem>>
      %dma_start3A_535 = tpu.memref_squeeze %dma_start3A_534 : memref<1x128x32xf32, #tpu.memory_space<vmem>> -> memref<128x32xf32, #tpu.memory_space<vmem>>
      %dma_start3A_536 = arith.constant 0 : i32
      %dma_start3A_537 = tpu.memref_slice %arg5[%dma_start3A_529, %dma_start3A_530, %dma_start3A_536] : memref<2x8x128xi32, #tpu.memory_space<vmem>> -> memref<1x1x128xi32, #tpu.memory_space<vmem>>
      %dma_start3A_538 = tpu.memref_squeeze %dma_start3A_537 : memref<1x1x128xi32, #tpu.memory_space<vmem>> -> memref<128xi32, #tpu.memory_space<vmem>>
      %dma_start3A_539 = arith.constant 0 : i32
      %dma_start3A_540 = arith.constant 0 : i32
      %dma_start3A_541 = tpu.memref_slice %arg3[%dma_start3A_539, %dma_start3A_540] : memref<1000000x32xf32, #tpu.memory_space<hbm>> -> memref<1000000x32xf32, #tpu.memory_space<hbm>>
      tpu.enqueue_indirect_dma source(%dma_start3A_541 : memref<1000000x32xf32, #tpu.memory_space<hbm>>) target(%dma_start3A_535 : memref<128x32xf32, #tpu.memory_space<vmem>>) offsets(%dma_start3A_538 : memref<128xi32, #tpu.memory_space<vmem>>) semaphore(%arg9 : memref<!tpu.dma_semaphore, #tpu.memory_space<semaphore_mem>>)
      %dma_start3A_542 = arith.constant 1 : i32
      %dma_start3A_543 = arith.constant 5 : i32
      %dma_start3A_544 = arith.constant 1 : i32
      %dma_start3A_545 = arith.constant 640 : i32
      %dma_start3A_546 = arith.constant 0 : i32
      %dma_start3A_547 = tpu.memref_slice %arg6[%dma_start3A_544, %dma_start3A_545, %dma_start3A_546] : memref<2x1024x32xf32, #tpu.memory_space<vmem>> -> memref<1x128x32xf32, #tpu.memory_space<vmem>>
      %dma_start3A_548 = tpu.memref_squeeze %dma_start3A_547 : memref<1x128x32xf32, #tpu.memory_space<vmem>> -> memref<128x32xf32, #tpu.memory_space<vmem>>
      %dma_start3A_549 = arith.constant 0 : i32
      %dma_start3A_550 = tpu.memref_slice %arg5[%dma_start3A_542, %dma_start3A_543, %dma_start3A_549] : memref<2x8x128xi32, #tpu.memory_space<vmem>> -> memref<1x1x128xi32, #tpu.memory_space<vmem>>
      %dma_start3A_551 = tpu.memref_squeeze %dma_start3A_550 : memref<1x1x128xi32, #tpu.memory_space<vmem>> -> memref<128xi32, #tpu.memory_space<vmem>>
      %dma_start3A_552 = arith.constant 0 : i32
      %dma_start3A_553 = arith.constant 0 : i32
      %dma_start3A_554 = tpu.memref_slice %arg3[%dma_start3A_552, %dma_start3A_553] : memref<1000000x32xf32, #tpu.memory_space<hbm>> -> memref<1000000x32xf32, #tpu.memory_space<hbm>>
      tpu.enqueue_indirect_dma source(%dma_start3A_554 : memref<1000000x32xf32, #tpu.memory_space<hbm>>) target(%dma_start3A_548 : memref<128x32xf32, #tpu.memory_space<vmem>>) offsets(%dma_start3A_551 : memref<128xi32, #tpu.memory_space<vmem>>) semaphore(%arg9 : memref<!tpu.dma_semaphore, #tpu.memory_space<semaphore_mem>>)
      %dma_start3A_555 = arith.constant 1 : i32
      %dma_start3A_556 = arith.constant 6 : i32
      %dma_start3A_557 = arith.constant 1 : i32
      %dma_start3A_558 = arith.constant 768 : i32
      %dma_start3A_559 = arith.constant 0 : i32
      %dma_start3A_560 = tpu.memref_slice %arg6[%dma_start3A_557, %dma_start3A_558, %dma_start3A_559] : memref<2x1024x32xf32, #tpu.memory_space<vmem>> -> memref<1x128x32xf32, #tpu.memory_space<vmem>>
      %dma_start3A_561 = tpu.memref_squeeze %dma_start3A_560 : memref<1x128x32xf32, #tpu.memory_space<vmem>> -> memref<128x32xf32, #tpu.memory_space<vmem>>
      %dma_start3A_562 = arith.constant 0 : i32
      %dma_start3A_563 = tpu.memref_slice %arg5[%dma_start3A_555, %dma_start3A_556, %dma_start3A_562] : memref<2x8x128xi32, #tpu.memory_space<vmem>> -> memref<1x1x128xi32, #tpu.memory_space<vmem>>
      %dma_start3A_564 = tpu.memref_squeeze %dma_start3A_563 : memref<1x1x128xi32, #tpu.memory_space<vmem>> -> memref<128xi32, #tpu.memory_space<vmem>>
      %dma_start3A_565 = arith.constant 0 : i32
      %dma_start3A_566 = arith.constant 0 : i32
      %dma_start3A_567 = tpu.memref_slice %arg3[%dma_start3A_565, %dma_start3A_566] : memref<1000000x32xf32, #tpu.memory_space<hbm>> -> memref<1000000x32xf32, #tpu.memory_space<hbm>>
      tpu.enqueue_indirect_dma source(%dma_start3A_567 : memref<1000000x32xf32, #tpu.memory_space<hbm>>) target(%dma_start3A_561 : memref<128x32xf32, #tpu.memory_space<vmem>>) offsets(%dma_start3A_564 : memref<128xi32, #tpu.memory_space<vmem>>) semaphore(%arg9 : memref<!tpu.dma_semaphore, #tpu.memory_space<semaphore_mem>>)
      %dma_start3A_568 = arith.constant 1 : i32
      %dma_start3A_569 = arith.constant 7 : i32
      %dma_start3A_570 = arith.constant 1 : i32
      %dma_start3A_571 = arith.constant 896 : i32
      %dma_start3A_572 = arith.constant 0 : i32
      %dma_start3A_573 = tpu.memref_slice %arg6[%dma_start3A_570, %dma_start3A_571, %dma_start3A_572] : memref<2x1024x32xf32, #tpu.memory_space<vmem>> -> memref<1x128x32xf32, #tpu.memory_space<vmem>>
      %dma_start3A_574 = tpu.memref_squeeze %dma_start3A_573 : memref<1x128x32xf32, #tpu.memory_space<vmem>> -> memref<128x32xf32, #tpu.memory_space<vmem>>
      %dma_start3A_575 = arith.constant 0 : i32
      %dma_start3A_576 = tpu.memref_slice %arg5[%dma_start3A_568, %dma_start3A_569, %dma_start3A_575] : memref<2x8x128xi32, #tpu.memory_space<vmem>> -> memref<1x1x128xi32, #tpu.memory_space<vmem>>
      %dma_start3A_577 = tpu.memref_squeeze %dma_start3A_576 : memref<1x1x128xi32, #tpu.memory_space<vmem>> -> memref<128xi32, #tpu.memory_space<vmem>>
      %dma_start3A_578 = arith.constant 0 : i32
      %dma_start3A_579 = arith.constant 0 : i32
      %dma_start3A_580 = tpu.memref_slice %arg3[%dma_start3A_578, %dma_start3A_579] : memref<1000000x32xf32, #tpu.memory_space<hbm>> -> memref<1000000x32xf32, #tpu.memory_space<hbm>>
      tpu.enqueue_indirect_dma source(%dma_start3A_580 : memref<1000000x32xf32, #tpu.memory_space<hbm>>) target(%dma_start3A_574 : memref<128x32xf32, #tpu.memory_space<vmem>>) offsets(%dma_start3A_577 : memref<128xi32, #tpu.memory_space<vmem>>) semaphore(%arg9 : memref<!tpu.dma_semaphore, #tpu.memory_space<semaphore_mem>>)
      %dma_wait3A_581 = arith.constant 0 : i32
      %dma_wait3A_582 = arith.constant 0 : i32
      %dma_wait3A_583 = arith.constant 0 : i32
      %dma_wait3A_584 = arith.constant 0 : i32
      %dma_wait3A_585 = arith.constant 0 : i32
      %dma_wait3A_586 = tpu.memref_slice %arg6[%dma_wait3A_583, %dma_wait3A_584, %dma_wait3A_585] : memref<2x1024x32xf32, #tpu.memory_space<vmem>> -> memref<1x128x32xf32, #tpu.memory_space<vmem>>
      %dma_wait3A_587 = tpu.memref_squeeze %dma_wait3A_586 : memref<1x128x32xf32, #tpu.memory_space<vmem>> -> memref<128x32xf32, #tpu.memory_space<vmem>>
      %dma_wait3A_588 = arith.constant 0 : i32
      %dma_wait3A_589 = tpu.memref_slice %arg5[%dma_wait3A_581, %dma_wait3A_582, %dma_wait3A_588] : memref<2x8x128xi32, #tpu.memory_space<vmem>> -> memref<1x1x128xi32, #tpu.memory_space<vmem>>
      %dma_wait3A_590 = tpu.memref_squeeze %dma_wait3A_589 : memref<1x1x128xi32, #tpu.memory_space<vmem>> -> memref<128xi32, #tpu.memory_space<vmem>>
      %dma_wait3A_591 = arith.constant 0 : i32
      %dma_wait3A_592 = arith.constant 0 : i32
      %dma_wait3A_593 = tpu.memref_slice %arg3[%dma_wait3A_591, %dma_wait3A_592] : memref<1000000x32xf32, #tpu.memory_space<hbm>> -> memref<1000000x32xf32, #tpu.memory_space<hbm>>
      tpu.wait_indirect_dma semaphore(%arg8 : memref<!tpu.dma_semaphore, #tpu.memory_space<semaphore_mem>>) src(%dma_wait3A_593 : memref<1000000x32xf32, #tpu.memory_space<hbm>>) dst(%dma_wait3A_587 : memref<128x32xf32, #tpu.memory_space<vmem>>)
      %dma_wait3A_594 = arith.constant 0 : i32
      %dma_wait3A_595 = arith.constant 1 : i32
      %dma_wait3A_596 = arith.constant 0 : i32
      %dma_wait3A_597 = arith.constant 128 : i32
      %dma_wait3A_598 = arith.constant 0 : i32
      %dma_wait3A_599 = tpu.memref_slice %arg6[%dma_wait3A_596, %dma_wait3A_597, %dma_wait3A_598] : memref<2x1024x32xf32, #tpu.memory_space<vmem>> -> memref<1x128x32xf32, #tpu.memory_space<vmem>>
      %dma_wait3A_600 = tpu.memref_squeeze %dma_wait3A_599 : memref<1x128x32xf32, #tpu.memory_space<vmem>> -> memref<128x32xf32, #tpu.memory_space<vmem>>
      %dma_wait3A_601 = arith.constant 0 : i32
      %dma_wait3A_602 = tpu.memref_slice %arg5[%dma_wait3A_594, %dma_wait3A_595, %dma_wait3A_601] : memref<2x8x128xi32, #tpu.memory_space<vmem>> -> memref<1x1x128xi32, #tpu.memory_space<vmem>>
      %dma_wait3A_603 = tpu.memref_squeeze %dma_wait3A_602 : memref<1x1x128xi32, #tpu.memory_space<vmem>> -> memref<128xi32, #tpu.memory_space<vmem>>
      %dma_wait3A_604 = arith.constant 0 : i32
      %dma_wait3A_605 = arith.constant 0 : i32
      %dma_wait3A_606 = tpu.memref_slice %arg3[%dma_wait3A_604, %dma_wait3A_605] : memref<1000000x32xf32, #tpu.memory_space<hbm>> -> memref<1000000x32xf32, #tpu.memory_space<hbm>>
      tpu.wait_indirect_dma semaphore(%arg8 : memref<!tpu.dma_semaphore, #tpu.memory_space<semaphore_mem>>) src(%dma_wait3A_606 : memref<1000000x32xf32, #tpu.memory_space<hbm>>) dst(%dma_wait3A_600 : memref<128x32xf32, #tpu.memory_space<vmem>>)
      %dma_wait3A_607 = arith.constant 0 : i32
      %dma_wait3A_608 = arith.constant 2 : i32
      %dma_wait3A_609 = arith.constant 0 : i32
      %dma_wait3A_610 = arith.constant 256 : i32
      %dma_wait3A_611 = arith.constant 0 : i32
      %dma_wait3A_612 = tpu.memref_slice %arg6[%dma_wait3A_609, %dma_wait3A_610, %dma_wait3A_611] : memref<2x1024x32xf32, #tpu.memory_space<vmem>> -> memref<1x128x32xf32, #tpu.memory_space<vmem>>
      %dma_wait3A_613 = tpu.memref_squeeze %dma_wait3A_612 : memref<1x128x32xf32, #tpu.memory_space<vmem>> -> memref<128x32xf32, #tpu.memory_space<vmem>>
      %dma_wait3A_614 = arith.constant 0 : i32
      %dma_wait3A_615 = tpu.memref_slice %arg5[%dma_wait3A_607, %dma_wait3A_608, %dma_wait3A_614] : memref<2x8x128xi32, #tpu.memory_space<vmem>> -> memref<1x1x128xi32, #tpu.memory_space<vmem>>
      %dma_wait3A_616 = tpu.memref_squeeze %dma_wait3A_615 : memref<1x1x128xi32, #tpu.memory_space<vmem>> -> memref<128xi32, #tpu.memory_space<vmem>>
      %dma_wait3A_617 = arith.constant 0 : i32
      %dma_wait3A_618 = arith.constant 0 : i32
      %dma_wait3A_619 = tpu.memref_slice %arg3[%dma_wait3A_617, %dma_wait3A_618] : memref<1000000x32xf32, #tpu.memory_space<hbm>> -> memref<1000000x32xf32, #tpu.memory_space<hbm>>
      tpu.wait_indirect_dma semaphore(%arg8 : memref<!tpu.dma_semaphore, #tpu.memory_space<semaphore_mem>>) src(%dma_wait3A_619 : memref<1000000x32xf32, #tpu.memory_space<hbm>>) dst(%dma_wait3A_613 : memref<128x32xf32, #tpu.memory_space<vmem>>)
      %dma_wait3A_620 = arith.constant 0 : i32
      %dma_wait3A_621 = arith.constant 3 : i32
      %dma_wait3A_622 = arith.constant 0 : i32
      %dma_wait3A_623 = arith.constant 384 : i32
      %dma_wait3A_624 = arith.constant 0 : i32
      %dma_wait3A_625 = tpu.memref_slice %arg6[%dma_wait3A_622, %dma_wait3A_623, %dma_wait3A_624] : memref<2x1024x32xf32, #tpu.memory_space<vmem>> -> memref<1x128x32xf32, #tpu.memory_space<vmem>>
      %dma_wait3A_626 = tpu.memref_squeeze %dma_wait3A_625 : memref<1x128x32xf32, #tpu.memory_space<vmem>> -> memref<128x32xf32, #tpu.memory_space<vmem>>
      %dma_wait3A_627 = arith.constant 0 : i32
      %dma_wait3A_628 = tpu.memref_slice %arg5[%dma_wait3A_620, %dma_wait3A_621, %dma_wait3A_627] : memref<2x8x128xi32, #tpu.memory_space<vmem>> -> memref<1x1x128xi32, #tpu.memory_space<vmem>>
      %dma_wait3A_629 = tpu.memref_squeeze %dma_wait3A_628 : memref<1x1x128xi32, #tpu.memory_space<vmem>> -> memref<128xi32, #tpu.memory_space<vmem>>
      %dma_wait3A_630 = arith.constant 0 : i32
      %dma_wait3A_631 = arith.constant 0 : i32
      %dma_wait3A_632 = tpu.memref_slice %arg3[%dma_wait3A_630, %dma_wait3A_631] : memref<1000000x32xf32, #tpu.memory_space<hbm>> -> memref<1000000x32xf32, #tpu.memory_space<hbm>>
      tpu.wait_indirect_dma semaphore(%arg8 : memref<!tpu.dma_semaphore, #tpu.memory_space<semaphore_mem>>) src(%dma_wait3A_632 : memref<1000000x32xf32, #tpu.memory_space<hbm>>) dst(%dma_wait3A_626 : memref<128x32xf32, #tpu.memory_space<vmem>>)
      %dma_wait3A_633 = arith.constant 0 : i32
      %dma_wait3A_634 = arith.constant 4 : i32
      %dma_wait3A_635 = arith.constant 0 : i32
      %dma_wait3A_636 = arith.constant 512 : i32
      %dma_wait3A_637 = arith.constant 0 : i32
      %dma_wait3A_638 = tpu.memref_slice %arg6[%dma_wait3A_635, %dma_wait3A_636, %dma_wait3A_637] : memref<2x1024x32xf32, #tpu.memory_space<vmem>> -> memref<1x128x32xf32, #tpu.memory_space<vmem>>
      %dma_wait3A_639 = tpu.memref_squeeze %dma_wait3A_638 : memref<1x128x32xf32, #tpu.memory_space<vmem>> -> memref<128x32xf32, #tpu.memory_space<vmem>>
      %dma_wait3A_640 = arith.constant 0 : i32
      %dma_wait3A_641 = tpu.memref_slice %arg5[%dma_wait3A_633, %dma_wait3A_634, %dma_wait3A_640] : memref<2x8x128xi32, #tpu.memory_space<vmem>> -> memref<1x1x128xi32, #tpu.memory_space<vmem>>
      %dma_wait3A_642 = tpu.memref_squeeze %dma_wait3A_641 : memref<1x1x128xi32, #tpu.memory_space<vmem>> -> memref<128xi32, #tpu.memory_space<vmem>>
      %dma_wait3A_643 = arith.constant 0 : i32
      %dma_wait3A_644 = arith.constant 0 : i32
      %dma_wait3A_645 = tpu.memref_slice %arg3[%dma_wait3A_643, %dma_wait3A_644] : memref<1000000x32xf32, #tpu.memory_space<hbm>> -> memref<1000000x32xf32, #tpu.memory_space<hbm>>
      tpu.wait_indirect_dma semaphore(%arg8 : memref<!tpu.dma_semaphore, #tpu.memory_space<semaphore_mem>>) src(%dma_wait3A_645 : memref<1000000x32xf32, #tpu.memory_space<hbm>>) dst(%dma_wait3A_639 : memref<128x32xf32, #tpu.memory_space<vmem>>)
      %dma_wait3A_646 = arith.constant 0 : i32
      %dma_wait3A_647 = arith.constant 5 : i32
      %dma_wait3A_648 = arith.constant 0 : i32
      %dma_wait3A_649 = arith.constant 640 : i32
      %dma_wait3A_650 = arith.constant 0 : i32
      %dma_wait3A_651 = tpu.memref_slice %arg6[%dma_wait3A_648, %dma_wait3A_649, %dma_wait3A_650] : memref<2x1024x32xf32, #tpu.memory_space<vmem>> -> memref<1x128x32xf32, #tpu.memory_space<vmem>>
      %dma_wait3A_652 = tpu.memref_squeeze %dma_wait3A_651 : memref<1x128x32xf32, #tpu.memory_space<vmem>> -> memref<128x32xf32, #tpu.memory_space<vmem>>
      %dma_wait3A_653 = arith.constant 0 : i32
      %dma_wait3A_654 = tpu.memref_slice %arg5[%dma_wait3A_646, %dma_wait3A_647, %dma_wait3A_653] : memref<2x8x128xi32, #tpu.memory_space<vmem>> -> memref<1x1x128xi32, #tpu.memory_space<vmem>>
      %dma_wait3A_655 = tpu.memref_squeeze %dma_wait3A_654 : memref<1x1x128xi32, #tpu.memory_space<vmem>> -> memref<128xi32, #tpu.memory_space<vmem>>
      %dma_wait3A_656 = arith.constant 0 : i32
      %dma_wait3A_657 = arith.constant 0 : i32
      %dma_wait3A_658 = tpu.memref_slice %arg3[%dma_wait3A_656, %dma_wait3A_657] : memref<1000000x32xf32, #tpu.memory_space<hbm>> -> memref<1000000x32xf32, #tpu.memory_space<hbm>>
      tpu.wait_indirect_dma semaphore(%arg8 : memref<!tpu.dma_semaphore, #tpu.memory_space<semaphore_mem>>) src(%dma_wait3A_658 : memref<1000000x32xf32, #tpu.memory_space<hbm>>) dst(%dma_wait3A_652 : memref<128x32xf32, #tpu.memory_space<vmem>>)
      %dma_wait3A_659 = arith.constant 0 : i32
      %dma_wait3A_660 = arith.constant 6 : i32
      %dma_wait3A_661 = arith.constant 0 : i32
      %dma_wait3A_662 = arith.constant 768 : i32
      %dma_wait3A_663 = arith.constant 0 : i32
      %dma_wait3A_664 = tpu.memref_slice %arg6[%dma_wait3A_661, %dma_wait3A_662, %dma_wait3A_663] : memref<2x1024x32xf32, #tpu.memory_space<vmem>> -> memref<1x128x32xf32, #tpu.memory_space<vmem>>
      %dma_wait3A_665 = tpu.memref_squeeze %dma_wait3A_664 : memref<1x128x32xf32, #tpu.memory_space<vmem>> -> memref<128x32xf32, #tpu.memory_space<vmem>>
      %dma_wait3A_666 = arith.constant 0 : i32
      %dma_wait3A_667 = tpu.memref_slice %arg5[%dma_wait3A_659, %dma_wait3A_660, %dma_wait3A_666] : memref<2x8x128xi32, #tpu.memory_space<vmem>> -> memref<1x1x128xi32, #tpu.memory_space<vmem>>
      %dma_wait3A_668 = tpu.memref_squeeze %dma_wait3A_667 : memref<1x1x128xi32, #tpu.memory_space<vmem>> -> memref<128xi32, #tpu.memory_space<vmem>>
      %dma_wait3A_669 = arith.constant 0 : i32
      %dma_wait3A_670 = arith.constant 0 : i32
      %dma_wait3A_671 = tpu.memref_slice %arg3[%dma_wait3A_669, %dma_wait3A_670] : memref<1000000x32xf32, #tpu.memory_space<hbm>> -> memref<1000000x32xf32, #tpu.memory_space<hbm>>
      tpu.wait_indirect_dma semaphore(%arg8 : memref<!tpu.dma_semaphore, #tpu.memory_space<semaphore_mem>>) src(%dma_wait3A_671 : memref<1000000x32xf32, #tpu.memory_space<hbm>>) dst(%dma_wait3A_665 : memref<128x32xf32, #tpu.memory_space<vmem>>)
      %dma_wait3A_672 = arith.constant 0 : i32
      %dma_wait3A_673 = arith.constant 7 : i32
      %dma_wait3A_674 = arith.constant 0 : i32
      %dma_wait3A_675 = arith.constant 896 : i32
      %dma_wait3A_676 = arith.constant 0 : i32
      %dma_wait3A_677 = tpu.memref_slice %arg6[%dma_wait3A_674, %dma_wait3A_675, %dma_wait3A_676] : memref<2x1024x32xf32, #tpu.memory_space<vmem>> -> memref<1x128x32xf32, #tpu.memory_space<vmem>>
      %dma_wait3A_678 = tpu.memref_squeeze %dma_wait3A_677 : memref<1x128x32xf32, #tpu.memory_space<vmem>> -> memref<128x32xf32, #tpu.memory_space<vmem>>
      %dma_wait3A_679 = arith.constant 0 : i32
      %dma_wait3A_680 = tpu.memref_slice %arg5[%dma_wait3A_672, %dma_wait3A_673, %dma_wait3A_679] : memref<2x8x128xi32, #tpu.memory_space<vmem>> -> memref<1x1x128xi32, #tpu.memory_space<vmem>>
      %dma_wait3A_681 = tpu.memref_squeeze %dma_wait3A_680 : memref<1x1x128xi32, #tpu.memory_space<vmem>> -> memref<128xi32, #tpu.memory_space<vmem>>
      %dma_wait3A_682 = arith.constant 0 : i32
      %dma_wait3A_683 = arith.constant 0 : i32
      %dma_wait3A_684 = tpu.memref_slice %arg3[%dma_wait3A_682, %dma_wait3A_683] : memref<1000000x32xf32, #tpu.memory_space<hbm>> -> memref<1000000x32xf32, #tpu.memory_space<hbm>>
      tpu.wait_indirect_dma semaphore(%arg8 : memref<!tpu.dma_semaphore, #tpu.memory_space<semaphore_mem>>) src(%dma_wait3A_684 : memref<1000000x32xf32, #tpu.memory_space<hbm>>) dst(%dma_wait3A_678 : memref<128x32xf32, #tpu.memory_space<vmem>>)
      %gt3A = arith.constant 0 : i32
      %gt3A_685 = arith.cmpi sgt, %mul3A_473, %gt3A : i32
      %convert_element_type3A = arith.extui %gt3A_685 : i1 to i32
      %cond3A = arith.constant 0 : i32
      %cond3A_686 = arith.cmpi ne, %convert_element_type3A, %cond3A : i32
      scf.if %cond3A_686 {
        %dma_wait3A_1069 = arith.constant 0 : i32
        %dma_wait3A_1070 = arith.constant 0 : i32
        %dma_wait3A_1071 = arith.constant 0 : i32
        %dma_wait3A_1072 = arith.constant 0 : i32
        %dma_wait3A_1073 = tpu.memref_slice %arg7[%dma_wait3A_1070, %dma_wait3A_1071, %dma_wait3A_1072] : memref<8x32x128xf32, #tpu.memory_space<vmem>> -> memref<8x8x128xf32, #tpu.memory_space<vmem>>
        %dma_wait3A_1074 = arith.constant 0 : i32
        %dma_wait3A_1075 = arith.constant 0 : i32
        %dma_wait3A_1076 = arith.constant 0 : i32
        %dma_wait3A_1077 = tpu.memref_slice %arg4[%dma_wait3A_1074, %dma_wait3A_1069, %add3A, %dma_wait3A_1075, %dma_wait3A_1076] : memref<200x4x32x8x128xf32, #tpu.memory_space<hbm>> -> memref<8x1x1x8x128xf32, #tpu.memory_space<hbm>>
        %dma_wait3A_1078 = tpu.memref_squeeze %dma_wait3A_1077 : memref<8x1x1x8x128xf32, #tpu.memory_space<hbm>> -> memref<8x8x128xf32, #tpu.memory_space<hbm>>
        %dma_wait3A_1079 = arith.constant 0 : i32
        %dma_wait3A_1080 = arith.constant 0 : i32
        %dma_wait3A_1081 = arith.constant 0 : i32
        %dma_wait3A_1082 = tpu.memref_slice %arg4[%dma_wait3A_1079, %dma_wait3A_1069, %add3A, %dma_wait3A_1080, %dma_wait3A_1081] : memref<200x4x32x8x128xf32, #tpu.memory_space<hbm>> -> memref<8x1x1x8x128xf32, #tpu.memory_space<hbm>>
        %dma_wait3A_1083 = tpu.memref_squeeze %dma_wait3A_1082 : memref<8x1x1x8x128xf32, #tpu.memory_space<hbm>> -> memref<8x8x128xf32, #tpu.memory_space<hbm>>
        %dma_wait3A_1084 = arith.constant 0 : i32
        %dma_wait3A_1085 = arith.constant 0 : i32
        %dma_wait3A_1086 = arith.constant 0 : i32
        %dma_wait3A_1087 = tpu.memref_slice %arg7[%dma_wait3A_1084, %dma_wait3A_1085, %dma_wait3A_1086] : memref<8x32x128xf32, #tpu.memory_space<vmem>> -> memref<8x8x128xf32, #tpu.memory_space<vmem>>
        tpu.wait_dma2 semaphore(%arg10 : memref<!tpu.dma_semaphore, #tpu.memory_space<semaphore_mem>>) src(%dma_wait3A_1087 : memref<8x8x128xf32, #tpu.memory_space<vmem>>) dst(%dma_wait3A_1083 : memref<8x8x128xf32, #tpu.memory_space<hbm>>)
        %dma_wait3A_1088 = arith.constant 1 : i32
        %dma_wait3A_1089 = arith.constant 0 : i32
        %dma_wait3A_1090 = arith.constant 8 : i32
        %dma_wait3A_1091 = arith.constant 0 : i32
        %dma_wait3A_1092 = tpu.memref_slice %arg7[%dma_wait3A_1089, %dma_wait3A_1090, %dma_wait3A_1091] : memref<8x32x128xf32, #tpu.memory_space<vmem>> -> memref<8x8x128xf32, #tpu.memory_space<vmem>>
        %dma_wait3A_1093 = arith.constant 0 : i32
        %dma_wait3A_1094 = arith.constant 0 : i32
        %dma_wait3A_1095 = arith.constant 0 : i32
        %dma_wait3A_1096 = tpu.memref_slice %arg4[%dma_wait3A_1093, %dma_wait3A_1088, %add3A, %dma_wait3A_1094, %dma_wait3A_1095] : memref<200x4x32x8x128xf32, #tpu.memory_space<hbm>> -> memref<8x1x1x8x128xf32, #tpu.memory_space<hbm>>
        %dma_wait3A_1097 = tpu.memref_squeeze %dma_wait3A_1096 : memref<8x1x1x8x128xf32, #tpu.memory_space<hbm>> -> memref<8x8x128xf32, #tpu.memory_space<hbm>>
        %dma_wait3A_1098 = arith.constant 0 : i32
        %dma_wait3A_1099 = arith.constant 0 : i32
        %dma_wait3A_1100 = arith.constant 0 : i32
        %dma_wait3A_1101 = tpu.memref_slice %arg4[%dma_wait3A_1098, %dma_wait3A_1088, %add3A, %dma_wait3A_1099, %dma_wait3A_1100] : memref<200x4x32x8x128xf32, #tpu.memory_space<hbm>> -> memref<8x1x1x8x128xf32, #tpu.memory_space<hbm>>
        %dma_wait3A_1102 = tpu.memref_squeeze %dma_wait3A_1101 : memref<8x1x1x8x128xf32, #tpu.memory_space<hbm>> -> memref<8x8x128xf32, #tpu.memory_space<hbm>>
        %dma_wait3A_1103 = arith.constant 0 : i32
        %dma_wait3A_1104 = arith.constant 8 : i32
        %dma_wait3A_1105 = arith.constant 0 : i32
        %dma_wait3A_1106 = tpu.memref_slice %arg7[%dma_wait3A_1103, %dma_wait3A_1104, %dma_wait3A_1105] : memref<8x32x128xf32, #tpu.memory_space<vmem>> -> memref<8x8x128xf32, #tpu.memory_space<vmem>>
        tpu.wait_dma2 semaphore(%arg10 : memref<!tpu.dma_semaphore, #tpu.memory_space<semaphore_mem>>) src(%dma_wait3A_1106 : memref<8x8x128xf32, #tpu.memory_space<vmem>>) dst(%dma_wait3A_1102 : memref<8x8x128xf32, #tpu.memory_space<hbm>>)
        %dma_wait3A_1107 = arith.constant 2 : i32
        %dma_wait3A_1108 = arith.constant 0 : i32
        %dma_wait3A_1109 = arith.constant 16 : i32
        %dma_wait3A_1110 = arith.constant 0 : i32
        %dma_wait3A_1111 = tpu.memref_slice %arg7[%dma_wait3A_1108, %dma_wait3A_1109, %dma_wait3A_1110] : memref<8x32x128xf32, #tpu.memory_space<vmem>> -> memref<8x8x128xf32, #tpu.memory_space<vmem>>
        %dma_wait3A_1112 = arith.constant 0 : i32
        %dma_wait3A_1113 = arith.constant 0 : i32
        %dma_wait3A_1114 = arith.constant 0 : i32
        %dma_wait3A_1115 = tpu.memref_slice %arg4[%dma_wait3A_1112, %dma_wait3A_1107, %add3A, %dma_wait3A_1113, %dma_wait3A_1114] : memref<200x4x32x8x128xf32, #tpu.memory_space<hbm>> -> memref<8x1x1x8x128xf32, #tpu.memory_space<hbm>>
        %dma_wait3A_1116 = tpu.memref_squeeze %dma_wait3A_1115 : memref<8x1x1x8x128xf32, #tpu.memory_space<hbm>> -> memref<8x8x128xf32, #tpu.memory_space<hbm>>
        %dma_wait3A_1117 = arith.constant 0 : i32
        %dma_wait3A_1118 = arith.constant 0 : i32
        %dma_wait3A_1119 = arith.constant 0 : i32
        %dma_wait3A_1120 = tpu.memref_slice %arg4[%dma_wait3A_1117, %dma_wait3A_1107, %add3A, %dma_wait3A_1118, %dma_wait3A_1119] : memref<200x4x32x8x128xf32, #tpu.memory_space<hbm>> -> memref<8x1x1x8x128xf32, #tpu.memory_space<hbm>>
        %dma_wait3A_1121 = tpu.memref_squeeze %dma_wait3A_1120 : memref<8x1x1x8x128xf32, #tpu.memory_space<hbm>> -> memref<8x8x128xf32, #tpu.memory_space<hbm>>
        %dma_wait3A_1122 = arith.constant 0 : i32
        %dma_wait3A_1123 = arith.constant 16 : i32
        %dma_wait3A_1124 = arith.constant 0 : i32
        %dma_wait3A_1125 = tpu.memref_slice %arg7[%dma_wait3A_1122, %dma_wait3A_1123, %dma_wait3A_1124] : memref<8x32x128xf32, #tpu.memory_space<vmem>> -> memref<8x8x128xf32, #tpu.memory_space<vmem>>
        tpu.wait_dma2 semaphore(%arg10 : memref<!tpu.dma_semaphore, #tpu.memory_space<semaphore_mem>>) src(%dma_wait3A_1125 : memref<8x8x128xf32, #tpu.memory_space<vmem>>) dst(%dma_wait3A_1121 : memref<8x8x128xf32, #tpu.memory_space<hbm>>)
        %dma_wait3A_1126 = arith.constant 3 : i32
        %dma_wait3A_1127 = arith.constant 0 : i32
        %dma_wait3A_1128 = arith.constant 24 : i32
        %dma_wait3A_1129 = arith.constant 0 : i32
        %dma_wait3A_1130 = tpu.memref_slice %arg7[%dma_wait3A_1127, %dma_wait3A_1128, %dma_wait3A_1129] : memref<8x32x128xf32, #tpu.memory_space<vmem>> -> memref<8x8x128xf32, #tpu.memory_space<vmem>>
        %dma_wait3A_1131 = arith.constant 0 : i32
        %dma_wait3A_1132 = arith.constant 0 : i32
        %dma_wait3A_1133 = arith.constant 0 : i32
        %dma_wait3A_1134 = tpu.memref_slice %arg4[%dma_wait3A_1131, %dma_wait3A_1126, %add3A, %dma_wait3A_1132, %dma_wait3A_1133] : memref<200x4x32x8x128xf32, #tpu.memory_space<hbm>> -> memref<8x1x1x8x128xf32, #tpu.memory_space<hbm>>
        %dma_wait3A_1135 = tpu.memref_squeeze %dma_wait3A_1134 : memref<8x1x1x8x128xf32, #tpu.memory_space<hbm>> -> memref<8x8x128xf32, #tpu.memory_space<hbm>>
        %dma_wait3A_1136 = arith.constant 0 : i32
        %dma_wait3A_1137 = arith.constant 0 : i32
        %dma_wait3A_1138 = arith.constant 0 : i32
        %dma_wait3A_1139 = tpu.memref_slice %arg4[%dma_wait3A_1136, %dma_wait3A_1126, %add3A, %dma_wait3A_1137, %dma_wait3A_1138] : memref<200x4x32x8x128xf32, #tpu.memory_space<hbm>> -> memref<8x1x1x8x128xf32, #tpu.memory_space<hbm>>
        %dma_wait3A_1140 = tpu.memref_squeeze %dma_wait3A_1139 : memref<8x1x1x8x128xf32, #tpu.memory_space<hbm>> -> memref<8x8x128xf32, #tpu.memory_space<hbm>>
        %dma_wait3A_1141 = arith.constant 0 : i32
        %dma_wait3A_1142 = arith.constant 24 : i32
        %dma_wait3A_1143 = arith.constant 0 : i32
        %dma_wait3A_1144 = tpu.memref_slice %arg7[%dma_wait3A_1141, %dma_wait3A_1142, %dma_wait3A_1143] : memref<8x32x128xf32, #tpu.memory_space<vmem>> -> memref<8x8x128xf32, #tpu.memory_space<vmem>>
        tpu.wait_dma2 semaphore(%arg10 : memref<!tpu.dma_semaphore, #tpu.memory_space<semaphore_mem>>) src(%dma_wait3A_1144 : memref<8x8x128xf32, #tpu.memory_space<vmem>>) dst(%dma_wait3A_1140 : memref<8x8x128xf32, #tpu.memory_space<hbm>>)
      } else {
      }
      %scan3A_687 = arith.constant 0 : i32
      %scan3A_688 = arith.constant 0 : i32
      %scan3A_689 = arith.constant 8 : i32
      %scan3A_690 = arith.addi %scan3A_688, %scan3A_689 : i32
      %scan3A_691 = arith.constant 1 : i32
      scf.for %scan3A_1069 = %scan3A_688 to %scan3A_690 step %scan3A_691  : i32 {
        %broadcast_in_dim3A = vector.broadcast %scan3A_1069 : i32 to vector<16xi32>
        %mul3A_1070 = arith.constant 128 : i32
        %mul3A_1071 = arith.muli %scan3A_1069, %mul3A_1070 : i32
        %broadcast_in_dim3A_1072 = vector.broadcast %mul3A_1071 : i32 to vector<16xi32>
        %add3A_1073 = arith.addi %broadcast_in_dim3A_1072, %add3A_3 : vector<16xi32>
        %add3A_1074 = arith.addi %broadcast_in_dim3A_1072, %add3A_6 : vector<16xi32>
        %add3A_1075 = arith.addi %broadcast_in_dim3A_1072, %add3A_9 : vector<16xi32>
        %add3A_1076 = arith.addi %broadcast_in_dim3A_1072, %add3A_12 : vector<16xi32>
        %add3A_1077 = arith.addi %broadcast_in_dim3A_1072, %add3A_15 : vector<16xi32>
        %add3A_1078 = arith.addi %broadcast_in_dim3A_1072, %add3A_18 : vector<16xi32>
        %add3A_1079 = arith.addi %broadcast_in_dim3A_1072, %add3A_21 : vector<16xi32>
        %add3A_1080 = arith.addi %broadcast_in_dim3A_1072, %add3A_24 : vector<16xi32>
        %scan3A_1081 = arith.constant 0 : i32
        %scan3A_1082 = arith.constant 0 : i32
        %scan3A_1083 = arith.constant 8 : i32
        %scan3A_1084 = arith.addi %scan3A_1082, %scan3A_1083 : i32
        %scan3A_1085 = arith.constant 1 : i32
        scf.for %scan3A_1087 = %scan3A_1082 to %scan3A_1084 step %scan3A_1085  : i32 {
          %mul3A_1088 = arith.constant 2 : i32
          %mul3A_1089 = arith.muli %scan3A_1087, %mul3A_1088 : i32
          %add3A_1090 = arith.constant 0 : i32
          %add3A_1091 = arith.addi %mul3A_1089, %add3A_1090 : i32
          %add3A_1092 = vector.broadcast %add3A_1091 : i32 to vector<16xi32>
          %add3A_1093 = arith.addi %iota3A, %add3A_1092 : vector<16xi32>
          %and3A = arith.constant 15 : i32
          %and3A_1094 = vector.broadcast %and3A : i32 to vector<16xi32>
          %and3A_1095 = arith.andi %add3A_1093, %and3A_1094 : vector<16xi32>
          %add3A_1096 = arith.constant 16 : i32
          %add3A_1097 = vector.broadcast %add3A_1096 : i32 to vector<16xi32>
          %add3A_1098 = arith.addi %and3A_1095, %add3A_1097 : vector<16xi32>
          %add3A_1099 = arith.constant 1 : i32
          %add3A_1100 = arith.addi %mul3A_1089, %add3A_1099 : i32
          %add3A_1101 = vector.broadcast %add3A_1100 : i32 to vector<16xi32>
          %add3A_1102 = arith.addi %iota3A, %add3A_1101 : vector<16xi32>
          %and3A_1103 = arith.constant 15 : i32
          %and3A_1104 = vector.broadcast %and3A_1103 : i32 to vector<16xi32>
          %and3A_1105 = arith.andi %add3A_1102, %and3A_1104 : vector<16xi32>
          %add3A_1106 = arith.constant 16 : i32
          %add3A_1107 = vector.broadcast %add3A_1106 : i32 to vector<16xi32>
          %add3A_1108 = arith.addi %and3A_1105, %add3A_1107 : vector<16xi32>
          %gather3A = arith.constant 0 : i32
          %gather3A_1109 = arith.constant 0 : i32
          %gather3A_1110 = arith.constant 0 : i32
          %gather3A_1111 = tpu.memref_slice %arg6[%gather3A, %gather3A_1109, %gather3A_1110] : memref<2x1024x32xf32, #tpu.memory_space<vmem>> -> memref<1x1024x32xf32, #tpu.memory_space<vmem>>
          %gather3A_1112 = tpu.memref_squeeze %gather3A_1111 : memref<1x1024x32xf32, #tpu.memory_space<vmem>> -> memref<1024x32xf32, #tpu.memory_space<vmem>>
          %gather3A_1113 = tpu.vector_load_idx %gather3A_1112[%add3A_1073, %and3A_1095] : memref<1024x32xf32, #tpu.memory_space<vmem>>[vector<16xi32>, vector<16xi32>], vector<16xf32>,
          tpu.vector_store_idx %arg7[%broadcast_in_dim3A, %and3A_1095, %add3A_3], %gather3A_1113 : memref<8x32x128xf32, #tpu.memory_space<vmem>>[vector<16xi32>, vector<16xi32>, vector<16xi32>], vector<16xf32>,
          %gather3A_1114 = arith.constant 0 : i32
          %gather3A_1115 = arith.constant 0 : i32
          %gather3A_1116 = arith.constant 0 : i32
          %gather3A_1117 = tpu.memref_slice %arg6[%gather3A_1114, %gather3A_1115, %gather3A_1116] : memref<2x1024x32xf32, #tpu.memory_space<vmem>> -> memref<1x1024x32xf32, #tpu.memory_space<vmem>>
          %gather3A_1118 = tpu.memref_squeeze %gather3A_1117 : memref<1x1024x32xf32, #tpu.memory_space<vmem>> -> memref<1024x32xf32, #tpu.memory_space<vmem>>
          %gather3A_1119 = tpu.vector_load_idx %gather3A_1118[%add3A_1073, %add3A_1098] : memref<1024x32xf32, #tpu.memory_space<vmem>>[vector<16xi32>, vector<16xi32>], vector<16xf32>,
          tpu.vector_store_idx %arg7[%broadcast_in_dim3A, %add3A_1098, %add3A_3], %gather3A_1119 : memref<8x32x128xf32, #tpu.memory_space<vmem>>[vector<16xi32>, vector<16xi32>, vector<16xi32>], vector<16xf32>,
          %gather3A_1120 = arith.constant 0 : i32
          %gather3A_1121 = arith.constant 0 : i32
          %gather3A_1122 = arith.constant 0 : i32
          %gather3A_1123 = tpu.memref_slice %arg6[%gather3A_1120, %gather3A_1121, %gather3A_1122] : memref<2x1024x32xf32, #tpu.memory_space<vmem>> -> memref<1x1024x32xf32, #tpu.memory_space<vmem>>
          %gather3A_1124 = tpu.memref_squeeze %gather3A_1123 : memref<1x1024x32xf32, #tpu.memory_space<vmem>> -> memref<1024x32xf32, #tpu.memory_space<vmem>>
          %gather3A_1125 = tpu.vector_load_idx %gather3A_1124[%add3A_1073, %and3A_1105] : memref<1024x32xf32, #tpu.memory_space<vmem>>[vector<16xi32>, vector<16xi32>], vector<16xf32>,
          tpu.vector_store_idx %arg7[%broadcast_in_dim3A, %and3A_1105, %add3A_3], %gather3A_1125 : memref<8x32x128xf32, #tpu.memory_space<vmem>>[vector<16xi32>, vector<16xi32>, vector<16xi32>], vector<16xf32>,
          %gather3A_1126 = arith.constant 0 : i32
          %gather3A_1127 = arith.constant 0 : i32
          %gather3A_1128 = arith.constant 0 : i32
          %gather3A_1129 = tpu.memref_slice %arg6[%gather3A_1126, %gather3A_1127, %gather3A_1128] : memref<2x1024x32xf32, #tpu.memory_space<vmem>> -> memref<1x1024x32xf32, #tpu.memory_space<vmem>>
          %gather3A_1130 = tpu.memref_squeeze %gather3A_1129 : memref<1x1024x32xf32, #tpu.memory_space<vmem>> -> memref<1024x32xf32, #tpu.memory_space<vmem>>
          %gather3A_1131 = tpu.vector_load_idx %gather3A_1130[%add3A_1073, %add3A_1108] : memref<1024x32xf32, #tpu.memory_space<vmem>>[vector<16xi32>, vector<16xi32>], vector<16xf32>,
          tpu.vector_store_idx %arg7[%broadcast_in_dim3A, %add3A_1108, %add3A_3], %gather3A_1131 : memref<8x32x128xf32, #tpu.memory_space<vmem>>[vector<16xi32>, vector<16xi32>, vector<16xi32>], vector<16xf32>,
          %gather3A_1132 = arith.constant 0 : i32
          %gather3A_1133 = arith.constant 0 : i32
          %gather3A_1134 = arith.constant 0 : i32
          %gather3A_1135 = tpu.memref_slice %arg6[%gather3A_1132, %gather3A_1133, %gather3A_1134] : memref<2x1024x32xf32, #tpu.memory_space<vmem>> -> memref<1x1024x32xf32, #tpu.memory_space<vmem>>
          %gather3A_1136 = tpu.memref_squeeze %gather3A_1135 : memref<1x1024x32xf32, #tpu.memory_space<vmem>> -> memref<1024x32xf32, #tpu.memory_space<vmem>>
          %gather3A_1137 = tpu.vector_load_idx %gather3A_1136[%add3A_1074, %and3A_1095] : memref<1024x32xf32, #tpu.memory_space<vmem>>[vector<16xi32>, vector<16xi32>], vector<16xf32>,
          tpu.vector_store_idx %arg7[%broadcast_in_dim3A, %and3A_1095, %add3A_6], %gather3A_1137 : memref<8x32x128xf32, #tpu.memory_space<vmem>>[vector<16xi32>, vector<16xi32>, vector<16xi32>], vector<16xf32>,
          %gather3A_1138 = arith.constant 0 : i32
          %gather3A_1139 = arith.constant 0 : i32
          %gather3A_1140 = arith.constant 0 : i32
          %gather3A_1141 = tpu.memref_slice %arg6[%gather3A_1138, %gather3A_1139, %gather3A_1140] : memref<2x1024x32xf32, #tpu.memory_space<vmem>> -> memref<1x1024x32xf32, #tpu.memory_space<vmem>>
          %gather3A_1142 = tpu.memref_squeeze %gather3A_1141 : memref<1x1024x32xf32, #tpu.memory_space<vmem>> -> memref<1024x32xf32, #tpu.memory_space<vmem>>
          %gather3A_1143 = tpu.vector_load_idx %gather3A_1142[%add3A_1074, %add3A_1098] : memref<1024x32xf32, #tpu.memory_space<vmem>>[vector<16xi32>, vector<16xi32>], vector<16xf32>,
          tpu.vector_store_idx %arg7[%broadcast_in_dim3A, %add3A_1098, %add3A_6], %gather3A_1143 : memref<8x32x128xf32, #tpu.memory_space<vmem>>[vector<16xi32>, vector<16xi32>, vector<16xi32>], vector<16xf32>,
          %gather3A_1144 = arith.constant 0 : i32
          %gather3A_1145 = arith.constant 0 : i32
          %gather3A_1146 = arith.constant 0 : i32
          %gather3A_1147 = tpu.memref_slice %arg6[%gather3A_1144, %gather3A_1145, %gather3A_1146] : memref<2x1024x32xf32, #tpu.memory_space<vmem>> -> memref<1x1024x32xf32, #tpu.memory_space<vmem>>
          %gather3A_1148 = tpu.memref_squeeze %gather3A_1147 : memref<1x1024x32xf32, #tpu.memory_space<vmem>> -> memref<1024x32xf32, #tpu.memory_space<vmem>>
          %gather3A_1149 = tpu.vector_load_idx %gather3A_1148[%add3A_1074, %and3A_1105] : memref<1024x32xf32, #tpu.memory_space<vmem>>[vector<16xi32>, vector<16xi32>], vector<16xf32>,
          tpu.vector_store_idx %arg7[%broadcast_in_dim3A, %and3A_1105, %add3A_6], %gather3A_1149 : memref<8x32x128xf32, #tpu.memory_space<vmem>>[vector<16xi32>, vector<16xi32>, vector<16xi32>], vector<16xf32>,
          %gather3A_1150 = arith.constant 0 : i32
          %gather3A_1151 = arith.constant 0 : i32
          %gather3A_1152 = arith.constant 0 : i32
          %gather3A_1153 = tpu.memref_slice %arg6[%gather3A_1150, %gather3A_1151, %gather3A_1152] : memref<2x1024x32xf32, #tpu.memory_space<vmem>> -> memref<1x1024x32xf32, #tpu.memory_space<vmem>>
          %gather3A_1154 = tpu.memref_squeeze %gather3A_1153 : memref<1x1024x32xf32, #tpu.memory_space<vmem>> -> memref<1024x32xf32, #tpu.memory_space<vmem>>
          %gather3A_1155 = tpu.vector_load_idx %gather3A_1154[%add3A_1074, %add3A_1108] : memref<1024x32xf32, #tpu.memory_space<vmem>>[vector<16xi32>, vector<16xi32>], vector<16xf32>,
          tpu.vector_store_idx %arg7[%broadcast_in_dim3A, %add3A_1108, %add3A_6], %gather3A_1155 : memref<8x32x128xf32, #tpu.memory_space<vmem>>[vector<16xi32>, vector<16xi32>, vector<16xi32>], vector<16xf32>,
          %gather3A_1156 = arith.constant 0 : i32
          %gather3A_1157 = arith.constant 0 : i32
          %gather3A_1158 = arith.constant 0 : i32
          %gather3A_1159 = tpu.memref_slice %arg6[%gather3A_1156, %gather3A_1157, %gather3A_1158] : memref<2x1024x32xf32, #tpu.memory_space<vmem>> -> memref<1x1024x32xf32, #tpu.memory_space<vmem>>
          %gather3A_1160 = tpu.memref_squeeze %gather3A_1159 : memref<1x1024x32xf32, #tpu.memory_space<vmem>> -> memref<1024x32xf32, #tpu.memory_space<vmem>>
          %gather3A_1161 = tpu.vector_load_idx %gather3A_1160[%add3A_1075, %and3A_1095] : memref<1024x32xf32, #tpu.memory_space<vmem>>[vector<16xi32>, vector<16xi32>], vector<16xf32>,
          tpu.vector_store_idx %arg7[%broadcast_in_dim3A, %and3A_1095, %add3A_9], %gather3A_1161 : memref<8x32x128xf32, #tpu.memory_space<vmem>>[vector<16xi32>, vector<16xi32>, vector<16xi32>], vector<16xf32>,
          %gather3A_1162 = arith.constant 0 : i32
          %gather3A_1163 = arith.constant 0 : i32
          %gather3A_1164 = arith.constant 0 : i32
          %gather3A_1165 = tpu.memref_slice %arg6[%gather3A_1162, %gather3A_1163, %gather3A_1164] : memref<2x1024x32xf32, #tpu.memory_space<vmem>> -> memref<1x1024x32xf32, #tpu.memory_space<vmem>>
          %gather3A_1166 = tpu.memref_squeeze %gather3A_1165 : memref<1x1024x32xf32, #tpu.memory_space<vmem>> -> memref<1024x32xf32, #tpu.memory_space<vmem>>
          %gather3A_1167 = tpu.vector_load_idx %gather3A_1166[%add3A_1075, %add3A_1098] : memref<1024x32xf32, #tpu.memory_space<vmem>>[vector<16xi32>, vector<16xi32>], vector<16xf32>,
          tpu.vector_store_idx %arg7[%broadcast_in_dim3A, %add3A_1098, %add3A_9], %gather3A_1167 : memref<8x32x128xf32, #tpu.memory_space<vmem>>[vector<16xi32>, vector<16xi32>, vector<16xi32>], vector<16xf32>,
          %gather3A_1168 = arith.constant 0 : i32
          %gather3A_1169 = arith.constant 0 : i32
          %gather3A_1170 = arith.constant 0 : i32
          %gather3A_1171 = tpu.memref_slice %arg6[%gather3A_1168, %gather3A_1169, %gather3A_1170] : memref<2x1024x32xf32, #tpu.memory_space<vmem>> -> memref<1x1024x32xf32, #tpu.memory_space<vmem>>
          %gather3A_1172 = tpu.memref_squeeze %gather3A_1171 : memref<1x1024x32xf32, #tpu.memory_space<vmem>> -> memref<1024x32xf32, #tpu.memory_space<vmem>>
          %gather3A_1173 = tpu.vector_load_idx %gather3A_1172[%add3A_1075, %and3A_1105] : memref<1024x32xf32, #tpu.memory_space<vmem>>[vector<16xi32>, vector<16xi32>], vector<16xf32>,
          tpu.vector_store_idx %arg7[%broadcast_in_dim3A, %and3A_1105, %add3A_9], %gather3A_1173 : memref<8x32x128xf32, #tpu.memory_space<vmem>>[vector<16xi32>, vector<16xi32>, vector<16xi32>], vector<16xf32>,
          %gather3A_1174 = arith.constant 0 : i32
          %gather3A_1175 = arith.constant 0 : i32
          %gather3A_1176 = arith.constant 0 : i32
          %gather3A_1177 = tpu.memref_slice %arg6[%gather3A_1174, %gather3A_1175, %gather3A_1176] : memref<2x1024x32xf32, #tpu.memory_space<vmem>> -> memref<1x1024x32xf32, #tpu.memory_space<vmem>>
          %gather3A_1178 = tpu.memref_squeeze %gather3A_1177 : memref<1x1024x32xf32, #tpu.memory_space<vmem>> -> memref<1024x32xf32, #tpu.memory_space<vmem>>
          %gather3A_1179 = tpu.vector_load_idx %gather3A_1178[%add3A_1075, %add3A_1108] : memref<1024x32xf32, #tpu.memory_space<vmem>>[vector<16xi32>, vector<16xi32>], vector<16xf32>,
          tpu.vector_store_idx %arg7[%broadcast_in_dim3A, %add3A_1108, %add3A_9], %gather3A_1179 : memref<8x32x128xf32, #tpu.memory_space<vmem>>[vector<16xi32>, vector<16xi32>, vector<16xi32>], vector<16xf32>,
          %gather3A_1180 = arith.constant 0 : i32
          %gather3A_1181 = arith.constant 0 : i32
          %gather3A_1182 = arith.constant 0 : i32
          %gather3A_1183 = tpu.memref_slice %arg6[%gather3A_1180, %gather3A_1181, %gather3A_1182] : memref<2x1024x32xf32, #tpu.memory_space<vmem>> -> memref<1x1024x32xf32, #tpu.memory_space<vmem>>
          %gather3A_1184 = tpu.memref_squeeze %gather3A_1183 : memref<1x1024x32xf32, #tpu.memory_space<vmem>> -> memref<1024x32xf32, #tpu.memory_space<vmem>>
          %gather3A_1185 = tpu.vector_load_idx %gather3A_1184[%add3A_1076, %and3A_1095] : memref<1024x32xf32, #tpu.memory_space<vmem>>[vector<16xi32>, vector<16xi32>], vector<16xf32>,
          tpu.vector_store_idx %arg7[%broadcast_in_dim3A, %and3A_1095, %add3A_12], %gather3A_1185 : memref<8x32x128xf32, #tpu.memory_space<vmem>>[vector<16xi32>, vector<16xi32>, vector<16xi32>], vector<16xf32>,
          %gather3A_1186 = arith.constant 0 : i32
          %gather3A_1187 = arith.constant 0 : i32
          %gather3A_1188 = arith.constant 0 : i32
          %gather3A_1189 = tpu.memref_slice %arg6[%gather3A_1186, %gather3A_1187, %gather3A_1188] : memref<2x1024x32xf32, #tpu.memory_space<vmem>> -> memref<1x1024x32xf32, #tpu.memory_space<vmem>>
          %gather3A_1190 = tpu.memref_squeeze %gather3A_1189 : memref<1x1024x32xf32, #tpu.memory_space<vmem>> -> memref<1024x32xf32, #tpu.memory_space<vmem>>
          %gather3A_1191 = tpu.vector_load_idx %gather3A_1190[%add3A_1076, %add3A_1098] : memref<1024x32xf32, #tpu.memory_space<vmem>>[vector<16xi32>, vector<16xi32>], vector<16xf32>,
          tpu.vector_store_idx %arg7[%broadcast_in_dim3A, %add3A_1098, %add3A_12], %gather3A_1191 : memref<8x32x128xf32, #tpu.memory_space<vmem>>[vector<16xi32>, vector<16xi32>, vector<16xi32>], vector<16xf32>,
          %gather3A_1192 = arith.constant 0 : i32
          %gather3A_1193 = arith.constant 0 : i32
          %gather3A_1194 = arith.constant 0 : i32
          %gather3A_1195 = tpu.memref_slice %arg6[%gather3A_1192, %gather3A_1193, %gather3A_1194] : memref<2x1024x32xf32, #tpu.memory_space<vmem>> -> memref<1x1024x32xf32, #tpu.memory_space<vmem>>
          %gather3A_1196 = tpu.memref_squeeze %gather3A_1195 : memref<1x1024x32xf32, #tpu.memory_space<vmem>> -> memref<1024x32xf32, #tpu.memory_space<vmem>>
          %gather3A_1197 = tpu.vector_load_idx %gather3A_1196[%add3A_1076, %and3A_1105] : memref<1024x32xf32, #tpu.memory_space<vmem>>[vector<16xi32>, vector<16xi32>], vector<16xf32>,
          tpu.vector_store_idx %arg7[%broadcast_in_dim3A, %and3A_1105, %add3A_12], %gather3A_1197 : memref<8x32x128xf32, #tpu.memory_space<vmem>>[vector<16xi32>, vector<16xi32>, vector<16xi32>], vector<16xf32>,
          %gather3A_1198 = arith.constant 0 : i32
          %gather3A_1199 = arith.constant 0 : i32
          %gather3A_1200 = arith.constant 0 : i32
          %gather3A_1201 = tpu.memref_slice %arg6[%gather3A_1198, %gather3A_1199, %gather3A_1200] : memref<2x1024x32xf32, #tpu.memory_space<vmem>> -> memref<1x1024x32xf32, #tpu.memory_space<vmem>>
          %gather3A_1202 = tpu.memref_squeeze %gather3A_1201 : memref<1x1024x32xf32, #tpu.memory_space<vmem>> -> memref<1024x32xf32, #tpu.memory_space<vmem>>
          %gather3A_1203 = tpu.vector_load_idx %gather3A_1202[%add3A_1076, %add3A_1108] : memref<1024x32xf32, #tpu.memory_space<vmem>>[vector<16xi32>, vector<16xi32>], vector<16xf32>,
          tpu.vector_store_idx %arg7[%broadcast_in_dim3A, %add3A_1108, %add3A_12], %gather3A_1203 : memref<8x32x128xf32, #tpu.memory_space<vmem>>[vector<16xi32>, vector<16xi32>, vector<16xi32>], vector<16xf32>,
          %gather3A_1204 = arith.constant 0 : i32
          %gather3A_1205 = arith.constant 0 : i32
          %gather3A_1206 = arith.constant 0 : i32
          %gather3A_1207 = tpu.memref_slice %arg6[%gather3A_1204, %gather3A_1205, %gather3A_1206] : memref<2x1024x32xf32, #tpu.memory_space<vmem>> -> memref<1x1024x32xf32, #tpu.memory_space<vmem>>
          %gather3A_1208 = tpu.memref_squeeze %gather3A_1207 : memref<1x1024x32xf32, #tpu.memory_space<vmem>> -> memref<1024x32xf32, #tpu.memory_space<vmem>>
          %gather3A_1209 = tpu.vector_load_idx %gather3A_1208[%add3A_1077, %and3A_1095] : memref<1024x32xf32, #tpu.memory_space<vmem>>[vector<16xi32>, vector<16xi32>], vector<16xf32>,
          tpu.vector_store_idx %arg7[%broadcast_in_dim3A, %and3A_1095, %add3A_15], %gather3A_1209 : memref<8x32x128xf32, #tpu.memory_space<vmem>>[vector<16xi32>, vector<16xi32>, vector<16xi32>], vector<16xf32>,
          %gather3A_1210 = arith.constant 0 : i32
          %gather3A_1211 = arith.constant 0 : i32
          %gather3A_1212 = arith.constant 0 : i32
          %gather3A_1213 = tpu.memref_slice %arg6[%gather3A_1210, %gather3A_1211, %gather3A_1212] : memref<2x1024x32xf32, #tpu.memory_space<vmem>> -> memref<1x1024x32xf32, #tpu.memory_space<vmem>>
          %gather3A_1214 = tpu.memref_squeeze %gather3A_1213 : memref<1x1024x32xf32, #tpu.memory_space<vmem>> -> memref<1024x32xf32, #tpu.memory_space<vmem>>
          %gather3A_1215 = tpu.vector_load_idx %gather3A_1214[%add3A_1077, %add3A_1098] : memref<1024x32xf32, #tpu.memory_space<vmem>>[vector<16xi32>, vector<16xi32>], vector<16xf32>,
          tpu.vector_store_idx %arg7[%broadcast_in_dim3A, %add3A_1098, %add3A_15], %gather3A_1215 : memref<8x32x128xf32, #tpu.memory_space<vmem>>[vector<16xi32>, vector<16xi32>, vector<16xi32>], vector<16xf32>,
          %gather3A_1216 = arith.constant 0 : i32
          %gather3A_1217 = arith.constant 0 : i32
          %gather3A_1218 = arith.constant 0 : i32
          %gather3A_1219 = tpu.memref_slice %arg6[%gather3A_1216, %gather3A_1217, %gather3A_1218] : memref<2x1024x32xf32, #tpu.memory_space<vmem>> -> memref<1x1024x32xf32, #tpu.memory_space<vmem>>
          %gather3A_1220 = tpu.memref_squeeze %gather3A_1219 : memref<1x1024x32xf32, #tpu.memory_space<vmem>> -> memref<1024x32xf32, #tpu.memory_space<vmem>>
          %gather3A_1221 = tpu.vector_load_idx %gather3A_1220[%add3A_1077, %and3A_1105] : memref<1024x32xf32, #tpu.memory_space<vmem>>[vector<16xi32>, vector<16xi32>], vector<16xf32>,
          tpu.vector_store_idx %arg7[%broadcast_in_dim3A, %and3A_1105, %add3A_15], %gather3A_1221 : memref<8x32x128xf32, #tpu.memory_space<vmem>>[vector<16xi32>, vector<16xi32>, vector<16xi32>], vector<16xf32>,
          %gather3A_1222 = arith.constant 0 : i32
          %gather3A_1223 = arith.constant 0 : i32
          %gather3A_1224 = arith.constant 0 : i32
          %gather3A_1225 = tpu.memref_slice %arg6[%gather3A_1222, %gather3A_1223, %gather3A_1224] : memref<2x1024x32xf32, #tpu.memory_space<vmem>> -> memref<1x1024x32xf32, #tpu.memory_space<vmem>>
          %gather3A_1226 = tpu.memref_squeeze %gather3A_1225 : memref<1x1024x32xf32, #tpu.memory_space<vmem>> -> memref<1024x32xf32, #tpu.memory_space<vmem>>
          %gather3A_1227 = tpu.vector_load_idx %gather3A_1226[%add3A_1077, %add3A_1108] : memref<1024x32xf32, #tpu.memory_space<vmem>>[vector<16xi32>, vector<16xi32>], vector<16xf32>,
          tpu.vector_store_idx %arg7[%broadcast_in_dim3A, %add3A_1108, %add3A_15], %gather3A_1227 : memref<8x32x128xf32, #tpu.memory_space<vmem>>[vector<16xi32>, vector<16xi32>, vector<16xi32>], vector<16xf32>,
          %gather3A_1228 = arith.constant 0 : i32
          %gather3A_1229 = arith.constant 0 : i32
          %gather3A_1230 = arith.constant 0 : i32
          %gather3A_1231 = tpu.memref_slice %arg6[%gather3A_1228, %gather3A_1229, %gather3A_1230] : memref<2x1024x32xf32, #tpu.memory_space<vmem>> -> memref<1x1024x32xf32, #tpu.memory_space<vmem>>
          %gather3A_1232 = tpu.memref_squeeze %gather3A_1231 : memref<1x1024x32xf32, #tpu.memory_space<vmem>> -> memref<1024x32xf32, #tpu.memory_space<vmem>>
          %gather3A_1233 = tpu.vector_load_idx %gather3A_1232[%add3A_1078, %and3A_1095] : memref<1024x32xf32, #tpu.memory_space<vmem>>[vector<16xi32>, vector<16xi32>], vector<16xf32>,
          tpu.vector_store_idx %arg7[%broadcast_in_dim3A, %and3A_1095, %add3A_18], %gather3A_1233 : memref<8x32x128xf32, #tpu.memory_space<vmem>>[vector<16xi32>, vector<16xi32>, vector<16xi32>], vector<16xf32>,
          %gather3A_1234 = arith.constant 0 : i32
          %gather3A_1235 = arith.constant 0 : i32
          %gather3A_1236 = arith.constant 0 : i32
          %gather3A_1237 = tpu.memref_slice %arg6[%gather3A_1234, %gather3A_1235, %gather3A_1236] : memref<2x1024x32xf32, #tpu.memory_space<vmem>> -> memref<1x1024x32xf32, #tpu.memory_space<vmem>>
          %gather3A_1238 = tpu.memref_squeeze %gather3A_1237 : memref<1x1024x32xf32, #tpu.memory_space<vmem>> -> memref<1024x32xf32, #tpu.memory_space<vmem>>
          %gather3A_1239 = tpu.vector_load_idx %gather3A_1238[%add3A_1078, %add3A_1098] : memref<1024x32xf32, #tpu.memory_space<vmem>>[vector<16xi32>, vector<16xi32>], vector<16xf32>,
          tpu.vector_store_idx %arg7[%broadcast_in_dim3A, %add3A_1098, %add3A_18], %gather3A_1239 : memref<8x32x128xf32, #tpu.memory_space<vmem>>[vector<16xi32>, vector<16xi32>, vector<16xi32>], vector<16xf32>,
          %gather3A_1240 = arith.constant 0 : i32
          %gather3A_1241 = arith.constant 0 : i32
          %gather3A_1242 = arith.constant 0 : i32
          %gather3A_1243 = tpu.memref_slice %arg6[%gather3A_1240, %gather3A_1241, %gather3A_1242] : memref<2x1024x32xf32, #tpu.memory_space<vmem>> -> memref<1x1024x32xf32, #tpu.memory_space<vmem>>
          %gather3A_1244 = tpu.memref_squeeze %gather3A_1243 : memref<1x1024x32xf32, #tpu.memory_space<vmem>> -> memref<1024x32xf32, #tpu.memory_space<vmem>>
          %gather3A_1245 = tpu.vector_load_idx %gather3A_1244[%add3A_1078, %and3A_1105] : memref<1024x32xf32, #tpu.memory_space<vmem>>[vector<16xi32>, vector<16xi32>], vector<16xf32>,
          tpu.vector_store_idx %arg7[%broadcast_in_dim3A, %and3A_1105, %add3A_18], %gather3A_1245 : memref<8x32x128xf32, #tpu.memory_space<vmem>>[vector<16xi32>, vector<16xi32>, vector<16xi32>], vector<16xf32>,
          %gather3A_1246 = arith.constant 0 : i32
          %gather3A_1247 = arith.constant 0 : i32
          %gather3A_1248 = arith.constant 0 : i32
          %gather3A_1249 = tpu.memref_slice %arg6[%gather3A_1246, %gather3A_1247, %gather3A_1248] : memref<2x1024x32xf32, #tpu.memory_space<vmem>> -> memref<1x1024x32xf32, #tpu.memory_space<vmem>>
          %gather3A_1250 = tpu.memref_squeeze %gather3A_1249 : memref<1x1024x32xf32, #tpu.memory_space<vmem>> -> memref<1024x32xf32, #tpu.memory_space<vmem>>
          %gather3A_1251 = tpu.vector_load_idx %gather3A_1250[%add3A_1078, %add3A_1108] : memref<1024x32xf32, #tpu.memory_space<vmem>>[vector<16xi32>, vector<16xi32>], vector<16xf32>,
          tpu.vector_store_idx %arg7[%broadcast_in_dim3A, %add3A_1108, %add3A_18], %gather3A_1251 : memref<8x32x128xf32, #tpu.memory_space<vmem>>[vector<16xi32>, vector<16xi32>, vector<16xi32>], vector<16xf32>,
          %gather3A_1252 = arith.constant 0 : i32
          %gather3A_1253 = arith.constant 0 : i32
          %gather3A_1254 = arith.constant 0 : i32
          %gather3A_1255 = tpu.memref_slice %arg6[%gather3A_1252, %gather3A_1253, %gather3A_1254] : memref<2x1024x32xf32, #tpu.memory_space<vmem>> -> memref<1x1024x32xf32, #tpu.memory_space<vmem>>
          %gather3A_1256 = tpu.memref_squeeze %gather3A_1255 : memref<1x1024x32xf32, #tpu.memory_space<vmem>> -> memref<1024x32xf32, #tpu.memory_space<vmem>>
          %gather3A_1257 = tpu.vector_load_idx %gather3A_1256[%add3A_1079, %and3A_1095] : memref<1024x32xf32, #tpu.memory_space<vmem>>[vector<16xi32>, vector<16xi32>], vector<16xf32>,
          tpu.vector_store_idx %arg7[%broadcast_in_dim3A, %and3A_1095, %add3A_21], %gather3A_1257 : memref<8x32x128xf32, #tpu.memory_space<vmem>>[vector<16xi32>, vector<16xi32>, vector<16xi32>], vector<16xf32>,
          %gather3A_1258 = arith.constant 0 : i32
          %gather3A_1259 = arith.constant 0 : i32
          %gather3A_1260 = arith.constant 0 : i32
          %gather3A_1261 = tpu.memref_slice %arg6[%gather3A_1258, %gather3A_1259, %gather3A_1260] : memref<2x1024x32xf32, #tpu.memory_space<vmem>> -> memref<1x1024x32xf32, #tpu.memory_space<vmem>>
          %gather3A_1262 = tpu.memref_squeeze %gather3A_1261 : memref<1x1024x32xf32, #tpu.memory_space<vmem>> -> memref<1024x32xf32, #tpu.memory_space<vmem>>
          %gather3A_1263 = tpu.vector_load_idx %gather3A_1262[%add3A_1079, %add3A_1098] : memref<1024x32xf32, #tpu.memory_space<vmem>>[vector<16xi32>, vector<16xi32>], vector<16xf32>,
          tpu.vector_store_idx %arg7[%broadcast_in_dim3A, %add3A_1098, %add3A_21], %gather3A_1263 : memref<8x32x128xf32, #tpu.memory_space<vmem>>[vector<16xi32>, vector<16xi32>, vector<16xi32>], vector<16xf32>,
          %gather3A_1264 = arith.constant 0 : i32
          %gather3A_1265 = arith.constant 0 : i32
          %gather3A_1266 = arith.constant 0 : i32
          %gather3A_1267 = tpu.memref_slice %arg6[%gather3A_1264, %gather3A_1265, %gather3A_1266] : memref<2x1024x32xf32, #tpu.memory_space<vmem>> -> memref<1x1024x32xf32, #tpu.memory_space<vmem>>
          %gather3A_1268 = tpu.memref_squeeze %gather3A_1267 : memref<1x1024x32xf32, #tpu.memory_space<vmem>> -> memref<1024x32xf32, #tpu.memory_space<vmem>>
          %gather3A_1269 = tpu.vector_load_idx %gather3A_1268[%add3A_1079, %and3A_1105] : memref<1024x32xf32, #tpu.memory_space<vmem>>[vector<16xi32>, vector<16xi32>], vector<16xf32>,
          tpu.vector_store_idx %arg7[%broadcast_in_dim3A, %and3A_1105, %add3A_21], %gather3A_1269 : memref<8x32x128xf32, #tpu.memory_space<vmem>>[vector<16xi32>, vector<16xi32>, vector<16xi32>], vector<16xf32>,
          %gather3A_1270 = arith.constant 0 : i32
          %gather3A_1271 = arith.constant 0 : i32
          %gather3A_1272 = arith.constant 0 : i32
          %gather3A_1273 = tpu.memref_slice %arg6[%gather3A_1270, %gather3A_1271, %gather3A_1272] : memref<2x1024x32xf32, #tpu.memory_space<vmem>> -> memref<1x1024x32xf32, #tpu.memory_space<vmem>>
          %gather3A_1274 = tpu.memref_squeeze %gather3A_1273 : memref<1x1024x32xf32, #tpu.memory_space<vmem>> -> memref<1024x32xf32, #tpu.memory_space<vmem>>
          %gather3A_1275 = tpu.vector_load_idx %gather3A_1274[%add3A_1079, %add3A_1108] : memref<1024x32xf32, #tpu.memory_space<vmem>>[vector<16xi32>, vector<16xi32>], vector<16xf32>,
          tpu.vector_store_idx %arg7[%broadcast_in_dim3A, %add3A_1108, %add3A_21], %gather3A_1275 : memref<8x32x128xf32, #tpu.memory_space<vmem>>[vector<16xi32>, vector<16xi32>, vector<16xi32>], vector<16xf32>,
          %gather3A_1276 = arith.constant 0 : i32
          %gather3A_1277 = arith.constant 0 : i32
          %gather3A_1278 = arith.constant 0 : i32
          %gather3A_1279 = tpu.memref_slice %arg6[%gather3A_1276, %gather3A_1277, %gather3A_1278] : memref<2x1024x32xf32, #tpu.memory_space<vmem>> -> memref<1x1024x32xf32, #tpu.memory_space<vmem>>
          %gather3A_1280 = tpu.memref_squeeze %gather3A_1279 : memref<1x1024x32xf32, #tpu.memory_space<vmem>> -> memref<1024x32xf32, #tpu.memory_space<vmem>>
          %gather3A_1281 = tpu.vector_load_idx %gather3A_1280[%add3A_1080, %and3A_1095] : memref<1024x32xf32, #tpu.memory_space<vmem>>[vector<16xi32>, vector<16xi32>], vector<16xf32>,
          tpu.vector_store_idx %arg7[%broadcast_in_dim3A, %and3A_1095, %add3A_24], %gather3A_1281 : memref<8x32x128xf32, #tpu.memory_space<vmem>>[vector<16xi32>, vector<16xi32>, vector<16xi32>], vector<16xf32>,
          %gather3A_1282 = arith.constant 0 : i32
          %gather3A_1283 = arith.constant 0 : i32
          %gather3A_1284 = arith.constant 0 : i32
          %gather3A_1285 = tpu.memref_slice %arg6[%gather3A_1282, %gather3A_1283, %gather3A_1284] : memref<2x1024x32xf32, #tpu.memory_space<vmem>> -> memref<1x1024x32xf32, #tpu.memory_space<vmem>>
          %gather3A_1286 = tpu.memref_squeeze %gather3A_1285 : memref<1x1024x32xf32, #tpu.memory_space<vmem>> -> memref<1024x32xf32, #tpu.memory_space<vmem>>
          %gather3A_1287 = tpu.vector_load_idx %gather3A_1286[%add3A_1080, %add3A_1098] : memref<1024x32xf32, #tpu.memory_space<vmem>>[vector<16xi32>, vector<16xi32>], vector<16xf32>,
          tpu.vector_store_idx %arg7[%broadcast_in_dim3A, %add3A_1098, %add3A_24], %gather3A_1287 : memref<8x32x128xf32, #tpu.memory_space<vmem>>[vector<16xi32>, vector<16xi32>, vector<16xi32>], vector<16xf32>,
          %gather3A_1288 = arith.constant 0 : i32
          %gather3A_1289 = arith.constant 0 : i32
          %gather3A_1290 = arith.constant 0 : i32
          %gather3A_1291 = tpu.memref_slice %arg6[%gather3A_1288, %gather3A_1289, %gather3A_1290] : memref<2x1024x32xf32, #tpu.memory_space<vmem>> -> memref<1x1024x32xf32, #tpu.memory_space<vmem>>
          %gather3A_1292 = tpu.memref_squeeze %gather3A_1291 : memref<1x1024x32xf32, #tpu.memory_space<vmem>> -> memref<1024x32xf32, #tpu.memory_space<vmem>>
          %gather3A_1293 = tpu.vector_load_idx %gather3A_1292[%add3A_1080, %and3A_1105] : memref<1024x32xf32, #tpu.memory_space<vmem>>[vector<16xi32>, vector<16xi32>], vector<16xf32>,
          tpu.vector_store_idx %arg7[%broadcast_in_dim3A, %and3A_1105, %add3A_24], %gather3A_1293 : memref<8x32x128xf32, #tpu.memory_space<vmem>>[vector<16xi32>, vector<16xi32>, vector<16xi32>], vector<16xf32>,
          %gather3A_1294 = arith.constant 0 : i32
          %gather3A_1295 = arith.constant 0 : i32
          %gather3A_1296 = arith.constant 0 : i32
          %gather3A_1297 = tpu.memref_slice %arg6[%gather3A_1294, %gather3A_1295, %gather3A_1296] : memref<2x1024x32xf32, #tpu.memory_space<vmem>> -> memref<1x1024x32xf32, #tpu.memory_space<vmem>>
          %gather3A_1298 = tpu.memref_squeeze %gather3A_1297 : memref<1x1024x32xf32, #tpu.memory_space<vmem>> -> memref<1024x32xf32, #tpu.memory_space<vmem>>
          %gather3A_1299 = tpu.vector_load_idx %gather3A_1298[%add3A_1080, %add3A_1108] : memref<1024x32xf32, #tpu.memory_space<vmem>>[vector<16xi32>, vector<16xi32>], vector<16xf32>,
          tpu.vector_store_idx %arg7[%broadcast_in_dim3A, %add3A_1108, %add3A_24], %gather3A_1299 : memref<8x32x128xf32, #tpu.memory_space<vmem>>[vector<16xi32>, vector<16xi32>, vector<16xi32>], vector<16xf32>,
        }
        %scan3A_1086 = arith.constant 8 : i32
      }
      %scan3A_692 = arith.constant 8 : i32
      %mul3A_693 = arith.constant 8 : i32
      %mul3A_694 = arith.muli %mul3A_473, %mul3A_693 : i32
      %mul3A_695 = arith.constant 8 : i32
      %mul3A_696 = arith.muli %mul3A_473, %mul3A_695 : i32
      %mul3A_697 = arith.constant 8 : i32
      %mul3A_698 = arith.muli %mul3A_473, %mul3A_697 : i32
      %mul3A_699 = arith.constant 8 : i32
      %mul3A_700 = arith.muli %mul3A_473, %mul3A_699 : i32
      %dma_start3A_701 = arith.constant 0 : i32
      %dma_start3A_702 = arith.constant 0 : i32
      %dma_start3A_703 = arith.constant 0 : i32
      %dma_start3A_704 = arith.constant 0 : i32
      %dma_start3A_705 = tpu.memref_slice %arg7[%dma_start3A_702, %dma_start3A_703, %dma_start3A_704] : memref<8x32x128xf32, #tpu.memory_space<vmem>> -> memref<8x8x128xf32, #tpu.memory_space<vmem>>
      %dma_start3A_706 = arith.constant 0 : i32
      %dma_start3A_707 = arith.constant 0 : i32
      %dma_start3A_708 = tpu.memref_slice %arg4[%mul3A_694, %dma_start3A_701, %add3A, %dma_start3A_706, %dma_start3A_707] : memref<200x4x32x8x128xf32, #tpu.memory_space<hbm>> -> memref<8x1x1x8x128xf32, #tpu.memory_space<hbm>>
      %dma_start3A_709 = tpu.memref_squeeze %dma_start3A_708 : memref<8x1x1x8x128xf32, #tpu.memory_space<hbm>> -> memref<8x8x128xf32, #tpu.memory_space<hbm>>
      %dma_start3A_710 = arith.constant 0 : i32
      %dma_start3A_711 = arith.constant 0 : i32
      %dma_start3A_712 = tpu.memref_slice %arg4[%mul3A_694, %dma_start3A_701, %add3A, %dma_start3A_710, %dma_start3A_711] : memref<200x4x32x8x128xf32, #tpu.memory_space<hbm>> -> memref<8x1x1x8x128xf32, #tpu.memory_space<hbm>>
      %dma_start3A_713 = tpu.memref_squeeze %dma_start3A_712 : memref<8x1x1x8x128xf32, #tpu.memory_space<hbm>> -> memref<8x8x128xf32, #tpu.memory_space<hbm>>
      %dma_start3A_714 = arith.constant 0 : i32
      %dma_start3A_715 = arith.constant 0 : i32
      %dma_start3A_716 = arith.constant 0 : i32
      %dma_start3A_717 = tpu.memref_slice %arg7[%dma_start3A_714, %dma_start3A_715, %dma_start3A_716] : memref<8x32x128xf32, #tpu.memory_space<vmem>> -> memref<8x8x128xf32, #tpu.memory_space<vmem>>
      tpu.enqueue_dma source(%dma_start3A_717 : memref<8x8x128xf32, #tpu.memory_space<vmem>>) target(%dma_start3A_713 : memref<8x8x128xf32, #tpu.memory_space<hbm>>) target_semaphore(%arg10 : memref<!tpu.dma_semaphore, #tpu.memory_space<semaphore_mem>>)
      %dma_start3A_718 = arith.constant 1 : i32
      %dma_start3A_719 = arith.constant 0 : i32
      %dma_start3A_720 = arith.constant 8 : i32
      %dma_start3A_721 = arith.constant 0 : i32
      %dma_start3A_722 = tpu.memref_slice %arg7[%dma_start3A_719, %dma_start3A_720, %dma_start3A_721] : memref<8x32x128xf32, #tpu.memory_space<vmem>> -> memref<8x8x128xf32, #tpu.memory_space<vmem>>
      %dma_start3A_723 = arith.constant 0 : i32
      %dma_start3A_724 = arith.constant 0 : i32
      %dma_start3A_725 = tpu.memref_slice %arg4[%mul3A_696, %dma_start3A_718, %add3A, %dma_start3A_723, %dma_start3A_724] : memref<200x4x32x8x128xf32, #tpu.memory_space<hbm>> -> memref<8x1x1x8x128xf32, #tpu.memory_space<hbm>>
      %dma_start3A_726 = tpu.memref_squeeze %dma_start3A_725 : memref<8x1x1x8x128xf32, #tpu.memory_space<hbm>> -> memref<8x8x128xf32, #tpu.memory_space<hbm>>
      %dma_start3A_727 = arith.constant 0 : i32
      %dma_start3A_728 = arith.constant 0 : i32
      %dma_start3A_729 = tpu.memref_slice %arg4[%mul3A_696, %dma_start3A_718, %add3A, %dma_start3A_727, %dma_start3A_728] : memref<200x4x32x8x128xf32, #tpu.memory_space<hbm>> -> memref<8x1x1x8x128xf32, #tpu.memory_space<hbm>>
      %dma_start3A_730 = tpu.memref_squeeze %dma_start3A_729 : memref<8x1x1x8x128xf32, #tpu.memory_space<hbm>> -> memref<8x8x128xf32, #tpu.memory_space<hbm>>
      %dma_start3A_731 = arith.constant 0 : i32
      %dma_start3A_732 = arith.constant 8 : i32
      %dma_start3A_733 = arith.constant 0 : i32
      %dma_start3A_734 = tpu.memref_slice %arg7[%dma_start3A_731, %dma_start3A_732, %dma_start3A_733] : memref<8x32x128xf32, #tpu.memory_space<vmem>> -> memref<8x8x128xf32, #tpu.memory_space<vmem>>
      tpu.enqueue_dma source(%dma_start3A_734 : memref<8x8x128xf32, #tpu.memory_space<vmem>>) target(%dma_start3A_730 : memref<8x8x128xf32, #tpu.memory_space<hbm>>) target_semaphore(%arg10 : memref<!tpu.dma_semaphore, #tpu.memory_space<semaphore_mem>>)
      %dma_start3A_735 = arith.constant 2 : i32
      %dma_start3A_736 = arith.constant 0 : i32
      %dma_start3A_737 = arith.constant 16 : i32
      %dma_start3A_738 = arith.constant 0 : i32
      %dma_start3A_739 = tpu.memref_slice %arg7[%dma_start3A_736, %dma_start3A_737, %dma_start3A_738] : memref<8x32x128xf32, #tpu.memory_space<vmem>> -> memref<8x8x128xf32, #tpu.memory_space<vmem>>
      %dma_start3A_740 = arith.constant 0 : i32
      %dma_start3A_741 = arith.constant 0 : i32
      %dma_start3A_742 = tpu.memref_slice %arg4[%mul3A_698, %dma_start3A_735, %add3A, %dma_start3A_740, %dma_start3A_741] : memref<200x4x32x8x128xf32, #tpu.memory_space<hbm>> -> memref<8x1x1x8x128xf32, #tpu.memory_space<hbm>>
      %dma_start3A_743 = tpu.memref_squeeze %dma_start3A_742 : memref<8x1x1x8x128xf32, #tpu.memory_space<hbm>> -> memref<8x8x128xf32, #tpu.memory_space<hbm>>
      %dma_start3A_744 = arith.constant 0 : i32
      %dma_start3A_745 = arith.constant 0 : i32
      %dma_start3A_746 = tpu.memref_slice %arg4[%mul3A_698, %dma_start3A_735, %add3A, %dma_start3A_744, %dma_start3A_745] : memref<200x4x32x8x128xf32, #tpu.memory_space<hbm>> -> memref<8x1x1x8x128xf32, #tpu.memory_space<hbm>>
      %dma_start3A_747 = tpu.memref_squeeze %dma_start3A_746 : memref<8x1x1x8x128xf32, #tpu.memory_space<hbm>> -> memref<8x8x128xf32, #tpu.memory_space<hbm>>
      %dma_start3A_748 = arith.constant 0 : i32
      %dma_start3A_749 = arith.constant 16 : i32
      %dma_start3A_750 = arith.constant 0 : i32
      %dma_start3A_751 = tpu.memref_slice %arg7[%dma_start3A_748, %dma_start3A_749, %dma_start3A_750] : memref<8x32x128xf32, #tpu.memory_space<vmem>> -> memref<8x8x128xf32, #tpu.memory_space<vmem>>
      tpu.enqueue_dma source(%dma_start3A_751 : memref<8x8x128xf32, #tpu.memory_space<vmem>>) target(%dma_start3A_747 : memref<8x8x128xf32, #tpu.memory_space<hbm>>) target_semaphore(%arg10 : memref<!tpu.dma_semaphore, #tpu.memory_space<semaphore_mem>>)
      %dma_start3A_752 = arith.constant 3 : i32
      %dma_start3A_753 = arith.constant 0 : i32
      %dma_start3A_754 = arith.constant 24 : i32
      %dma_start3A_755 = arith.constant 0 : i32
      %dma_start3A_756 = tpu.memref_slice %arg7[%dma_start3A_753, %dma_start3A_754, %dma_start3A_755] : memref<8x32x128xf32, #tpu.memory_space<vmem>> -> memref<8x8x128xf32, #tpu.memory_space<vmem>>
      %dma_start3A_757 = arith.constant 0 : i32
      %dma_start3A_758 = arith.constant 0 : i32
      %dma_start3A_759 = tpu.memref_slice %arg4[%mul3A_700, %dma_start3A_752, %add3A, %dma_start3A_757, %dma_start3A_758] : memref<200x4x32x8x128xf32, #tpu.memory_space<hbm>> -> memref<8x1x1x8x128xf32, #tpu.memory_space<hbm>>
      %dma_start3A_760 = tpu.memref_squeeze %dma_start3A_759 : memref<8x1x1x8x128xf32, #tpu.memory_space<hbm>> -> memref<8x8x128xf32, #tpu.memory_space<hbm>>
      %dma_start3A_761 = arith.constant 0 : i32
      %dma_start3A_762 = arith.constant 0 : i32
      %dma_start3A_763 = tpu.memref_slice %arg4[%mul3A_700, %dma_start3A_752, %add3A, %dma_start3A_761, %dma_start3A_762] : memref<200x4x32x8x128xf32, #tpu.memory_space<hbm>> -> memref<8x1x1x8x128xf32, #tpu.memory_space<hbm>>
      %dma_start3A_764 = tpu.memref_squeeze %dma_start3A_763 : memref<8x1x1x8x128xf32, #tpu.memory_space<hbm>> -> memref<8x8x128xf32, #tpu.memory_space<hbm>>
      %dma_start3A_765 = arith.constant 0 : i32
      %dma_start3A_766 = arith.constant 24 : i32
      %dma_start3A_767 = arith.constant 0 : i32
      %dma_start3A_768 = tpu.memref_slice %arg7[%dma_start3A_765, %dma_start3A_766, %dma_start3A_767] : memref<8x32x128xf32, #tpu.memory_space<vmem>> -> memref<8x8x128xf32, #tpu.memory_space<vmem>>
      tpu.enqueue_dma source(%dma_start3A_768 : memref<8x8x128xf32, #tpu.memory_space<vmem>>) target(%dma_start3A_764 : memref<8x8x128xf32, #tpu.memory_space<hbm>>) target_semaphore(%arg10 : memref<!tpu.dma_semaphore, #tpu.memory_space<semaphore_mem>>)
      %add3A_769 = arith.constant 2 : i32
      %add3A_770 = arith.addi %mul3A_473, %add3A_769 : i32
      %run_scoped3A_771 = arith.constant 0 : i32
      "tpu.region"() ({
        %run_scoped3A_1069 = tpu.sem_alloc : memref<!tpu.dma_semaphore, #tpu.memory_space<semaphore_mem>>
        %dma_start3A_1070 = arith.constant 0 : i32
        %dma_start3A_1071 = arith.constant 0 : i32
        %dma_start3A_1072 = tpu.memref_slice %arg5[%run_scoped3A_771, %dma_start3A_1070, %dma_start3A_1071] : memref<2x8x128xi32, #tpu.memory_space<vmem>> -> memref<1x8x128xi32, #tpu.memory_space<vmem>>
        %dma_start3A_1073 = tpu.memref_squeeze %dma_start3A_1072 : memref<1x8x128xi32, #tpu.memory_space<vmem>> -> memref<8x128xi32, #tpu.memory_space<vmem>>
        %dma_start3A_1074 = arith.constant 0 : i32
        %dma_start3A_1075 = arith.constant 0 : i32
        %dma_start3A_1076 = tpu.memref_slice %arg2[%add3A_770, %add3A, %dma_start3A_1074, %dma_start3A_1075] : memref<25x32x8x128xi32, #tpu.memory_space<hbm>> -> memref<1x1x8x128xi32, #tpu.memory_space<hbm>>
        %dma_start3A_1077 = tpu.memref_squeeze %dma_start3A_1076 : memref<1x1x8x128xi32, #tpu.memory_space<hbm>> -> memref<8x128xi32, #tpu.memory_space<hbm>>
        %dma_start3A_1078 = arith.constant 0 : i32
        %dma_start3A_1079 = arith.constant 0 : i32
        %dma_start3A_1080 = tpu.memref_slice %arg5[%run_scoped3A_771, %dma_start3A_1078, %dma_start3A_1079] : memref<2x8x128xi32, #tpu.memory_space<vmem>> -> memref<1x8x128xi32, #tpu.memory_space<vmem>>
        %dma_start3A_1081 = tpu.memref_squeeze %dma_start3A_1080 : memref<1x8x128xi32, #tpu.memory_space<vmem>> -> memref<8x128xi32, #tpu.memory_space<vmem>>
        %dma_start3A_1082 = arith.constant 0 : i32
        %dma_start3A_1083 = arith.constant 0 : i32
        %dma_start3A_1084 = tpu.memref_slice %arg2[%add3A_770, %add3A, %dma_start3A_1082, %dma_start3A_1083] : memref<25x32x8x128xi32, #tpu.memory_space<hbm>> -> memref<1x1x8x128xi32, #tpu.memory_space<hbm>>
        %dma_start3A_1085 = tpu.memref_squeeze %dma_start3A_1084 : memref<1x1x8x128xi32, #tpu.memory_space<hbm>> -> memref<8x128xi32, #tpu.memory_space<hbm>>
        tpu.enqueue_dma source(%dma_start3A_1085 : memref<8x128xi32, #tpu.memory_space<hbm>>) target(%dma_start3A_1081 : memref<8x128xi32, #tpu.memory_space<vmem>>) target_semaphore(%run_scoped3A_1069 : memref<!tpu.dma_semaphore, #tpu.memory_space<semaphore_mem>>)
        %dma_wait3A_1086 = arith.constant 0 : i32
        %dma_wait3A_1087 = arith.constant 0 : i32
        %dma_wait3A_1088 = tpu.memref_slice %arg5[%run_scoped3A_771, %dma_wait3A_1086, %dma_wait3A_1087] : memref<2x8x128xi32, #tpu.memory_space<vmem>> -> memref<1x8x128xi32, #tpu.memory_space<vmem>>
        %dma_wait3A_1089 = tpu.memref_squeeze %dma_wait3A_1088 : memref<1x8x128xi32, #tpu.memory_space<vmem>> -> memref<8x128xi32, #tpu.memory_space<vmem>>
        %dma_wait3A_1090 = arith.constant 0 : i32
        %dma_wait3A_1091 = arith.constant 0 : i32
        %dma_wait3A_1092 = tpu.memref_slice %arg2[%add3A_770, %add3A, %dma_wait3A_1090, %dma_wait3A_1091] : memref<25x32x8x128xi32, #tpu.memory_space<hbm>> -> memref<1x1x8x128xi32, #tpu.memory_space<hbm>>
        %dma_wait3A_1093 = tpu.memref_squeeze %dma_wait3A_1092 : memref<1x1x8x128xi32, #tpu.memory_space<hbm>> -> memref<8x128xi32, #tpu.memory_space<hbm>>
        %dma_wait3A_1094 = arith.constant 0 : i32
        %dma_wait3A_1095 = arith.constant 0 : i32
        %dma_wait3A_1096 = tpu.memref_slice %arg5[%run_scoped3A_771, %dma_wait3A_1094, %dma_wait3A_1095] : memref<2x8x128xi32, #tpu.memory_space<vmem>> -> memref<1x8x128xi32, #tpu.memory_space<vmem>>
        %dma_wait3A_1097 = tpu.memref_squeeze %dma_wait3A_1096 : memref<1x8x128xi32, #tpu.memory_space<vmem>> -> memref<8x128xi32, #tpu.memory_space<vmem>>
        %dma_wait3A_1098 = arith.constant 0 : i32
        %dma_wait3A_1099 = arith.constant 0 : i32
        %dma_wait3A_1100 = tpu.memref_slice %arg2[%add3A_770, %add3A, %dma_wait3A_1098, %dma_wait3A_1099] : memref<25x32x8x128xi32, #tpu.memory_space<hbm>> -> memref<1x1x8x128xi32, #tpu.memory_space<hbm>>
        %dma_wait3A_1101 = tpu.memref_squeeze %dma_wait3A_1100 : memref<1x1x8x128xi32, #tpu.memory_space<hbm>> -> memref<8x128xi32, #tpu.memory_space<hbm>>
        tpu.wait_dma2 semaphore(%run_scoped3A_1069 : memref<!tpu.dma_semaphore, #tpu.memory_space<semaphore_mem>>) src(%dma_wait3A_1101 : memref<8x128xi32, #tpu.memory_space<hbm>>) dst(%dma_wait3A_1097 : memref<8x128xi32, #tpu.memory_space<vmem>>)
        tpu.yield
      }) : () -> ()
      %dma_start3A_772 = arith.constant 0 : i32
      %dma_start3A_773 = arith.constant 0 : i32
      %dma_start3A_774 = arith.constant 0 : i32
      %dma_start3A_775 = arith.constant 0 : i32
      %dma_start3A_776 = arith.constant 0 : i32
      %dma_start3A_777 = tpu.memref_slice %arg6[%dma_start3A_774, %dma_start3A_775, %dma_start3A_776] : memref<2x1024x32xf32, #tpu.memory_space<vmem>> -> memref<1x128x32xf32, #tpu.memory_space<vmem>>
      %dma_start3A_778 = tpu.memref_squeeze %dma_start3A_777 : memref<1x128x32xf32, #tpu.memory_space<vmem>> -> memref<128x32xf32, #tpu.memory_space<vmem>>
      %dma_start3A_779 = arith.constant 0 : i32
      %dma_start3A_780 = tpu.memref_slice %arg5[%dma_start3A_772, %dma_start3A_773, %dma_start3A_779] : memref<2x8x128xi32, #tpu.memory_space<vmem>> -> memref<1x1x128xi32, #tpu.memory_space<vmem>>
      %dma_start3A_781 = tpu.memref_squeeze %dma_start3A_780 : memref<1x1x128xi32, #tpu.memory_space<vmem>> -> memref<128xi32, #tpu.memory_space<vmem>>
      %dma_start3A_782 = arith.constant 0 : i32
      %dma_start3A_783 = arith.constant 0 : i32
      %dma_start3A_784 = tpu.memref_slice %arg3[%dma_start3A_782, %dma_start3A_783] : memref<1000000x32xf32, #tpu.memory_space<hbm>> -> memref<1000000x32xf32, #tpu.memory_space<hbm>>
      tpu.enqueue_indirect_dma source(%dma_start3A_784 : memref<1000000x32xf32, #tpu.memory_space<hbm>>) target(%dma_start3A_778 : memref<128x32xf32, #tpu.memory_space<vmem>>) offsets(%dma_start3A_781 : memref<128xi32, #tpu.memory_space<vmem>>) semaphore(%arg8 : memref<!tpu.dma_semaphore, #tpu.memory_space<semaphore_mem>>)
      %dma_start3A_785 = arith.constant 0 : i32
      %dma_start3A_786 = arith.constant 1 : i32
      %dma_start3A_787 = arith.constant 0 : i32
      %dma_start3A_788 = arith.constant 128 : i32
      %dma_start3A_789 = arith.constant 0 : i32
      %dma_start3A_790 = tpu.memref_slice %arg6[%dma_start3A_787, %dma_start3A_788, %dma_start3A_789] : memref<2x1024x32xf32, #tpu.memory_space<vmem>> -> memref<1x128x32xf32, #tpu.memory_space<vmem>>
      %dma_start3A_791 = tpu.memref_squeeze %dma_start3A_790 : memref<1x128x32xf32, #tpu.memory_space<vmem>> -> memref<128x32xf32, #tpu.memory_space<vmem>>
      %dma_start3A_792 = arith.constant 0 : i32
      %dma_start3A_793 = tpu.memref_slice %arg5[%dma_start3A_785, %dma_start3A_786, %dma_start3A_792] : memref<2x8x128xi32, #tpu.memory_space<vmem>> -> memref<1x1x128xi32, #tpu.memory_space<vmem>>
      %dma_start3A_794 = tpu.memref_squeeze %dma_start3A_793 : memref<1x1x128xi32, #tpu.memory_space<vmem>> -> memref<128xi32, #tpu.memory_space<vmem>>
      %dma_start3A_795 = arith.constant 0 : i32
      %dma_start3A_796 = arith.constant 0 : i32
      %dma_start3A_797 = tpu.memref_slice %arg3[%dma_start3A_795, %dma_start3A_796] : memref<1000000x32xf32, #tpu.memory_space<hbm>> -> memref<1000000x32xf32, #tpu.memory_space<hbm>>
      tpu.enqueue_indirect_dma source(%dma_start3A_797 : memref<1000000x32xf32, #tpu.memory_space<hbm>>) target(%dma_start3A_791 : memref<128x32xf32, #tpu.memory_space<vmem>>) offsets(%dma_start3A_794 : memref<128xi32, #tpu.memory_space<vmem>>) semaphore(%arg8 : memref<!tpu.dma_semaphore, #tpu.memory_space<semaphore_mem>>)
      %dma_start3A_798 = arith.constant 0 : i32
      %dma_start3A_799 = arith.constant 2 : i32
      %dma_start3A_800 = arith.constant 0 : i32
      %dma_start3A_801 = arith.constant 256 : i32
      %dma_start3A_802 = arith.constant 0 : i32
      %dma_start3A_803 = tpu.memref_slice %arg6[%dma_start3A_800, %dma_start3A_801, %dma_start3A_802] : memref<2x1024x32xf32, #tpu.memory_space<vmem>> -> memref<1x128x32xf32, #tpu.memory_space<vmem>>
      %dma_start3A_804 = tpu.memref_squeeze %dma_start3A_803 : memref<1x128x32xf32, #tpu.memory_space<vmem>> -> memref<128x32xf32, #tpu.memory_space<vmem>>
      %dma_start3A_805 = arith.constant 0 : i32
      %dma_start3A_806 = tpu.memref_slice %arg5[%dma_start3A_798, %dma_start3A_799, %dma_start3A_805] : memref<2x8x128xi32, #tpu.memory_space<vmem>> -> memref<1x1x128xi32, #tpu.memory_space<vmem>>
      %dma_start3A_807 = tpu.memref_squeeze %dma_start3A_806 : memref<1x1x128xi32, #tpu.memory_space<vmem>> -> memref<128xi32, #tpu.memory_space<vmem>>
      %dma_start3A_808 = arith.constant 0 : i32
      %dma_start3A_809 = arith.constant 0 : i32
      %dma_start3A_810 = tpu.memref_slice %arg3[%dma_start3A_808, %dma_start3A_809] : memref<1000000x32xf32, #tpu.memory_space<hbm>> -> memref<1000000x32xf32, #tpu.memory_space<hbm>>
      tpu.enqueue_indirect_dma source(%dma_start3A_810 : memref<1000000x32xf32, #tpu.memory_space<hbm>>) target(%dma_start3A_804 : memref<128x32xf32, #tpu.memory_space<vmem>>) offsets(%dma_start3A_807 : memref<128xi32, #tpu.memory_space<vmem>>) semaphore(%arg8 : memref<!tpu.dma_semaphore, #tpu.memory_space<semaphore_mem>>)
      %dma_start3A_811 = arith.constant 0 : i32
      %dma_start3A_812 = arith.constant 3 : i32
      %dma_start3A_813 = arith.constant 0 : i32
      %dma_start3A_814 = arith.constant 384 : i32
      %dma_start3A_815 = arith.constant 0 : i32
      %dma_start3A_816 = tpu.memref_slice %arg6[%dma_start3A_813, %dma_start3A_814, %dma_start3A_815] : memref<2x1024x32xf32, #tpu.memory_space<vmem>> -> memref<1x128x32xf32, #tpu.memory_space<vmem>>
      %dma_start3A_817 = tpu.memref_squeeze %dma_start3A_816 : memref<1x128x32xf32, #tpu.memory_space<vmem>> -> memref<128x32xf32, #tpu.memory_space<vmem>>
      %dma_start3A_818 = arith.constant 0 : i32
      %dma_start3A_819 = tpu.memref_slice %arg5[%dma_start3A_811, %dma_start3A_812, %dma_start3A_818] : memref<2x8x128xi32, #tpu.memory_space<vmem>> -> memref<1x1x128xi32, #tpu.memory_space<vmem>>
      %dma_start3A_820 = tpu.memref_squeeze %dma_start3A_819 : memref<1x1x128xi32, #tpu.memory_space<vmem>> -> memref<128xi32, #tpu.memory_space<vmem>>
      %dma_start3A_821 = arith.constant 0 : i32
      %dma_start3A_822 = arith.constant 0 : i32
      %dma_start3A_823 = tpu.memref_slice %arg3[%dma_start3A_821, %dma_start3A_822] : memref<1000000x32xf32, #tpu.memory_space<hbm>> -> memref<1000000x32xf32, #tpu.memory_space<hbm>>
      tpu.enqueue_indirect_dma source(%dma_start3A_823 : memref<1000000x32xf32, #tpu.memory_space<hbm>>) target(%dma_start3A_817 : memref<128x32xf32, #tpu.memory_space<vmem>>) offsets(%dma_start3A_820 : memref<128xi32, #tpu.memory_space<vmem>>) semaphore(%arg8 : memref<!tpu.dma_semaphore, #tpu.memory_space<semaphore_mem>>)
      %dma_start3A_824 = arith.constant 0 : i32
      %dma_start3A_825 = arith.constant 4 : i32
      %dma_start3A_826 = arith.constant 0 : i32
      %dma_start3A_827 = arith.constant 512 : i32
      %dma_start3A_828 = arith.constant 0 : i32
      %dma_start3A_829 = tpu.memref_slice %arg6[%dma_start3A_826, %dma_start3A_827, %dma_start3A_828] : memref<2x1024x32xf32, #tpu.memory_space<vmem>> -> memref<1x128x32xf32, #tpu.memory_space<vmem>>
      %dma_start3A_830 = tpu.memref_squeeze %dma_start3A_829 : memref<1x128x32xf32, #tpu.memory_space<vmem>> -> memref<128x32xf32, #tpu.memory_space<vmem>>
      %dma_start3A_831 = arith.constant 0 : i32
      %dma_start3A_832 = tpu.memref_slice %arg5[%dma_start3A_824, %dma_start3A_825, %dma_start3A_831] : memref<2x8x128xi32, #tpu.memory_space<vmem>> -> memref<1x1x128xi32, #tpu.memory_space<vmem>>
      %dma_start3A_833 = tpu.memref_squeeze %dma_start3A_832 : memref<1x1x128xi32, #tpu.memory_space<vmem>> -> memref<128xi32, #tpu.memory_space<vmem>>
      %dma_start3A_834 = arith.constant 0 : i32
      %dma_start3A_835 = arith.constant 0 : i32
      %dma_start3A_836 = tpu.memref_slice %arg3[%dma_start3A_834, %dma_start3A_835] : memref<1000000x32xf32, #tpu.memory_space<hbm>> -> memref<1000000x32xf32, #tpu.memory_space<hbm>>
      tpu.enqueue_indirect_dma source(%dma_start3A_836 : memref<1000000x32xf32, #tpu.memory_space<hbm>>) target(%dma_start3A_830 : memref<128x32xf32, #tpu.memory_space<vmem>>) offsets(%dma_start3A_833 : memref<128xi32, #tpu.memory_space<vmem>>) semaphore(%arg8 : memref<!tpu.dma_semaphore, #tpu.memory_space<semaphore_mem>>)
      %dma_start3A_837 = arith.constant 0 : i32
      %dma_start3A_838 = arith.constant 5 : i32
      %dma_start3A_839 = arith.constant 0 : i32
      %dma_start3A_840 = arith.constant 640 : i32
      %dma_start3A_841 = arith.constant 0 : i32
      %dma_start3A_842 = tpu.memref_slice %arg6[%dma_start3A_839, %dma_start3A_840, %dma_start3A_841] : memref<2x1024x32xf32, #tpu.memory_space<vmem>> -> memref<1x128x32xf32, #tpu.memory_space<vmem>>
      %dma_start3A_843 = tpu.memref_squeeze %dma_start3A_842 : memref<1x128x32xf32, #tpu.memory_space<vmem>> -> memref<128x32xf32, #tpu.memory_space<vmem>>
      %dma_start3A_844 = arith.constant 0 : i32
      %dma_start3A_845 = tpu.memref_slice %arg5[%dma_start3A_837, %dma_start3A_838, %dma_start3A_844] : memref<2x8x128xi32, #tpu.memory_space<vmem>> -> memref<1x1x128xi32, #tpu.memory_space<vmem>>
      %dma_start3A_846 = tpu.memref_squeeze %dma_start3A_845 : memref<1x1x128xi32, #tpu.memory_space<vmem>> -> memref<128xi32, #tpu.memory_space<vmem>>
      %dma_start3A_847 = arith.constant 0 : i32
      %dma_start3A_848 = arith.constant 0 : i32
      %dma_start3A_849 = tpu.memref_slice %arg3[%dma_start3A_847, %dma_start3A_848] : memref<1000000x32xf32, #tpu.memory_space<hbm>> -> memref<1000000x32xf32, #tpu.memory_space<hbm>>
      tpu.enqueue_indirect_dma source(%dma_start3A_849 : memref<1000000x32xf32, #tpu.memory_space<hbm>>) target(%dma_start3A_843 : memref<128x32xf32, #tpu.memory_space<vmem>>) offsets(%dma_start3A_846 : memref<128xi32, #tpu.memory_space<vmem>>) semaphore(%arg8 : memref<!tpu.dma_semaphore, #tpu.memory_space<semaphore_mem>>)
      %dma_start3A_850 = arith.constant 0 : i32
      %dma_start3A_851 = arith.constant 6 : i32
      %dma_start3A_852 = arith.constant 0 : i32
      %dma_start3A_853 = arith.constant 768 : i32
      %dma_start3A_854 = arith.constant 0 : i32
      %dma_start3A_855 = tpu.memref_slice %arg6[%dma_start3A_852, %dma_start3A_853, %dma_start3A_854] : memref<2x1024x32xf32, #tpu.memory_space<vmem>> -> memref<1x128x32xf32, #tpu.memory_space<vmem>>
      %dma_start3A_856 = tpu.memref_squeeze %dma_start3A_855 : memref<1x128x32xf32, #tpu.memory_space<vmem>> -> memref<128x32xf32, #tpu.memory_space<vmem>>
      %dma_start3A_857 = arith.constant 0 : i32
      %dma_start3A_858 = tpu.memref_slice %arg5[%dma_start3A_850, %dma_start3A_851, %dma_start3A_857] : memref<2x8x128xi32, #tpu.memory_space<vmem>> -> memref<1x1x128xi32, #tpu.memory_space<vmem>>
      %dma_start3A_859 = tpu.memref_squeeze %dma_start3A_858 : memref<1x1x128xi32, #tpu.memory_space<vmem>> -> memref<128xi32, #tpu.memory_space<vmem>>
      %dma_start3A_860 = arith.constant 0 : i32
      %dma_start3A_861 = arith.constant 0 : i32
      %dma_start3A_862 = tpu.memref_slice %arg3[%dma_start3A_860, %dma_start3A_861] : memref<1000000x32xf32, #tpu.memory_space<hbm>> -> memref<1000000x32xf32, #tpu.memory_space<hbm>>
      tpu.enqueue_indirect_dma source(%dma_start3A_862 : memref<1000000x32xf32, #tpu.memory_space<hbm>>) target(%dma_start3A_856 : memref<128x32xf32, #tpu.memory_space<vmem>>) offsets(%dma_start3A_859 : memref<128xi32, #tpu.memory_space<vmem>>) semaphore(%arg8 : memref<!tpu.dma_semaphore, #tpu.memory_space<semaphore_mem>>)
      %dma_start3A_863 = arith.constant 0 : i32
      %dma_start3A_864 = arith.constant 7 : i32
      %dma_start3A_865 = arith.constant 0 : i32
      %dma_start3A_866 = arith.constant 896 : i32
      %dma_start3A_867 = arith.constant 0 : i32
      %dma_start3A_868 = tpu.memref_slice %arg6[%dma_start3A_865, %dma_start3A_866, %dma_start3A_867] : memref<2x1024x32xf32, #tpu.memory_space<vmem>> -> memref<1x128x32xf32, #tpu.memory_space<vmem>>
      %dma_start3A_869 = tpu.memref_squeeze %dma_start3A_868 : memref<1x128x32xf32, #tpu.memory_space<vmem>> -> memref<128x32xf32, #tpu.memory_space<vmem>>
      %dma_start3A_870 = arith.constant 0 : i32
      %dma_start3A_871 = tpu.memref_slice %arg5[%dma_start3A_863, %dma_start3A_864, %dma_start3A_870] : memref<2x8x128xi32, #tpu.memory_space<vmem>> -> memref<1x1x128xi32, #tpu.memory_space<vmem>>
      %dma_start3A_872 = tpu.memref_squeeze %dma_start3A_871 : memref<1x1x128xi32, #tpu.memory_space<vmem>> -> memref<128xi32, #tpu.memory_space<vmem>>
      %dma_start3A_873 = arith.constant 0 : i32
      %dma_start3A_874 = arith.constant 0 : i32
      %dma_start3A_875 = tpu.memref_slice %arg3[%dma_start3A_873, %dma_start3A_874] : memref<1000000x32xf32, #tpu.memory_space<hbm>> -> memref<1000000x32xf32, #tpu.memory_space<hbm>>
      tpu.enqueue_indirect_dma source(%dma_start3A_875 : memref<1000000x32xf32, #tpu.memory_space<hbm>>) target(%dma_start3A_869 : memref<128x32xf32, #tpu.memory_space<vmem>>) offsets(%dma_start3A_872 : memref<128xi32, #tpu.memory_space<vmem>>) semaphore(%arg8 : memref<!tpu.dma_semaphore, #tpu.memory_space<semaphore_mem>>)
      %dma_wait3A_876 = arith.constant 1 : i32
      %dma_wait3A_877 = arith.constant 0 : i32
      %dma_wait3A_878 = arith.constant 1 : i32
      %dma_wait3A_879 = arith.constant 0 : i32
      %dma_wait3A_880 = arith.constant 0 : i32
      %dma_wait3A_881 = tpu.memref_slice %arg6[%dma_wait3A_878, %dma_wait3A_879, %dma_wait3A_880] : memref<2x1024x32xf32, #tpu.memory_space<vmem>> -> memref<1x128x32xf32, #tpu.memory_space<vmem>>
      %dma_wait3A_882 = tpu.memref_squeeze %dma_wait3A_881 : memref<1x128x32xf32, #tpu.memory_space<vmem>> -> memref<128x32xf32, #tpu.memory_space<vmem>>
      %dma_wait3A_883 = arith.constant 0 : i32
      %dma_wait3A_884 = tpu.memref_slice %arg5[%dma_wait3A_876, %dma_wait3A_877, %dma_wait3A_883] : memref<2x8x128xi32, #tpu.memory_space<vmem>> -> memref<1x1x128xi32, #tpu.memory_space<vmem>>
      %dma_wait3A_885 = tpu.memref_squeeze %dma_wait3A_884 : memref<1x1x128xi32, #tpu.memory_space<vmem>> -> memref<128xi32, #tpu.memory_space<vmem>>
      %dma_wait3A_886 = arith.constant 0 : i32
      %dma_wait3A_887 = arith.constant 0 : i32
      %dma_wait3A_888 = tpu.memref_slice %arg3[%dma_wait3A_886, %dma_wait3A_887] : memref<1000000x32xf32, #tpu.memory_space<hbm>> -> memref<1000000x32xf32, #tpu.memory_space<hbm>>
      tpu.wait_indirect_dma semaphore(%arg9 : memref<!tpu.dma_semaphore, #tpu.memory_space<semaphore_mem>>) src(%dma_wait3A_888 : memref<1000000x32xf32, #tpu.memory_space<hbm>>) dst(%dma_wait3A_882 : memref<128x32xf32, #tpu.memory_space<vmem>>)
      %dma_wait3A_889 = arith.constant 1 : i32
      %dma_wait3A_890 = arith.constant 1 : i32
      %dma_wait3A_891 = arith.constant 1 : i32
      %dma_wait3A_892 = arith.constant 128 : i32
      %dma_wait3A_893 = arith.constant 0 : i32
      %dma_wait3A_894 = tpu.memref_slice %arg6[%dma_wait3A_891, %dma_wait3A_892, %dma_wait3A_893] : memref<2x1024x32xf32, #tpu.memory_space<vmem>> -> memref<1x128x32xf32, #tpu.memory_space<vmem>>
      %dma_wait3A_895 = tpu.memref_squeeze %dma_wait3A_894 : memref<1x128x32xf32, #tpu.memory_space<vmem>> -> memref<128x32xf32, #tpu.memory_space<vmem>>
      %dma_wait3A_896 = arith.constant 0 : i32
      %dma_wait3A_897 = tpu.memref_slice %arg5[%dma_wait3A_889, %dma_wait3A_890, %dma_wait3A_896] : memref<2x8x128xi32, #tpu.memory_space<vmem>> -> memref<1x1x128xi32, #tpu.memory_space<vmem>>
      %dma_wait3A_898 = tpu.memref_squeeze %dma_wait3A_897 : memref<1x1x128xi32, #tpu.memory_space<vmem>> -> memref<128xi32, #tpu.memory_space<vmem>>
      %dma_wait3A_899 = arith.constant 0 : i32
      %dma_wait3A_900 = arith.constant 0 : i32
      %dma_wait3A_901 = tpu.memref_slice %arg3[%dma_wait3A_899, %dma_wait3A_900] : memref<1000000x32xf32, #tpu.memory_space<hbm>> -> memref<1000000x32xf32, #tpu.memory_space<hbm>>
      tpu.wait_indirect_dma semaphore(%arg9 : memref<!tpu.dma_semaphore, #tpu.memory_space<semaphore_mem>>) src(%dma_wait3A_901 : memref<1000000x32xf32, #tpu.memory_space<hbm>>) dst(%dma_wait3A_895 : memref<128x32xf32, #tpu.memory_space<vmem>>)
      %dma_wait3A_902 = arith.constant 1 : i32
      %dma_wait3A_903 = arith.constant 2 : i32
      %dma_wait3A_904 = arith.constant 1 : i32
      %dma_wait3A_905 = arith.constant 256 : i32
      %dma_wait3A_906 = arith.constant 0 : i32
      %dma_wait3A_907 = tpu.memref_slice %arg6[%dma_wait3A_904, %dma_wait3A_905, %dma_wait3A_906] : memref<2x1024x32xf32, #tpu.memory_space<vmem>> -> memref<1x128x32xf32, #tpu.memory_space<vmem>>
      %dma_wait3A_908 = tpu.memref_squeeze %dma_wait3A_907 : memref<1x128x32xf32, #tpu.memory_space<vmem>> -> memref<128x32xf32, #tpu.memory_space<vmem>>
      %dma_wait3A_909 = arith.constant 0 : i32
      %dma_wait3A_910 = tpu.memref_slice %arg5[%dma_wait3A_902, %dma_wait3A_903, %dma_wait3A_909] : memref<2x8x128xi32, #tpu.memory_space<vmem>> -> memref<1x1x128xi32, #tpu.memory_space<vmem>>
      %dma_wait3A_911 = tpu.memref_squeeze %dma_wait3A_910 : memref<1x1x128xi32, #tpu.memory_space<vmem>> -> memref<128xi32, #tpu.memory_space<vmem>>
      %dma_wait3A_912 = arith.constant 0 : i32
      %dma_wait3A_913 = arith.constant 0 : i32
      %dma_wait3A_914 = tpu.memref_slice %arg3[%dma_wait3A_912, %dma_wait3A_913] : memref<1000000x32xf32, #tpu.memory_space<hbm>> -> memref<1000000x32xf32, #tpu.memory_space<hbm>>
      tpu.wait_indirect_dma semaphore(%arg9 : memref<!tpu.dma_semaphore, #tpu.memory_space<semaphore_mem>>) src(%dma_wait3A_914 : memref<1000000x32xf32, #tpu.memory_space<hbm>>) dst(%dma_wait3A_908 : memref<128x32xf32, #tpu.memory_space<vmem>>)
      %dma_wait3A_915 = arith.constant 1 : i32
      %dma_wait3A_916 = arith.constant 3 : i32
      %dma_wait3A_917 = arith.constant 1 : i32
      %dma_wait3A_918 = arith.constant 384 : i32
      %dma_wait3A_919 = arith.constant 0 : i32
      %dma_wait3A_920 = tpu.memref_slice %arg6[%dma_wait3A_917, %dma_wait3A_918, %dma_wait3A_919] : memref<2x1024x32xf32, #tpu.memory_space<vmem>> -> memref<1x128x32xf32, #tpu.memory_space<vmem>>
      %dma_wait3A_921 = tpu.memref_squeeze %dma_wait3A_920 : memref<1x128x32xf32, #tpu.memory_space<vmem>> -> memref<128x32xf32, #tpu.memory_space<vmem>>
      %dma_wait3A_922 = arith.constant 0 : i32
      %dma_wait3A_923 = tpu.memref_slice %arg5[%dma_wait3A_915, %dma_wait3A_916, %dma_wait3A_922] : memref<2x8x128xi32, #tpu.memory_space<vmem>> -> memref<1x1x128xi32, #tpu.memory_space<vmem>>
      %dma_wait3A_924 = tpu.memref_squeeze %dma_wait3A_923 : memref<1x1x128xi32, #tpu.memory_space<vmem>> -> memref<128xi32, #tpu.memory_space<vmem>>
      %dma_wait3A_925 = arith.constant 0 : i32
      %dma_wait3A_926 = arith.constant 0 : i32
      %dma_wait3A_927 = tpu.memref_slice %arg3[%dma_wait3A_925, %dma_wait3A_926] : memref<1000000x32xf32, #tpu.memory_space<hbm>> -> memref<1000000x32xf32, #tpu.memory_space<hbm>>
      tpu.wait_indirect_dma semaphore(%arg9 : memref<!tpu.dma_semaphore, #tpu.memory_space<semaphore_mem>>) src(%dma_wait3A_927 : memref<1000000x32xf32, #tpu.memory_space<hbm>>) dst(%dma_wait3A_921 : memref<128x32xf32, #tpu.memory_space<vmem>>)
      %dma_wait3A_928 = arith.constant 1 : i32
      %dma_wait3A_929 = arith.constant 4 : i32
      %dma_wait3A_930 = arith.constant 1 : i32
      %dma_wait3A_931 = arith.constant 512 : i32
      %dma_wait3A_932 = arith.constant 0 : i32
      %dma_wait3A_933 = tpu.memref_slice %arg6[%dma_wait3A_930, %dma_wait3A_931, %dma_wait3A_932] : memref<2x1024x32xf32, #tpu.memory_space<vmem>> -> memref<1x128x32xf32, #tpu.memory_space<vmem>>
      %dma_wait3A_934 = tpu.memref_squeeze %dma_wait3A_933 : memref<1x128x32xf32, #tpu.memory_space<vmem>> -> memref<128x32xf32, #tpu.memory_space<vmem>>
      %dma_wait3A_935 = arith.constant 0 : i32
      %dma_wait3A_936 = tpu.memref_slice %arg5[%dma_wait3A_928, %dma_wait3A_929, %dma_wait3A_935] : memref<2x8x128xi32, #tpu.memory_space<vmem>> -> memref<1x1x128xi32, #tpu.memory_space<vmem>>
      %dma_wait3A_937 = tpu.memref_squeeze %dma_wait3A_936 : memref<1x1x128xi32, #tpu.memory_space<vmem>> -> memref<128xi32, #tpu.memory_space<vmem>>
      %dma_wait3A_938 = arith.constant 0 : i32
      %dma_wait3A_939 = arith.constant 0 : i32
      %dma_wait3A_940 = tpu.memref_slice %arg3[%dma_wait3A_938, %dma_wait3A_939] : memref<1000000x32xf32, #tpu.memory_space<hbm>> -> memref<1000000x32xf32, #tpu.memory_space<hbm>>
      tpu.wait_indirect_dma semaphore(%arg9 : memref<!tpu.dma_semaphore, #tpu.memory_space<semaphore_mem>>) src(%dma_wait3A_940 : memref<1000000x32xf32, #tpu.memory_space<hbm>>) dst(%dma_wait3A_934 : memref<128x32xf32, #tpu.memory_space<vmem>>)
      %dma_wait3A_941 = arith.constant 1 : i32
      %dma_wait3A_942 = arith.constant 5 : i32
      %dma_wait3A_943 = arith.constant 1 : i32
      %dma_wait3A_944 = arith.constant 640 : i32
      %dma_wait3A_945 = arith.constant 0 : i32
      %dma_wait3A_946 = tpu.memref_slice %arg6[%dma_wait3A_943, %dma_wait3A_944, %dma_wait3A_945] : memref<2x1024x32xf32, #tpu.memory_space<vmem>> -> memref<1x128x32xf32, #tpu.memory_space<vmem>>
      %dma_wait3A_947 = tpu.memref_squeeze %dma_wait3A_946 : memref<1x128x32xf32, #tpu.memory_space<vmem>> -> memref<128x32xf32, #tpu.memory_space<vmem>>
      %dma_wait3A_948 = arith.constant 0 : i32
      %dma_wait3A_949 = tpu.memref_slice %arg5[%dma_wait3A_941, %dma_wait3A_942, %dma_wait3A_948] : memref<2x8x128xi32, #tpu.memory_space<vmem>> -> memref<1x1x128xi32, #tpu.memory_space<vmem>>
      %dma_wait3A_950 = tpu.memref_squeeze %dma_wait3A_949 : memref<1x1x128xi32, #tpu.memory_space<vmem>> -> memref<128xi32, #tpu.memory_space<vmem>>
      %dma_wait3A_951 = arith.constant 0 : i32
      %dma_wait3A_952 = arith.constant 0 : i32
      %dma_wait3A_953 = tpu.memref_slice %arg3[%dma_wait3A_951, %dma_wait3A_952] : memref<1000000x32xf32, #tpu.memory_space<hbm>> -> memref<1000000x32xf32, #tpu.memory_space<hbm>>
      tpu.wait_indirect_dma semaphore(%arg9 : memref<!tpu.dma_semaphore, #tpu.memory_space<semaphore_mem>>) src(%dma_wait3A_953 : memref<1000000x32xf32, #tpu.memory_space<hbm>>) dst(%dma_wait3A_947 : memref<128x32xf32, #tpu.memory_space<vmem>>)
      %dma_wait3A_954 = arith.constant 1 : i32
      %dma_wait3A_955 = arith.constant 6 : i32
      %dma_wait3A_956 = arith.constant 1 : i32
      %dma_wait3A_957 = arith.constant 768 : i32
      %dma_wait3A_958 = arith.constant 0 : i32
      %dma_wait3A_959 = tpu.memref_slice %arg6[%dma_wait3A_956, %dma_wait3A_957, %dma_wait3A_958] : memref<2x1024x32xf32, #tpu.memory_space<vmem>> -> memref<1x128x32xf32, #tpu.memory_space<vmem>>
      %dma_wait3A_960 = tpu.memref_squeeze %dma_wait3A_959 : memref<1x128x32xf32, #tpu.memory_space<vmem>> -> memref<128x32xf32, #tpu.memory_space<vmem>>
      %dma_wait3A_961 = arith.constant 0 : i32
      %dma_wait3A_962 = tpu.memref_slice %arg5[%dma_wait3A_954, %dma_wait3A_955, %dma_wait3A_961] : memref<2x8x128xi32, #tpu.memory_space<vmem>> -> memref<1x1x128xi32, #tpu.memory_space<vmem>>
      %dma_wait3A_963 = tpu.memref_squeeze %dma_wait3A_962 : memref<1x1x128xi32, #tpu.memory_space<vmem>> -> memref<128xi32, #tpu.memory_space<vmem>>
      %dma_wait3A_964 = arith.constant 0 : i32
      %dma_wait3A_965 = arith.constant 0 : i32
      %dma_wait3A_966 = tpu.memref_slice %arg3[%dma_wait3A_964, %dma_wait3A_965] : memref<1000000x32xf32, #tpu.memory_space<hbm>> -> memref<1000000x32xf32, #tpu.memory_space<hbm>>
      tpu.wait_indirect_dma semaphore(%arg9 : memref<!tpu.dma_semaphore, #tpu.memory_space<semaphore_mem>>) src(%dma_wait3A_966 : memref<1000000x32xf32, #tpu.memory_space<hbm>>) dst(%dma_wait3A_960 : memref<128x32xf32, #tpu.memory_space<vmem>>)
      %dma_wait3A_967 = arith.constant 1 : i32
      %dma_wait3A_968 = arith.constant 7 : i32
      %dma_wait3A_969 = arith.constant 1 : i32
      %dma_wait3A_970 = arith.constant 896 : i32
      %dma_wait3A_971 = arith.constant 0 : i32
      %dma_wait3A_972 = tpu.memref_slice %arg6[%dma_wait3A_969, %dma_wait3A_970, %dma_wait3A_971] : memref<2x1024x32xf32, #tpu.memory_space<vmem>> -> memref<1x128x32xf32, #tpu.memory_space<vmem>>
      %dma_wait3A_973 = tpu.memref_squeeze %dma_wait3A_972 : memref<1x128x32xf32, #tpu.memory_space<vmem>> -> memref<128x32xf32, #tpu.memory_space<vmem>>
      %dma_wait3A_974 = arith.constant 0 : i32
      %dma_wait3A_975 = tpu.memref_slice %arg5[%dma_wait3A_967, %dma_wait3A_968, %dma_wait3A_974] : memref<2x8x128xi32, #tpu.memory_space<vmem>> -> memref<1x1x128xi32, #tpu.memory_space<vmem>>
      %dma_wait3A_976 = tpu.memref_squeeze %dma_wait3A_975 : memref<1x1x128xi32, #tpu.memory_space<vmem>> -> memref<128xi32, #tpu.memory_space<vmem>>
      %dma_wait3A_977 = arith.constant 0 : i32
      %dma_wait3A_978 = arith.constant 0 : i32
      %dma_wait3A_979 = tpu.memref_slice %arg3[%dma_wait3A_977, %dma_wait3A_978] : memref<1000000x32xf32, #tpu.memory_space<hbm>> -> memref<1000000x32xf32, #tpu.memory_space<hbm>>
      tpu.wait_indirect_dma semaphore(%arg9 : memref<!tpu.dma_semaphore, #tpu.memory_space<semaphore_mem>>) src(%dma_wait3A_979 : memref<1000000x32xf32, #tpu.memory_space<hbm>>) dst(%dma_wait3A_973 : memref<128x32xf32, #tpu.memory_space<vmem>>)
      %add3A_980 = arith.constant 1 : i32
      %add3A_981 = arith.addi %mul3A_473, %add3A_980 : i32
      %gt3A_982 = arith.constant 0 : i32
      %gt3A_983 = arith.cmpi sgt, %add3A_981, %gt3A_982 : i32
      %convert_element_type3A_984 = arith.extui %gt3A_983 : i1 to i32
      %cond3A_985 = arith.constant 0 : i32
      %cond3A_986 = arith.cmpi ne, %convert_element_type3A_984, %cond3A_985 : i32
      scf.if %cond3A_986 {
        %dma_wait3A_1069 = arith.constant 0 : i32
        %dma_wait3A_1070 = arith.constant 0 : i32
        %dma_wait3A_1071 = arith.constant 0 : i32
        %dma_wait3A_1072 = arith.constant 0 : i32
        %dma_wait3A_1073 = tpu.memref_slice %arg7[%dma_wait3A_1070, %dma_wait3A_1071, %dma_wait3A_1072] : memref<8x32x128xf32, #tpu.memory_space<vmem>> -> memref<8x8x128xf32, #tpu.memory_space<vmem>>
        %dma_wait3A_1074 = arith.constant 0 : i32
        %dma_wait3A_1075 = arith.constant 0 : i32
        %dma_wait3A_1076 = arith.constant 0 : i32
        %dma_wait3A_1077 = tpu.memref_slice %arg4[%dma_wait3A_1074, %dma_wait3A_1069, %add3A, %dma_wait3A_1075, %dma_wait3A_1076] : memref<200x4x32x8x128xf32, #tpu.memory_space<hbm>> -> memref<8x1x1x8x128xf32, #tpu.memory_space<hbm>>
        %dma_wait3A_1078 = tpu.memref_squeeze %dma_wait3A_1077 : memref<8x1x1x8x128xf32, #tpu.memory_space<hbm>> -> memref<8x8x128xf32, #tpu.memory_space<hbm>>
        %dma_wait3A_1079 = arith.constant 0 : i32
        %dma_wait3A_1080 = arith.constant 0 : i32
        %dma_wait3A_1081 = arith.constant 0 : i32
        %dma_wait3A_1082 = tpu.memref_slice %arg4[%dma_wait3A_1079, %dma_wait3A_1069, %add3A, %dma_wait3A_1080, %dma_wait3A_1081] : memref<200x4x32x8x128xf32, #tpu.memory_space<hbm>> -> memref<8x1x1x8x128xf32, #tpu.memory_space<hbm>>
        %dma_wait3A_1083 = tpu.memref_squeeze %dma_wait3A_1082 : memref<8x1x1x8x128xf32, #tpu.memory_space<hbm>> -> memref<8x8x128xf32, #tpu.memory_space<hbm>>
        %dma_wait3A_1084 = arith.constant 0 : i32
        %dma_wait3A_1085 = arith.constant 0 : i32
        %dma_wait3A_1086 = arith.constant 0 : i32
        %dma_wait3A_1087 = tpu.memref_slice %arg7[%dma_wait3A_1084, %dma_wait3A_1085, %dma_wait3A_1086] : memref<8x32x128xf32, #tpu.memory_space<vmem>> -> memref<8x8x128xf32, #tpu.memory_space<vmem>>
        tpu.wait_dma2 semaphore(%arg10 : memref<!tpu.dma_semaphore, #tpu.memory_space<semaphore_mem>>) src(%dma_wait3A_1087 : memref<8x8x128xf32, #tpu.memory_space<vmem>>) dst(%dma_wait3A_1083 : memref<8x8x128xf32, #tpu.memory_space<hbm>>)
        %dma_wait3A_1088 = arith.constant 1 : i32
        %dma_wait3A_1089 = arith.constant 0 : i32
        %dma_wait3A_1090 = arith.constant 8 : i32
        %dma_wait3A_1091 = arith.constant 0 : i32
        %dma_wait3A_1092 = tpu.memref_slice %arg7[%dma_wait3A_1089, %dma_wait3A_1090, %dma_wait3A_1091] : memref<8x32x128xf32, #tpu.memory_space<vmem>> -> memref<8x8x128xf32, #tpu.memory_space<vmem>>
        %dma_wait3A_1093 = arith.constant 0 : i32
        %dma_wait3A_1094 = arith.constant 0 : i32
        %dma_wait3A_1095 = arith.constant 0 : i32
        %dma_wait3A_1096 = tpu.memref_slice %arg4[%dma_wait3A_1093, %dma_wait3A_1088, %add3A, %dma_wait3A_1094, %dma_wait3A_1095] : memref<200x4x32x8x128xf32, #tpu.memory_space<hbm>> -> memref<8x1x1x8x128xf32, #tpu.memory_space<hbm>>
        %dma_wait3A_1097 = tpu.memref_squeeze %dma_wait3A_1096 : memref<8x1x1x8x128xf32, #tpu.memory_space<hbm>> -> memref<8x8x128xf32, #tpu.memory_space<hbm>>
        %dma_wait3A_1098 = arith.constant 0 : i32
        %dma_wait3A_1099 = arith.constant 0 : i32
        %dma_wait3A_1100 = arith.constant 0 : i32
        %dma_wait3A_1101 = tpu.memref_slice %arg4[%dma_wait3A_1098, %dma_wait3A_1088, %add3A, %dma_wait3A_1099, %dma_wait3A_1100] : memref<200x4x32x8x128xf32, #tpu.memory_space<hbm>> -> memref<8x1x1x8x128xf32, #tpu.memory_space<hbm>>
        %dma_wait3A_1102 = tpu.memref_squeeze %dma_wait3A_1101 : memref<8x1x1x8x128xf32, #tpu.memory_space<hbm>> -> memref<8x8x128xf32, #tpu.memory_space<hbm>>
        %dma_wait3A_1103 = arith.constant 0 : i32
        %dma_wait3A_1104 = arith.constant 8 : i32
        %dma_wait3A_1105 = arith.constant 0 : i32
        %dma_wait3A_1106 = tpu.memref_slice %arg7[%dma_wait3A_1103, %dma_wait3A_1104, %dma_wait3A_1105] : memref<8x32x128xf32, #tpu.memory_space<vmem>> -> memref<8x8x128xf32, #tpu.memory_space<vmem>>
        tpu.wait_dma2 semaphore(%arg10 : memref<!tpu.dma_semaphore, #tpu.memory_space<semaphore_mem>>) src(%dma_wait3A_1106 : memref<8x8x128xf32, #tpu.memory_space<vmem>>) dst(%dma_wait3A_1102 : memref<8x8x128xf32, #tpu.memory_space<hbm>>)
        %dma_wait3A_1107 = arith.constant 2 : i32
        %dma_wait3A_1108 = arith.constant 0 : i32
        %dma_wait3A_1109 = arith.constant 16 : i32
        %dma_wait3A_1110 = arith.constant 0 : i32
        %dma_wait3A_1111 = tpu.memref_slice %arg7[%dma_wait3A_1108, %dma_wait3A_1109, %dma_wait3A_1110] : memref<8x32x128xf32, #tpu.memory_space<vmem>> -> memref<8x8x128xf32, #tpu.memory_space<vmem>>
        %dma_wait3A_1112 = arith.constant 0 : i32
        %dma_wait3A_1113 = arith.constant 0 : i32
        %dma_wait3A_1114 = arith.constant 0 : i32
        %dma_wait3A_1115 = tpu.memref_slice %arg4[%dma_wait3A_1112, %dma_wait3A_1107, %add3A, %dma_wait3A_1113, %dma_wait3A_1114] : memref<200x4x32x8x128xf32, #tpu.memory_space<hbm>> -> memref<8x1x1x8x128xf32, #tpu.memory_space<hbm>>
        %dma_wait3A_1116 = tpu.memref_squeeze %dma_wait3A_1115 : memref<8x1x1x8x128xf32, #tpu.memory_space<hbm>> -> memref<8x8x128xf32, #tpu.memory_space<hbm>>
        %dma_wait3A_1117 = arith.constant 0 : i32
        %dma_wait3A_1118 = arith.constant 0 : i32
        %dma_wait3A_1119 = arith.constant 0 : i32
        %dma_wait3A_1120 = tpu.memref_slice %arg4[%dma_wait3A_1117, %dma_wait3A_1107, %add3A, %dma_wait3A_1118, %dma_wait3A_1119] : memref<200x4x32x8x128xf32, #tpu.memory_space<hbm>> -> memref<8x1x1x8x128xf32, #tpu.memory_space<hbm>>
        %dma_wait3A_1121 = tpu.memref_squeeze %dma_wait3A_1120 : memref<8x1x1x8x128xf32, #tpu.memory_space<hbm>> -> memref<8x8x128xf32, #tpu.memory_space<hbm>>
        %dma_wait3A_1122 = arith.constant 0 : i32
        %dma_wait3A_1123 = arith.constant 16 : i32
        %dma_wait3A_1124 = arith.constant 0 : i32
        %dma_wait3A_1125 = tpu.memref_slice %arg7[%dma_wait3A_1122, %dma_wait3A_1123, %dma_wait3A_1124] : memref<8x32x128xf32, #tpu.memory_space<vmem>> -> memref<8x8x128xf32, #tpu.memory_space<vmem>>
        tpu.wait_dma2 semaphore(%arg10 : memref<!tpu.dma_semaphore, #tpu.memory_space<semaphore_mem>>) src(%dma_wait3A_1125 : memref<8x8x128xf32, #tpu.memory_space<vmem>>) dst(%dma_wait3A_1121 : memref<8x8x128xf32, #tpu.memory_space<hbm>>)
        %dma_wait3A_1126 = arith.constant 3 : i32
        %dma_wait3A_1127 = arith.constant 0 : i32
        %dma_wait3A_1128 = arith.constant 24 : i32
        %dma_wait3A_1129 = arith.constant 0 : i32
        %dma_wait3A_1130 = tpu.memref_slice %arg7[%dma_wait3A_1127, %dma_wait3A_1128, %dma_wait3A_1129] : memref<8x32x128xf32, #tpu.memory_space<vmem>> -> memref<8x8x128xf32, #tpu.memory_space<vmem>>
        %dma_wait3A_1131 = arith.constant 0 : i32
        %dma_wait3A_1132 = arith.constant 0 : i32
        %dma_wait3A_1133 = arith.constant 0 : i32
        %dma_wait3A_1134 = tpu.memref_slice %arg4[%dma_wait3A_1131, %dma_wait3A_1126, %add3A, %dma_wait3A_1132, %dma_wait3A_1133] : memref<200x4x32x8x128xf32, #tpu.memory_space<hbm>> -> memref<8x1x1x8x128xf32, #tpu.memory_space<hbm>>
        %dma_wait3A_1135 = tpu.memref_squeeze %dma_wait3A_1134 : memref<8x1x1x8x128xf32, #tpu.memory_space<hbm>> -> memref<8x8x128xf32, #tpu.memory_space<hbm>>
        %dma_wait3A_1136 = arith.constant 0 : i32
        %dma_wait3A_1137 = arith.constant 0 : i32
        %dma_wait3A_1138 = arith.constant 0 : i32
        %dma_wait3A_1139 = tpu.memref_slice %arg4[%dma_wait3A_1136, %dma_wait3A_1126, %add3A, %dma_wait3A_1137, %dma_wait3A_1138] : memref<200x4x32x8x128xf32, #tpu.memory_space<hbm>> -> memref<8x1x1x8x128xf32, #tpu.memory_space<hbm>>
        %dma_wait3A_1140 = tpu.memref_squeeze %dma_wait3A_1139 : memref<8x1x1x8x128xf32, #tpu.memory_space<hbm>> -> memref<8x8x128xf32, #tpu.memory_space<hbm>>
        %dma_wait3A_1141 = arith.constant 0 : i32
        %dma_wait3A_1142 = arith.constant 24 : i32
        %dma_wait3A_1143 = arith.constant 0 : i32
        %dma_wait3A_1144 = tpu.memref_slice %arg7[%dma_wait3A_1141, %dma_wait3A_1142, %dma_wait3A_1143] : memref<8x32x128xf32, #tpu.memory_space<vmem>> -> memref<8x8x128xf32, #tpu.memory_space<vmem>>
        tpu.wait_dma2 semaphore(%arg10 : memref<!tpu.dma_semaphore, #tpu.memory_space<semaphore_mem>>) src(%dma_wait3A_1144 : memref<8x8x128xf32, #tpu.memory_space<vmem>>) dst(%dma_wait3A_1140 : memref<8x8x128xf32, #tpu.memory_space<hbm>>)
      } else {
      }
      %scan3A_987 = arith.constant 0 : i32
      %scan3A_988 = arith.constant 0 : i32
      %scan3A_989 = arith.constant 8 : i32
      %scan3A_990 = arith.addi %scan3A_988, %scan3A_989 : i32
      %scan3A_991 = arith.constant 1 : i32
      scf.for %scan3A_1069 = %scan3A_988 to %scan3A_990 step %scan3A_991  : i32 {
        %broadcast_in_dim3A = vector.broadcast %scan3A_1069 : i32 to vector<16xi32>
        %mul3A_1070 = arith.constant 128 : i32
        %mul3A_1071 = arith.muli %scan3A_1069, %mul3A_1070 : i32
        %broadcast_in_dim3A_1072 = vector.broadcast %mul3A_1071 : i32 to vector<16xi32>
        %add3A_1073 = arith.addi %broadcast_in_dim3A_1072, %add3A_3 : vector<16xi32>
        %add3A_1074 = arith.addi %broadcast_in_dim3A_1072, %add3A_6 : vector<16xi32>
        %add3A_1075 = arith.addi %broadcast_in_dim3A_1072, %add3A_9 : vector<16xi32>
        %add3A_1076 = arith.addi %broadcast_in_dim3A_1072, %add3A_12 : vector<16xi32>
        %add3A_1077 = arith.addi %broadcast_in_dim3A_1072, %add3A_15 : vector<16xi32>
        %add3A_1078 = arith.addi %broadcast_in_dim3A_1072, %add3A_18 : vector<16xi32>
        %add3A_1079 = arith.addi %broadcast_in_dim3A_1072, %add3A_21 : vector<16xi32>
        %add3A_1080 = arith.addi %broadcast_in_dim3A_1072, %add3A_24 : vector<16xi32>
        %scan3A_1081 = arith.constant 0 : i32
        %scan3A_1082 = arith.constant 0 : i32
        %scan3A_1083 = arith.constant 8 : i32
        %scan3A_1084 = arith.addi %scan3A_1082, %scan3A_1083 : i32
        %scan3A_1085 = arith.constant 1 : i32
        scf.for %scan3A_1087 = %scan3A_1082 to %scan3A_1084 step %scan3A_1085  : i32 {
          %mul3A_1088 = arith.constant 2 : i32
          %mul3A_1089 = arith.muli %scan3A_1087, %mul3A_1088 : i32
          %add3A_1090 = arith.constant 0 : i32
          %add3A_1091 = arith.addi %mul3A_1089, %add3A_1090 : i32
          %add3A_1092 = vector.broadcast %add3A_1091 : i32 to vector<16xi32>
          %add3A_1093 = arith.addi %iota3A, %add3A_1092 : vector<16xi32>
          %and3A = arith.constant 15 : i32
          %and3A_1094 = vector.broadcast %and3A : i32 to vector<16xi32>
          %and3A_1095 = arith.andi %add3A_1093, %and3A_1094 : vector<16xi32>
          %add3A_1096 = arith.constant 16 : i32
          %add3A_1097 = vector.broadcast %add3A_1096 : i32 to vector<16xi32>
          %add3A_1098 = arith.addi %and3A_1095, %add3A_1097 : vector<16xi32>
          %add3A_1099 = arith.constant 1 : i32
          %add3A_1100 = arith.addi %mul3A_1089, %add3A_1099 : i32
          %add3A_1101 = vector.broadcast %add3A_1100 : i32 to vector<16xi32>
          %add3A_1102 = arith.addi %iota3A, %add3A_1101 : vector<16xi32>
          %and3A_1103 = arith.constant 15 : i32
          %and3A_1104 = vector.broadcast %and3A_1103 : i32 to vector<16xi32>
          %and3A_1105 = arith.andi %add3A_1102, %and3A_1104 : vector<16xi32>
          %add3A_1106 = arith.constant 16 : i32
          %add3A_1107 = vector.broadcast %add3A_1106 : i32 to vector<16xi32>
          %add3A_1108 = arith.addi %and3A_1105, %add3A_1107 : vector<16xi32>
          %gather3A = arith.constant 1 : i32
          %gather3A_1109 = arith.constant 0 : i32
          %gather3A_1110 = arith.constant 0 : i32
          %gather3A_1111 = tpu.memref_slice %arg6[%gather3A, %gather3A_1109, %gather3A_1110] : memref<2x1024x32xf32, #tpu.memory_space<vmem>> -> memref<1x1024x32xf32, #tpu.memory_space<vmem>>
          %gather3A_1112 = tpu.memref_squeeze %gather3A_1111 : memref<1x1024x32xf32, #tpu.memory_space<vmem>> -> memref<1024x32xf32, #tpu.memory_space<vmem>>
          %gather3A_1113 = tpu.vector_load_idx %gather3A_1112[%add3A_1073, %and3A_1095] : memref<1024x32xf32, #tpu.memory_space<vmem>>[vector<16xi32>, vector<16xi32>], vector<16xf32>,
          tpu.vector_store_idx %arg7[%broadcast_in_dim3A, %and3A_1095, %add3A_3], %gather3A_1113 : memref<8x32x128xf32, #tpu.memory_space<vmem>>[vector<16xi32>, vector<16xi32>, vector<16xi32>], vector<16xf32>,
          %gather3A_1114 = arith.constant 1 : i32
          %gather3A_1115 = arith.constant 0 : i32
          %gather3A_1116 = arith.constant 0 : i32
          %gather3A_1117 = tpu.memref_slice %arg6[%gather3A_1114, %gather3A_1115, %gather3A_1116] : memref<2x1024x32xf32, #tpu.memory_space<vmem>> -> memref<1x1024x32xf32, #tpu.memory_space<vmem>>
          %gather3A_1118 = tpu.memref_squeeze %gather3A_1117 : memref<1x1024x32xf32, #tpu.memory_space<vmem>> -> memref<1024x32xf32, #tpu.memory_space<vmem>>
          %gather3A_1119 = tpu.vector_load_idx %gather3A_1118[%add3A_1073, %add3A_1098] : memref<1024x32xf32, #tpu.memory_space<vmem>>[vector<16xi32>, vector<16xi32>], vector<16xf32>,
          tpu.vector_store_idx %arg7[%broadcast_in_dim3A, %add3A_1098, %add3A_3], %gather3A_1119 : memref<8x32x128xf32, #tpu.memory_space<vmem>>[vector<16xi32>, vector<16xi32>, vector<16xi32>], vector<16xf32>,
          %gather3A_1120 = arith.constant 1 : i32
          %gather3A_1121 = arith.constant 0 : i32
          %gather3A_1122 = arith.constant 0 : i32
          %gather3A_1123 = tpu.memref_slice %arg6[%gather3A_1120, %gather3A_1121, %gather3A_1122] : memref<2x1024x32xf32, #tpu.memory_space<vmem>> -> memref<1x1024x32xf32, #tpu.memory_space<vmem>>
          %gather3A_1124 = tpu.memref_squeeze %gather3A_1123 : memref<1x1024x32xf32, #tpu.memory_space<vmem>> -> memref<1024x32xf32, #tpu.memory_space<vmem>>
          %gather3A_1125 = tpu.vector_load_idx %gather3A_1124[%add3A_1073, %and3A_1105] : memref<1024x32xf32, #tpu.memory_space<vmem>>[vector<16xi32>, vector<16xi32>], vector<16xf32>,
          tpu.vector_store_idx %arg7[%broadcast_in_dim3A, %and3A_1105, %add3A_3], %gather3A_1125 : memref<8x32x128xf32, #tpu.memory_space<vmem>>[vector<16xi32>, vector<16xi32>, vector<16xi32>], vector<16xf32>,
          %gather3A_1126 = arith.constant 1 : i32
          %gather3A_1127 = arith.constant 0 : i32
          %gather3A_1128 = arith.constant 0 : i32
          %gather3A_1129 = tpu.memref_slice %arg6[%gather3A_1126, %gather3A_1127, %gather3A_1128] : memref<2x1024x32xf32, #tpu.memory_space<vmem>> -> memref<1x1024x32xf32, #tpu.memory_space<vmem>>
          %gather3A_1130 = tpu.memref_squeeze %gather3A_1129 : memref<1x1024x32xf32, #tpu.memory_space<vmem>> -> memref<1024x32xf32, #tpu.memory_space<vmem>>
          %gather3A_1131 = tpu.vector_load_idx %gather3A_1130[%add3A_1073, %add3A_1108] : memref<1024x32xf32, #tpu.memory_space<vmem>>[vector<16xi32>, vector<16xi32>], vector<16xf32>,
          tpu.vector_store_idx %arg7[%broadcast_in_dim3A, %add3A_1108, %add3A_3], %gather3A_1131 : memref<8x32x128xf32, #tpu.memory_space<vmem>>[vector<16xi32>, vector<16xi32>, vector<16xi32>], vector<16xf32>,
          %gather3A_1132 = arith.constant 1 : i32
          %gather3A_1133 = arith.constant 0 : i32
          %gather3A_1134 = arith.constant 0 : i32
          %gather3A_1135 = tpu.memref_slice %arg6[%gather3A_1132, %gather3A_1133, %gather3A_1134] : memref<2x1024x32xf32, #tpu.memory_space<vmem>> -> memref<1x1024x32xf32, #tpu.memory_space<vmem>>
          %gather3A_1136 = tpu.memref_squeeze %gather3A_1135 : memref<1x1024x32xf32, #tpu.memory_space<vmem>> -> memref<1024x32xf32, #tpu.memory_space<vmem>>
          %gather3A_1137 = tpu.vector_load_idx %gather3A_1136[%add3A_1074, %and3A_1095] : memref<1024x32xf32, #tpu.memory_space<vmem>>[vector<16xi32>, vector<16xi32>], vector<16xf32>,
          tpu.vector_store_idx %arg7[%broadcast_in_dim3A, %and3A_1095, %add3A_6], %gather3A_1137 : memref<8x32x128xf32, #tpu.memory_space<vmem>>[vector<16xi32>, vector<16xi32>, vector<16xi32>], vector<16xf32>,
          %gather3A_1138 = arith.constant 1 : i32
          %gather3A_1139 = arith.constant 0 : i32
          %gather3A_1140 = arith.constant 0 : i32
          %gather3A_1141 = tpu.memref_slice %arg6[%gather3A_1138, %gather3A_1139, %gather3A_1140] : memref<2x1024x32xf32, #tpu.memory_space<vmem>> -> memref<1x1024x32xf32, #tpu.memory_space<vmem>>
          %gather3A_1142 = tpu.memref_squeeze %gather3A_1141 : memref<1x1024x32xf32, #tpu.memory_space<vmem>> -> memref<1024x32xf32, #tpu.memory_space<vmem>>
          %gather3A_1143 = tpu.vector_load_idx %gather3A_1142[%add3A_1074, %add3A_1098] : memref<1024x32xf32, #tpu.memory_space<vmem>>[vector<16xi32>, vector<16xi32>], vector<16xf32>,
          tpu.vector_store_idx %arg7[%broadcast_in_dim3A, %add3A_1098, %add3A_6], %gather3A_1143 : memref<8x32x128xf32, #tpu.memory_space<vmem>>[vector<16xi32>, vector<16xi32>, vector<16xi32>], vector<16xf32>,
          %gather3A_1144 = arith.constant 1 : i32
          %gather3A_1145 = arith.constant 0 : i32
          %gather3A_1146 = arith.constant 0 : i32
          %gather3A_1147 = tpu.memref_slice %arg6[%gather3A_1144, %gather3A_1145, %gather3A_1146] : memref<2x1024x32xf32, #tpu.memory_space<vmem>> -> memref<1x1024x32xf32, #tpu.memory_space<vmem>>
          %gather3A_1148 = tpu.memref_squeeze %gather3A_1147 : memref<1x1024x32xf32, #tpu.memory_space<vmem>> -> memref<1024x32xf32, #tpu.memory_space<vmem>>
          %gather3A_1149 = tpu.vector_load_idx %gather3A_1148[%add3A_1074, %and3A_1105] : memref<1024x32xf32, #tpu.memory_space<vmem>>[vector<16xi32>, vector<16xi32>], vector<16xf32>,
          tpu.vector_store_idx %arg7[%broadcast_in_dim3A, %and3A_1105, %add3A_6], %gather3A_1149 : memref<8x32x128xf32, #tpu.memory_space<vmem>>[vector<16xi32>, vector<16xi32>, vector<16xi32>], vector<16xf32>,
          %gather3A_1150 = arith.constant 1 : i32
          %gather3A_1151 = arith.constant 0 : i32
          %gather3A_1152 = arith.constant 0 : i32
          %gather3A_1153 = tpu.memref_slice %arg6[%gather3A_1150, %gather3A_1151, %gather3A_1152] : memref<2x1024x32xf32, #tpu.memory_space<vmem>> -> memref<1x1024x32xf32, #tpu.memory_space<vmem>>
          %gather3A_1154 = tpu.memref_squeeze %gather3A_1153 : memref<1x1024x32xf32, #tpu.memory_space<vmem>> -> memref<1024x32xf32, #tpu.memory_space<vmem>>
          %gather3A_1155 = tpu.vector_load_idx %gather3A_1154[%add3A_1074, %add3A_1108] : memref<1024x32xf32, #tpu.memory_space<vmem>>[vector<16xi32>, vector<16xi32>], vector<16xf32>,
          tpu.vector_store_idx %arg7[%broadcast_in_dim3A, %add3A_1108, %add3A_6], %gather3A_1155 : memref<8x32x128xf32, #tpu.memory_space<vmem>>[vector<16xi32>, vector<16xi32>, vector<16xi32>], vector<16xf32>,
          %gather3A_1156 = arith.constant 1 : i32
          %gather3A_1157 = arith.constant 0 : i32
          %gather3A_1158 = arith.constant 0 : i32
          %gather3A_1159 = tpu.memref_slice %arg6[%gather3A_1156, %gather3A_1157, %gather3A_1158] : memref<2x1024x32xf32, #tpu.memory_space<vmem>> -> memref<1x1024x32xf32, #tpu.memory_space<vmem>>
          %gather3A_1160 = tpu.memref_squeeze %gather3A_1159 : memref<1x1024x32xf32, #tpu.memory_space<vmem>> -> memref<1024x32xf32, #tpu.memory_space<vmem>>
          %gather3A_1161 = tpu.vector_load_idx %gather3A_1160[%add3A_1075, %and3A_1095] : memref<1024x32xf32, #tpu.memory_space<vmem>>[vector<16xi32>, vector<16xi32>], vector<16xf32>,
          tpu.vector_store_idx %arg7[%broadcast_in_dim3A, %and3A_1095, %add3A_9], %gather3A_1161 : memref<8x32x128xf32, #tpu.memory_space<vmem>>[vector<16xi32>, vector<16xi32>, vector<16xi32>], vector<16xf32>,
          %gather3A_1162 = arith.constant 1 : i32
          %gather3A_1163 = arith.constant 0 : i32
          %gather3A_1164 = arith.constant 0 : i32
          %gather3A_1165 = tpu.memref_slice %arg6[%gather3A_1162, %gather3A_1163, %gather3A_1164] : memref<2x1024x32xf32, #tpu.memory_space<vmem>> -> memref<1x1024x32xf32, #tpu.memory_space<vmem>>
          %gather3A_1166 = tpu.memref_squeeze %gather3A_1165 : memref<1x1024x32xf32, #tpu.memory_space<vmem>> -> memref<1024x32xf32, #tpu.memory_space<vmem>>
          %gather3A_1167 = tpu.vector_load_idx %gather3A_1166[%add3A_1075, %add3A_1098] : memref<1024x32xf32, #tpu.memory_space<vmem>>[vector<16xi32>, vector<16xi32>], vector<16xf32>,
          tpu.vector_store_idx %arg7[%broadcast_in_dim3A, %add3A_1098, %add3A_9], %gather3A_1167 : memref<8x32x128xf32, #tpu.memory_space<vmem>>[vector<16xi32>, vector<16xi32>, vector<16xi32>], vector<16xf32>,
          %gather3A_1168 = arith.constant 1 : i32
          %gather3A_1169 = arith.constant 0 : i32
          %gather3A_1170 = arith.constant 0 : i32
          %gather3A_1171 = tpu.memref_slice %arg6[%gather3A_1168, %gather3A_1169, %gather3A_1170] : memref<2x1024x32xf32, #tpu.memory_space<vmem>> -> memref<1x1024x32xf32, #tpu.memory_space<vmem>>
          %gather3A_1172 = tpu.memref_squeeze %gather3A_1171 : memref<1x1024x32xf32, #tpu.memory_space<vmem>> -> memref<1024x32xf32, #tpu.memory_space<vmem>>
          %gather3A_1173 = tpu.vector_load_idx %gather3A_1172[%add3A_1075, %and3A_1105] : memref<1024x32xf32, #tpu.memory_space<vmem>>[vector<16xi32>, vector<16xi32>], vector<16xf32>,
          tpu.vector_store_idx %arg7[%broadcast_in_dim3A, %and3A_1105, %add3A_9], %gather3A_1173 : memref<8x32x128xf32, #tpu.memory_space<vmem>>[vector<16xi32>, vector<16xi32>, vector<16xi32>], vector<16xf32>,
          %gather3A_1174 = arith.constant 1 : i32
          %gather3A_1175 = arith.constant 0 : i32
          %gather3A_1176 = arith.constant 0 : i32
          %gather3A_1177 = tpu.memref_slice %arg6[%gather3A_1174, %gather3A_1175, %gather3A_1176] : memref<2x1024x32xf32, #tpu.memory_space<vmem>> -> memref<1x1024x32xf32, #tpu.memory_space<vmem>>
          %gather3A_1178 = tpu.memref_squeeze %gather3A_1177 : memref<1x1024x32xf32, #tpu.memory_space<vmem>> -> memref<1024x32xf32, #tpu.memory_space<vmem>>
          %gather3A_1179 = tpu.vector_load_idx %gather3A_1178[%add3A_1075, %add3A_1108] : memref<1024x32xf32, #tpu.memory_space<vmem>>[vector<16xi32>, vector<16xi32>], vector<16xf32>,
          tpu.vector_store_idx %arg7[%broadcast_in_dim3A, %add3A_1108, %add3A_9], %gather3A_1179 : memref<8x32x128xf32, #tpu.memory_space<vmem>>[vector<16xi32>, vector<16xi32>, vector<16xi32>], vector<16xf32>,
          %gather3A_1180 = arith.constant 1 : i32
          %gather3A_1181 = arith.constant 0 : i32
          %gather3A_1182 = arith.constant 0 : i32
          %gather3A_1183 = tpu.memref_slice %arg6[%gather3A_1180, %gather3A_1181, %gather3A_1182] : memref<2x1024x32xf32, #tpu.memory_space<vmem>> -> memref<1x1024x32xf32, #tpu.memory_space<vmem>>
          %gather3A_1184 = tpu.memref_squeeze %gather3A_1183 : memref<1x1024x32xf32, #tpu.memory_space<vmem>> -> memref<1024x32xf32, #tpu.memory_space<vmem>>
          %gather3A_1185 = tpu.vector_load_idx %gather3A_1184[%add3A_1076, %and3A_1095] : memref<1024x32xf32, #tpu.memory_space<vmem>>[vector<16xi32>, vector<16xi32>], vector<16xf32>,
          tpu.vector_store_idx %arg7[%broadcast_in_dim3A, %and3A_1095, %add3A_12], %gather3A_1185 : memref<8x32x128xf32, #tpu.memory_space<vmem>>[vector<16xi32>, vector<16xi32>, vector<16xi32>], vector<16xf32>,
          %gather3A_1186 = arith.constant 1 : i32
          %gather3A_1187 = arith.constant 0 : i32
          %gather3A_1188 = arith.constant 0 : i32
          %gather3A_1189 = tpu.memref_slice %arg6[%gather3A_1186, %gather3A_1187, %gather3A_1188] : memref<2x1024x32xf32, #tpu.memory_space<vmem>> -> memref<1x1024x32xf32, #tpu.memory_space<vmem>>
          %gather3A_1190 = tpu.memref_squeeze %gather3A_1189 : memref<1x1024x32xf32, #tpu.memory_space<vmem>> -> memref<1024x32xf32, #tpu.memory_space<vmem>>
          %gather3A_1191 = tpu.vector_load_idx %gather3A_1190[%add3A_1076, %add3A_1098] : memref<1024x32xf32, #tpu.memory_space<vmem>>[vector<16xi32>, vector<16xi32>], vector<16xf32>,
          tpu.vector_store_idx %arg7[%broadcast_in_dim3A, %add3A_1098, %add3A_12], %gather3A_1191 : memref<8x32x128xf32, #tpu.memory_space<vmem>>[vector<16xi32>, vector<16xi32>, vector<16xi32>], vector<16xf32>,
          %gather3A_1192 = arith.constant 1 : i32
          %gather3A_1193 = arith.constant 0 : i32
          %gather3A_1194 = arith.constant 0 : i32
          %gather3A_1195 = tpu.memref_slice %arg6[%gather3A_1192, %gather3A_1193, %gather3A_1194] : memref<2x1024x32xf32, #tpu.memory_space<vmem>> -> memref<1x1024x32xf32, #tpu.memory_space<vmem>>
          %gather3A_1196 = tpu.memref_squeeze %gather3A_1195 : memref<1x1024x32xf32, #tpu.memory_space<vmem>> -> memref<1024x32xf32, #tpu.memory_space<vmem>>
          %gather3A_1197 = tpu.vector_load_idx %gather3A_1196[%add3A_1076, %and3A_1105] : memref<1024x32xf32, #tpu.memory_space<vmem>>[vector<16xi32>, vector<16xi32>], vector<16xf32>,
          tpu.vector_store_idx %arg7[%broadcast_in_dim3A, %and3A_1105, %add3A_12], %gather3A_1197 : memref<8x32x128xf32, #tpu.memory_space<vmem>>[vector<16xi32>, vector<16xi32>, vector<16xi32>], vector<16xf32>,
          %gather3A_1198 = arith.constant 1 : i32
          %gather3A_1199 = arith.constant 0 : i32
          %gather3A_1200 = arith.constant 0 : i32
          %gather3A_1201 = tpu.memref_slice %arg6[%gather3A_1198, %gather3A_1199, %gather3A_1200] : memref<2x1024x32xf32, #tpu.memory_space<vmem>> -> memref<1x1024x32xf32, #tpu.memory_space<vmem>>
          %gather3A_1202 = tpu.memref_squeeze %gather3A_1201 : memref<1x1024x32xf32, #tpu.memory_space<vmem>> -> memref<1024x32xf32, #tpu.memory_space<vmem>>
          %gather3A_1203 = tpu.vector_load_idx %gather3A_1202[%add3A_1076, %add3A_1108] : memref<1024x32xf32, #tpu.memory_space<vmem>>[vector<16xi32>, vector<16xi32>], vector<16xf32>,
          tpu.vector_store_idx %arg7[%broadcast_in_dim3A, %add3A_1108, %add3A_12], %gather3A_1203 : memref<8x32x128xf32, #tpu.memory_space<vmem>>[vector<16xi32>, vector<16xi32>, vector<16xi32>], vector<16xf32>,
          %gather3A_1204 = arith.constant 1 : i32
          %gather3A_1205 = arith.constant 0 : i32
          %gather3A_1206 = arith.constant 0 : i32
          %gather3A_1207 = tpu.memref_slice %arg6[%gather3A_1204, %gather3A_1205, %gather3A_1206] : memref<2x1024x32xf32, #tpu.memory_space<vmem>> -> memref<1x1024x32xf32, #tpu.memory_space<vmem>>
          %gather3A_1208 = tpu.memref_squeeze %gather3A_1207 : memref<1x1024x32xf32, #tpu.memory_space<vmem>> -> memref<1024x32xf32, #tpu.memory_space<vmem>>
          %gather3A_1209 = tpu.vector_load_idx %gather3A_1208[%add3A_1077, %and3A_1095] : memref<1024x32xf32, #tpu.memory_space<vmem>>[vector<16xi32>, vector<16xi32>], vector<16xf32>,
          tpu.vector_store_idx %arg7[%broadcast_in_dim3A, %and3A_1095, %add3A_15], %gather3A_1209 : memref<8x32x128xf32, #tpu.memory_space<vmem>>[vector<16xi32>, vector<16xi32>, vector<16xi32>], vector<16xf32>,
          %gather3A_1210 = arith.constant 1 : i32
          %gather3A_1211 = arith.constant 0 : i32
          %gather3A_1212 = arith.constant 0 : i32
          %gather3A_1213 = tpu.memref_slice %arg6[%gather3A_1210, %gather3A_1211, %gather3A_1212] : memref<2x1024x32xf32, #tpu.memory_space<vmem>> -> memref<1x1024x32xf32, #tpu.memory_space<vmem>>
          %gather3A_1214 = tpu.memref_squeeze %gather3A_1213 : memref<1x1024x32xf32, #tpu.memory_space<vmem>> -> memref<1024x32xf32, #tpu.memory_space<vmem>>
          %gather3A_1215 = tpu.vector_load_idx %gather3A_1214[%add3A_1077, %add3A_1098] : memref<1024x32xf32, #tpu.memory_space<vmem>>[vector<16xi32>, vector<16xi32>], vector<16xf32>,
          tpu.vector_store_idx %arg7[%broadcast_in_dim3A, %add3A_1098, %add3A_15], %gather3A_1215 : memref<8x32x128xf32, #tpu.memory_space<vmem>>[vector<16xi32>, vector<16xi32>, vector<16xi32>], vector<16xf32>,
          %gather3A_1216 = arith.constant 1 : i32
          %gather3A_1217 = arith.constant 0 : i32
          %gather3A_1218 = arith.constant 0 : i32
          %gather3A_1219 = tpu.memref_slice %arg6[%gather3A_1216, %gather3A_1217, %gather3A_1218] : memref<2x1024x32xf32, #tpu.memory_space<vmem>> -> memref<1x1024x32xf32, #tpu.memory_space<vmem>>
          %gather3A_1220 = tpu.memref_squeeze %gather3A_1219 : memref<1x1024x32xf32, #tpu.memory_space<vmem>> -> memref<1024x32xf32, #tpu.memory_space<vmem>>
          %gather3A_1221 = tpu.vector_load_idx %gather3A_1220[%add3A_1077, %and3A_1105] : memref<1024x32xf32, #tpu.memory_space<vmem>>[vector<16xi32>, vector<16xi32>], vector<16xf32>,
          tpu.vector_store_idx %arg7[%broadcast_in_dim3A, %and3A_1105, %add3A_15], %gather3A_1221 : memref<8x32x128xf32, #tpu.memory_space<vmem>>[vector<16xi32>, vector<16xi32>, vector<16xi32>], vector<16xf32>,
          %gather3A_1222 = arith.constant 1 : i32
          %gather3A_1223 = arith.constant 0 : i32
          %gather3A_1224 = arith.constant 0 : i32
          %gather3A_1225 = tpu.memref_slice %arg6[%gather3A_1222, %gather3A_1223, %gather3A_1224] : memref<2x1024x32xf32, #tpu.memory_space<vmem>> -> memref<1x1024x32xf32, #tpu.memory_space<vmem>>
          %gather3A_1226 = tpu.memref_squeeze %gather3A_1225 : memref<1x1024x32xf32, #tpu.memory_space<vmem>> -> memref<1024x32xf32, #tpu.memory_space<vmem>>
          %gather3A_1227 = tpu.vector_load_idx %gather3A_1226[%add3A_1077, %add3A_1108] : memref<1024x32xf32, #tpu.memory_space<vmem>>[vector<16xi32>, vector<16xi32>], vector<16xf32>,
          tpu.vector_store_idx %arg7[%broadcast_in_dim3A, %add3A_1108, %add3A_15], %gather3A_1227 : memref<8x32x128xf32, #tpu.memory_space<vmem>>[vector<16xi32>, vector<16xi32>, vector<16xi32>], vector<16xf32>,
          %gather3A_1228 = arith.constant 1 : i32
          %gather3A_1229 = arith.constant 0 : i32
          %gather3A_1230 = arith.constant 0 : i32
          %gather3A_1231 = tpu.memref_slice %arg6[%gather3A_1228, %gather3A_1229, %gather3A_1230] : memref<2x1024x32xf32, #tpu.memory_space<vmem>> -> memref<1x1024x32xf32, #tpu.memory_space<vmem>>
          %gather3A_1232 = tpu.memref_squeeze %gather3A_1231 : memref<1x1024x32xf32, #tpu.memory_space<vmem>> -> memref<1024x32xf32, #tpu.memory_space<vmem>>
          %gather3A_1233 = tpu.vector_load_idx %gather3A_1232[%add3A_1078, %and3A_1095] : memref<1024x32xf32, #tpu.memory_space<vmem>>[vector<16xi32>, vector<16xi32>], vector<16xf32>,
          tpu.vector_store_idx %arg7[%broadcast_in_dim3A, %and3A_1095, %add3A_18], %gather3A_1233 : memref<8x32x128xf32, #tpu.memory_space<vmem>>[vector<16xi32>, vector<16xi32>, vector<16xi32>], vector<16xf32>,
          %gather3A_1234 = arith.constant 1 : i32
          %gather3A_1235 = arith.constant 0 : i32
          %gather3A_1236 = arith.constant 0 : i32
          %gather3A_1237 = tpu.memref_slice %arg6[%gather3A_1234, %gather3A_1235, %gather3A_1236] : memref<2x1024x32xf32, #tpu.memory_space<vmem>> -> memref<1x1024x32xf32, #tpu.memory_space<vmem>>
          %gather3A_1238 = tpu.memref_squeeze %gather3A_1237 : memref<1x1024x32xf32, #tpu.memory_space<vmem>> -> memref<1024x32xf32, #tpu.memory_space<vmem>>
          %gather3A_1239 = tpu.vector_load_idx %gather3A_1238[%add3A_1078, %add3A_1098] : memref<1024x32xf32, #tpu.memory_space<vmem>>[vector<16xi32>, vector<16xi32>], vector<16xf32>,
          tpu.vector_store_idx %arg7[%broadcast_in_dim3A, %add3A_1098, %add3A_18], %gather3A_1239 : memref<8x32x128xf32, #tpu.memory_space<vmem>>[vector<16xi32>, vector<16xi32>, vector<16xi32>], vector<16xf32>,
          %gather3A_1240 = arith.constant 1 : i32
          %gather3A_1241 = arith.constant 0 : i32
          %gather3A_1242 = arith.constant 0 : i32
          %gather3A_1243 = tpu.memref_slice %arg6[%gather3A_1240, %gather3A_1241, %gather3A_1242] : memref<2x1024x32xf32, #tpu.memory_space<vmem>> -> memref<1x1024x32xf32, #tpu.memory_space<vmem>>
          %gather3A_1244 = tpu.memref_squeeze %gather3A_1243 : memref<1x1024x32xf32, #tpu.memory_space<vmem>> -> memref<1024x32xf32, #tpu.memory_space<vmem>>
          %gather3A_1245 = tpu.vector_load_idx %gather3A_1244[%add3A_1078, %and3A_1105] : memref<1024x32xf32, #tpu.memory_space<vmem>>[vector<16xi32>, vector<16xi32>], vector<16xf32>,
          tpu.vector_store_idx %arg7[%broadcast_in_dim3A, %and3A_1105, %add3A_18], %gather3A_1245 : memref<8x32x128xf32, #tpu.memory_space<vmem>>[vector<16xi32>, vector<16xi32>, vector<16xi32>], vector<16xf32>,
          %gather3A_1246 = arith.constant 1 : i32
          %gather3A_1247 = arith.constant 0 : i32
          %gather3A_1248 = arith.constant 0 : i32
          %gather3A_1249 = tpu.memref_slice %arg6[%gather3A_1246, %gather3A_1247, %gather3A_1248] : memref<2x1024x32xf32, #tpu.memory_space<vmem>> -> memref<1x1024x32xf32, #tpu.memory_space<vmem>>
          %gather3A_1250 = tpu.memref_squeeze %gather3A_1249 : memref<1x1024x32xf32, #tpu.memory_space<vmem>> -> memref<1024x32xf32, #tpu.memory_space<vmem>>
          %gather3A_1251 = tpu.vector_load_idx %gather3A_1250[%add3A_1078, %add3A_1108] : memref<1024x32xf32, #tpu.memory_space<vmem>>[vector<16xi32>, vector<16xi32>], vector<16xf32>,
          tpu.vector_store_idx %arg7[%broadcast_in_dim3A, %add3A_1108, %add3A_18], %gather3A_1251 : memref<8x32x128xf32, #tpu.memory_space<vmem>>[vector<16xi32>, vector<16xi32>, vector<16xi32>], vector<16xf32>,
          %gather3A_1252 = arith.constant 1 : i32
          %gather3A_1253 = arith.constant 0 : i32
          %gather3A_1254 = arith.constant 0 : i32
          %gather3A_1255 = tpu.memref_slice %arg6[%gather3A_1252, %gather3A_1253, %gather3A_1254] : memref<2x1024x32xf32, #tpu.memory_space<vmem>> -> memref<1x1024x32xf32, #tpu.memory_space<vmem>>
          %gather3A_1256 = tpu.memref_squeeze %gather3A_1255 : memref<1x1024x32xf32, #tpu.memory_space<vmem>> -> memref<1024x32xf32, #tpu.memory_space<vmem>>
          %gather3A_1257 = tpu.vector_load_idx %gather3A_1256[%add3A_1079, %and3A_1095] : memref<1024x32xf32, #tpu.memory_space<vmem>>[vector<16xi32>, vector<16xi32>], vector<16xf32>,
          tpu.vector_store_idx %arg7[%broadcast_in_dim3A, %and3A_1095, %add3A_21], %gather3A_1257 : memref<8x32x128xf32, #tpu.memory_space<vmem>>[vector<16xi32>, vector<16xi32>, vector<16xi32>], vector<16xf32>,
          %gather3A_1258 = arith.constant 1 : i32
          %gather3A_1259 = arith.constant 0 : i32
          %gather3A_1260 = arith.constant 0 : i32
          %gather3A_1261 = tpu.memref_slice %arg6[%gather3A_1258, %gather3A_1259, %gather3A_1260] : memref<2x1024x32xf32, #tpu.memory_space<vmem>> -> memref<1x1024x32xf32, #tpu.memory_space<vmem>>
          %gather3A_1262 = tpu.memref_squeeze %gather3A_1261 : memref<1x1024x32xf32, #tpu.memory_space<vmem>> -> memref<1024x32xf32, #tpu.memory_space<vmem>>
          %gather3A_1263 = tpu.vector_load_idx %gather3A_1262[%add3A_1079, %add3A_1098] : memref<1024x32xf32, #tpu.memory_space<vmem>>[vector<16xi32>, vector<16xi32>], vector<16xf32>,
          tpu.vector_store_idx %arg7[%broadcast_in_dim3A, %add3A_1098, %add3A_21], %gather3A_1263 : memref<8x32x128xf32, #tpu.memory_space<vmem>>[vector<16xi32>, vector<16xi32>, vector<16xi32>], vector<16xf32>,
          %gather3A_1264 = arith.constant 1 : i32
          %gather3A_1265 = arith.constant 0 : i32
          %gather3A_1266 = arith.constant 0 : i32
          %gather3A_1267 = tpu.memref_slice %arg6[%gather3A_1264, %gather3A_1265, %gather3A_1266] : memref<2x1024x32xf32, #tpu.memory_space<vmem>> -> memref<1x1024x32xf32, #tpu.memory_space<vmem>>
          %gather3A_1268 = tpu.memref_squeeze %gather3A_1267 : memref<1x1024x32xf32, #tpu.memory_space<vmem>> -> memref<1024x32xf32, #tpu.memory_space<vmem>>
          %gather3A_1269 = tpu.vector_load_idx %gather3A_1268[%add3A_1079, %and3A_1105] : memref<1024x32xf32, #tpu.memory_space<vmem>>[vector<16xi32>, vector<16xi32>], vector<16xf32>,
          tpu.vector_store_idx %arg7[%broadcast_in_dim3A, %and3A_1105, %add3A_21], %gather3A_1269 : memref<8x32x128xf32, #tpu.memory_space<vmem>>[vector<16xi32>, vector<16xi32>, vector<16xi32>], vector<16xf32>,
          %gather3A_1270 = arith.constant 1 : i32
          %gather3A_1271 = arith.constant 0 : i32
          %gather3A_1272 = arith.constant 0 : i32
          %gather3A_1273 = tpu.memref_slice %arg6[%gather3A_1270, %gather3A_1271, %gather3A_1272] : memref<2x1024x32xf32, #tpu.memory_space<vmem>> -> memref<1x1024x32xf32, #tpu.memory_space<vmem>>
          %gather3A_1274 = tpu.memref_squeeze %gather3A_1273 : memref<1x1024x32xf32, #tpu.memory_space<vmem>> -> memref<1024x32xf32, #tpu.memory_space<vmem>>
          %gather3A_1275 = tpu.vector_load_idx %gather3A_1274[%add3A_1079, %add3A_1108] : memref<1024x32xf32, #tpu.memory_space<vmem>>[vector<16xi32>, vector<16xi32>], vector<16xf32>,
          tpu.vector_store_idx %arg7[%broadcast_in_dim3A, %add3A_1108, %add3A_21], %gather3A_1275 : memref<8x32x128xf32, #tpu.memory_space<vmem>>[vector<16xi32>, vector<16xi32>, vector<16xi32>], vector<16xf32>,
          %gather3A_1276 = arith.constant 1 : i32
          %gather3A_1277 = arith.constant 0 : i32
          %gather3A_1278 = arith.constant 0 : i32
          %gather3A_1279 = tpu.memref_slice %arg6[%gather3A_1276, %gather3A_1277, %gather3A_1278] : memref<2x1024x32xf32, #tpu.memory_space<vmem>> -> memref<1x1024x32xf32, #tpu.memory_space<vmem>>
          %gather3A_1280 = tpu.memref_squeeze %gather3A_1279 : memref<1x1024x32xf32, #tpu.memory_space<vmem>> -> memref<1024x32xf32, #tpu.memory_space<vmem>>
          %gather3A_1281 = tpu.vector_load_idx %gather3A_1280[%add3A_1080, %and3A_1095] : memref<1024x32xf32, #tpu.memory_space<vmem>>[vector<16xi32>, vector<16xi32>], vector<16xf32>,
          tpu.vector_store_idx %arg7[%broadcast_in_dim3A, %and3A_1095, %add3A_24], %gather3A_1281 : memref<8x32x128xf32, #tpu.memory_space<vmem>>[vector<16xi32>, vector<16xi32>, vector<16xi32>], vector<16xf32>,
          %gather3A_1282 = arith.constant 1 : i32
          %gather3A_1283 = arith.constant 0 : i32
          %gather3A_1284 = arith.constant 0 : i32
          %gather3A_1285 = tpu.memref_slice %arg6[%gather3A_1282, %gather3A_1283, %gather3A_1284] : memref<2x1024x32xf32, #tpu.memory_space<vmem>> -> memref<1x1024x32xf32, #tpu.memory_space<vmem>>
          %gather3A_1286 = tpu.memref_squeeze %gather3A_1285 : memref<1x1024x32xf32, #tpu.memory_space<vmem>> -> memref<1024x32xf32, #tpu.memory_space<vmem>>
          %gather3A_1287 = tpu.vector_load_idx %gather3A_1286[%add3A_1080, %add3A_1098] : memref<1024x32xf32, #tpu.memory_space<vmem>>[vector<16xi32>, vector<16xi32>], vector<16xf32>,
          tpu.vector_store_idx %arg7[%broadcast_in_dim3A, %add3A_1098, %add3A_24], %gather3A_1287 : memref<8x32x128xf32, #tpu.memory_space<vmem>>[vector<16xi32>, vector<16xi32>, vector<16xi32>], vector<16xf32>,
          %gather3A_1288 = arith.constant 1 : i32
          %gather3A_1289 = arith.constant 0 : i32
          %gather3A_1290 = arith.constant 0 : i32
          %gather3A_1291 = tpu.memref_slice %arg6[%gather3A_1288, %gather3A_1289, %gather3A_1290] : memref<2x1024x32xf32, #tpu.memory_space<vmem>> -> memref<1x1024x32xf32, #tpu.memory_space<vmem>>
          %gather3A_1292 = tpu.memref_squeeze %gather3A_1291 : memref<1x1024x32xf32, #tpu.memory_space<vmem>> -> memref<1024x32xf32, #tpu.memory_space<vmem>>
          %gather3A_1293 = tpu.vector_load_idx %gather3A_1292[%add3A_1080, %and3A_1105] : memref<1024x32xf32, #tpu.memory_space<vmem>>[vector<16xi32>, vector<16xi32>], vector<16xf32>,
          tpu.vector_store_idx %arg7[%broadcast_in_dim3A, %and3A_1105, %add3A_24], %gather3A_1293 : memref<8x32x128xf32, #tpu.memory_space<vmem>>[vector<16xi32>, vector<16xi32>, vector<16xi32>], vector<16xf32>,
          %gather3A_1294 = arith.constant 1 : i32
          %gather3A_1295 = arith.constant 0 : i32
          %gather3A_1296 = arith.constant 0 : i32
          %gather3A_1297 = tpu.memref_slice %arg6[%gather3A_1294, %gather3A_1295, %gather3A_1296] : memref<2x1024x32xf32, #tpu.memory_space<vmem>> -> memref<1x1024x32xf32, #tpu.memory_space<vmem>>
          %gather3A_1298 = tpu.memref_squeeze %gather3A_1297 : memref<1x1024x32xf32, #tpu.memory_space<vmem>> -> memref<1024x32xf32, #tpu.memory_space<vmem>>
          %gather3A_1299 = tpu.vector_load_idx %gather3A_1298[%add3A_1080, %add3A_1108] : memref<1024x32xf32, #tpu.memory_space<vmem>>[vector<16xi32>, vector<16xi32>], vector<16xf32>,
          tpu.vector_store_idx %arg7[%broadcast_in_dim3A, %add3A_1108, %add3A_24], %gather3A_1299 : memref<8x32x128xf32, #tpu.memory_space<vmem>>[vector<16xi32>, vector<16xi32>, vector<16xi32>], vector<16xf32>,
        }
        %scan3A_1086 = arith.constant 8 : i32
      }
      %scan3A_992 = arith.constant 8 : i32
      %mul3A_993 = arith.constant 8 : i32
      %mul3A_994 = arith.muli %add3A_981, %mul3A_993 : i32
      %mul3A_995 = arith.constant 8 : i32
      %mul3A_996 = arith.muli %add3A_981, %mul3A_995 : i32
      %mul3A_997 = arith.constant 8 : i32
      %mul3A_998 = arith.muli %add3A_981, %mul3A_997 : i32
      %mul3A_999 = arith.constant 8 : i32
      %mul3A_1000 = arith.muli %add3A_981, %mul3A_999 : i32
      %dma_start3A_1001 = arith.constant 0 : i32
      %dma_start3A_1002 = arith.constant 0 : i32
      %dma_start3A_1003 = arith.constant 0 : i32
      %dma_start3A_1004 = arith.constant 0 : i32
      %dma_start3A_1005 = tpu.memref_slice %arg7[%dma_start3A_1002, %dma_start3A_1003, %dma_start3A_1004] : memref<8x32x128xf32, #tpu.memory_space<vmem>> -> memref<8x8x128xf32, #tpu.memory_space<vmem>>
      %dma_start3A_1006 = arith.constant 0 : i32
      %dma_start3A_1007 = arith.constant 0 : i32
      %dma_start3A_1008 = tpu.memref_slice %arg4[%mul3A_994, %dma_start3A_1001, %add3A, %dma_start3A_1006, %dma_start3A_1007] : memref<200x4x32x8x128xf32, #tpu.memory_space<hbm>> -> memref<8x1x1x8x128xf32, #tpu.memory_space<hbm>>
      %dma_start3A_1009 = tpu.memref_squeeze %dma_start3A_1008 : memref<8x1x1x8x128xf32, #tpu.memory_space<hbm>> -> memref<8x8x128xf32, #tpu.memory_space<hbm>>
      %dma_start3A_1010 = arith.constant 0 : i32
      %dma_start3A_1011 = arith.constant 0 : i32
      %dma_start3A_1012 = tpu.memref_slice %arg4[%mul3A_994, %dma_start3A_1001, %add3A, %dma_start3A_1010, %dma_start3A_1011] : memref<200x4x32x8x128xf32, #tpu.memory_space<hbm>> -> memref<8x1x1x8x128xf32, #tpu.memory_space<hbm>>
      %dma_start3A_1013 = tpu.memref_squeeze %dma_start3A_1012 : memref<8x1x1x8x128xf32, #tpu.memory_space<hbm>> -> memref<8x8x128xf32, #tpu.memory_space<hbm>>
      %dma_start3A_1014 = arith.constant 0 : i32
      %dma_start3A_1015 = arith.constant 0 : i32
      %dma_start3A_1016 = arith.constant 0 : i32
      %dma_start3A_1017 = tpu.memref_slice %arg7[%dma_start3A_1014, %dma_start3A_1015, %dma_start3A_1016] : memref<8x32x128xf32, #tpu.memory_space<vmem>> -> memref<8x8x128xf32, #tpu.memory_space<vmem>>
      tpu.enqueue_dma source(%dma_start3A_1017 : memref<8x8x128xf32, #tpu.memory_space<vmem>>) target(%dma_start3A_1013 : memref<8x8x128xf32, #tpu.memory_space<hbm>>) target_semaphore(%arg10 : memref<!tpu.dma_semaphore, #tpu.memory_space<semaphore_mem>>)
      %dma_start3A_1018 = arith.constant 1 : i32
      %dma_start3A_1019 = arith.constant 0 : i32
      %dma_start3A_1020 = arith.constant 8 : i32
      %dma_start3A_1021 = arith.constant 0 : i32
      %dma_start3A_1022 = tpu.memref_slice %arg7[%dma_start3A_1019, %dma_start3A_1020, %dma_start3A_1021] : memref<8x32x128xf32, #tpu.memory_space<vmem>> -> memref<8x8x128xf32, #tpu.memory_space<vmem>>
      %dma_start3A_1023 = arith.constant 0 : i32
      %dma_start3A_1024 = arith.constant 0 : i32
      %dma_start3A_1025 = tpu.memref_slice %arg4[%mul3A_996, %dma_start3A_1018, %add3A, %dma_start3A_1023, %dma_start3A_1024] : memref<200x4x32x8x128xf32, #tpu.memory_space<hbm>> -> memref<8x1x1x8x128xf32, #tpu.memory_space<hbm>>
      %dma_start3A_1026 = tpu.memref_squeeze %dma_start3A_1025 : memref<8x1x1x8x128xf32, #tpu.memory_space<hbm>> -> memref<8x8x128xf32, #tpu.memory_space<hbm>>
      %dma_start3A_1027 = arith.constant 0 : i32
      %dma_start3A_1028 = arith.constant 0 : i32
      %dma_start3A_1029 = tpu.memref_slice %arg4[%mul3A_996, %dma_start3A_1018, %add3A, %dma_start3A_1027, %dma_start3A_1028] : memref<200x4x32x8x128xf32, #tpu.memory_space<hbm>> -> memref<8x1x1x8x128xf32, #tpu.memory_space<hbm>>
      %dma_start3A_1030 = tpu.memref_squeeze %dma_start3A_1029 : memref<8x1x1x8x128xf32, #tpu.memory_space<hbm>> -> memref<8x8x128xf32, #tpu.memory_space<hbm>>
      %dma_start3A_1031 = arith.constant 0 : i32
      %dma_start3A_1032 = arith.constant 8 : i32
      %dma_start3A_1033 = arith.constant 0 : i32
      %dma_start3A_1034 = tpu.memref_slice %arg7[%dma_start3A_1031, %dma_start3A_1032, %dma_start3A_1033] : memref<8x32x128xf32, #tpu.memory_space<vmem>> -> memref<8x8x128xf32, #tpu.memory_space<vmem>>
      tpu.enqueue_dma source(%dma_start3A_1034 : memref<8x8x128xf32, #tpu.memory_space<vmem>>) target(%dma_start3A_1030 : memref<8x8x128xf32, #tpu.memory_space<hbm>>) target_semaphore(%arg10 : memref<!tpu.dma_semaphore, #tpu.memory_space<semaphore_mem>>)
      %dma_start3A_1035 = arith.constant 2 : i32
      %dma_start3A_1036 = arith.constant 0 : i32
      %dma_start3A_1037 = arith.constant 16 : i32
      %dma_start3A_1038 = arith.constant 0 : i32
      %dma_start3A_1039 = tpu.memref_slice %arg7[%dma_start3A_1036, %dma_start3A_1037, %dma_start3A_1038] : memref<8x32x128xf32, #tpu.memory_space<vmem>> -> memref<8x8x128xf32, #tpu.memory_space<vmem>>
      %dma_start3A_1040 = arith.constant 0 : i32
      %dma_start3A_1041 = arith.constant 0 : i32
      %dma_start3A_1042 = tpu.memref_slice %arg4[%mul3A_998, %dma_start3A_1035, %add3A, %dma_start3A_1040, %dma_start3A_1041] : memref<200x4x32x8x128xf32, #tpu.memory_space<hbm>> -> memref<8x1x1x8x128xf32, #tpu.memory_space<hbm>>
      %dma_start3A_1043 = tpu.memref_squeeze %dma_start3A_1042 : memref<8x1x1x8x128xf32, #tpu.memory_space<hbm>> -> memref<8x8x128xf32, #tpu.memory_space<hbm>>
      %dma_start3A_1044 = arith.constant 0 : i32
      %dma_start3A_1045 = arith.constant 0 : i32
      %dma_start3A_1046 = tpu.memref_slice %arg4[%mul3A_998, %dma_start3A_1035, %add3A, %dma_start3A_1044, %dma_start3A_1045] : memref<200x4x32x8x128xf32, #tpu.memory_space<hbm>> -> memref<8x1x1x8x128xf32, #tpu.memory_space<hbm>>
      %dma_start3A_1047 = tpu.memref_squeeze %dma_start3A_1046 : memref<8x1x1x8x128xf32, #tpu.memory_space<hbm>> -> memref<8x8x128xf32, #tpu.memory_space<hbm>>
      %dma_start3A_1048 = arith.constant 0 : i32
      %dma_start3A_1049 = arith.constant 16 : i32
      %dma_start3A_1050 = arith.constant 0 : i32
      %dma_start3A_1051 = tpu.memref_slice %arg7[%dma_start3A_1048, %dma_start3A_1049, %dma_start3A_1050] : memref<8x32x128xf32, #tpu.memory_space<vmem>> -> memref<8x8x128xf32, #tpu.memory_space<vmem>>
      tpu.enqueue_dma source(%dma_start3A_1051 : memref<8x8x128xf32, #tpu.memory_space<vmem>>) target(%dma_start3A_1047 : memref<8x8x128xf32, #tpu.memory_space<hbm>>) target_semaphore(%arg10 : memref<!tpu.dma_semaphore, #tpu.memory_space<semaphore_mem>>)
      %dma_start3A_1052 = arith.constant 3 : i32
      %dma_start3A_1053 = arith.constant 0 : i32
      %dma_start3A_1054 = arith.constant 24 : i32
      %dma_start3A_1055 = arith.constant 0 : i32
      %dma_start3A_1056 = tpu.memref_slice %arg7[%dma_start3A_1053, %dma_start3A_1054, %dma_start3A_1055] : memref<8x32x128xf32, #tpu.memory_space<vmem>> -> memref<8x8x128xf32, #tpu.memory_space<vmem>>
      %dma_start3A_1057 = arith.constant 0 : i32
      %dma_start3A_1058 = arith.constant 0 : i32
      %dma_start3A_1059 = tpu.memref_slice %arg4[%mul3A_1000, %dma_start3A_1052, %add3A, %dma_start3A_1057, %dma_start3A_1058] : memref<200x4x32x8x128xf32, #tpu.memory_space<hbm>> -> memref<8x1x1x8x128xf32, #tpu.memory_space<hbm>>
      %dma_start3A_1060 = tpu.memref_squeeze %dma_start3A_1059 : memref<8x1x1x8x128xf32, #tpu.memory_space<hbm>> -> memref<8x8x128xf32, #tpu.memory_space<hbm>>
      %dma_start3A_1061 = arith.constant 0 : i32
      %dma_start3A_1062 = arith.constant 0 : i32
      %dma_start3A_1063 = tpu.memref_slice %arg4[%mul3A_1000, %dma_start3A_1052, %add3A, %dma_start3A_1061, %dma_start3A_1062] : memref<200x4x32x8x128xf32, #tpu.memory_space<hbm>> -> memref<8x1x1x8x128xf32, #tpu.memory_space<hbm>>
      %dma_start3A_1064 = tpu.memref_squeeze %dma_start3A_1063 : memref<8x1x1x8x128xf32, #tpu.memory_space<hbm>> -> memref<8x8x128xf32, #tpu.memory_space<hbm>>
      %dma_start3A_1065 = arith.constant 0 : i32
      %dma_start3A_1066 = arith.constant 24 : i32
      %dma_start3A_1067 = arith.constant 0 : i32
      %dma_start3A_1068 = tpu.memref_slice %arg7[%dma_start3A_1065, %dma_start3A_1066, %dma_start3A_1067] : memref<8x32x128xf32, #tpu.memory_space<vmem>> -> memref<8x8x128xf32, #tpu.memory_space<vmem>>
      tpu.enqueue_dma source(%dma_start3A_1068 : memref<8x8x128xf32, #tpu.memory_space<vmem>>) target(%dma_start3A_1064 : memref<8x8x128xf32, #tpu.memory_space<hbm>>) target_semaphore(%arg10 : memref<!tpu.dma_semaphore, #tpu.memory_space<semaphore_mem>>)
    }
    %scan3A_133 = arith.constant 12 : i32
    %dma_wait3A = arith.constant 0 : i32
    %dma_wait3A_134 = arith.constant 0 : i32
    %dma_wait3A_135 = arith.constant 0 : i32
    %dma_wait3A_136 = arith.constant 0 : i32
    %dma_wait3A_137 = arith.constant 0 : i32
    %dma_wait3A_138 = tpu.memref_slice %arg6[%dma_wait3A_135, %dma_wait3A_136, %dma_wait3A_137] : memref<2x1024x32xf32, #tpu.memory_space<vmem>> -> memref<1x128x32xf32, #tpu.memory_space<vmem>>
    %dma_wait3A_139 = tpu.memref_squeeze %dma_wait3A_138 : memref<1x128x32xf32, #tpu.memory_space<vmem>> -> memref<128x32xf32, #tpu.memory_space<vmem>>
    %dma_wait3A_140 = arith.constant 0 : i32
    %dma_wait3A_141 = tpu.memref_slice %arg5[%dma_wait3A, %dma_wait3A_134, %dma_wait3A_140] : memref<2x8x128xi32, #tpu.memory_space<vmem>> -> memref<1x1x128xi32, #tpu.memory_space<vmem>>
    %dma_wait3A_142 = tpu.memref_squeeze %dma_wait3A_141 : memref<1x1x128xi32, #tpu.memory_space<vmem>> -> memref<128xi32, #tpu.memory_space<vmem>>
    %dma_wait3A_143 = arith.constant 0 : i32
    %dma_wait3A_144 = arith.constant 0 : i32
    %dma_wait3A_145 = tpu.memref_slice %arg3[%dma_wait3A_143, %dma_wait3A_144] : memref<1000000x32xf32, #tpu.memory_space<hbm>> -> memref<1000000x32xf32, #tpu.memory_space<hbm>>
    tpu.wait_indirect_dma semaphore(%arg8 : memref<!tpu.dma_semaphore, #tpu.memory_space<semaphore_mem>>) src(%dma_wait3A_145 : memref<1000000x32xf32, #tpu.memory_space<hbm>>) dst(%dma_wait3A_139 : memref<128x32xf32, #tpu.memory_space<vmem>>)
    %dma_wait3A_146 = arith.constant 0 : i32
    %dma_wait3A_147 = arith.constant 1 : i32
    %dma_wait3A_148 = arith.constant 0 : i32
    %dma_wait3A_149 = arith.constant 128 : i32
    %dma_wait3A_150 = arith.constant 0 : i32
    %dma_wait3A_151 = tpu.memref_slice %arg6[%dma_wait3A_148, %dma_wait3A_149, %dma_wait3A_150] : memref<2x1024x32xf32, #tpu.memory_space<vmem>> -> memref<1x128x32xf32, #tpu.memory_space<vmem>>
    %dma_wait3A_152 = tpu.memref_squeeze %dma_wait3A_151 : memref<1x128x32xf32, #tpu.memory_space<vmem>> -> memref<128x32xf32, #tpu.memory_space<vmem>>
    %dma_wait3A_153 = arith.constant 0 : i32
    %dma_wait3A_154 = tpu.memref_slice %arg5[%dma_wait3A_146, %dma_wait3A_147, %dma_wait3A_153] : memref<2x8x128xi32, #tpu.memory_space<vmem>> -> memref<1x1x128xi32, #tpu.memory_space<vmem>>
    %dma_wait3A_155 = tpu.memref_squeeze %dma_wait3A_154 : memref<1x1x128xi32, #tpu.memory_space<vmem>> -> memref<128xi32, #tpu.memory_space<vmem>>
    %dma_wait3A_156 = arith.constant 0 : i32
    %dma_wait3A_157 = arith.constant 0 : i32
    %dma_wait3A_158 = tpu.memref_slice %arg3[%dma_wait3A_156, %dma_wait3A_157] : memref<1000000x32xf32, #tpu.memory_space<hbm>> -> memref<1000000x32xf32, #tpu.memory_space<hbm>>
    tpu.wait_indirect_dma semaphore(%arg8 : memref<!tpu.dma_semaphore, #tpu.memory_space<semaphore_mem>>) src(%dma_wait3A_158 : memref<1000000x32xf32, #tpu.memory_space<hbm>>) dst(%dma_wait3A_152 : memref<128x32xf32, #tpu.memory_space<vmem>>)
    %dma_wait3A_159 = arith.constant 0 : i32
    %dma_wait3A_160 = arith.constant 2 : i32
    %dma_wait3A_161 = arith.constant 0 : i32
    %dma_wait3A_162 = arith.constant 256 : i32
    %dma_wait3A_163 = arith.constant 0 : i32
    %dma_wait3A_164 = tpu.memref_slice %arg6[%dma_wait3A_161, %dma_wait3A_162, %dma_wait3A_163] : memref<2x1024x32xf32, #tpu.memory_space<vmem>> -> memref<1x128x32xf32, #tpu.memory_space<vmem>>
    %dma_wait3A_165 = tpu.memref_squeeze %dma_wait3A_164 : memref<1x128x32xf32, #tpu.memory_space<vmem>> -> memref<128x32xf32, #tpu.memory_space<vmem>>
    %dma_wait3A_166 = arith.constant 0 : i32
    %dma_wait3A_167 = tpu.memref_slice %arg5[%dma_wait3A_159, %dma_wait3A_160, %dma_wait3A_166] : memref<2x8x128xi32, #tpu.memory_space<vmem>> -> memref<1x1x128xi32, #tpu.memory_space<vmem>>
    %dma_wait3A_168 = tpu.memref_squeeze %dma_wait3A_167 : memref<1x1x128xi32, #tpu.memory_space<vmem>> -> memref<128xi32, #tpu.memory_space<vmem>>
    %dma_wait3A_169 = arith.constant 0 : i32
    %dma_wait3A_170 = arith.constant 0 : i32
    %dma_wait3A_171 = tpu.memref_slice %arg3[%dma_wait3A_169, %dma_wait3A_170] : memref<1000000x32xf32, #tpu.memory_space<hbm>> -> memref<1000000x32xf32, #tpu.memory_space<hbm>>
    tpu.wait_indirect_dma semaphore(%arg8 : memref<!tpu.dma_semaphore, #tpu.memory_space<semaphore_mem>>) src(%dma_wait3A_171 : memref<1000000x32xf32, #tpu.memory_space<hbm>>) dst(%dma_wait3A_165 : memref<128x32xf32, #tpu.memory_space<vmem>>)
    %dma_wait3A_172 = arith.constant 0 : i32
    %dma_wait3A_173 = arith.constant 3 : i32
    %dma_wait3A_174 = arith.constant 0 : i32
    %dma_wait3A_175 = arith.constant 384 : i32
    %dma_wait3A_176 = arith.constant 0 : i32
    %dma_wait3A_177 = tpu.memref_slice %arg6[%dma_wait3A_174, %dma_wait3A_175, %dma_wait3A_176] : memref<2x1024x32xf32, #tpu.memory_space<vmem>> -> memref<1x128x32xf32, #tpu.memory_space<vmem>>
    %dma_wait3A_178 = tpu.memref_squeeze %dma_wait3A_177 : memref<1x128x32xf32, #tpu.memory_space<vmem>> -> memref<128x32xf32, #tpu.memory_space<vmem>>
    %dma_wait3A_179 = arith.constant 0 : i32
    %dma_wait3A_180 = tpu.memref_slice %arg5[%dma_wait3A_172, %dma_wait3A_173, %dma_wait3A_179] : memref<2x8x128xi32, #tpu.memory_space<vmem>> -> memref<1x1x128xi32, #tpu.memory_space<vmem>>
    %dma_wait3A_181 = tpu.memref_squeeze %dma_wait3A_180 : memref<1x1x128xi32, #tpu.memory_space<vmem>> -> memref<128xi32, #tpu.memory_space<vmem>>
    %dma_wait3A_182 = arith.constant 0 : i32
    %dma_wait3A_183 = arith.constant 0 : i32
    %dma_wait3A_184 = tpu.memref_slice %arg3[%dma_wait3A_182, %dma_wait3A_183] : memref<1000000x32xf32, #tpu.memory_space<hbm>> -> memref<1000000x32xf32, #tpu.memory_space<hbm>>
    tpu.wait_indirect_dma semaphore(%arg8 : memref<!tpu.dma_semaphore, #tpu.memory_space<semaphore_mem>>) src(%dma_wait3A_184 : memref<1000000x32xf32, #tpu.memory_space<hbm>>) dst(%dma_wait3A_178 : memref<128x32xf32, #tpu.memory_space<vmem>>)
    %dma_wait3A_185 = arith.constant 0 : i32
    %dma_wait3A_186 = arith.constant 4 : i32
    %dma_wait3A_187 = arith.constant 0 : i32
    %dma_wait3A_188 = arith.constant 512 : i32
    %dma_wait3A_189 = arith.constant 0 : i32
    %dma_wait3A_190 = tpu.memref_slice %arg6[%dma_wait3A_187, %dma_wait3A_188, %dma_wait3A_189] : memref<2x1024x32xf32, #tpu.memory_space<vmem>> -> memref<1x128x32xf32, #tpu.memory_space<vmem>>
    %dma_wait3A_191 = tpu.memref_squeeze %dma_wait3A_190 : memref<1x128x32xf32, #tpu.memory_space<vmem>> -> memref<128x32xf32, #tpu.memory_space<vmem>>
    %dma_wait3A_192 = arith.constant 0 : i32
    %dma_wait3A_193 = tpu.memref_slice %arg5[%dma_wait3A_185, %dma_wait3A_186, %dma_wait3A_192] : memref<2x8x128xi32, #tpu.memory_space<vmem>> -> memref<1x1x128xi32, #tpu.memory_space<vmem>>
    %dma_wait3A_194 = tpu.memref_squeeze %dma_wait3A_193 : memref<1x1x128xi32, #tpu.memory_space<vmem>> -> memref<128xi32, #tpu.memory_space<vmem>>
    %dma_wait3A_195 = arith.constant 0 : i32
    %dma_wait3A_196 = arith.constant 0 : i32
    %dma_wait3A_197 = tpu.memref_slice %arg3[%dma_wait3A_195, %dma_wait3A_196] : memref<1000000x32xf32, #tpu.memory_space<hbm>> -> memref<1000000x32xf32, #tpu.memory_space<hbm>>
    tpu.wait_indirect_dma semaphore(%arg8 : memref<!tpu.dma_semaphore, #tpu.memory_space<semaphore_mem>>) src(%dma_wait3A_197 : memref<1000000x32xf32, #tpu.memory_space<hbm>>) dst(%dma_wait3A_191 : memref<128x32xf32, #tpu.memory_space<vmem>>)
    %dma_wait3A_198 = arith.constant 0 : i32
    %dma_wait3A_199 = arith.constant 5 : i32
    %dma_wait3A_200 = arith.constant 0 : i32
    %dma_wait3A_201 = arith.constant 640 : i32
    %dma_wait3A_202 = arith.constant 0 : i32
    %dma_wait3A_203 = tpu.memref_slice %arg6[%dma_wait3A_200, %dma_wait3A_201, %dma_wait3A_202] : memref<2x1024x32xf32, #tpu.memory_space<vmem>> -> memref<1x128x32xf32, #tpu.memory_space<vmem>>
    %dma_wait3A_204 = tpu.memref_squeeze %dma_wait3A_203 : memref<1x128x32xf32, #tpu.memory_space<vmem>> -> memref<128x32xf32, #tpu.memory_space<vmem>>
    %dma_wait3A_205 = arith.constant 0 : i32
    %dma_wait3A_206 = tpu.memref_slice %arg5[%dma_wait3A_198, %dma_wait3A_199, %dma_wait3A_205] : memref<2x8x128xi32, #tpu.memory_space<vmem>> -> memref<1x1x128xi32, #tpu.memory_space<vmem>>
    %dma_wait3A_207 = tpu.memref_squeeze %dma_wait3A_206 : memref<1x1x128xi32, #tpu.memory_space<vmem>> -> memref<128xi32, #tpu.memory_space<vmem>>
    %dma_wait3A_208 = arith.constant 0 : i32
    %dma_wait3A_209 = arith.constant 0 : i32
    %dma_wait3A_210 = tpu.memref_slice %arg3[%dma_wait3A_208, %dma_wait3A_209] : memref<1000000x32xf32, #tpu.memory_space<hbm>> -> memref<1000000x32xf32, #tpu.memory_space<hbm>>
    tpu.wait_indirect_dma semaphore(%arg8 : memref<!tpu.dma_semaphore, #tpu.memory_space<semaphore_mem>>) src(%dma_wait3A_210 : memref<1000000x32xf32, #tpu.memory_space<hbm>>) dst(%dma_wait3A_204 : memref<128x32xf32, #tpu.memory_space<vmem>>)
    %dma_wait3A_211 = arith.constant 0 : i32
    %dma_wait3A_212 = arith.constant 6 : i32
    %dma_wait3A_213 = arith.constant 0 : i32
    %dma_wait3A_214 = arith.constant 768 : i32
    %dma_wait3A_215 = arith.constant 0 : i32
    %dma_wait3A_216 = tpu.memref_slice %arg6[%dma_wait3A_213, %dma_wait3A_214, %dma_wait3A_215] : memref<2x1024x32xf32, #tpu.memory_space<vmem>> -> memref<1x128x32xf32, #tpu.memory_space<vmem>>
    %dma_wait3A_217 = tpu.memref_squeeze %dma_wait3A_216 : memref<1x128x32xf32, #tpu.memory_space<vmem>> -> memref<128x32xf32, #tpu.memory_space<vmem>>
    %dma_wait3A_218 = arith.constant 0 : i32
    %dma_wait3A_219 = tpu.memref_slice %arg5[%dma_wait3A_211, %dma_wait3A_212, %dma_wait3A_218] : memref<2x8x128xi32, #tpu.memory_space<vmem>> -> memref<1x1x128xi32, #tpu.memory_space<vmem>>
    %dma_wait3A_220 = tpu.memref_squeeze %dma_wait3A_219 : memref<1x1x128xi32, #tpu.memory_space<vmem>> -> memref<128xi32, #tpu.memory_space<vmem>>
    %dma_wait3A_221 = arith.constant 0 : i32
    %dma_wait3A_222 = arith.constant 0 : i32
    %dma_wait3A_223 = tpu.memref_slice %arg3[%dma_wait3A_221, %dma_wait3A_222] : memref<1000000x32xf32, #tpu.memory_space<hbm>> -> memref<1000000x32xf32, #tpu.memory_space<hbm>>
    tpu.wait_indirect_dma semaphore(%arg8 : memref<!tpu.dma_semaphore, #tpu.memory_space<semaphore_mem>>) src(%dma_wait3A_223 : memref<1000000x32xf32, #tpu.memory_space<hbm>>) dst(%dma_wait3A_217 : memref<128x32xf32, #tpu.memory_space<vmem>>)
    %dma_wait3A_224 = arith.constant 0 : i32
    %dma_wait3A_225 = arith.constant 7 : i32
    %dma_wait3A_226 = arith.constant 0 : i32
    %dma_wait3A_227 = arith.constant 896 : i32
    %dma_wait3A_228 = arith.constant 0 : i32
    %dma_wait3A_229 = tpu.memref_slice %arg6[%dma_wait3A_226, %dma_wait3A_227, %dma_wait3A_228] : memref<2x1024x32xf32, #tpu.memory_space<vmem>> -> memref<1x128x32xf32, #tpu.memory_space<vmem>>
    %dma_wait3A_230 = tpu.memref_squeeze %dma_wait3A_229 : memref<1x128x32xf32, #tpu.memory_space<vmem>> -> memref<128x32xf32, #tpu.memory_space<vmem>>
    %dma_wait3A_231 = arith.constant 0 : i32
    %dma_wait3A_232 = tpu.memref_slice %arg5[%dma_wait3A_224, %dma_wait3A_225, %dma_wait3A_231] : memref<2x8x128xi32, #tpu.memory_space<vmem>> -> memref<1x1x128xi32, #tpu.memory_space<vmem>>
    %dma_wait3A_233 = tpu.memref_squeeze %dma_wait3A_232 : memref<1x1x128xi32, #tpu.memory_space<vmem>> -> memref<128xi32, #tpu.memory_space<vmem>>
    %dma_wait3A_234 = arith.constant 0 : i32
    %dma_wait3A_235 = arith.constant 0 : i32
    %dma_wait3A_236 = tpu.memref_slice %arg3[%dma_wait3A_234, %dma_wait3A_235] : memref<1000000x32xf32, #tpu.memory_space<hbm>> -> memref<1000000x32xf32, #tpu.memory_space<hbm>>
    tpu.wait_indirect_dma semaphore(%arg8 : memref<!tpu.dma_semaphore, #tpu.memory_space<semaphore_mem>>) src(%dma_wait3A_236 : memref<1000000x32xf32, #tpu.memory_space<hbm>>) dst(%dma_wait3A_230 : memref<128x32xf32, #tpu.memory_space<vmem>>)
    %dma_wait3A_237 = arith.constant 0 : i32
    %dma_wait3A_238 = arith.constant 0 : i32
    %dma_wait3A_239 = arith.constant 0 : i32
    %dma_wait3A_240 = arith.constant 0 : i32
    %dma_wait3A_241 = tpu.memref_slice %arg7[%dma_wait3A_238, %dma_wait3A_239, %dma_wait3A_240] : memref<8x32x128xf32, #tpu.memory_space<vmem>> -> memref<8x8x128xf32, #tpu.memory_space<vmem>>
    %dma_wait3A_242 = arith.constant 0 : i32
    %dma_wait3A_243 = arith.constant 0 : i32
    %dma_wait3A_244 = arith.constant 0 : i32
    %dma_wait3A_245 = tpu.memref_slice %arg4[%dma_wait3A_242, %dma_wait3A_237, %add3A, %dma_wait3A_243, %dma_wait3A_244] : memref<200x4x32x8x128xf32, #tpu.memory_space<hbm>> -> memref<8x1x1x8x128xf32, #tpu.memory_space<hbm>>
    %dma_wait3A_246 = tpu.memref_squeeze %dma_wait3A_245 : memref<8x1x1x8x128xf32, #tpu.memory_space<hbm>> -> memref<8x8x128xf32, #tpu.memory_space<hbm>>
    %dma_wait3A_247 = arith.constant 0 : i32
    %dma_wait3A_248 = arith.constant 0 : i32
    %dma_wait3A_249 = arith.constant 0 : i32
    %dma_wait3A_250 = tpu.memref_slice %arg4[%dma_wait3A_247, %dma_wait3A_237, %add3A, %dma_wait3A_248, %dma_wait3A_249] : memref<200x4x32x8x128xf32, #tpu.memory_space<hbm>> -> memref<8x1x1x8x128xf32, #tpu.memory_space<hbm>>
    %dma_wait3A_251 = tpu.memref_squeeze %dma_wait3A_250 : memref<8x1x1x8x128xf32, #tpu.memory_space<hbm>> -> memref<8x8x128xf32, #tpu.memory_space<hbm>>
    %dma_wait3A_252 = arith.constant 0 : i32
    %dma_wait3A_253 = arith.constant 0 : i32
    %dma_wait3A_254 = arith.constant 0 : i32
    %dma_wait3A_255 = tpu.memref_slice %arg7[%dma_wait3A_252, %dma_wait3A_253, %dma_wait3A_254] : memref<8x32x128xf32, #tpu.memory_space<vmem>> -> memref<8x8x128xf32, #tpu.memory_space<vmem>>
    tpu.wait_dma2 semaphore(%arg10 : memref<!tpu.dma_semaphore, #tpu.memory_space<semaphore_mem>>) src(%dma_wait3A_255 : memref<8x8x128xf32, #tpu.memory_space<vmem>>) dst(%dma_wait3A_251 : memref<8x8x128xf32, #tpu.memory_space<hbm>>)
    %dma_wait3A_256 = arith.constant 1 : i32
    %dma_wait3A_257 = arith.constant 0 : i32
    %dma_wait3A_258 = arith.constant 8 : i32
    %dma_wait3A_259 = arith.constant 0 : i32
    %dma_wait3A_260 = tpu.memref_slice %arg7[%dma_wait3A_257, %dma_wait3A_258, %dma_wait3A_259] : memref<8x32x128xf32, #tpu.memory_space<vmem>> -> memref<8x8x128xf32, #tpu.memory_space<vmem>>
    %dma_wait3A_261 = arith.constant 0 : i32
    %dma_wait3A_262 = arith.constant 0 : i32
    %dma_wait3A_263 = arith.constant 0 : i32
    %dma_wait3A_264 = tpu.memref_slice %arg4[%dma_wait3A_261, %dma_wait3A_256, %add3A, %dma_wait3A_262, %dma_wait3A_263] : memref<200x4x32x8x128xf32, #tpu.memory_space<hbm>> -> memref<8x1x1x8x128xf32, #tpu.memory_space<hbm>>
    %dma_wait3A_265 = tpu.memref_squeeze %dma_wait3A_264 : memref<8x1x1x8x128xf32, #tpu.memory_space<hbm>> -> memref<8x8x128xf32, #tpu.memory_space<hbm>>
    %dma_wait3A_266 = arith.constant 0 : i32
    %dma_wait3A_267 = arith.constant 0 : i32
    %dma_wait3A_268 = arith.constant 0 : i32
    %dma_wait3A_269 = tpu.memref_slice %arg4[%dma_wait3A_266, %dma_wait3A_256, %add3A, %dma_wait3A_267, %dma_wait3A_268] : memref<200x4x32x8x128xf32, #tpu.memory_space<hbm>> -> memref<8x1x1x8x128xf32, #tpu.memory_space<hbm>>
    %dma_wait3A_270 = tpu.memref_squeeze %dma_wait3A_269 : memref<8x1x1x8x128xf32, #tpu.memory_space<hbm>> -> memref<8x8x128xf32, #tpu.memory_space<hbm>>
    %dma_wait3A_271 = arith.constant 0 : i32
    %dma_wait3A_272 = arith.constant 8 : i32
    %dma_wait3A_273 = arith.constant 0 : i32
    %dma_wait3A_274 = tpu.memref_slice %arg7[%dma_wait3A_271, %dma_wait3A_272, %dma_wait3A_273] : memref<8x32x128xf32, #tpu.memory_space<vmem>> -> memref<8x8x128xf32, #tpu.memory_space<vmem>>
    tpu.wait_dma2 semaphore(%arg10 : memref<!tpu.dma_semaphore, #tpu.memory_space<semaphore_mem>>) src(%dma_wait3A_274 : memref<8x8x128xf32, #tpu.memory_space<vmem>>) dst(%dma_wait3A_270 : memref<8x8x128xf32, #tpu.memory_space<hbm>>)
    %dma_wait3A_275 = arith.constant 2 : i32
    %dma_wait3A_276 = arith.constant 0 : i32
    %dma_wait3A_277 = arith.constant 16 : i32
    %dma_wait3A_278 = arith.constant 0 : i32
    %dma_wait3A_279 = tpu.memref_slice %arg7[%dma_wait3A_276, %dma_wait3A_277, %dma_wait3A_278] : memref<8x32x128xf32, #tpu.memory_space<vmem>> -> memref<8x8x128xf32, #tpu.memory_space<vmem>>
    %dma_wait3A_280 = arith.constant 0 : i32
    %dma_wait3A_281 = arith.constant 0 : i32
    %dma_wait3A_282 = arith.constant 0 : i32
    %dma_wait3A_283 = tpu.memref_slice %arg4[%dma_wait3A_280, %dma_wait3A_275, %add3A, %dma_wait3A_281, %dma_wait3A_282] : memref<200x4x32x8x128xf32, #tpu.memory_space<hbm>> -> memref<8x1x1x8x128xf32, #tpu.memory_space<hbm>>
    %dma_wait3A_284 = tpu.memref_squeeze %dma_wait3A_283 : memref<8x1x1x8x128xf32, #tpu.memory_space<hbm>> -> memref<8x8x128xf32, #tpu.memory_space<hbm>>
    %dma_wait3A_285 = arith.constant 0 : i32
    %dma_wait3A_286 = arith.constant 0 : i32
    %dma_wait3A_287 = arith.constant 0 : i32
    %dma_wait3A_288 = tpu.memref_slice %arg4[%dma_wait3A_285, %dma_wait3A_275, %add3A, %dma_wait3A_286, %dma_wait3A_287] : memref<200x4x32x8x128xf32, #tpu.memory_space<hbm>> -> memref<8x1x1x8x128xf32, #tpu.memory_space<hbm>>
    %dma_wait3A_289 = tpu.memref_squeeze %dma_wait3A_288 : memref<8x1x1x8x128xf32, #tpu.memory_space<hbm>> -> memref<8x8x128xf32, #tpu.memory_space<hbm>>
    %dma_wait3A_290 = arith.constant 0 : i32
    %dma_wait3A_291 = arith.constant 16 : i32
    %dma_wait3A_292 = arith.constant 0 : i32
    %dma_wait3A_293 = tpu.memref_slice %arg7[%dma_wait3A_290, %dma_wait3A_291, %dma_wait3A_292] : memref<8x32x128xf32, #tpu.memory_space<vmem>> -> memref<8x8x128xf32, #tpu.memory_space<vmem>>
    tpu.wait_dma2 semaphore(%arg10 : memref<!tpu.dma_semaphore, #tpu.memory_space<semaphore_mem>>) src(%dma_wait3A_293 : memref<8x8x128xf32, #tpu.memory_space<vmem>>) dst(%dma_wait3A_289 : memref<8x8x128xf32, #tpu.memory_space<hbm>>)
    %dma_wait3A_294 = arith.constant 3 : i32
    %dma_wait3A_295 = arith.constant 0 : i32
    %dma_wait3A_296 = arith.constant 24 : i32
    %dma_wait3A_297 = arith.constant 0 : i32
    %dma_wait3A_298 = tpu.memref_slice %arg7[%dma_wait3A_295, %dma_wait3A_296, %dma_wait3A_297] : memref<8x32x128xf32, #tpu.memory_space<vmem>> -> memref<8x8x128xf32, #tpu.memory_space<vmem>>
    %dma_wait3A_299 = arith.constant 0 : i32
    %dma_wait3A_300 = arith.constant 0 : i32
    %dma_wait3A_301 = arith.constant 0 : i32
    %dma_wait3A_302 = tpu.memref_slice %arg4[%dma_wait3A_299, %dma_wait3A_294, %add3A, %dma_wait3A_300, %dma_wait3A_301] : memref<200x4x32x8x128xf32, #tpu.memory_space<hbm>> -> memref<8x1x1x8x128xf32, #tpu.memory_space<hbm>>
    %dma_wait3A_303 = tpu.memref_squeeze %dma_wait3A_302 : memref<8x1x1x8x128xf32, #tpu.memory_space<hbm>> -> memref<8x8x128xf32, #tpu.memory_space<hbm>>
    %dma_wait3A_304 = arith.constant 0 : i32
    %dma_wait3A_305 = arith.constant 0 : i32
    %dma_wait3A_306 = arith.constant 0 : i32
    %dma_wait3A_307 = tpu.memref_slice %arg4[%dma_wait3A_304, %dma_wait3A_294, %add3A, %dma_wait3A_305, %dma_wait3A_306] : memref<200x4x32x8x128xf32, #tpu.memory_space<hbm>> -> memref<8x1x1x8x128xf32, #tpu.memory_space<hbm>>
    %dma_wait3A_308 = tpu.memref_squeeze %dma_wait3A_307 : memref<8x1x1x8x128xf32, #tpu.memory_space<hbm>> -> memref<8x8x128xf32, #tpu.memory_space<hbm>>
    %dma_wait3A_309 = arith.constant 0 : i32
    %dma_wait3A_310 = arith.constant 24 : i32
    %dma_wait3A_311 = arith.constant 0 : i32
    %dma_wait3A_312 = tpu.memref_slice %arg7[%dma_wait3A_309, %dma_wait3A_310, %dma_wait3A_311] : memref<8x32x128xf32, #tpu.memory_space<vmem>> -> memref<8x8x128xf32, #tpu.memory_space<vmem>>
    tpu.wait_dma2 semaphore(%arg10 : memref<!tpu.dma_semaphore, #tpu.memory_space<semaphore_mem>>) src(%dma_wait3A_312 : memref<8x8x128xf32, #tpu.memory_space<vmem>>) dst(%dma_wait3A_308 : memref<8x8x128xf32, #tpu.memory_space<hbm>>)
    %scan3A_313 = arith.constant 0 : i32
    %scan3A_314 = arith.constant 0 : i32
    %scan3A_315 = arith.constant 8 : i32
    %scan3A_316 = arith.addi %scan3A_314, %scan3A_315 : i32
    %scan3A_317 = arith.constant 1 : i32
    scf.for %scan3A_471 = %scan3A_314 to %scan3A_316 step %scan3A_317  : i32 {
      %broadcast_in_dim3A = vector.broadcast %scan3A_471 : i32 to vector<16xi32>
      %mul3A_472 = arith.constant 128 : i32
      %mul3A_473 = arith.muli %scan3A_471, %mul3A_472 : i32
      %broadcast_in_dim3A_474 = vector.broadcast %mul3A_473 : i32 to vector<16xi32>
      %add3A_475 = arith.addi %broadcast_in_dim3A_474, %add3A_3 : vector<16xi32>
      %add3A_476 = arith.addi %broadcast_in_dim3A_474, %add3A_6 : vector<16xi32>
      %add3A_477 = arith.addi %broadcast_in_dim3A_474, %add3A_9 : vector<16xi32>
      %add3A_478 = arith.addi %broadcast_in_dim3A_474, %add3A_12 : vector<16xi32>
      %add3A_479 = arith.addi %broadcast_in_dim3A_474, %add3A_15 : vector<16xi32>
      %add3A_480 = arith.addi %broadcast_in_dim3A_474, %add3A_18 : vector<16xi32>
      %add3A_481 = arith.addi %broadcast_in_dim3A_474, %add3A_21 : vector<16xi32>
      %add3A_482 = arith.addi %broadcast_in_dim3A_474, %add3A_24 : vector<16xi32>
      %scan3A_483 = arith.constant 0 : i32
      %scan3A_484 = arith.constant 0 : i32
      %scan3A_485 = arith.constant 8 : i32
      %scan3A_486 = arith.addi %scan3A_484, %scan3A_485 : i32
      %scan3A_487 = arith.constant 1 : i32
      scf.for %scan3A_489 = %scan3A_484 to %scan3A_486 step %scan3A_487  : i32 {
        %mul3A_490 = arith.constant 2 : i32
        %mul3A_491 = arith.muli %scan3A_489, %mul3A_490 : i32
        %add3A_492 = arith.constant 0 : i32
        %add3A_493 = arith.addi %mul3A_491, %add3A_492 : i32
        %add3A_494 = vector.broadcast %add3A_493 : i32 to vector<16xi32>
        %add3A_495 = arith.addi %iota3A, %add3A_494 : vector<16xi32>
        %and3A = arith.constant 15 : i32
        %and3A_496 = vector.broadcast %and3A : i32 to vector<16xi32>
        %and3A_497 = arith.andi %add3A_495, %and3A_496 : vector<16xi32>
        %add3A_498 = arith.constant 16 : i32
        %add3A_499 = vector.broadcast %add3A_498 : i32 to vector<16xi32>
        %add3A_500 = arith.addi %and3A_497, %add3A_499 : vector<16xi32>
        %add3A_501 = arith.constant 1 : i32
        %add3A_502 = arith.addi %mul3A_491, %add3A_501 : i32
        %add3A_503 = vector.broadcast %add3A_502 : i32 to vector<16xi32>
        %add3A_504 = arith.addi %iota3A, %add3A_503 : vector<16xi32>
        %and3A_505 = arith.constant 15 : i32
        %and3A_506 = vector.broadcast %and3A_505 : i32 to vector<16xi32>
        %and3A_507 = arith.andi %add3A_504, %and3A_506 : vector<16xi32>
        %add3A_508 = arith.constant 16 : i32
        %add3A_509 = vector.broadcast %add3A_508 : i32 to vector<16xi32>
        %add3A_510 = arith.addi %and3A_507, %add3A_509 : vector<16xi32>
        %gather3A = arith.constant 0 : i32
        %gather3A_511 = arith.constant 0 : i32
        %gather3A_512 = arith.constant 0 : i32
        %gather3A_513 = tpu.memref_slice %arg6[%gather3A, %gather3A_511, %gather3A_512] : memref<2x1024x32xf32, #tpu.memory_space<vmem>> -> memref<1x1024x32xf32, #tpu.memory_space<vmem>>
        %gather3A_514 = tpu.memref_squeeze %gather3A_513 : memref<1x1024x32xf32, #tpu.memory_space<vmem>> -> memref<1024x32xf32, #tpu.memory_space<vmem>>
        %gather3A_515 = tpu.vector_load_idx %gather3A_514[%add3A_475, %and3A_497] : memref<1024x32xf32, #tpu.memory_space<vmem>>[vector<16xi32>, vector<16xi32>], vector<16xf32>,
        tpu.vector_store_idx %arg7[%broadcast_in_dim3A, %and3A_497, %add3A_3], %gather3A_515 : memref<8x32x128xf32, #tpu.memory_space<vmem>>[vector<16xi32>, vector<16xi32>, vector<16xi32>], vector<16xf32>,
        %gather3A_516 = arith.constant 0 : i32
        %gather3A_517 = arith.constant 0 : i32
        %gather3A_518 = arith.constant 0 : i32
        %gather3A_519 = tpu.memref_slice %arg6[%gather3A_516, %gather3A_517, %gather3A_518] : memref<2x1024x32xf32, #tpu.memory_space<vmem>> -> memref<1x1024x32xf32, #tpu.memory_space<vmem>>
        %gather3A_520 = tpu.memref_squeeze %gather3A_519 : memref<1x1024x32xf32, #tpu.memory_space<vmem>> -> memref<1024x32xf32, #tpu.memory_space<vmem>>
        %gather3A_521 = tpu.vector_load_idx %gather3A_520[%add3A_475, %add3A_500] : memref<1024x32xf32, #tpu.memory_space<vmem>>[vector<16xi32>, vector<16xi32>], vector<16xf32>,
        tpu.vector_store_idx %arg7[%broadcast_in_dim3A, %add3A_500, %add3A_3], %gather3A_521 : memref<8x32x128xf32, #tpu.memory_space<vmem>>[vector<16xi32>, vector<16xi32>, vector<16xi32>], vector<16xf32>,
        %gather3A_522 = arith.constant 0 : i32
        %gather3A_523 = arith.constant 0 : i32
        %gather3A_524 = arith.constant 0 : i32
        %gather3A_525 = tpu.memref_slice %arg6[%gather3A_522, %gather3A_523, %gather3A_524] : memref<2x1024x32xf32, #tpu.memory_space<vmem>> -> memref<1x1024x32xf32, #tpu.memory_space<vmem>>
        %gather3A_526 = tpu.memref_squeeze %gather3A_525 : memref<1x1024x32xf32, #tpu.memory_space<vmem>> -> memref<1024x32xf32, #tpu.memory_space<vmem>>
        %gather3A_527 = tpu.vector_load_idx %gather3A_526[%add3A_475, %and3A_507] : memref<1024x32xf32, #tpu.memory_space<vmem>>[vector<16xi32>, vector<16xi32>], vector<16xf32>,
        tpu.vector_store_idx %arg7[%broadcast_in_dim3A, %and3A_507, %add3A_3], %gather3A_527 : memref<8x32x128xf32, #tpu.memory_space<vmem>>[vector<16xi32>, vector<16xi32>, vector<16xi32>], vector<16xf32>,
        %gather3A_528 = arith.constant 0 : i32
        %gather3A_529 = arith.constant 0 : i32
        %gather3A_530 = arith.constant 0 : i32
        %gather3A_531 = tpu.memref_slice %arg6[%gather3A_528, %gather3A_529, %gather3A_530] : memref<2x1024x32xf32, #tpu.memory_space<vmem>> -> memref<1x1024x32xf32, #tpu.memory_space<vmem>>
        %gather3A_532 = tpu.memref_squeeze %gather3A_531 : memref<1x1024x32xf32, #tpu.memory_space<vmem>> -> memref<1024x32xf32, #tpu.memory_space<vmem>>
        %gather3A_533 = tpu.vector_load_idx %gather3A_532[%add3A_475, %add3A_510] : memref<1024x32xf32, #tpu.memory_space<vmem>>[vector<16xi32>, vector<16xi32>], vector<16xf32>,
        tpu.vector_store_idx %arg7[%broadcast_in_dim3A, %add3A_510, %add3A_3], %gather3A_533 : memref<8x32x128xf32, #tpu.memory_space<vmem>>[vector<16xi32>, vector<16xi32>, vector<16xi32>], vector<16xf32>,
        %gather3A_534 = arith.constant 0 : i32
        %gather3A_535 = arith.constant 0 : i32
        %gather3A_536 = arith.constant 0 : i32
        %gather3A_537 = tpu.memref_slice %arg6[%gather3A_534, %gather3A_535, %gather3A_536] : memref<2x1024x32xf32, #tpu.memory_space<vmem>> -> memref<1x1024x32xf32, #tpu.memory_space<vmem>>
        %gather3A_538 = tpu.memref_squeeze %gather3A_537 : memref<1x1024x32xf32, #tpu.memory_space<vmem>> -> memref<1024x32xf32, #tpu.memory_space<vmem>>
        %gather3A_539 = tpu.vector_load_idx %gather3A_538[%add3A_476, %and3A_497] : memref<1024x32xf32, #tpu.memory_space<vmem>>[vector<16xi32>, vector<16xi32>], vector<16xf32>,
        tpu.vector_store_idx %arg7[%broadcast_in_dim3A, %and3A_497, %add3A_6], %gather3A_539 : memref<8x32x128xf32, #tpu.memory_space<vmem>>[vector<16xi32>, vector<16xi32>, vector<16xi32>], vector<16xf32>,
        %gather3A_540 = arith.constant 0 : i32
        %gather3A_541 = arith.constant 0 : i32
        %gather3A_542 = arith.constant 0 : i32
        %gather3A_543 = tpu.memref_slice %arg6[%gather3A_540, %gather3A_541, %gather3A_542] : memref<2x1024x32xf32, #tpu.memory_space<vmem>> -> memref<1x1024x32xf32, #tpu.memory_space<vmem>>
        %gather3A_544 = tpu.memref_squeeze %gather3A_543 : memref<1x1024x32xf32, #tpu.memory_space<vmem>> -> memref<1024x32xf32, #tpu.memory_space<vmem>>
        %gather3A_545 = tpu.vector_load_idx %gather3A_544[%add3A_476, %add3A_500] : memref<1024x32xf32, #tpu.memory_space<vmem>>[vector<16xi32>, vector<16xi32>], vector<16xf32>,
        tpu.vector_store_idx %arg7[%broadcast_in_dim3A, %add3A_500, %add3A_6], %gather3A_545 : memref<8x32x128xf32, #tpu.memory_space<vmem>>[vector<16xi32>, vector<16xi32>, vector<16xi32>], vector<16xf32>,
        %gather3A_546 = arith.constant 0 : i32
        %gather3A_547 = arith.constant 0 : i32
        %gather3A_548 = arith.constant 0 : i32
        %gather3A_549 = tpu.memref_slice %arg6[%gather3A_546, %gather3A_547, %gather3A_548] : memref<2x1024x32xf32, #tpu.memory_space<vmem>> -> memref<1x1024x32xf32, #tpu.memory_space<vmem>>
        %gather3A_550 = tpu.memref_squeeze %gather3A_549 : memref<1x1024x32xf32, #tpu.memory_space<vmem>> -> memref<1024x32xf32, #tpu.memory_space<vmem>>
        %gather3A_551 = tpu.vector_load_idx %gather3A_550[%add3A_476, %and3A_507] : memref<1024x32xf32, #tpu.memory_space<vmem>>[vector<16xi32>, vector<16xi32>], vector<16xf32>,
        tpu.vector_store_idx %arg7[%broadcast_in_dim3A, %and3A_507, %add3A_6], %gather3A_551 : memref<8x32x128xf32, #tpu.memory_space<vmem>>[vector<16xi32>, vector<16xi32>, vector<16xi32>], vector<16xf32>,
        %gather3A_552 = arith.constant 0 : i32
        %gather3A_553 = arith.constant 0 : i32
        %gather3A_554 = arith.constant 0 : i32
        %gather3A_555 = tpu.memref_slice %arg6[%gather3A_552, %gather3A_553, %gather3A_554] : memref<2x1024x32xf32, #tpu.memory_space<vmem>> -> memref<1x1024x32xf32, #tpu.memory_space<vmem>>
        %gather3A_556 = tpu.memref_squeeze %gather3A_555 : memref<1x1024x32xf32, #tpu.memory_space<vmem>> -> memref<1024x32xf32, #tpu.memory_space<vmem>>
        %gather3A_557 = tpu.vector_load_idx %gather3A_556[%add3A_476, %add3A_510] : memref<1024x32xf32, #tpu.memory_space<vmem>>[vector<16xi32>, vector<16xi32>], vector<16xf32>,
        tpu.vector_store_idx %arg7[%broadcast_in_dim3A, %add3A_510, %add3A_6], %gather3A_557 : memref<8x32x128xf32, #tpu.memory_space<vmem>>[vector<16xi32>, vector<16xi32>, vector<16xi32>], vector<16xf32>,
        %gather3A_558 = arith.constant 0 : i32
        %gather3A_559 = arith.constant 0 : i32
        %gather3A_560 = arith.constant 0 : i32
        %gather3A_561 = tpu.memref_slice %arg6[%gather3A_558, %gather3A_559, %gather3A_560] : memref<2x1024x32xf32, #tpu.memory_space<vmem>> -> memref<1x1024x32xf32, #tpu.memory_space<vmem>>
        %gather3A_562 = tpu.memref_squeeze %gather3A_561 : memref<1x1024x32xf32, #tpu.memory_space<vmem>> -> memref<1024x32xf32, #tpu.memory_space<vmem>>
        %gather3A_563 = tpu.vector_load_idx %gather3A_562[%add3A_477, %and3A_497] : memref<1024x32xf32, #tpu.memory_space<vmem>>[vector<16xi32>, vector<16xi32>], vector<16xf32>,
        tpu.vector_store_idx %arg7[%broadcast_in_dim3A, %and3A_497, %add3A_9], %gather3A_563 : memref<8x32x128xf32, #tpu.memory_space<vmem>>[vector<16xi32>, vector<16xi32>, vector<16xi32>], vector<16xf32>,
        %gather3A_564 = arith.constant 0 : i32
        %gather3A_565 = arith.constant 0 : i32
        %gather3A_566 = arith.constant 0 : i32
        %gather3A_567 = tpu.memref_slice %arg6[%gather3A_564, %gather3A_565, %gather3A_566] : memref<2x1024x32xf32, #tpu.memory_space<vmem>> -> memref<1x1024x32xf32, #tpu.memory_space<vmem>>
        %gather3A_568 = tpu.memref_squeeze %gather3A_567 : memref<1x1024x32xf32, #tpu.memory_space<vmem>> -> memref<1024x32xf32, #tpu.memory_space<vmem>>
        %gather3A_569 = tpu.vector_load_idx %gather3A_568[%add3A_477, %add3A_500] : memref<1024x32xf32, #tpu.memory_space<vmem>>[vector<16xi32>, vector<16xi32>], vector<16xf32>,
        tpu.vector_store_idx %arg7[%broadcast_in_dim3A, %add3A_500, %add3A_9], %gather3A_569 : memref<8x32x128xf32, #tpu.memory_space<vmem>>[vector<16xi32>, vector<16xi32>, vector<16xi32>], vector<16xf32>,
        %gather3A_570 = arith.constant 0 : i32
        %gather3A_571 = arith.constant 0 : i32
        %gather3A_572 = arith.constant 0 : i32
        %gather3A_573 = tpu.memref_slice %arg6[%gather3A_570, %gather3A_571, %gather3A_572] : memref<2x1024x32xf32, #tpu.memory_space<vmem>> -> memref<1x1024x32xf32, #tpu.memory_space<vmem>>
        %gather3A_574 = tpu.memref_squeeze %gather3A_573 : memref<1x1024x32xf32, #tpu.memory_space<vmem>> -> memref<1024x32xf32, #tpu.memory_space<vmem>>
        %gather3A_575 = tpu.vector_load_idx %gather3A_574[%add3A_477, %and3A_507] : memref<1024x32xf32, #tpu.memory_space<vmem>>[vector<16xi32>, vector<16xi32>], vector<16xf32>,
        tpu.vector_store_idx %arg7[%broadcast_in_dim3A, %and3A_507, %add3A_9], %gather3A_575 : memref<8x32x128xf32, #tpu.memory_space<vmem>>[vector<16xi32>, vector<16xi32>, vector<16xi32>], vector<16xf32>,
        %gather3A_576 = arith.constant 0 : i32
        %gather3A_577 = arith.constant 0 : i32
        %gather3A_578 = arith.constant 0 : i32
        %gather3A_579 = tpu.memref_slice %arg6[%gather3A_576, %gather3A_577, %gather3A_578] : memref<2x1024x32xf32, #tpu.memory_space<vmem>> -> memref<1x1024x32xf32, #tpu.memory_space<vmem>>
        %gather3A_580 = tpu.memref_squeeze %gather3A_579 : memref<1x1024x32xf32, #tpu.memory_space<vmem>> -> memref<1024x32xf32, #tpu.memory_space<vmem>>
        %gather3A_581 = tpu.vector_load_idx %gather3A_580[%add3A_477, %add3A_510] : memref<1024x32xf32, #tpu.memory_space<vmem>>[vector<16xi32>, vector<16xi32>], vector<16xf32>,
        tpu.vector_store_idx %arg7[%broadcast_in_dim3A, %add3A_510, %add3A_9], %gather3A_581 : memref<8x32x128xf32, #tpu.memory_space<vmem>>[vector<16xi32>, vector<16xi32>, vector<16xi32>], vector<16xf32>,
        %gather3A_582 = arith.constant 0 : i32
        %gather3A_583 = arith.constant 0 : i32
        %gather3A_584 = arith.constant 0 : i32
        %gather3A_585 = tpu.memref_slice %arg6[%gather3A_582, %gather3A_583, %gather3A_584] : memref<2x1024x32xf32, #tpu.memory_space<vmem>> -> memref<1x1024x32xf32, #tpu.memory_space<vmem>>
        %gather3A_586 = tpu.memref_squeeze %gather3A_585 : memref<1x1024x32xf32, #tpu.memory_space<vmem>> -> memref<1024x32xf32, #tpu.memory_space<vmem>>
        %gather3A_587 = tpu.vector_load_idx %gather3A_586[%add3A_478, %and3A_497] : memref<1024x32xf32, #tpu.memory_space<vmem>>[vector<16xi32>, vector<16xi32>], vector<16xf32>,
        tpu.vector_store_idx %arg7[%broadcast_in_dim3A, %and3A_497, %add3A_12], %gather3A_587 : memref<8x32x128xf32, #tpu.memory_space<vmem>>[vector<16xi32>, vector<16xi32>, vector<16xi32>], vector<16xf32>,
        %gather3A_588 = arith.constant 0 : i32
        %gather3A_589 = arith.constant 0 : i32
        %gather3A_590 = arith.constant 0 : i32
        %gather3A_591 = tpu.memref_slice %arg6[%gather3A_588, %gather3A_589, %gather3A_590] : memref<2x1024x32xf32, #tpu.memory_space<vmem>> -> memref<1x1024x32xf32, #tpu.memory_space<vmem>>
        %gather3A_592 = tpu.memref_squeeze %gather3A_591 : memref<1x1024x32xf32, #tpu.memory_space<vmem>> -> memref<1024x32xf32, #tpu.memory_space<vmem>>
        %gather3A_593 = tpu.vector_load_idx %gather3A_592[%add3A_478, %add3A_500] : memref<1024x32xf32, #tpu.memory_space<vmem>>[vector<16xi32>, vector<16xi32>], vector<16xf32>,
        tpu.vector_store_idx %arg7[%broadcast_in_dim3A, %add3A_500, %add3A_12], %gather3A_593 : memref<8x32x128xf32, #tpu.memory_space<vmem>>[vector<16xi32>, vector<16xi32>, vector<16xi32>], vector<16xf32>,
        %gather3A_594 = arith.constant 0 : i32
        %gather3A_595 = arith.constant 0 : i32
        %gather3A_596 = arith.constant 0 : i32
        %gather3A_597 = tpu.memref_slice %arg6[%gather3A_594, %gather3A_595, %gather3A_596] : memref<2x1024x32xf32, #tpu.memory_space<vmem>> -> memref<1x1024x32xf32, #tpu.memory_space<vmem>>
        %gather3A_598 = tpu.memref_squeeze %gather3A_597 : memref<1x1024x32xf32, #tpu.memory_space<vmem>> -> memref<1024x32xf32, #tpu.memory_space<vmem>>
        %gather3A_599 = tpu.vector_load_idx %gather3A_598[%add3A_478, %and3A_507] : memref<1024x32xf32, #tpu.memory_space<vmem>>[vector<16xi32>, vector<16xi32>], vector<16xf32>,
        tpu.vector_store_idx %arg7[%broadcast_in_dim3A, %and3A_507, %add3A_12], %gather3A_599 : memref<8x32x128xf32, #tpu.memory_space<vmem>>[vector<16xi32>, vector<16xi32>, vector<16xi32>], vector<16xf32>,
        %gather3A_600 = arith.constant 0 : i32
        %gather3A_601 = arith.constant 0 : i32
        %gather3A_602 = arith.constant 0 : i32
        %gather3A_603 = tpu.memref_slice %arg6[%gather3A_600, %gather3A_601, %gather3A_602] : memref<2x1024x32xf32, #tpu.memory_space<vmem>> -> memref<1x1024x32xf32, #tpu.memory_space<vmem>>
        %gather3A_604 = tpu.memref_squeeze %gather3A_603 : memref<1x1024x32xf32, #tpu.memory_space<vmem>> -> memref<1024x32xf32, #tpu.memory_space<vmem>>
        %gather3A_605 = tpu.vector_load_idx %gather3A_604[%add3A_478, %add3A_510] : memref<1024x32xf32, #tpu.memory_space<vmem>>[vector<16xi32>, vector<16xi32>], vector<16xf32>,
        tpu.vector_store_idx %arg7[%broadcast_in_dim3A, %add3A_510, %add3A_12], %gather3A_605 : memref<8x32x128xf32, #tpu.memory_space<vmem>>[vector<16xi32>, vector<16xi32>, vector<16xi32>], vector<16xf32>,
        %gather3A_606 = arith.constant 0 : i32
        %gather3A_607 = arith.constant 0 : i32
        %gather3A_608 = arith.constant 0 : i32
        %gather3A_609 = tpu.memref_slice %arg6[%gather3A_606, %gather3A_607, %gather3A_608] : memref<2x1024x32xf32, #tpu.memory_space<vmem>> -> memref<1x1024x32xf32, #tpu.memory_space<vmem>>
        %gather3A_610 = tpu.memref_squeeze %gather3A_609 : memref<1x1024x32xf32, #tpu.memory_space<vmem>> -> memref<1024x32xf32, #tpu.memory_space<vmem>>
        %gather3A_611 = tpu.vector_load_idx %gather3A_610[%add3A_479, %and3A_497] : memref<1024x32xf32, #tpu.memory_space<vmem>>[vector<16xi32>, vector<16xi32>], vector<16xf32>,
        tpu.vector_store_idx %arg7[%broadcast_in_dim3A, %and3A_497, %add3A_15], %gather3A_611 : memref<8x32x128xf32, #tpu.memory_space<vmem>>[vector<16xi32>, vector<16xi32>, vector<16xi32>], vector<16xf32>,
        %gather3A_612 = arith.constant 0 : i32
        %gather3A_613 = arith.constant 0 : i32
        %gather3A_614 = arith.constant 0 : i32
        %gather3A_615 = tpu.memref_slice %arg6[%gather3A_612, %gather3A_613, %gather3A_614] : memref<2x1024x32xf32, #tpu.memory_space<vmem>> -> memref<1x1024x32xf32, #tpu.memory_space<vmem>>
        %gather3A_616 = tpu.memref_squeeze %gather3A_615 : memref<1x1024x32xf32, #tpu.memory_space<vmem>> -> memref<1024x32xf32, #tpu.memory_space<vmem>>
        %gather3A_617 = tpu.vector_load_idx %gather3A_616[%add3A_479, %add3A_500] : memref<1024x32xf32, #tpu.memory_space<vmem>>[vector<16xi32>, vector<16xi32>], vector<16xf32>,
        tpu.vector_store_idx %arg7[%broadcast_in_dim3A, %add3A_500, %add3A_15], %gather3A_617 : memref<8x32x128xf32, #tpu.memory_space<vmem>>[vector<16xi32>, vector<16xi32>, vector<16xi32>], vector<16xf32>,
        %gather3A_618 = arith.constant 0 : i32
        %gather3A_619 = arith.constant 0 : i32
        %gather3A_620 = arith.constant 0 : i32
        %gather3A_621 = tpu.memref_slice %arg6[%gather3A_618, %gather3A_619, %gather3A_620] : memref<2x1024x32xf32, #tpu.memory_space<vmem>> -> memref<1x1024x32xf32, #tpu.memory_space<vmem>>
        %gather3A_622 = tpu.memref_squeeze %gather3A_621 : memref<1x1024x32xf32, #tpu.memory_space<vmem>> -> memref<1024x32xf32, #tpu.memory_space<vmem>>
        %gather3A_623 = tpu.vector_load_idx %gather3A_622[%add3A_479, %and3A_507] : memref<1024x32xf32, #tpu.memory_space<vmem>>[vector<16xi32>, vector<16xi32>], vector<16xf32>,
        tpu.vector_store_idx %arg7[%broadcast_in_dim3A, %and3A_507, %add3A_15], %gather3A_623 : memref<8x32x128xf32, #tpu.memory_space<vmem>>[vector<16xi32>, vector<16xi32>, vector<16xi32>], vector<16xf32>,
        %gather3A_624 = arith.constant 0 : i32
        %gather3A_625 = arith.constant 0 : i32
        %gather3A_626 = arith.constant 0 : i32
        %gather3A_627 = tpu.memref_slice %arg6[%gather3A_624, %gather3A_625, %gather3A_626] : memref<2x1024x32xf32, #tpu.memory_space<vmem>> -> memref<1x1024x32xf32, #tpu.memory_space<vmem>>
        %gather3A_628 = tpu.memref_squeeze %gather3A_627 : memref<1x1024x32xf32, #tpu.memory_space<vmem>> -> memref<1024x32xf32, #tpu.memory_space<vmem>>
        %gather3A_629 = tpu.vector_load_idx %gather3A_628[%add3A_479, %add3A_510] : memref<1024x32xf32, #tpu.memory_space<vmem>>[vector<16xi32>, vector<16xi32>], vector<16xf32>,
        tpu.vector_store_idx %arg7[%broadcast_in_dim3A, %add3A_510, %add3A_15], %gather3A_629 : memref<8x32x128xf32, #tpu.memory_space<vmem>>[vector<16xi32>, vector<16xi32>, vector<16xi32>], vector<16xf32>,
        %gather3A_630 = arith.constant 0 : i32
        %gather3A_631 = arith.constant 0 : i32
        %gather3A_632 = arith.constant 0 : i32
        %gather3A_633 = tpu.memref_slice %arg6[%gather3A_630, %gather3A_631, %gather3A_632] : memref<2x1024x32xf32, #tpu.memory_space<vmem>> -> memref<1x1024x32xf32, #tpu.memory_space<vmem>>
        %gather3A_634 = tpu.memref_squeeze %gather3A_633 : memref<1x1024x32xf32, #tpu.memory_space<vmem>> -> memref<1024x32xf32, #tpu.memory_space<vmem>>
        %gather3A_635 = tpu.vector_load_idx %gather3A_634[%add3A_480, %and3A_497] : memref<1024x32xf32, #tpu.memory_space<vmem>>[vector<16xi32>, vector<16xi32>], vector<16xf32>,
        tpu.vector_store_idx %arg7[%broadcast_in_dim3A, %and3A_497, %add3A_18], %gather3A_635 : memref<8x32x128xf32, #tpu.memory_space<vmem>>[vector<16xi32>, vector<16xi32>, vector<16xi32>], vector<16xf32>,
        %gather3A_636 = arith.constant 0 : i32
        %gather3A_637 = arith.constant 0 : i32
        %gather3A_638 = arith.constant 0 : i32
        %gather3A_639 = tpu.memref_slice %arg6[%gather3A_636, %gather3A_637, %gather3A_638] : memref<2x1024x32xf32, #tpu.memory_space<vmem>> -> memref<1x1024x32xf32, #tpu.memory_space<vmem>>
        %gather3A_640 = tpu.memref_squeeze %gather3A_639 : memref<1x1024x32xf32, #tpu.memory_space<vmem>> -> memref<1024x32xf32, #tpu.memory_space<vmem>>
        %gather3A_641 = tpu.vector_load_idx %gather3A_640[%add3A_480, %add3A_500] : memref<1024x32xf32, #tpu.memory_space<vmem>>[vector<16xi32>, vector<16xi32>], vector<16xf32>,
        tpu.vector_store_idx %arg7[%broadcast_in_dim3A, %add3A_500, %add3A_18], %gather3A_641 : memref<8x32x128xf32, #tpu.memory_space<vmem>>[vector<16xi32>, vector<16xi32>, vector<16xi32>], vector<16xf32>,
        %gather3A_642 = arith.constant 0 : i32
        %gather3A_643 = arith.constant 0 : i32
        %gather3A_644 = arith.constant 0 : i32
        %gather3A_645 = tpu.memref_slice %arg6[%gather3A_642, %gather3A_643, %gather3A_644] : memref<2x1024x32xf32, #tpu.memory_space<vmem>> -> memref<1x1024x32xf32, #tpu.memory_space<vmem>>
        %gather3A_646 = tpu.memref_squeeze %gather3A_645 : memref<1x1024x32xf32, #tpu.memory_space<vmem>> -> memref<1024x32xf32, #tpu.memory_space<vmem>>
        %gather3A_647 = tpu.vector_load_idx %gather3A_646[%add3A_480, %and3A_507] : memref<1024x32xf32, #tpu.memory_space<vmem>>[vector<16xi32>, vector<16xi32>], vector<16xf32>,
        tpu.vector_store_idx %arg7[%broadcast_in_dim3A, %and3A_507, %add3A_18], %gather3A_647 : memref<8x32x128xf32, #tpu.memory_space<vmem>>[vector<16xi32>, vector<16xi32>, vector<16xi32>], vector<16xf32>,
        %gather3A_648 = arith.constant 0 : i32
        %gather3A_649 = arith.constant 0 : i32
        %gather3A_650 = arith.constant 0 : i32
        %gather3A_651 = tpu.memref_slice %arg6[%gather3A_648, %gather3A_649, %gather3A_650] : memref<2x1024x32xf32, #tpu.memory_space<vmem>> -> memref<1x1024x32xf32, #tpu.memory_space<vmem>>
        %gather3A_652 = tpu.memref_squeeze %gather3A_651 : memref<1x1024x32xf32, #tpu.memory_space<vmem>> -> memref<1024x32xf32, #tpu.memory_space<vmem>>
        %gather3A_653 = tpu.vector_load_idx %gather3A_652[%add3A_480, %add3A_510] : memref<1024x32xf32, #tpu.memory_space<vmem>>[vector<16xi32>, vector<16xi32>], vector<16xf32>,
        tpu.vector_store_idx %arg7[%broadcast_in_dim3A, %add3A_510, %add3A_18], %gather3A_653 : memref<8x32x128xf32, #tpu.memory_space<vmem>>[vector<16xi32>, vector<16xi32>, vector<16xi32>], vector<16xf32>,
        %gather3A_654 = arith.constant 0 : i32
        %gather3A_655 = arith.constant 0 : i32
        %gather3A_656 = arith.constant 0 : i32
        %gather3A_657 = tpu.memref_slice %arg6[%gather3A_654, %gather3A_655, %gather3A_656] : memref<2x1024x32xf32, #tpu.memory_space<vmem>> -> memref<1x1024x32xf32, #tpu.memory_space<vmem>>
        %gather3A_658 = tpu.memref_squeeze %gather3A_657 : memref<1x1024x32xf32, #tpu.memory_space<vmem>> -> memref<1024x32xf32, #tpu.memory_space<vmem>>
        %gather3A_659 = tpu.vector_load_idx %gather3A_658[%add3A_481, %and3A_497] : memref<1024x32xf32, #tpu.memory_space<vmem>>[vector<16xi32>, vector<16xi32>], vector<16xf32>,
        tpu.vector_store_idx %arg7[%broadcast_in_dim3A, %and3A_497, %add3A_21], %gather3A_659 : memref<8x32x128xf32, #tpu.memory_space<vmem>>[vector<16xi32>, vector<16xi32>, vector<16xi32>], vector<16xf32>,
        %gather3A_660 = arith.constant 0 : i32
        %gather3A_661 = arith.constant 0 : i32
        %gather3A_662 = arith.constant 0 : i32
        %gather3A_663 = tpu.memref_slice %arg6[%gather3A_660, %gather3A_661, %gather3A_662] : memref<2x1024x32xf32, #tpu.memory_space<vmem>> -> memref<1x1024x32xf32, #tpu.memory_space<vmem>>
        %gather3A_664 = tpu.memref_squeeze %gather3A_663 : memref<1x1024x32xf32, #tpu.memory_space<vmem>> -> memref<1024x32xf32, #tpu.memory_space<vmem>>
        %gather3A_665 = tpu.vector_load_idx %gather3A_664[%add3A_481, %add3A_500] : memref<1024x32xf32, #tpu.memory_space<vmem>>[vector<16xi32>, vector<16xi32>], vector<16xf32>,
        tpu.vector_store_idx %arg7[%broadcast_in_dim3A, %add3A_500, %add3A_21], %gather3A_665 : memref<8x32x128xf32, #tpu.memory_space<vmem>>[vector<16xi32>, vector<16xi32>, vector<16xi32>], vector<16xf32>,
        %gather3A_666 = arith.constant 0 : i32
        %gather3A_667 = arith.constant 0 : i32
        %gather3A_668 = arith.constant 0 : i32
        %gather3A_669 = tpu.memref_slice %arg6[%gather3A_666, %gather3A_667, %gather3A_668] : memref<2x1024x32xf32, #tpu.memory_space<vmem>> -> memref<1x1024x32xf32, #tpu.memory_space<vmem>>
        %gather3A_670 = tpu.memref_squeeze %gather3A_669 : memref<1x1024x32xf32, #tpu.memory_space<vmem>> -> memref<1024x32xf32, #tpu.memory_space<vmem>>
        %gather3A_671 = tpu.vector_load_idx %gather3A_670[%add3A_481, %and3A_507] : memref<1024x32xf32, #tpu.memory_space<vmem>>[vector<16xi32>, vector<16xi32>], vector<16xf32>,
        tpu.vector_store_idx %arg7[%broadcast_in_dim3A, %and3A_507, %add3A_21], %gather3A_671 : memref<8x32x128xf32, #tpu.memory_space<vmem>>[vector<16xi32>, vector<16xi32>, vector<16xi32>], vector<16xf32>,
        %gather3A_672 = arith.constant 0 : i32
        %gather3A_673 = arith.constant 0 : i32
        %gather3A_674 = arith.constant 0 : i32
        %gather3A_675 = tpu.memref_slice %arg6[%gather3A_672, %gather3A_673, %gather3A_674] : memref<2x1024x32xf32, #tpu.memory_space<vmem>> -> memref<1x1024x32xf32, #tpu.memory_space<vmem>>
        %gather3A_676 = tpu.memref_squeeze %gather3A_675 : memref<1x1024x32xf32, #tpu.memory_space<vmem>> -> memref<1024x32xf32, #tpu.memory_space<vmem>>
        %gather3A_677 = tpu.vector_load_idx %gather3A_676[%add3A_481, %add3A_510] : memref<1024x32xf32, #tpu.memory_space<vmem>>[vector<16xi32>, vector<16xi32>], vector<16xf32>,
        tpu.vector_store_idx %arg7[%broadcast_in_dim3A, %add3A_510, %add3A_21], %gather3A_677 : memref<8x32x128xf32, #tpu.memory_space<vmem>>[vector<16xi32>, vector<16xi32>, vector<16xi32>], vector<16xf32>,
        %gather3A_678 = arith.constant 0 : i32
        %gather3A_679 = arith.constant 0 : i32
        %gather3A_680 = arith.constant 0 : i32
        %gather3A_681 = tpu.memref_slice %arg6[%gather3A_678, %gather3A_679, %gather3A_680] : memref<2x1024x32xf32, #tpu.memory_space<vmem>> -> memref<1x1024x32xf32, #tpu.memory_space<vmem>>
        %gather3A_682 = tpu.memref_squeeze %gather3A_681 : memref<1x1024x32xf32, #tpu.memory_space<vmem>> -> memref<1024x32xf32, #tpu.memory_space<vmem>>
        %gather3A_683 = tpu.vector_load_idx %gather3A_682[%add3A_482, %and3A_497] : memref<1024x32xf32, #tpu.memory_space<vmem>>[vector<16xi32>, vector<16xi32>], vector<16xf32>,
        tpu.vector_store_idx %arg7[%broadcast_in_dim3A, %and3A_497, %add3A_24], %gather3A_683 : memref<8x32x128xf32, #tpu.memory_space<vmem>>[vector<16xi32>, vector<16xi32>, vector<16xi32>], vector<16xf32>,
        %gather3A_684 = arith.constant 0 : i32
        %gather3A_685 = arith.constant 0 : i32
        %gather3A_686 = arith.constant 0 : i32
        %gather3A_687 = tpu.memref_slice %arg6[%gather3A_684, %gather3A_685, %gather3A_686] : memref<2x1024x32xf32, #tpu.memory_space<vmem>> -> memref<1x1024x32xf32, #tpu.memory_space<vmem>>
        %gather3A_688 = tpu.memref_squeeze %gather3A_687 : memref<1x1024x32xf32, #tpu.memory_space<vmem>> -> memref<1024x32xf32, #tpu.memory_space<vmem>>
        %gather3A_689 = tpu.vector_load_idx %gather3A_688[%add3A_482, %add3A_500] : memref<1024x32xf32, #tpu.memory_space<vmem>>[vector<16xi32>, vector<16xi32>], vector<16xf32>,
        tpu.vector_store_idx %arg7[%broadcast_in_dim3A, %add3A_500, %add3A_24], %gather3A_689 : memref<8x32x128xf32, #tpu.memory_space<vmem>>[vector<16xi32>, vector<16xi32>, vector<16xi32>], vector<16xf32>,
        %gather3A_690 = arith.constant 0 : i32
        %gather3A_691 = arith.constant 0 : i32
        %gather3A_692 = arith.constant 0 : i32
        %gather3A_693 = tpu.memref_slice %arg6[%gather3A_690, %gather3A_691, %gather3A_692] : memref<2x1024x32xf32, #tpu.memory_space<vmem>> -> memref<1x1024x32xf32, #tpu.memory_space<vmem>>
        %gather3A_694 = tpu.memref_squeeze %gather3A_693 : memref<1x1024x32xf32, #tpu.memory_space<vmem>> -> memref<1024x32xf32, #tpu.memory_space<vmem>>
        %gather3A_695 = tpu.vector_load_idx %gather3A_694[%add3A_482, %and3A_507] : memref<1024x32xf32, #tpu.memory_space<vmem>>[vector<16xi32>, vector<16xi32>], vector<16xf32>,
        tpu.vector_store_idx %arg7[%broadcast_in_dim3A, %and3A_507, %add3A_24], %gather3A_695 : memref<8x32x128xf32, #tpu.memory_space<vmem>>[vector<16xi32>, vector<16xi32>, vector<16xi32>], vector<16xf32>,
        %gather3A_696 = arith.constant 0 : i32
        %gather3A_697 = arith.constant 0 : i32
        %gather3A_698 = arith.constant 0 : i32
        %gather3A_699 = tpu.memref_slice %arg6[%gather3A_696, %gather3A_697, %gather3A_698] : memref<2x1024x32xf32, #tpu.memory_space<vmem>> -> memref<1x1024x32xf32, #tpu.memory_space<vmem>>
        %gather3A_700 = tpu.memref_squeeze %gather3A_699 : memref<1x1024x32xf32, #tpu.memory_space<vmem>> -> memref<1024x32xf32, #tpu.memory_space<vmem>>
        %gather3A_701 = tpu.vector_load_idx %gather3A_700[%add3A_482, %add3A_510] : memref<1024x32xf32, #tpu.memory_space<vmem>>[vector<16xi32>, vector<16xi32>], vector<16xf32>,
        tpu.vector_store_idx %arg7[%broadcast_in_dim3A, %add3A_510, %add3A_24], %gather3A_701 : memref<8x32x128xf32, #tpu.memory_space<vmem>>[vector<16xi32>, vector<16xi32>, vector<16xi32>], vector<16xf32>,
      }
      %scan3A_488 = arith.constant 8 : i32
    }
    %scan3A_318 = arith.constant 8 : i32
    %dma_start3A_319 = arith.constant 0 : i32
    %dma_start3A_320 = arith.constant 0 : i32
    %dma_start3A_321 = arith.constant 0 : i32
    %dma_start3A_322 = arith.constant 0 : i32
    %dma_start3A_323 = tpu.memref_slice %arg7[%dma_start3A_320, %dma_start3A_321, %dma_start3A_322] : memref<8x32x128xf32, #tpu.memory_space<vmem>> -> memref<8x8x128xf32, #tpu.memory_space<vmem>>
    %dma_start3A_324 = arith.constant 192 : i32
    %dma_start3A_325 = arith.constant 0 : i32
    %dma_start3A_326 = arith.constant 0 : i32
    %dma_start3A_327 = tpu.memref_slice %arg4[%dma_start3A_324, %dma_start3A_319, %add3A, %dma_start3A_325, %dma_start3A_326] : memref<200x4x32x8x128xf32, #tpu.memory_space<hbm>> -> memref<8x1x1x8x128xf32, #tpu.memory_space<hbm>>
    %dma_start3A_328 = tpu.memref_squeeze %dma_start3A_327 : memref<8x1x1x8x128xf32, #tpu.memory_space<hbm>> -> memref<8x8x128xf32, #tpu.memory_space<hbm>>
    %dma_start3A_329 = arith.constant 192 : i32
    %dma_start3A_330 = arith.constant 0 : i32
    %dma_start3A_331 = arith.constant 0 : i32
    %dma_start3A_332 = tpu.memref_slice %arg4[%dma_start3A_329, %dma_start3A_319, %add3A, %dma_start3A_330, %dma_start3A_331] : memref<200x4x32x8x128xf32, #tpu.memory_space<hbm>> -> memref<8x1x1x8x128xf32, #tpu.memory_space<hbm>>
    %dma_start3A_333 = tpu.memref_squeeze %dma_start3A_332 : memref<8x1x1x8x128xf32, #tpu.memory_space<hbm>> -> memref<8x8x128xf32, #tpu.memory_space<hbm>>
    %dma_start3A_334 = arith.constant 0 : i32
    %dma_start3A_335 = arith.constant 0 : i32
    %dma_start3A_336 = arith.constant 0 : i32
    %dma_start3A_337 = tpu.memref_slice %arg7[%dma_start3A_334, %dma_start3A_335, %dma_start3A_336] : memref<8x32x128xf32, #tpu.memory_space<vmem>> -> memref<8x8x128xf32, #tpu.memory_space<vmem>>
    tpu.enqueue_dma source(%dma_start3A_337 : memref<8x8x128xf32, #tpu.memory_space<vmem>>) target(%dma_start3A_333 : memref<8x8x128xf32, #tpu.memory_space<hbm>>) target_semaphore(%arg10 : memref<!tpu.dma_semaphore, #tpu.memory_space<semaphore_mem>>)
    %dma_start3A_338 = arith.constant 1 : i32
    %dma_start3A_339 = arith.constant 0 : i32
    %dma_start3A_340 = arith.constant 8 : i32
    %dma_start3A_341 = arith.constant 0 : i32
    %dma_start3A_342 = tpu.memref_slice %arg7[%dma_start3A_339, %dma_start3A_340, %dma_start3A_341] : memref<8x32x128xf32, #tpu.memory_space<vmem>> -> memref<8x8x128xf32, #tpu.memory_space<vmem>>
    %dma_start3A_343 = arith.constant 192 : i32
    %dma_start3A_344 = arith.constant 0 : i32
    %dma_start3A_345 = arith.constant 0 : i32
    %dma_start3A_346 = tpu.memref_slice %arg4[%dma_start3A_343, %dma_start3A_338, %add3A, %dma_start3A_344, %dma_start3A_345] : memref<200x4x32x8x128xf32, #tpu.memory_space<hbm>> -> memref<8x1x1x8x128xf32, #tpu.memory_space<hbm>>
    %dma_start3A_347 = tpu.memref_squeeze %dma_start3A_346 : memref<8x1x1x8x128xf32, #tpu.memory_space<hbm>> -> memref<8x8x128xf32, #tpu.memory_space<hbm>>
    %dma_start3A_348 = arith.constant 192 : i32
    %dma_start3A_349 = arith.constant 0 : i32
    %dma_start3A_350 = arith.constant 0 : i32
    %dma_start3A_351 = tpu.memref_slice %arg4[%dma_start3A_348, %dma_start3A_338, %add3A, %dma_start3A_349, %dma_start3A_350] : memref<200x4x32x8x128xf32, #tpu.memory_space<hbm>> -> memref<8x1x1x8x128xf32, #tpu.memory_space<hbm>>
    %dma_start3A_352 = tpu.memref_squeeze %dma_start3A_351 : memref<8x1x1x8x128xf32, #tpu.memory_space<hbm>> -> memref<8x8x128xf32, #tpu.memory_space<hbm>>
    %dma_start3A_353 = arith.constant 0 : i32
    %dma_start3A_354 = arith.constant 8 : i32
    %dma_start3A_355 = arith.constant 0 : i32
    %dma_start3A_356 = tpu.memref_slice %arg7[%dma_start3A_353, %dma_start3A_354, %dma_start3A_355] : memref<8x32x128xf32, #tpu.memory_space<vmem>> -> memref<8x8x128xf32, #tpu.memory_space<vmem>>
    tpu.enqueue_dma source(%dma_start3A_356 : memref<8x8x128xf32, #tpu.memory_space<vmem>>) target(%dma_start3A_352 : memref<8x8x128xf32, #tpu.memory_space<hbm>>) target_semaphore(%arg10 : memref<!tpu.dma_semaphore, #tpu.memory_space<semaphore_mem>>)
    %dma_start3A_357 = arith.constant 2 : i32
    %dma_start3A_358 = arith.constant 0 : i32
    %dma_start3A_359 = arith.constant 16 : i32
    %dma_start3A_360 = arith.constant 0 : i32
    %dma_start3A_361 = tpu.memref_slice %arg7[%dma_start3A_358, %dma_start3A_359, %dma_start3A_360] : memref<8x32x128xf32, #tpu.memory_space<vmem>> -> memref<8x8x128xf32, #tpu.memory_space<vmem>>
    %dma_start3A_362 = arith.constant 192 : i32
    %dma_start3A_363 = arith.constant 0 : i32
    %dma_start3A_364 = arith.constant 0 : i32
    %dma_start3A_365 = tpu.memref_slice %arg4[%dma_start3A_362, %dma_start3A_357, %add3A, %dma_start3A_363, %dma_start3A_364] : memref<200x4x32x8x128xf32, #tpu.memory_space<hbm>> -> memref<8x1x1x8x128xf32, #tpu.memory_space<hbm>>
    %dma_start3A_366 = tpu.memref_squeeze %dma_start3A_365 : memref<8x1x1x8x128xf32, #tpu.memory_space<hbm>> -> memref<8x8x128xf32, #tpu.memory_space<hbm>>
    %dma_start3A_367 = arith.constant 192 : i32
    %dma_start3A_368 = arith.constant 0 : i32
    %dma_start3A_369 = arith.constant 0 : i32
    %dma_start3A_370 = tpu.memref_slice %arg4[%dma_start3A_367, %dma_start3A_357, %add3A, %dma_start3A_368, %dma_start3A_369] : memref<200x4x32x8x128xf32, #tpu.memory_space<hbm>> -> memref<8x1x1x8x128xf32, #tpu.memory_space<hbm>>
    %dma_start3A_371 = tpu.memref_squeeze %dma_start3A_370 : memref<8x1x1x8x128xf32, #tpu.memory_space<hbm>> -> memref<8x8x128xf32, #tpu.memory_space<hbm>>
    %dma_start3A_372 = arith.constant 0 : i32
    %dma_start3A_373 = arith.constant 16 : i32
    %dma_start3A_374 = arith.constant 0 : i32
    %dma_start3A_375 = tpu.memref_slice %arg7[%dma_start3A_372, %dma_start3A_373, %dma_start3A_374] : memref<8x32x128xf32, #tpu.memory_space<vmem>> -> memref<8x8x128xf32, #tpu.memory_space<vmem>>
    tpu.enqueue_dma source(%dma_start3A_375 : memref<8x8x128xf32, #tpu.memory_space<vmem>>) target(%dma_start3A_371 : memref<8x8x128xf32, #tpu.memory_space<hbm>>) target_semaphore(%arg10 : memref<!tpu.dma_semaphore, #tpu.memory_space<semaphore_mem>>)
    %dma_start3A_376 = arith.constant 3 : i32
    %dma_start3A_377 = arith.constant 0 : i32
    %dma_start3A_378 = arith.constant 24 : i32
    %dma_start3A_379 = arith.constant 0 : i32
    %dma_start3A_380 = tpu.memref_slice %arg7[%dma_start3A_377, %dma_start3A_378, %dma_start3A_379] : memref<8x32x128xf32, #tpu.memory_space<vmem>> -> memref<8x8x128xf32, #tpu.memory_space<vmem>>
    %dma_start3A_381 = arith.constant 192 : i32
    %dma_start3A_382 = arith.constant 0 : i32
    %dma_start3A_383 = arith.constant 0 : i32
    %dma_start3A_384 = tpu.memref_slice %arg4[%dma_start3A_381, %dma_start3A_376, %add3A, %dma_start3A_382, %dma_start3A_383] : memref<200x4x32x8x128xf32, #tpu.memory_space<hbm>> -> memref<8x1x1x8x128xf32, #tpu.memory_space<hbm>>
    %dma_start3A_385 = tpu.memref_squeeze %dma_start3A_384 : memref<8x1x1x8x128xf32, #tpu.memory_space<hbm>> -> memref<8x8x128xf32, #tpu.memory_space<hbm>>
    %dma_start3A_386 = arith.constant 192 : i32
    %dma_start3A_387 = arith.constant 0 : i32
    %dma_start3A_388 = arith.constant 0 : i32
    %dma_start3A_389 = tpu.memref_slice %arg4[%dma_start3A_386, %dma_start3A_376, %add3A, %dma_start3A_387, %dma_start3A_388] : memref<200x4x32x8x128xf32, #tpu.memory_space<hbm>> -> memref<8x1x1x8x128xf32, #tpu.memory_space<hbm>>
    %dma_start3A_390 = tpu.memref_squeeze %dma_start3A_389 : memref<8x1x1x8x128xf32, #tpu.memory_space<hbm>> -> memref<8x8x128xf32, #tpu.memory_space<hbm>>
    %dma_start3A_391 = arith.constant 0 : i32
    %dma_start3A_392 = arith.constant 24 : i32
    %dma_start3A_393 = arith.constant 0 : i32
    %dma_start3A_394 = tpu.memref_slice %arg7[%dma_start3A_391, %dma_start3A_392, %dma_start3A_393] : memref<8x32x128xf32, #tpu.memory_space<vmem>> -> memref<8x8x128xf32, #tpu.memory_space<vmem>>
    tpu.enqueue_dma source(%dma_start3A_394 : memref<8x8x128xf32, #tpu.memory_space<vmem>>) target(%dma_start3A_390 : memref<8x8x128xf32, #tpu.memory_space<hbm>>) target_semaphore(%arg10 : memref<!tpu.dma_semaphore, #tpu.memory_space<semaphore_mem>>)
    %dma_wait3A_395 = arith.constant 0 : i32
    %dma_wait3A_396 = arith.constant 0 : i32
    %dma_wait3A_397 = arith.constant 0 : i32
    %dma_wait3A_398 = arith.constant 0 : i32
    %dma_wait3A_399 = tpu.memref_slice %arg7[%dma_wait3A_396, %dma_wait3A_397, %dma_wait3A_398] : memref<8x32x128xf32, #tpu.memory_space<vmem>> -> memref<8x8x128xf32, #tpu.memory_space<vmem>>
    %dma_wait3A_400 = arith.constant 0 : i32
    %dma_wait3A_401 = arith.constant 0 : i32
    %dma_wait3A_402 = arith.constant 0 : i32
    %dma_wait3A_403 = tpu.memref_slice %arg4[%dma_wait3A_400, %dma_wait3A_395, %add3A, %dma_wait3A_401, %dma_wait3A_402] : memref<200x4x32x8x128xf32, #tpu.memory_space<hbm>> -> memref<8x1x1x8x128xf32, #tpu.memory_space<hbm>>
    %dma_wait3A_404 = tpu.memref_squeeze %dma_wait3A_403 : memref<8x1x1x8x128xf32, #tpu.memory_space<hbm>> -> memref<8x8x128xf32, #tpu.memory_space<hbm>>
    %dma_wait3A_405 = arith.constant 0 : i32
    %dma_wait3A_406 = arith.constant 0 : i32
    %dma_wait3A_407 = arith.constant 0 : i32
    %dma_wait3A_408 = tpu.memref_slice %arg4[%dma_wait3A_405, %dma_wait3A_395, %add3A, %dma_wait3A_406, %dma_wait3A_407] : memref<200x4x32x8x128xf32, #tpu.memory_space<hbm>> -> memref<8x1x1x8x128xf32, #tpu.memory_space<hbm>>
    %dma_wait3A_409 = tpu.memref_squeeze %dma_wait3A_408 : memref<8x1x1x8x128xf32, #tpu.memory_space<hbm>> -> memref<8x8x128xf32, #tpu.memory_space<hbm>>
    %dma_wait3A_410 = arith.constant 0 : i32
    %dma_wait3A_411 = arith.constant 0 : i32
    %dma_wait3A_412 = arith.constant 0 : i32
    %dma_wait3A_413 = tpu.memref_slice %arg7[%dma_wait3A_410, %dma_wait3A_411, %dma_wait3A_412] : memref<8x32x128xf32, #tpu.memory_space<vmem>> -> memref<8x8x128xf32, #tpu.memory_space<vmem>>
    tpu.wait_dma2 semaphore(%arg10 : memref<!tpu.dma_semaphore, #tpu.memory_space<semaphore_mem>>) src(%dma_wait3A_413 : memref<8x8x128xf32, #tpu.memory_space<vmem>>) dst(%dma_wait3A_409 : memref<8x8x128xf32, #tpu.memory_space<hbm>>)
    %dma_wait3A_414 = arith.constant 1 : i32
    %dma_wait3A_415 = arith.constant 0 : i32
    %dma_wait3A_416 = arith.constant 8 : i32
    %dma_wait3A_417 = arith.constant 0 : i32
    %dma_wait3A_418 = tpu.memref_slice %arg7[%dma_wait3A_415, %dma_wait3A_416, %dma_wait3A_417] : memref<8x32x128xf32, #tpu.memory_space<vmem>> -> memref<8x8x128xf32, #tpu.memory_space<vmem>>
    %dma_wait3A_419 = arith.constant 0 : i32
    %dma_wait3A_420 = arith.constant 0 : i32
    %dma_wait3A_421 = arith.constant 0 : i32
    %dma_wait3A_422 = tpu.memref_slice %arg4[%dma_wait3A_419, %dma_wait3A_414, %add3A, %dma_wait3A_420, %dma_wait3A_421] : memref<200x4x32x8x128xf32, #tpu.memory_space<hbm>> -> memref<8x1x1x8x128xf32, #tpu.memory_space<hbm>>
    %dma_wait3A_423 = tpu.memref_squeeze %dma_wait3A_422 : memref<8x1x1x8x128xf32, #tpu.memory_space<hbm>> -> memref<8x8x128xf32, #tpu.memory_space<hbm>>
    %dma_wait3A_424 = arith.constant 0 : i32
    %dma_wait3A_425 = arith.constant 0 : i32
    %dma_wait3A_426 = arith.constant 0 : i32
    %dma_wait3A_427 = tpu.memref_slice %arg4[%dma_wait3A_424, %dma_wait3A_414, %add3A, %dma_wait3A_425, %dma_wait3A_426] : memref<200x4x32x8x128xf32, #tpu.memory_space<hbm>> -> memref<8x1x1x8x128xf32, #tpu.memory_space<hbm>>
    %dma_wait3A_428 = tpu.memref_squeeze %dma_wait3A_427 : memref<8x1x1x8x128xf32, #tpu.memory_space<hbm>> -> memref<8x8x128xf32, #tpu.memory_space<hbm>>
    %dma_wait3A_429 = arith.constant 0 : i32
    %dma_wait3A_430 = arith.constant 8 : i32
    %dma_wait3A_431 = arith.constant 0 : i32
    %dma_wait3A_432 = tpu.memref_slice %arg7[%dma_wait3A_429, %dma_wait3A_430, %dma_wait3A_431] : memref<8x32x128xf32, #tpu.memory_space<vmem>> -> memref<8x8x128xf32, #tpu.memory_space<vmem>>
    tpu.wait_dma2 semaphore(%arg10 : memref<!tpu.dma_semaphore, #tpu.memory_space<semaphore_mem>>) src(%dma_wait3A_432 : memref<8x8x128xf32, #tpu.memory_space<vmem>>) dst(%dma_wait3A_428 : memref<8x8x128xf32, #tpu.memory_space<hbm>>)
    %dma_wait3A_433 = arith.constant 2 : i32
    %dma_wait3A_434 = arith.constant 0 : i32
    %dma_wait3A_435 = arith.constant 16 : i32
    %dma_wait3A_436 = arith.constant 0 : i32
    %dma_wait3A_437 = tpu.memref_slice %arg7[%dma_wait3A_434, %dma_wait3A_435, %dma_wait3A_436] : memref<8x32x128xf32, #tpu.memory_space<vmem>> -> memref<8x8x128xf32, #tpu.memory_space<vmem>>
    %dma_wait3A_438 = arith.constant 0 : i32
    %dma_wait3A_439 = arith.constant 0 : i32
    %dma_wait3A_440 = arith.constant 0 : i32
    %dma_wait3A_441 = tpu.memref_slice %arg4[%dma_wait3A_438, %dma_wait3A_433, %add3A, %dma_wait3A_439, %dma_wait3A_440] : memref<200x4x32x8x128xf32, #tpu.memory_space<hbm>> -> memref<8x1x1x8x128xf32, #tpu.memory_space<hbm>>
    %dma_wait3A_442 = tpu.memref_squeeze %dma_wait3A_441 : memref<8x1x1x8x128xf32, #tpu.memory_space<hbm>> -> memref<8x8x128xf32, #tpu.memory_space<hbm>>
    %dma_wait3A_443 = arith.constant 0 : i32
    %dma_wait3A_444 = arith.constant 0 : i32
    %dma_wait3A_445 = arith.constant 0 : i32
    %dma_wait3A_446 = tpu.memref_slice %arg4[%dma_wait3A_443, %dma_wait3A_433, %add3A, %dma_wait3A_444, %dma_wait3A_445] : memref<200x4x32x8x128xf32, #tpu.memory_space<hbm>> -> memref<8x1x1x8x128xf32, #tpu.memory_space<hbm>>
    %dma_wait3A_447 = tpu.memref_squeeze %dma_wait3A_446 : memref<8x1x1x8x128xf32, #tpu.memory_space<hbm>> -> memref<8x8x128xf32, #tpu.memory_space<hbm>>
    %dma_wait3A_448 = arith.constant 0 : i32
    %dma_wait3A_449 = arith.constant 16 : i32
    %dma_wait3A_450 = arith.constant 0 : i32
    %dma_wait3A_451 = tpu.memref_slice %arg7[%dma_wait3A_448, %dma_wait3A_449, %dma_wait3A_450] : memref<8x32x128xf32, #tpu.memory_space<vmem>> -> memref<8x8x128xf32, #tpu.memory_space<vmem>>
    tpu.wait_dma2 semaphore(%arg10 : memref<!tpu.dma_semaphore, #tpu.memory_space<semaphore_mem>>) src(%dma_wait3A_451 : memref<8x8x128xf32, #tpu.memory_space<vmem>>) dst(%dma_wait3A_447 : memref<8x8x128xf32, #tpu.memory_space<hbm>>)
    %dma_wait3A_452 = arith.constant 3 : i32
    %dma_wait3A_453 = arith.constant 0 : i32
    %dma_wait3A_454 = arith.constant 24 : i32
    %dma_wait3A_455 = arith.constant 0 : i32
    %dma_wait3A_456 = tpu.memref_slice %arg7[%dma_wait3A_453, %dma_wait3A_454, %dma_wait3A_455] : memref<8x32x128xf32, #tpu.memory_space<vmem>> -> memref<8x8x128xf32, #tpu.memory_space<vmem>>
    %dma_wait3A_457 = arith.constant 0 : i32
    %dma_wait3A_458 = arith.constant 0 : i32
    %dma_wait3A_459 = arith.constant 0 : i32
    %dma_wait3A_460 = tpu.memref_slice %arg4[%dma_wait3A_457, %dma_wait3A_452, %add3A, %dma_wait3A_458, %dma_wait3A_459] : memref<200x4x32x8x128xf32, #tpu.memory_space<hbm>> -> memref<8x1x1x8x128xf32, #tpu.memory_space<hbm>>
    %dma_wait3A_461 = tpu.memref_squeeze %dma_wait3A_460 : memref<8x1x1x8x128xf32, #tpu.memory_space<hbm>> -> memref<8x8x128xf32, #tpu.memory_space<hbm>>
    %dma_wait3A_462 = arith.constant 0 : i32
    %dma_wait3A_463 = arith.constant 0 : i32
    %dma_wait3A_464 = arith.constant 0 : i32
    %dma_wait3A_465 = tpu.memref_slice %arg4[%dma_wait3A_462, %dma_wait3A_452, %add3A, %dma_wait3A_463, %dma_wait3A_464] : memref<200x4x32x8x128xf32, #tpu.memory_space<hbm>> -> memref<8x1x1x8x128xf32, #tpu.memory_space<hbm>>
    %dma_wait3A_466 = tpu.memref_squeeze %dma_wait3A_465 : memref<8x1x1x8x128xf32, #tpu.memory_space<hbm>> -> memref<8x8x128xf32, #tpu.memory_space<hbm>>
    %dma_wait3A_467 = arith.constant 0 : i32
    %dma_wait3A_468 = arith.constant 24 : i32
    %dma_wait3A_469 = arith.constant 0 : i32
    %dma_wait3A_470 = tpu.memref_slice %arg7[%dma_wait3A_467, %dma_wait3A_468, %dma_wait3A_469] : memref<8x32x128xf32, #tpu.memory_space<vmem>> -> memref<8x8x128xf32, #tpu.memory_space<vmem>>
    tpu.wait_dma2 semaphore(%arg10 : memref<!tpu.dma_semaphore, #tpu.memory_space<semaphore_mem>>) src(%dma_wait3A_470 : memref<8x8x128xf32, #tpu.memory_space<vmem>>) dst(%dma_wait3A_466 : memref<8x8x128xf32, #tpu.memory_space<hbm>>)
    return
  }
}

</mosaic_0001>

<sc_bundles>
// kernel: kernel.3.cloned.1.call-start
scs
__scs_entry_jumppad:
0x0: {  	(pc) =	sbr.rel $0x88, $3  }
0x1: {  	(tag) =	ssettag $0x0;
	lr =	simm.s32 $0x1  }
0x2: {  	[smem:$0x3F9F] =	sst lr;
	_ =	strace $0xD0000000  }
0x3: {  	_ = 	snop  }
0x4: {  	_ = 	snop  }
0x5: {  	_ = 	snop  }
0x6: {  	_ = 	snop  }
0x7: {  	_ = 	snop  }
__scs_overlays_trampoline_lowered:
0x8: {  	[smem:$0x3FAE] =	sst s0  }
0x9: {  	[smem:$0x3FAF] =	sst s1  }
0xa: {  	[smem:$0x3FB0] =	sst s2  }
0xb: {  	[smem:$0x3FB1] =	sst s3  }
0xc: {  	[smem:$0x3FB2] =	sst s4  }
0xd: {  	[smem:$0x3FB3] =	sst s5  }
0xe: {  	[smem:$0x3FB4] =	sst s6  }
0xf: {  	[smem:$0x3FB5] =	sst s7  }
0x10: {  	[smem:$0x3FB6] =	sst s8  }
0x11: {  	[smem:$0x3FB7] =	sst s9;
	s0 =	simm.s32 @!p0 $0x0  }
0x12: {  	s1 =	sld [smem:$0x3F9D];
	s0 =	simm.s32 @p0 $0x1  }
0x13: {  	[smem:$0x3FB8] =	sst s0;
	s0 =	simm.s32 @!p1 $0x0  }
0x14: {  	s2 =	sld [smem:$0x3F9C];
	s0 =	simm.s32 @p1 $0x1  }
0x15: {  	[smem:$0x3FB9] =	sst s0;
	s0 =	simm.s32 @!p2 $0x0  }
0x16: {  	s3 =	sld [smem:$0x3FDB];
	s0 =	simm.s32 @p2 $0x1  }
0x17: {  	s4 =	simm.s32 $0x1BF5;
	[smem:$0x3FBB] =	sst s0  }
0x18: {  	s0 =	sld [smem:$0x3F9E];
	_ =	swait.ge [sflag:s4], $0x0  }
0x19: {  	s7 =	sld [smem:$0x3F9F]  }
0x1a: {  	s8 =	sadd.s32 $0xFFFFE003, lr  }
0x1b: {  	s9 =	sadd.s32 $0xFFFFFEF7, lr;
	s5 =	simm.s32 $0xFFFFFFFF;
	p2 =	slt.u32 s8, $0xFFFFF086  }
0x1c: {  	p1 =	slt.u32 s9, $0xF7A;
	s5 =	simm.s32 @!p2 $0x0  }
0x1d: {  	s5 =	simm.s32 @p1 $0x1;
	p0 =	seq.s32 s7, s2  }
0x1e: {  	s7 =	smul.u32 @!p0 $0xF7A, s2;
	p2 =	seq.s32 @!p0 s5, $0x0  }
0x1f: {  	s9 =	smul.u32 $0xF7A, s1;
	s8 =	simm.s32 @!p0 $0x1BF5;
	p2 =	por !p2, p0  }
0x20: {  	[sflag:s8] =	ssyncset.s32 @!p0 $0xFFFFF086;
	s6 =	sadd.s32 @!p0 s3, s7;
	s7 =	simm.s32 @!p0 $0x108  }
0x21: {  	s3 =	sadd.s32 s3, s9;
	s6 =	sadd.s32 @!p0 $0x88, s6;
	s7 =	simm.s32 @p2 $0x1082  }
0x22: {  	[simem:s7], [sflag:s8] =	dma.local @!p0 [hbm:s6], $0xF7A  }
0x23: {  	s9 =	sor.u32 $0xD0000000, s2;
	s6 =	simm.s32 $0x108;
	_ =	swait.ge @!p0 [sflag:s8], $0x0  }
0x24: {  	s3 =	sadd.s32 $0x88, s3;
	s6 =	simm.s32 @!p1 $0x1082;
	[sflag:s4] =	ssyncset.s32 $0xFFFFF086  }
0x25: {  	[simem:s6], [sflag:s4] =	dma.local [hbm:s3], $0xF7A  }
0x26: {  	[smem:$0x3F9F] =	sst s1;
	(tag) =	ssettag s2;
	_ =	strace s9  }
0x27: {  	s1 =	sld [smem:$0x3FAF]  }
0x28: {  	s2 =	sld [smem:$0x3FB0]  }
0x29: {  	s4 =	sld [smem:$0x3FB2]  }
0x2a: {  	p0 =	seq.s32 s5, $0x0;
	s5 =	sld [smem:$0x3FB3]  }
0x2b: {  	s6 =	sld [smem:$0x3FB4]  }
0x2c: {  	s7 =	sld [smem:$0x3FB5]  }
0x2d: {  	s3 =	simm.s32 $0x108;
	s8 =	sld [smem:$0x3FB6]  }
0x2e: {  	s3 =	simm.s32 @!p0 $0x1082;
	s9 =	sld [smem:$0x3FB7]  }
0x2f: {  	lr =	sadd.s32 s0, s3;
	s0 =	sld [smem:$0x3FAE]  }
0x30: {  	s3 =	sld [smem:$0x3FB1]  }
0x31: {  	[smem:$0x3FBA] =	sst s10  }
0x32: {  	s10 =	sld [smem:$0x3FB8];
	_ =	sdelay $0x3  }
0x33: {  	p0 =	seq.s32 s10, $0x1;
	s10 =	sld [smem:$0x3FBA];
	_ =	sdelay $0x3  }
0x34: {  	[smem:$0x3FBA] =	sst s10  }
0x35: {  	s10 =	sld [smem:$0x3FB9];
	_ =	sdelay $0x3  }
0x36: {  	p1 =	seq.s32 s10, $0x1;
	s10 =	sld [smem:$0x3FBA];
	_ =	sdelay $0x3  }
0x37: {  	[smem:$0x3FBA] =	sst s10  }
0x38: {  	s10 =	sld [smem:$0x3FBB]  }
0x39: {  	_ = 	snop;
	(pc) =	sbr.ind lr, $3  }
0x3a: {  	_ = 	snop  }
0x3b: {  	_ = 	snop  }
0x3c: {  	p2 =	seq.s32 s10, $0x1;
	s10 =	sld [smem:$0x3FBA]  }
0x3d: {  	_ =	shalt  }
0x3e: {  	_ =	shalt  }
0x3f: {  	_ =	shalt  }
0x40: {  	_ =	shalt  }
0x41: {  	_ =	shalt  }
0x42: {  	_ =	shalt  }
0x43: {  	_ =	shalt  }
0x44: {  	_ =	shalt  }
0x45: {  	_ =	shalt  }
0x46: {  	_ =	shalt  }
0x47: {  	_ =	shalt  }
0x48: {  	_ =	shalt  }
0x49: {  	_ =	shalt  }
0x4a: {  	_ =	shalt  }
0x4b: {  	_ =	shalt  }
0x4c: {  	_ =	shalt  }
0x4d: {  	_ =	shalt  }
0x4e: {  	_ =	shalt  }
0x4f: {  	_ =	shalt  }
0x50: {  	_ =	shalt  }
0x51: {  	_ =	shalt  }
0x52: {  	_ =	shalt  }
0x53: {  	_ =	shalt  }
0x54: {  	_ =	shalt  }
0x55: {  	_ =	shalt  }
0x56: {  	_ =	shalt  }
0x57: {  	_ =	shalt  }
0x58: {  	_ =	shalt  }
0x59: {  	_ =	shalt  }
0x5a: {  	_ =	shalt  }
0x5b: {  	_ =	shalt  }
0x5c: {  	_ =	shalt  }
0x5d: {  	_ =	shalt  }
0x5e: {  	_ =	shalt  }
0x5f: {  	_ =	shalt  }
0x60: {  	_ =	shalt  }
0x61: {  	_ =	shalt  }
0x62: {  	_ =	shalt  }
0x63: {  	_ =	shalt  }
0x64: {  	_ =	shalt  }
0x65: {  	_ =	shalt  }
0x66: {  	_ =	shalt  }
0x67: {  	_ =	shalt  }
0x68: {  	_ =	shalt  }
0x69: {  	_ =	shalt  }
0x6a: {  	_ =	shalt  }
0x6b: {  	_ =	shalt  }
0x6c: {  	_ =	shalt  }
0x6d: {  	_ =	shalt  }
0x6e: {  	_ =	shalt  }
0x6f: {  	_ =	shalt  }
0x70: {  	_ =	shalt  }
0x71: {  	_ =	shalt  }
0x72: {  	_ =	shalt  }
0x73: {  	_ =	shalt  }
0x74: {  	_ =	shalt  }
0x75: {  	_ =	shalt  }
0x76: {  	_ =	shalt  }
0x77: {  	_ =	shalt  }
0x78: {  	_ =	shalt  }
0x79: {  	_ =	shalt  }
0x7a: {  	_ =	shalt  }
0x7b: {  	_ =	shalt  }
0x7c: {  	_ =	shalt  }
0x7d: {  	_ =	shalt  }
0x7e: {  	_ =	shalt  }
0x7f: {  	_ =	shalt  }
0x80: {  	_ =	shalt  }
0x81: {  	_ =	shalt  }
0x82: {  	_ =	shalt  }
0x83: {  	_ =	shalt  }
0x84: {  	_ =	shalt  }
0x85: {  	_ =	shalt  }
0x86: {  	_ =	shalt  }
0x87: {  	_ =	shalt  }
.Lfunc_end0:
.L_simem_size_0:
called_computation_lowered:
.L_overlay_start_0:
0x88: {  	s2 =	sld [smem:$0x3FD9]  }
0x89: {  	s3 =	sld [smem:$0x3FFE];
	_ =	sdelay $0x1  }
0x8a: {  	s1 =	srdreg.scid  }
0x8b: {  	s0 =	sand.u32 $0x1, s1  }
0x8c: {  	s17 =	sshll.u32 s0, $0xA;
	s2 =	sadd.s32 s3, s2  }
0x8d: {  	s2 =	sadd.s32 s2, s17  }
0x8e: {  	[smem:$0x3FC6] =	sst s2  }
0x8f: {  	_ = 	snop  }
0x90: {  	s2 =	sld [smem:$0x3FC9]  }
0x91: {  	s18 =	sld [smem:$0x3FD0];
	(tm) =	ssettm $0x1  }
0x92: {  	s4 =	sld [smem:$0x3FFB];
	_ =	sdelay $0x3  }
0x93: {  	_ =	strace s4  }
0x94: {  	s4 =	sld [smem:$0x3FFC];
	_ =	sdelay $0x3  }
0x95: {  	_ =	strace s4  }
0x96: {  	s4 =	sld [smem:$0x3FFD];
	_ =	sdelay $0x3  }
0x97: {  	_ =	strace s4  }
0x98: {  	_ =	strace $0x8FFFFFFF  }
0x99: {  	s19 =	sld [smem:$0x3FDB];
	_ =	sdelay $0x1  }
0x9a: {  	s5 =	simm.s32 $_scs_section_size  }
0x9b: {  	s6 =	simm.s32 $_size__tile_overlayer_lowered;
	s7 =	simm.s32 $_tile_overlayer_lowered  }
0x9c: {  	s22 =	simm.s32 $0x1BFF;
	s21 =	sshll.u32 s7, $0x1;
	s4 =	sadd.s32 s5, s19  }
0x9d: {  	s8 =	simm.s32 $0x0;
	s20 =	sshll.u32 s6, $0x1;
	s6 =	sadd.s32 s21, s4  }
0x9e: {  	[timem:s8], [sflag:s22] =	dma.local [hbm:s6], s20  }
0x9f: {  	_ =	swait.ge [sflag:s22], s20  }
0xa0: {  	s5 =	ssub.s32 $0x0, s20;
	[sflag:s22] =	ssyncset.done $0x0  }
0xa1: {  	[sflag:s22] =	ssyncadd.s32 s5;
	_ =	sdelay $0x1  }
0xa2: {  	s23 =	simm.s32 $0x1B8B  }
0xa3: {  	_ =	swait.ge [sflag:s23], $0x1  }
0xa4: {  	[sflag:s23] =	ssyncset.done $0x0  }
0xa5: {  	s25 =	simm.s32 $0x1B8E;
	s24 =	sld [smem:$0x3FFE];
	[sflag:s23] =	ssyncadd.s32 $0xFFFFFFFF  }
0xa6: {  	s26 =	simm.s32 $execute0_lowered;
	[smem:$0x3FD2] =	sst s25  }
0xa7: {  	s6 =	sshll.u32 s26, $0x1;
	_ =	strace $0x80000046;
	[dreg:$0x1] =	wrdreg $0xFFFFFFFF  }
0xa8: {  	s28 =	simm.s32 $_size_execute0_lowered;
	s4 =	sadd.s32 s4, s6;
	[dreg:$0x0] =	wrdreg $0x0  }
0xa9: {  	s6 =	sshll.u32 s28, $0x1;
	[dreg:$0x2] =	wrdreg s4  }
0xaa: {  	[dreg:$0x3] =	wrdreg s6  }
0xab: {  	[dreg:$0x4] =	wrdreg $0xC0  }
0xac: {  	_ =	task [dreg:s8], $0x5FFFF  }
0xad: {  	[dreg:$0x1] =	wrdreg $0xFFFFFFFF  }
0xae: {  	[dreg:$0x0] =	wrdreg $0x60  }
0xaf: {  	[dreg:$0x2] =	wrdreg s2  }
0xb0: {  	[dreg:$0x3] =	wrdreg s24  }
0xb1: {  	[dreg:$0x4] =	wrdreg s18  }
0xb2: {  	[dreg:$0x5] =	wrdreg $0x9  }
0xb3: {  	_ =	task.clear_ibuf [dreg:s8], $0x6FFFF;
	_ =	strace $0x90000046  }
0xb4: {  	s29 =	simm.s32 $0x9;
	_ =	strace $0x80000048  }
0xb5: {  	_ =	swait.ge [sflag:s29], $0x1  }
0xb6: {  	[sflag:s29] =	ssyncadd.s32 $0xFFFFFFFF  }
0xb7: {  	_ =	strace $0x90000048  }
0xb8: {  	_ =	sfence  }
0xb9: {  	s30 =	sld [smem:$0x0];
	_ =	sdelay $0x2  }
0xba: {  	s31 =	sshll.u32 s1, $0xD;
	s1 =	sshrl.u32 s1, $0x2  }
0xbb: {  	s3 =	sand.u32 $0x4000, s31;
	s1 =	sadd.s32 s1, s30  }
0xbc: {  	s0 =	sor.u32 s3, s0;
	s1 =	sshll.u32 s1, $0x11  }
0xbd: {  	s0 =	sor.u32 s1, s0  }
0xbe: {  	s0 =	sadd.s32 $0x8F2B, s0  }
0xbf: {  	[sflag:s0] =	ssyncadd.remote.s32 $0x1  }
0xc0: {  	_ =	sfence.sel $0xFFFF  }
0xc1: {  	[dreg:$0x0] =	wrdreg $0xFFFFFFFF;
	(pc) =	sbr.abs _section_cstart, $3  }
0xc2: {  	[dreg:$0x1] =	wrdreg $0xFFFFFFFF  }
0xc3: {  	_ =	task.clear_ibuf [dreg:s8], $0x2FFFF;
	_ =	strace $0x9FFFFFFF  }
0xc4: {  	(tm) =	ssettm $0x7FFFFFFF  }
0xc5: {  	_ =	shalt  }
tec
execute0_lowered:
.L_overlay_start_1:
0x0: {  	(tag) =	ssettag $0x1  }
0x1: {  	s7 =	rddreg [dreg:$0x0]  }
0x2: {  	s0 =	rddreg [dreg:$0x1]  }
0x3: {  	s8 =	rddreg [dreg:$0x2]  }
0x4: {  	s1 =	srdreg.scid;
	s2 =	stileid.u32;
	s4 =	simm.s32 $0x0  }
0x5: {  	s17 =	simm.s32 $0x4;
	s18 =	simm.s32 $0x80;
	s16 =	simm.s32 $0x8800  }
0x6: {  	s14 =	simm.s32 $0x1;
	s15 =	simm.s32 $0x10800;
	s28 =	simm.s32 $0x16400  }
0x7: {  	s29 =	simm.s32 $0x17400;
	s30 =	simm.s32 $0x18400;
	s31 =	simm.s32 $0x2  }
0x8: {  	s1 =	sand.u32 $0x1, s1;
	s2 =	sshll.u32 s2, $0xB;
	[smem:$0x7FF] =	sst s4  }
0x9: {  	s6 =	sadd.s32 $0xF42800, s0;
	s9 =	sadd.s32 $0x1000, s8;
	s10 =	sadd.s32 $0x2000, s8  }
0xa: {  	s11 =	sadd.s32 $0x3000, s8;
	s3 =	sshll.u32 s1, $0xA;
	s1 =	ssub.s32 $0x2, s1  }
0xb: {  	_ =	strace $0x80000047;
	s5 =	sor.u32 s3, s2;
	s19 =	sshrl.u32 s1, $0x1  }
0xc: {  	s2 =	simm.s32 $0x0;
	s3 =	sshrl.u32 s5, $0x3;
	s22 =	sor.u32 $0x10000, s5  }
0xd: {  	s20 =	ssub.s32 s1, s19;
	s21 =	sadd.s32 s7, s3;
	[dreg:$0x5] =	wrdreg s22  }
0xe: {  	s23 =	sadd.s32 s3, s8;
	s0 =	smax.u32 s20, $0x1;
	[dreg:$0x4] =	wrdreg s21  }
0xf: {  	v0 =	vlaneseq.u32;
	s19 =	simm.s32 $0x800;
	s24 =	sadd.s32 $0x300000, s23;
	[dreg:$0xa] =	wrdreg s0  }
0x10: {  	v1 =	vmul.u32 $0x20, v0;
	v9 =	vor.u32 $0x10, v0;
	v10 =	vor.u32 $0x20, v0;
	s20 =	simm.s32 $0x17000;
	s25 =	sadd.s32 $0x301000, s23;
	[dreg:$0x6] =	wrdreg s24  }
0x11: {  	v11 =	vor.u32 $0x30, v0;
	v12 =	vor.u32 $0x40, v0;
	v13 =	vor.u32 $0x50, v0;
	s22 =	simm.s32 $0x11400;
	s26 =	sadd.s32 $0x302000, s23;
	[dreg:$0x7] =	wrdreg s25  }
0x12: {  	v14 =	vor.u32 $0x60, v0;
	v15 =	vor.u32 $0x70, v0;
	v2 =	vor.u32 $0xE00, v1;
	s1 =	sadd.s32 $0x303000, s23;
	s21 =	simm.s32 $0x18000;
	[dreg:$0x8] =	wrdreg s26  }
0x13: {  	v3 =	vor.u32 $0xC00, v1;
	v4 =	vor.u32 $0xA00, v1;
	v5 =	vor.u32 $0x800, v1;
	s23 =	simm.s32 $0x12400;
	s0 =	simm.s32 $0x3;
	[dreg:$0x9] =	wrdreg s1  }
0x14: {  	v6 =	vor.u32 $0x600, v1;
	v7 =	vor.u32 $0x400, v1;
	v8 =	vor.u32 $0x200, v1;
	s24 =	simm.s32 $0x13400;
	s25 =	simm.s32 $0x14400;
	s26 =	simm.s32 $0x15400  }
.LBB2_1:
0x15: {  	[dreg:$0xb] =	wrdreg s2  }
0x16: {  	s1 =	rddreg [dreg:$0x4]  }
0x17: {  	[tilespmem:s4], [sflag:$0x4] =	stream.linear.gather [hbm4b:s1+s4], $0x400, $0x38;
	[tilespmem:$0x18800] =	vst v63  }
0x18: {  	_ =	swait.ge [sflag:s17], $0x400  }
0x19: {  	[sflag:s17] =	ssyncset.done $0x0  }
0x1a: {  	[sflag:s17] =	ssyncadd.s32 $0xFFFFFC00  }
0x1b: {  	[tilespmem:s19], [sflag:$0x1] =	stream.indirect.gather [hbm4b:s6+s18], $0x20, s4, s18, $0xb8;
	[tilespmem:$0x18800] =	vst v63  }
0x1c: {  	s13 =	simm.s32 $0x1800  }
0x1d: {  	[tilespmem:s13], [sflag:$0x1] =	stream.indirect.gather [hbm4b:s6+s18], $0x20, s18, s18, $0xb8;
	[tilespmem:$0x18800] =	vst v63  }
0x1e: {  	s2 =	simm.s32 $0x100;
	s3 =	simm.s32 $0x2800  }
0x1f: {  	[tilespmem:s3], [sflag:$0x1] =	stream.indirect.gather [hbm4b:s6+s18], $0x20, s2, s18, $0xb8;
	[tilespmem:$0x18800] =	vst v63  }
0x20: {  	s7 =	simm.s32 $0x180;
	s8 =	simm.s32 $0x3800  }
0x21: {  	[tilespmem:s8], [sflag:$0x1] =	stream.indirect.gather [hbm4b:s6+s18], $0x20, s7, s18, $0xb8;
	[tilespmem:$0x18800] =	vst v63  }
0x22: {  	s12 =	simm.s32 $0x200;
	s13 =	simm.s32 $0x4800  }
0x23: {  	[tilespmem:s13], [sflag:$0x1] =	stream.indirect.gather [hbm4b:s6+s18], $0x20, s12, s18, $0xb8;
	[tilespmem:$0x18800] =	vst v63  }
0x24: {  	s2 =	simm.s32 $0x280;
	s3 =	simm.s32 $0x5800  }
0x25: {  	[tilespmem:s3], [sflag:$0x1] =	stream.indirect.gather [hbm4b:s6+s18], $0x20, s2, s18, $0xb8;
	[tilespmem:$0x18800] =	vst v63  }
0x26: {  	s7 =	simm.s32 $0x300;
	s8 =	simm.s32 $0x6800  }
0x27: {  	[tilespmem:s8], [sflag:$0x1] =	stream.indirect.gather [hbm4b:s6+s18], $0x20, s7, s18, $0xb8;
	[tilespmem:$0x18800] =	vst v63  }
0x28: {  	s12 =	simm.s32 $0x380;
	s13 =	simm.s32 $0x7800;
	s2 =	simm.s32 $0x0  }
0x29: {  	[tilespmem:s13], [sflag:$0x1] =	stream.indirect.gather [hbm4b:s6+s18], $0x20, s12, s18, $0xb8;
	[tilespmem:$0x18800] =	vst v63  }
.LBB2_2:
0x2a: {  	s1 =	sshllo.u32 s2, $0x1  }
0x2b: {  	s3 =	sshll.u32 s1, $0xF  }
0x2c: {  	s3 =	sor.u32 s5, s3  }
0x2d: {  	s7 =	rddreg [dreg:$0x0];
	s3 =	sshrl.u32 s3, $0x3  }
0x2e: {  	s8 =	simm.s32 $0x400;
	s3 =	sadd.s32 s7, s3  }
0x2f: {  	[tilespmem:s8], [sflag:$0x4] =	stream.linear.gather [hbm4b:s3+s4], $0x400, $0x38;
	[tilespmem:$0x18800] =	vst v63  }
0x30: {  	_ =	swait.ge [sflag:s17], $0x400  }
0x31: {  	[sflag:s17] =	ssyncset.done $0x0  }
0x32: {  	[sflag:s17] =	ssyncadd.s32 $0xFFFFFC00  }
0x33: {  	[tilespmem:s16], [sflag:$0x2] =	stream.indirect.gather [hbm4b:s6+s18], $0x20, s8, s18, $0xb8;
	[tilespmem:$0x18800] =	vst v63  }
0x34: {  	s12 =	simm.s32 $0x480;
	s13 =	simm.s32 $0x9800  }
0x35: {  	[tilespmem:s13], [sflag:$0x2] =	stream.indirect.gather [hbm4b:s6+s18], $0x20, s12, s18, $0xb8;
	[tilespmem:$0x18800] =	vst v63  }
0x36: {  	s7 =	simm.s32 $0x500;
	s8 =	simm.s32 $0xA800  }
0x37: {  	[tilespmem:s8], [sflag:$0x2] =	stream.indirect.gather [hbm4b:s6+s18], $0x20, s7, s18, $0xb8;
	[tilespmem:$0x18800] =	vst v63  }
0x38: {  	s12 =	simm.s32 $0x580;
	s13 =	simm.s32 $0xB800  }
0x39: {  	[tilespmem:s13], [sflag:$0x2] =	stream.indirect.gather [hbm4b:s6+s18], $0x20, s12, s18, $0xb8;
	[tilespmem:$0x18800] =	vst v63  }
0x3a: {  	s7 =	simm.s32 $0x600;
	s8 =	simm.s32 $0xC800  }
0x3b: {  	[tilespmem:s8], [sflag:$0x2] =	stream.indirect.gather [hbm4b:s6+s18], $0x20, s7, s18, $0xb8;
	[tilespmem:$0x18800] =	vst v63  }
0x3c: {  	s12 =	simm.s32 $0x680;
	s13 =	simm.s32 $0xD800  }
0x3d: {  	[tilespmem:s13], [sflag:$0x2] =	stream.indirect.gather [hbm4b:s6+s18], $0x20, s12, s18, $0xb8;
	[tilespmem:$0x18800] =	vst v63  }
0x3e: {  	s7 =	simm.s32 $0x700;
	s8 =	simm.s32 $0xE800  }
0x3f: {  	[tilespmem:s8], [sflag:$0x2] =	stream.indirect.gather [hbm4b:s6+s18], $0x20, s7, s18, $0xb8;
	[tilespmem:$0x18800] =	vst v63  }
0x40: {  	s12 =	simm.s32 $0x780;
	s13 =	simm.s32 $0xF800  }
0x41: {  	[tilespmem:s13], [sflag:$0x2] =	stream.indirect.gather [hbm4b:s6+s18], $0x20, s12, s18, $0xb8;
	[tilespmem:$0x18800] =	vst v63  }
0x42: {  	_ =	swait.ge [sflag:s14], $0x1000  }
0x43: {  	[sflag:s14] =	ssyncset.done $0x0  }
0x44: {  	[sflag:s14] =	ssyncadd.s32 $0xFFFFF000  }
0x45: {  	_ =	swait.ge [sflag:s14], $0x1000  }
0x46: {  	[sflag:s14] =	ssyncset.done $0x0  }
0x47: {  	[sflag:s14] =	ssyncadd.s32 $0xFFFFF000  }
0x48: {  	_ =	swait.ge [sflag:s14], $0x1000  }
0x49: {  	[sflag:s14] =	ssyncset.done $0x0  }
0x4a: {  	[sflag:s14] =	ssyncadd.s32 $0xFFFFF000  }
0x4b: {  	_ =	swait.ge [sflag:s14], $0x1000  }
0x4c: {  	[sflag:s14] =	ssyncset.done $0x0  }
0x4d: {  	[sflag:s14] =	ssyncadd.s32 $0xFFFFF000  }
0x4e: {  	_ =	swait.ge [sflag:s14], $0x1000  }
0x4f: {  	[sflag:s14] =	ssyncset.done $0x0  }
0x50: {  	[sflag:s14] =	ssyncadd.s32 $0xFFFFF000  }
0x51: {  	_ =	swait.ge [sflag:s14], $0x1000  }
0x52: {  	[sflag:s14] =	ssyncset.done $0x0  }
0x53: {  	[sflag:s14] =	ssyncadd.s32 $0xFFFFF000  }
0x54: {  	_ =	swait.ge [sflag:s14], $0x1000  }
0x55: {  	[sflag:s14] =	ssyncset.done $0x0  }
0x56: {  	[sflag:s14] =	ssyncadd.s32 $0xFFFFF000  }
0x57: {  	_ =	swait.ge [sflag:s14], $0x1000  }
0x58: {  	p0 =	seq.s32 s2, $0x0;
	[sflag:s14] =	ssyncset.done $0x0  }
0x59: {  	s3 =	simm.s32 @!p0 $0x3;
	[sflag:s14] =	ssyncadd.s32 $0xFFFFF000  }
0x5a: {  	_ =	swait.ge @!p0 [sflag:s3], $0x2000  }
0x5b: {  	[sflag:s3] =	ssyncset.done @!p0 $0x0  }
0x5c: {  	[sflag:s3] =	ssyncadd.s32 @!p0 $0xFFFFE000  }
0x5d: {  	_ =	swait.ge @!p0 [sflag:s3], $0x2000  }
0x5e: {  	[sflag:s3] =	ssyncset.done @!p0 $0x0  }
0x5f: {  	[sflag:s3] =	ssyncadd.s32 @!p0 $0xFFFFE000  }
0x60: {  	_ =	swait.ge @!p0 [sflag:s3], $0x2000  }
0x61: {  	[sflag:s3] =	ssyncset.done @!p0 $0x0  }
0x62: {  	[sflag:s3] =	ssyncadd.s32 @!p0 $0xFFFFE000  }
0x63: {  	_ =	swait.ge @!p0 [sflag:s3], $0x2000  }
0x64: {  	[sflag:s3] =	ssyncset.done @!p0 $0x0  }
0x65: {  	s8 =	simm.s32 $0x0;
	[sflag:s3] =	ssyncadd.s32 @!p0 $0xFFFFE000;
	s3 =	simm.s32 $0x0  }
.LBB2_3:
0x66: {  	s7 =	sshll.u32 s8, $0x7  }
0x67: {  	v16 =	vmov s7  }
0x68: {  	v18 =	vadd.s32 s3, v0;
	v24 =	vshll.u32 v16, $0x5  }
0x69: {  	v26 =	vand.u32 $0xF, v18;
	v16 =	vor.u32 v1, v24  }
0x6a: {  	v19 =	vor.u32 v16, v26;
	_ =	sdelay $0x1  }
0x6b: {  	s12 =	sshll.u32 s8, $0xC;
	v20 =	vshll.u32 v18, $0x7  }
0x6c: {  	v17 =	vmov s12;
	v20 =	vand.u32 $0x780, v20  }
0x6d: {  	v18 =	vor.u32 $0x10, v18;
	v27 =	vor.u32 v17, v20  }
0x6e: {  	v28 =	vand.u32 $0x1F, v18;
	v20 =	vor.u32 v0, v27;
	v19 =	vld.idx.msk [tilespmem:v19+s19+$0x0], $0xffff  }
0x6f: {  	v21 =	vor.u32 v16, v28;
	_ =	sdelay $0x2  }
0x70: {  	s13 =	simm.s32 $0x1;
	v18 =	vshll.u32 v18, $0x7  }
0x71: {  	v29 =	vadd.s32 v17, v18;
	[tilespmem:v20+s15+$0x0] =	vst.idx.msk $0xffff, v19;
	v19 =	vadd.s32 s13, v0  }
0x72: {  	v20 =	vor.u32 v0, v29;
	v18 =	vld.idx.msk [tilespmem:v21+s19+$0x0], $0xffff;
	v30 =	vand.u32 $0xF, v19  }
0x73: {  	v21 =	vor.u32 v16, v30;
	_ =	sdelay $0x2  }
0x74: {  	v22 =	vor.u32 $0x10, v30;
	v23 =	vshll.u32 v30, $0x7  }
0x75: {  	v31 =	vor.u32 v17, v23;
	[tilespmem:v20+s15+$0x0] =	vst.idx.msk $0xffff, v18;
	v18 =	vand.u32 $0x7, v19;
	v19 =	vand.u32 $0x18, v22  }
0x76: {  	v20 =	vld.idx.msk [tilespmem:v21+s19+$0x0], $0xffff;
	v21 =	vor.u32 v0, v31;
	v32 =	vor.u32 v18, v19  }
0x77: {  	v19 =	vor.u32 v16, v32;
	_ =	sdelay $0x2  }
0x78: {  	v18 =	vshll.u32 v22, $0x7  }
0x79: {  	v25 =	vor.u32 v17, v18;
	[tilespmem:v21+s15+$0x0] =	vst.idx.msk $0xffff, v20  }
0x7a: {  	v18 =	vor.u32 v8, v24;
	v20 =	vor.u32 v0, v25;
	v19 =	vld.idx.msk [tilespmem:v19+s19+$0x0], $0xffff  }
0x7b: {  	v21 =	vor.u32 v18, v26;
	_ =	sdelay $0x3  }
0x7c: {  	[tilespmem:v20+s15+$0x0] =	vst.idx.msk $0xffff, v19  }
0x7d: {  	v20 =	vor.u32 v9, v27;
	v19 =	vld.idx.msk [tilespmem:v21+s19+$0x0], $0xffff  }
0x7e: {  	v21 =	vor.u32 v18, v28;
	_ =	sdelay $0x3  }
0x7f: {  	[tilespmem:v20+s15+$0x0] =	vst.idx.msk $0xffff, v19  }
0x80: {  	v20 =	vor.u32 v9, v29;
	v19 =	vld.idx.msk [tilespmem:v21+s19+$0x0], $0xffff  }
0x81: {  	v21 =	vor.u32 v18, v30;
	_ =	sdelay $0x3  }
0x82: {  	[tilespmem:v20+s15+$0x0] =	vst.idx.msk $0xffff, v19  }
0x83: {  	v20 =	vor.u32 v9, v31;
	v19 =	vld.idx.msk [tilespmem:v21+s19+$0x0], $0xffff  }
0x84: {  	v21 =	vor.u32 v18, v32;
	_ =	sdelay $0x3  }
0x85: {  	[tilespmem:v20+s15+$0x0] =	vst.idx.msk $0xffff, v19  }
0x86: {  	v19 =	vor.u32 v7, v24;
	v20 =	vld.idx.msk [tilespmem:v21+s19+$0x0], $0xffff;
	v21 =	vor.u32 v9, v25  }
0x87: {  	v22 =	vor.u32 v19, v26;
	_ =	sdelay $0x3  }
0x88: {  	[tilespmem:v21+s15+$0x0] =	vst.idx.msk $0xffff, v20  }
0x89: {  	v21 =	vor.u32 v10, v27;
	v20 =	vld.idx.msk [tilespmem:v22+s19+$0x0], $0xffff  }
0x8a: {  	v22 =	vor.u32 v19, v28;
	_ =	sdelay $0x3  }
0x8b: {  	[tilespmem:v21+s15+$0x0] =	vst.idx.msk $0xffff, v20  }
0x8c: {  	v21 =	vor.u32 v10, v29;
	v20 =	vld.idx.msk [tilespmem:v22+s19+$0x0], $0xffff  }
0x8d: {  	v22 =	vor.u32 v19, v30;
	_ =	sdelay $0x3  }
0x8e: {  	[tilespmem:v21+s15+$0x0] =	vst.idx.msk $0xffff, v20  }
0x8f: {  	v21 =	vor.u32 v10, v31;
	v20 =	vld.idx.msk [tilespmem:v22+s19+$0x0], $0xffff  }
0x90: {  	v22 =	vor.u32 v19, v32;
	_ =	sdelay $0x3  }
0x91: {  	[tilespmem:v21+s15+$0x0] =	vst.idx.msk $0xffff, v20  }
0x92: {  	v20 =	vor.u32 v6, v24;
	v21 =	vld.idx.msk [tilespmem:v22+s19+$0x0], $0xffff;
	v22 =	vor.u32 v10, v25  }
0x93: {  	v23 =	vor.u32 v20, v26;
	_ =	sdelay $0x3  }
0x94: {  	[tilespmem:v22+s15+$0x0] =	vst.idx.msk $0xffff, v21  }
0x95: {  	v22 =	vor.u32 v11, v27;
	v21 =	vld.idx.msk [tilespmem:v23+s19+$0x0], $0xffff  }
0x96: {  	v23 =	vor.u32 v20, v28;
	_ =	sdelay $0x3  }
0x97: {  	[tilespmem:v22+s15+$0x0] =	vst.idx.msk $0xffff, v21  }
0x98: {  	v22 =	vor.u32 v11, v29;
	v21 =	vld.idx.msk [tilespmem:v23+s19+$0x0], $0xffff  }
0x99: {  	v23 =	vor.u32 v20, v30;
	_ =	sdelay $0x3  }
0x9a: {  	[tilespmem:v22+s15+$0x0] =	vst.idx.msk $0xffff, v21  }
0x9b: {  	v22 =	vor.u32 v11, v31;
	v21 =	vld.idx.msk [tilespmem:v23+s19+$0x0], $0xffff  }
0x9c: {  	v23 =	vor.u32 v20, v32;
	_ =	sdelay $0x3  }
0x9d: {  	[tilespmem:v22+s15+$0x0] =	vst.idx.msk $0xffff, v21  }
0x9e: {  	v21 =	vor.u32 v5, v24;
	v22 =	vld.idx.msk [tilespmem:v23+s19+$0x0], $0xffff;
	v23 =	vor.u32 v11, v25  }
0x9f: {  	v33 =	vor.u32 v21, v26;
	_ =	sdelay $0x3  }
0xa0: {  	[tilespmem:v23+s15+$0x0] =	vst.idx.msk $0xffff, v22  }
0xa1: {  	v23 =	vor.u32 v12, v27;
	v22 =	vld.idx.msk [tilespmem:v33+s19+$0x0], $0xffff  }
0xa2: {  	v46 =	vor.u32 v21, v28;
	_ =	sdelay $0x3  }
0xa3: {  	[tilespmem:v23+s15+$0x0] =	vst.idx.msk $0xffff, v22  }
0xa4: {  	v23 =	vor.u32 v12, v29;
	v22 =	vld.idx.msk [tilespmem:v46+s19+$0x0], $0xffff  }
0xa5: {  	v47 =	vor.u32 v21, v30;
	_ =	sdelay $0x3  }
0xa6: {  	[tilespmem:v23+s15+$0x0] =	vst.idx.msk $0xffff, v22  }
0xa7: {  	v23 =	vor.u32 v12, v31;
	v22 =	vld.idx.msk [tilespmem:v47+s19+$0x0], $0xffff  }
0xa8: {  	v48 =	vor.u32 v21, v32;
	_ =	sdelay $0x3  }
0xa9: {  	[tilespmem:v23+s15+$0x0] =	vst.idx.msk $0xffff, v22  }
0xaa: {  	v49 =	vor.u32 v12, v25;
	v22 =	vor.u32 v4, v24;
	v23 =	vld.idx.msk [tilespmem:v48+s19+$0x0], $0xffff  }
0xab: {  	v34 =	vor.u32 v22, v26;
	_ =	sdelay $0x3  }
0xac: {  	[tilespmem:v49+s15+$0x0] =	vst.idx.msk $0xffff, v23  }
0xad: {  	v50 =	vor.u32 v13, v27;
	v23 =	vld.idx.msk [tilespmem:v34+s19+$0x0], $0xffff  }
0xae: {  	v51 =	vor.u32 v22, v28;
	_ =	sdelay $0x3  }
0xaf: {  	[tilespmem:v50+s15+$0x0] =	vst.idx.msk $0xffff, v23  }
0xb0: {  	v52 =	vor.u32 v13, v29;
	v23 =	vld.idx.msk [tilespmem:v51+s19+$0x0], $0xffff  }
0xb1: {  	v53 =	vor.u32 v22, v30;
	_ =	sdelay $0x3  }
0xb2: {  	[tilespmem:v52+s15+$0x0] =	vst.idx.msk $0xffff, v23  }
0xb3: {  	v54 =	vor.u32 v13, v31;
	v23 =	vld.idx.msk [tilespmem:v53+s19+$0x0], $0xffff  }
0xb4: {  	v55 =	vor.u32 v22, v32;
	_ =	sdelay $0x3  }
0xb5: {  	[tilespmem:v54+s15+$0x0] =	vst.idx.msk $0xffff, v23  }
0xb6: {  	v56 =	vor.u32 v13, v25;
	v23 =	vor.u32 v3, v24;
	v33 =	vld.idx.msk [tilespmem:v55+s19+$0x0], $0xffff  }
0xb7: {  	v35 =	vor.u32 v23, v26;
	_ =	sdelay $0x3  }
0xb8: {  	[tilespmem:v56+s15+$0x0] =	vst.idx.msk $0xffff, v33  }
0xb9: {  	v57 =	vor.u32 v14, v27;
	v33 =	vld.idx.msk [tilespmem:v35+s19+$0x0], $0xffff  }
0xba: {  	v58 =	vor.u32 v23, v28;
	_ =	sdelay $0x3  }
0xbb: {  	[tilespmem:v57+s15+$0x0] =	vst.idx.msk $0xffff, v33  }
0xbc: {  	v59 =	vor.u32 v14, v29;
	v33 =	vld.idx.msk [tilespmem:v58+s19+$0x0], $0xffff  }
0xbd: {  	v60 =	vor.u32 v23, v30;
	_ =	sdelay $0x3  }
0xbe: {  	[tilespmem:v59+s15+$0x0] =	vst.idx.msk $0xffff, v33  }
0xbf: {  	v61 =	vor.u32 v14, v31;
	v33 =	vld.idx.msk [tilespmem:v60+s19+$0x0], $0xffff  }
0xc0: {  	v62 =	vor.u32 v23, v32;
	_ =	sdelay $0x3  }
0xc1: {  	[tilespmem:v61+s15+$0x0] =	vst.idx.msk $0xffff, v33  }
0xc2: {  	v63 =	vor.u32 v14, v25;
	v24 =	vor.u32 v2, v24;
	v33 =	vld.idx.msk [tilespmem:v62+s19+$0x0], $0xffff  }
0xc3: {  	v26 =	vor.u32 v24, v26;
	_ =	sdelay $0x3  }
0xc4: {  	[tilespmem:v63+s15+$0x0] =	vst.idx.msk $0xffff, v33  }
0xc5: {  	v27 =	vor.u32 v15, v27;
	v26 =	vld.idx.msk [tilespmem:v26+s19+$0x0], $0xffff  }
0xc6: {  	v28 =	vor.u32 v24, v28;
	_ =	sdelay $0x3  }
0xc7: {  	[tilespmem:v27+s15+$0x0] =	vst.idx.msk $0xffff, v26  }
0xc8: {  	v27 =	vor.u32 v15, v29;
	v26 =	vld.idx.msk [tilespmem:v28+s19+$0x0], $0xffff  }
0xc9: {  	v28 =	vor.u32 v24, v30;
	_ =	sdelay $0x3  }
0xca: {  	[tilespmem:v27+s15+$0x0] =	vst.idx.msk $0xffff, v26  }
0xcb: {  	v27 =	vor.u32 v15, v31;
	v26 =	vld.idx.msk [tilespmem:v28+s19+$0x0], $0xffff  }
0xcc: {  	v28 =	vor.u32 v24, v32;
	_ =	sdelay $0x3  }
0xcd: {  	s7 =	simm.s32 $0x2;
	[tilespmem:v27+s15+$0x0] =	vst.idx.msk $0xffff, v26  }
0xce: {  	s12 =	simm.s32 $0x4;
	v27 =	vadd.s32 s7, v0;
	v28 =	vld.idx.msk [tilespmem:v28+s19+$0x0], $0xffff  }
.LBB2_4:
0xcf: {  	p0 =	sne.s32 s12, $0xE;
	v26 =	vand.u32 $0xF, v27;
	v25 =	vor.u32 v15, v25  }
0xd0: {  	v29 =	vor.u32 v16, v26;
	_ =	sdelay $0x2  }
0xd1: {  	v30 =	vshll.u32 v27, $0x7  }
0xd2: {  	v30 =	vand.u32 $0x780, v30;
	[tilespmem:v25+s15+$0x0] =	vst.idx.msk $0xffff, v28  }
0xd3: {  	v25 =	vor.u32 $0x10, v27;
	v27 =	vor.u32 v17, v30;
	v29 =	vld.idx.msk [tilespmem:v29+s19+$0x0], $0xffff  }
0xd4: {  	v30 =	vor.u32 v0, v27;
	v28 =	vand.u32 $0x1F, v25  }
0xd5: {  	v31 =	vor.u32 v16, v28;
	_ =	sdelay $0x3  }
0xd6: {  	s13 =	sadd.s32 $0x1, s7;
	s7 =	smov.u32 s12;
	v25 =	vshll.u32 v25, $0x7;
	[tilespmem:v30+s15+$0x0] =	vst.idx.msk $0xffff, v29  }
0xd7: {  	v32 =	vadd.s32 s13, v0;
	v30 =	vadd.s32 v17, v25;
	v31 =	vld.idx.msk [tilespmem:v31+s19+$0x0], $0xffff  }
0xd8: {  	v29 =	vand.u32 $0xF, v32;
	v25 =	vor.u32 v0, v30  }
0xd9: {  	v33 =	vor.u32 v16, v29;
	_ =	sdelay $0x3  }
0xda: {  	v34 =	vor.u32 $0x10, v29;
	[tilespmem:v25+s15+$0x0] =	vst.idx.msk $0xffff, v31;
	v25 =	vshll.u32 v29, $0x7  }
0xdb: {  	v32 =	vand.u32 $0x7, v32;
	v33 =	vld.idx.msk [tilespmem:v33+s19+$0x0], $0xffff;
	v31 =	vor.u32 v17, v25;
	v25 =	vand.u32 $0x18, v34  }
0xdc: {  	v35 =	vor.u32 v0, v31;
	v32 =	vor.u32 v32, v25  }
0xdd: {  	v25 =	vor.u32 v16, v32;
	_ =	sdelay $0x3  }
0xde: {  	[tilespmem:v35+s15+$0x0] =	vst.idx.msk $0xffff, v33;
	v33 =	vshll.u32 v34, $0x7  }
0xdf: {  	v34 =	vld.idx.msk [tilespmem:v25+s19+$0x0], $0xffff;
	v25 =	vor.u32 v17, v33  }
0xe0: {  	v33 =	vor.u32 v0, v25  }
0xe1: {  	v35 =	vor.u32 v18, v26;
	_ =	sdelay $0x3  }
0xe2: {  	[tilespmem:v33+s15+$0x0] =	vst.idx.msk $0xffff, v34  }
0xe3: {  	v33 =	vld.idx.msk [tilespmem:v35+s19+$0x0], $0xffff  }
0xe4: {  	v34 =	vor.u32 v9, v27  }
0xe5: {  	v35 =	vor.u32 v18, v28;
	_ =	sdelay $0x3  }
0xe6: {  	[tilespmem:v34+s15+$0x0] =	vst.idx.msk $0xffff, v33  }
0xe7: {  	v33 =	vld.idx.msk [tilespmem:v35+s19+$0x0], $0xffff  }
0xe8: {  	v34 =	vor.u32 v9, v30  }
0xe9: {  	v35 =	vor.u32 v18, v29;
	_ =	sdelay $0x3  }
0xea: {  	[tilespmem:v34+s15+$0x0] =	vst.idx.msk $0xffff, v33  }
0xeb: {  	v33 =	vld.idx.msk [tilespmem:v35+s19+$0x0], $0xffff  }
0xec: {  	v34 =	vor.u32 v9, v31  }
0xed: {  	v35 =	vor.u32 v18, v32;
	_ =	sdelay $0x3  }
0xee: {  	[tilespmem:v34+s15+$0x0] =	vst.idx.msk $0xffff, v33  }
0xef: {  	v33 =	vld.idx.msk [tilespmem:v35+s19+$0x0], $0xffff  }
0xf0: {  	v34 =	vor.u32 v9, v25  }
0xf1: {  	v35 =	vor.u32 v19, v26;
	_ =	sdelay $0x3  }
0xf2: {  	[tilespmem:v34+s15+$0x0] =	vst.idx.msk $0xffff, v33  }
0xf3: {  	v33 =	vld.idx.msk [tilespmem:v35+s19+$0x0], $0xffff  }
0xf4: {  	v34 =	vor.u32 v10, v27  }
0xf5: {  	v35 =	vor.u32 v19, v28;
	_ =	sdelay $0x3  }
0xf6: {  	[tilespmem:v34+s15+$0x0] =	vst.idx.msk $0xffff, v33  }
0xf7: {  	v33 =	vld.idx.msk [tilespmem:v35+s19+$0x0], $0xffff  }
0xf8: {  	v34 =	vor.u32 v10, v30  }
0xf9: {  	v35 =	vor.u32 v19, v29;
	_ =	sdelay $0x3  }
0xfa: {  	[tilespmem:v34+s15+$0x0] =	vst.idx.msk $0xffff, v33  }
0xfb: {  	v33 =	vld.idx.msk [tilespmem:v35+s19+$0x0], $0xffff  }
0xfc: {  	v34 =	vor.u32 v10, v31  }
0xfd: {  	v35 =	vor.u32 v19, v32;
	_ =	sdelay $0x3  }
0xfe: {  	[tilespmem:v34+s15+$0x0] =	vst.idx.msk $0xffff, v33  }
0xff: {  	v33 =	vld.idx.msk [tilespmem:v35+s19+$0x0], $0xffff  }
0x100: {  	v34 =	vor.u32 v10, v25  }
0x101: {  	v35 =	vor.u32 v20, v26;
	_ =	sdelay $0x3  }
0x102: {  	[tilespmem:v34+s15+$0x0] =	vst.idx.msk $0xffff, v33  }
0x103: {  	v33 =	vld.idx.msk [tilespmem:v35+s19+$0x0], $0xffff  }
0x104: {  	v34 =	vor.u32 v11, v27  }
0x105: {  	v35 =	vor.u32 v20, v28;
	_ =	sdelay $0x3  }
0x106: {  	[tilespmem:v34+s15+$0x0] =	vst.idx.msk $0xffff, v33  }
0x107: {  	v33 =	vld.idx.msk [tilespmem:v35+s19+$0x0], $0xffff  }
0x108: {  	v34 =	vor.u32 v11, v30  }
0x109: {  	v35 =	vor.u32 v20, v29;
	_ =	sdelay $0x3  }
0x10a: {  	[tilespmem:v34+s15+$0x0] =	vst.idx.msk $0xffff, v33  }
0x10b: {  	v33 =	vld.idx.msk [tilespmem:v35+s19+$0x0], $0xffff  }
0x10c: {  	v34 =	vor.u32 v11, v31  }
0x10d: {  	v35 =	vor.u32 v20, v32;
	_ =	sdelay $0x3  }
0x10e: {  	[tilespmem:v34+s15+$0x0] =	vst.idx.msk $0xffff, v33  }
0x10f: {  	v33 =	vld.idx.msk [tilespmem:v35+s19+$0x0], $0xffff  }
0x110: {  	v34 =	vor.u32 v11, v25  }
0x111: {  	v35 =	vor.u32 v21, v26;
	_ =	sdelay $0x3  }
0x112: {  	[tilespmem:v34+s15+$0x0] =	vst.idx.msk $0xffff, v33  }
0x113: {  	v33 =	vld.idx.msk [tilespmem:v35+s19+$0x0], $0xffff  }
0x114: {  	v34 =	vor.u32 v12, v27  }
0x115: {  	v35 =	vor.u32 v21, v28;
	_ =	sdelay $0x3  }
0x116: {  	[tilespmem:v34+s15+$0x0] =	vst.idx.msk $0xffff, v33  }
0x117: {  	v33 =	vld.idx.msk [tilespmem:v35+s19+$0x0], $0xffff  }
0x118: {  	v34 =	vor.u32 v12, v30  }
0x119: {  	v35 =	vor.u32 v21, v29;
	_ =	sdelay $0x3  }
0x11a: {  	[tilespmem:v34+s15+$0x0] =	vst.idx.msk $0xffff, v33  }
0x11b: {  	v33 =	vld.idx.msk [tilespmem:v35+s19+$0x0], $0xffff  }
0x11c: {  	v34 =	vor.u32 v12, v31  }
0x11d: {  	v35 =	vor.u32 v21, v32;
	_ =	sdelay $0x3  }
0x11e: {  	[tilespmem:v34+s15+$0x0] =	vst.idx.msk $0xffff, v33  }
0x11f: {  	v33 =	vld.idx.msk [tilespmem:v35+s19+$0x0], $0xffff  }
0x120: {  	v34 =	vor.u32 v12, v25  }
0x121: {  	v35 =	vor.u32 v22, v26;
	_ =	sdelay $0x3  }
0x122: {  	[tilespmem:v34+s15+$0x0] =	vst.idx.msk $0xffff, v33  }
0x123: {  	v33 =	vld.idx.msk [tilespmem:v35+s19+$0x0], $0xffff  }
0x124: {  	v34 =	vor.u32 v13, v27  }
0x125: {  	v35 =	vor.u32 v22, v28;
	_ =	sdelay $0x3  }
0x126: {  	[tilespmem:v34+s15+$0x0] =	vst.idx.msk $0xffff, v33  }
0x127: {  	v33 =	vld.idx.msk [tilespmem:v35+s19+$0x0], $0xffff  }
0x128: {  	v34 =	vor.u32 v13, v30  }
0x129: {  	v35 =	vor.u32 v22, v29;
	_ =	sdelay $0x3  }
0x12a: {  	[tilespmem:v34+s15+$0x0] =	vst.idx.msk $0xffff, v33  }
0x12b: {  	v33 =	vld.idx.msk [tilespmem:v35+s19+$0x0], $0xffff  }
0x12c: {  	v34 =	vor.u32 v13, v31  }
0x12d: {  	v35 =	vor.u32 v22, v32;
	_ =	sdelay $0x3  }
0x12e: {  	[tilespmem:v34+s15+$0x0] =	vst.idx.msk $0xffff, v33  }
0x12f: {  	v33 =	vld.idx.msk [tilespmem:v35+s19+$0x0], $0xffff  }
0x130: {  	v34 =	vor.u32 v13, v25  }
0x131: {  	v35 =	vor.u32 v23, v26;
	_ =	sdelay $0x3  }
0x132: {  	[tilespmem:v34+s15+$0x0] =	vst.idx.msk $0xffff, v33  }
0x133: {  	v33 =	vld.idx.msk [tilespmem:v35+s19+$0x0], $0xffff  }
0x134: {  	v34 =	vor.u32 v14, v27  }
0x135: {  	v35 =	vor.u32 v23, v28;
	_ =	sdelay $0x3  }
0x136: {  	[tilespmem:v34+s15+$0x0] =	vst.idx.msk $0xffff, v33  }
0x137: {  	v33 =	vld.idx.msk [tilespmem:v35+s19+$0x0], $0xffff  }
0x138: {  	v34 =	vor.u32 v14, v30  }
0x139: {  	v35 =	vor.u32 v23, v29;
	_ =	sdelay $0x3  }
0x13a: {  	[tilespmem:v34+s15+$0x0] =	vst.idx.msk $0xffff, v33  }
0x13b: {  	v33 =	vld.idx.msk [tilespmem:v35+s19+$0x0], $0xffff  }
0x13c: {  	v34 =	vor.u32 v14, v31  }
0x13d: {  	v35 =	vor.u32 v23, v32;
	_ =	sdelay $0x3  }
0x13e: {  	[tilespmem:v34+s15+$0x0] =	vst.idx.msk $0xffff, v33  }
0x13f: {  	v33 =	vld.idx.msk [tilespmem:v35+s19+$0x0], $0xffff  }
0x140: {  	v34 =	vor.u32 v14, v25  }
0x141: {  	v26 =	vor.u32 v24, v26;
	_ =	sdelay $0x3  }
0x142: {  	[tilespmem:v34+s15+$0x0] =	vst.idx.msk $0xffff, v33  }
0x143: {  	v26 =	vld.idx.msk [tilespmem:v26+s19+$0x0], $0xffff  }
0x144: {  	v27 =	vor.u32 v15, v27  }
0x145: {  	v28 =	vor.u32 v24, v28;
	_ =	sdelay $0x3  }
0x146: {  	[tilespmem:v27+s15+$0x0] =	vst.idx.msk $0xffff, v26  }
0x147: {  	v26 =	vld.idx.msk [tilespmem:v28+s19+$0x0], $0xffff  }
0x148: {  	v27 =	vor.u32 v15, v30  }
0x149: {  	v28 =	vor.u32 v24, v29;
	_ =	sdelay $0x3  }
0x14a: {  	[tilespmem:v27+s15+$0x0] =	vst.idx.msk $0xffff, v26  }
0x14b: {  	v26 =	vld.idx.msk [tilespmem:v28+s19+$0x0], $0xffff  }
0x14c: {  	v27 =	vor.u32 v15, v31  }
0x14d: {  	v28 =	vor.u32 v24, v32  }
.Ltmp0:
0x14e: {  	(pc) =	sbr.rel @p0 .LBB2_4-.Ltmp0, $3  }
0x14f: {  	_ =	sdelay $0x1  }
0x150: {  	[tilespmem:v27+s15+$0x0] =	vst.idx.msk $0xffff, v26  }
0x151: {  	s12 =	sadd.s32 $0x2, s12;
	v27 =	vadd.s32 s7, v0;
	v28 =	vld.idx.msk [tilespmem:v28+s19+$0x0], $0xffff  }
0x152: {  	v26 =	vand.u32 $0xF, v27;
	v25 =	vor.u32 v15, v25  }
0x153: {  	v29 =	vor.u32 v16, v26;
	_ =	sdelay $0x1  }
0x154: {  	v30 =	vshll.u32 v27, $0x7  }
0x155: {  	v30 =	vand.u32 $0x780, v30  }
0x156: {  	v36 =	vor.u32 $0x10, v27;
	v27 =	vor.u32 v17, v30;
	[tilespmem:v25+s15+$0x0] =	vst.idx.msk $0xffff, v28  }
0x157: {  	v30 =	vand.u32 $0x1F, v36;
	v37 =	vor.u32 v0, v27;
	v28 =	vld.idx.msk [tilespmem:v29+s19+$0x0], $0xffff  }
0x158: {  	v31 =	vor.u32 v16, v30;
	_ =	sdelay $0x2  }
0x159: {  	s7 =	sadd.s32 $0x1, s7;
	v25 =	vshll.u32 v36, $0x7  }
0x15a: {  	v38 =	vadd.s32 s7, v0;
	v25 =	vadd.s32 v17, v25;
	[tilespmem:v37+s15+$0x0] =	vst.idx.msk $0xffff, v28  }
0x15b: {  	v32 =	vor.u32 v0, v25;
	v29 =	vld.idx.msk [tilespmem:v31+s19+$0x0], $0xffff;
	v31 =	vand.u32 $0xF, v38  }
0x15c: {  	v33 =	vor.u32 v16, v31;
	_ =	sdelay $0x2  }
0x15d: {  	v34 =	vor.u32 $0x10, v31;
	v35 =	vshll.u32 v31, $0x7  }
0x15e: {  	v28 =	vand.u32 $0x7, v38;
	v39 =	vand.u32 $0x18, v34;
	[tilespmem:v32+s15+$0x0] =	vst.idx.msk $0xffff, v29;
	v29 =	vor.u32 v17, v35  }
0x15f: {  	v28 =	vor.u32 v28, v39;
	v33 =	vld.idx.msk [tilespmem:v33+s19+$0x0], $0xffff;
	v35 =	vor.u32 v0, v29  }
0x160: {  	v16 =	vor.u32 v16, v28;
	_ =	sdelay $0x2  }
0x161: {  	v40 =	vshll.u32 v34, $0x7  }
0x162: {  	v17 =	vor.u32 v17, v40;
	[tilespmem:v35+s15+$0x0] =	vst.idx.msk $0xffff, v33  }
0x163: {  	v32 =	vor.u32 v0, v17;
	v16 =	vld.idx.msk [tilespmem:v16+s19+$0x0], $0xffff  }
0x164: {  	v41 =	vor.u32 v18, v26;
	_ =	sdelay $0x3  }
0x165: {  	[tilespmem:v32+s15+$0x0] =	vst.idx.msk $0xffff, v16  }
0x166: {  	v42 =	vor.u32 v9, v27;
	v16 =	vld.idx.msk [tilespmem:v41+s19+$0x0], $0xffff  }
0x167: {  	v43 =	vor.u32 v18, v30;
	_ =	sdelay $0x3  }
0x168: {  	[tilespmem:v42+s15+$0x0] =	vst.idx.msk $0xffff, v16  }
0x169: {  	v44 =	vor.u32 v9, v25;
	v16 =	vld.idx.msk [tilespmem:v43+s19+$0x0], $0xffff  }
0x16a: {  	v45 =	vor.u32 v18, v31;
	_ =	sdelay $0x3  }
0x16b: {  	[tilespmem:v44+s15+$0x0] =	vst.idx.msk $0xffff, v16  }
0x16c: {  	v46 =	vor.u32 v9, v29;
	v16 =	vld.idx.msk [tilespmem:v45+s19+$0x0], $0xffff  }
0x16d: {  	v47 =	vor.u32 v18, v28;
	_ =	sdelay $0x3  }
0x16e: {  	[tilespmem:v46+s15+$0x0] =	vst.idx.msk $0xffff, v16  }
0x16f: {  	v48 =	vor.u32 v9, v17;
	v16 =	vld.idx.msk [tilespmem:v47+s19+$0x0], $0xffff  }
0x170: {  	v49 =	vor.u32 v19, v26;
	_ =	sdelay $0x3  }
0x171: {  	[tilespmem:v48+s15+$0x0] =	vst.idx.msk $0xffff, v16  }
0x172: {  	v50 =	vor.u32 v10, v27;
	v16 =	vld.idx.msk [tilespmem:v49+s19+$0x0], $0xffff  }
0x173: {  	v51 =	vor.u32 v19, v30;
	_ =	sdelay $0x3  }
0x174: {  	[tilespmem:v50+s15+$0x0] =	vst.idx.msk $0xffff, v16  }
0x175: {  	v52 =	vor.u32 v10, v25;
	v16 =	vld.idx.msk [tilespmem:v51+s19+$0x0], $0xffff  }
0x176: {  	v53 =	vor.u32 v19, v31;
	_ =	sdelay $0x3  }
0x177: {  	[tilespmem:v52+s15+$0x0] =	vst.idx.msk $0xffff, v16  }
0x178: {  	v54 =	vor.u32 v10, v29;
	v16 =	vld.idx.msk [tilespmem:v53+s19+$0x0], $0xffff  }
0x179: {  	v55 =	vor.u32 v19, v28;
	_ =	sdelay $0x3  }
0x17a: {  	[tilespmem:v54+s15+$0x0] =	vst.idx.msk $0xffff, v16  }
0x17b: {  	v56 =	vor.u32 v10, v17;
	v16 =	vld.idx.msk [tilespmem:v55+s19+$0x0], $0xffff  }
0x17c: {  	v57 =	vor.u32 v20, v26;
	_ =	sdelay $0x3  }
0x17d: {  	[tilespmem:v56+s15+$0x0] =	vst.idx.msk $0xffff, v16  }
0x17e: {  	v58 =	vor.u32 v11, v27;
	v16 =	vld.idx.msk [tilespmem:v57+s19+$0x0], $0xffff  }
0x17f: {  	v59 =	vor.u32 v20, v30;
	_ =	sdelay $0x3  }
0x180: {  	[tilespmem:v58+s15+$0x0] =	vst.idx.msk $0xffff, v16  }
0x181: {  	v60 =	vor.u32 v11, v25;
	v16 =	vld.idx.msk [tilespmem:v59+s19+$0x0], $0xffff  }
0x182: {  	v61 =	vor.u32 v20, v31;
	_ =	sdelay $0x3  }
0x183: {  	[tilespmem:v60+s15+$0x0] =	vst.idx.msk $0xffff, v16  }
0x184: {  	v62 =	vor.u32 v11, v29;
	v16 =	vld.idx.msk [tilespmem:v61+s19+$0x0], $0xffff  }
0x185: {  	v63 =	vor.u32 v20, v28;
	_ =	sdelay $0x3  }
0x186: {  	[tilespmem:v62+s15+$0x0] =	vst.idx.msk $0xffff, v16  }
0x187: {  	v32 =	vor.u32 v11, v17;
	v16 =	vld.idx.msk [tilespmem:v63+s19+$0x0], $0xffff  }
0x188: {  	v33 =	vor.u32 v21, v26;
	_ =	sdelay $0x3  }
0x189: {  	[tilespmem:v32+s15+$0x0] =	vst.idx.msk $0xffff, v16  }
0x18a: {  	v34 =	vor.u32 v12, v27;
	v16 =	vld.idx.msk [tilespmem:v33+s19+$0x0], $0xffff  }
0x18b: {  	v35 =	vor.u32 v21, v30;
	_ =	sdelay $0x3  }
0x18c: {  	[tilespmem:v34+s15+$0x0] =	vst.idx.msk $0xffff, v16  }
0x18d: {  	v36 =	vor.u32 v12, v25;
	v16 =	vld.idx.msk [tilespmem:v35+s19+$0x0], $0xffff  }
0x18e: {  	v37 =	vor.u32 v21, v31;
	_ =	sdelay $0x3  }
0x18f: {  	[tilespmem:v36+s15+$0x0] =	vst.idx.msk $0xffff, v16  }
0x190: {  	v38 =	vor.u32 v12, v29;
	v16 =	vld.idx.msk [tilespmem:v37+s19+$0x0], $0xffff  }
0x191: {  	v39 =	vor.u32 v21, v28;
	_ =	sdelay $0x3  }
0x192: {  	[tilespmem:v38+s15+$0x0] =	vst.idx.msk $0xffff, v16  }
0x193: {  	v40 =	vor.u32 v12, v17;
	v16 =	vld.idx.msk [tilespmem:v39+s19+$0x0], $0xffff  }
0x194: {  	v41 =	vor.u32 v22, v26;
	_ =	sdelay $0x3  }
0x195: {  	[tilespmem:v40+s15+$0x0] =	vst.idx.msk $0xffff, v16  }
0x196: {  	v42 =	vor.u32 v13, v27;
	v16 =	vld.idx.msk [tilespmem:v41+s19+$0x0], $0xffff  }
0x197: {  	v43 =	vor.u32 v22, v30;
	_ =	sdelay $0x3  }
0x198: {  	[tilespmem:v42+s15+$0x0] =	vst.idx.msk $0xffff, v16  }
0x199: {  	v44 =	vor.u32 v13, v25;
	v16 =	vld.idx.msk [tilespmem:v43+s19+$0x0], $0xffff  }
0x19a: {  	v45 =	vor.u32 v22, v31;
	_ =	sdelay $0x3  }
0x19b: {  	[tilespmem:v44+s15+$0x0] =	vst.idx.msk $0xffff, v16  }
0x19c: {  	v46 =	vor.u32 v13, v29;
	v16 =	vld.idx.msk [tilespmem:v45+s19+$0x0], $0xffff  }
0x19d: {  	v47 =	vor.u32 v22, v28;
	_ =	sdelay $0x3  }
0x19e: {  	[tilespmem:v46+s15+$0x0] =	vst.idx.msk $0xffff, v16  }
0x19f: {  	v48 =	vor.u32 v13, v17;
	v16 =	vld.idx.msk [tilespmem:v47+s19+$0x0], $0xffff  }
0x1a0: {  	v49 =	vor.u32 v23, v26;
	_ =	sdelay $0x3  }
0x1a1: {  	[tilespmem:v48+s15+$0x0] =	vst.idx.msk $0xffff, v16  }
0x1a2: {  	v50 =	vor.u32 v14, v27;
	v16 =	vld.idx.msk [tilespmem:v49+s19+$0x0], $0xffff  }
0x1a3: {  	v51 =	vor.u32 v23, v30;
	_ =	sdelay $0x3  }
0x1a4: {  	[tilespmem:v50+s15+$0x0] =	vst.idx.msk $0xffff, v16  }
0x1a5: {  	v52 =	vor.u32 v14, v25;
	v16 =	vld.idx.msk [tilespmem:v51+s19+$0x0], $0xffff  }
0x1a6: {  	v53 =	vor.u32 v23, v31;
	_ =	sdelay $0x3  }
0x1a7: {  	[tilespmem:v52+s15+$0x0] =	vst.idx.msk $0xffff, v16  }
0x1a8: {  	v54 =	vor.u32 v14, v29;
	v16 =	vld.idx.msk [tilespmem:v53+s19+$0x0], $0xffff  }
0x1a9: {  	v55 =	vor.u32 v23, v28;
	_ =	sdelay $0x3  }
0x1aa: {  	[tilespmem:v54+s15+$0x0] =	vst.idx.msk $0xffff, v16  }
0x1ab: {  	v56 =	vor.u32 v14, v17;
	v16 =	vld.idx.msk [tilespmem:v55+s19+$0x0], $0xffff  }
0x1ac: {  	v57 =	vor.u32 v24, v26;
	_ =	sdelay $0x3  }
0x1ad: {  	[tilespmem:v56+s15+$0x0] =	vst.idx.msk $0xffff, v16  }
0x1ae: {  	v58 =	vor.u32 v15, v27;
	v16 =	vld.idx.msk [tilespmem:v57+s19+$0x0], $0xffff  }
0x1af: {  	v59 =	vor.u32 v24, v30;
	_ =	sdelay $0x3  }
0x1b0: {  	[tilespmem:v58+s15+$0x0] =	vst.idx.msk $0xffff, v16  }
0x1b1: {  	v60 =	vor.u32 v15, v25;
	v16 =	vld.idx.msk [tilespmem:v59+s19+$0x0], $0xffff  }
0x1b2: {  	v61 =	vor.u32 v24, v31;
	_ =	sdelay $0x3  }
0x1b3: {  	[tilespmem:v60+s15+$0x0] =	vst.idx.msk $0xffff, v16  }
0x1b4: {  	v62 =	vor.u32 v15, v29;
	v16 =	vld.idx.msk [tilespmem:v61+s19+$0x0], $0xffff  }
0x1b5: {  	v63 =	vor.u32 v24, v28;
	_ =	sdelay $0x3  }
0x1b6: {  	s8 =	sadd.s32 $0x1, s8;
	[tilespmem:v62+s15+$0x0] =	vst.idx.msk $0xffff, v16  }
0x1b7: {  	p0 =	sne.s32 s8, $0x8;
	v17 =	vor.u32 v15, v17;
	v16 =	vld.idx.msk [tilespmem:v63+s19+$0x0], $0xffff  }
.Ltmp1:
0x1b8: {  	_ = 	snop;
	(pc) =	sbr.rel @p0 .LBB2_3-.Ltmp1, $2  }
0x1b9: {  	_ =	sdelay $0x2  }
0x1ba: {  	[tilespmem:v17+s15+$0x0] =	vst.idx.msk $0xffff, v16  }
0x1bb: {  	s3 =	sshll.u32 s2, $0x15  }
0x1bc: {  	s3 =	sor.u32 s5, s3  }
0x1bd: {  	s12 =	rddreg [dreg:$0x2];
	s7 =	sshrl.u32 s3, $0x3  }
0x1be: {  	s3 =	simm.s32 $0x0;
	s8 =	sadd.s32 s12, s7  }
0x1bf: {  	[hbm4b:s8+s3] =	stream.linear.scatter [tilespmem:s15], [sflag:$0x3], $0x400, $0x38;
	[tilespmem:$0x18800] =	vst v63  }
0x1c0: {  	s13 =	simm.s32 $0x11800;
	s12 =	sadd.s32 $0x4000, s8  }
0x1c1: {  	[hbm4b:s12+s3] =	stream.linear.scatter [tilespmem:s13], [sflag:$0x3], $0x400, $0x38;
	[tilespmem:$0x18800] =	vst v63  }
0x1c2: {  	s12 =	sadd.s32 $0x8000, s8;
	s13 =	simm.s32 $0x12800  }
0x1c3: {  	[hbm4b:s12+s3] =	stream.linear.scatter [tilespmem:s13], [sflag:$0x3], $0x400, $0x38;
	[tilespmem:$0x18800] =	vst v63  }
0x1c4: {  	s12 =	sadd.s32 $0xC000, s8;
	s13 =	simm.s32 $0x13800  }
0x1c5: {  	[hbm4b:s12+s3] =	stream.linear.scatter [tilespmem:s13], [sflag:$0x3], $0x400, $0x38;
	[tilespmem:$0x18800] =	vst v63  }
0x1c6: {  	s12 =	sadd.s32 $0x10000, s8;
	s13 =	simm.s32 $0x14800  }
0x1c7: {  	[hbm4b:s12+s3] =	stream.linear.scatter [tilespmem:s13], [sflag:$0x3], $0x400, $0x38;
	[tilespmem:$0x18800] =	vst v63  }
0x1c8: {  	s12 =	sadd.s32 $0x14000, s8;
	s13 =	simm.s32 $0x15800  }
0x1c9: {  	[hbm4b:s12+s3] =	stream.linear.scatter [tilespmem:s13], [sflag:$0x3], $0x400, $0x38;
	[tilespmem:$0x18800] =	vst v63  }
0x1ca: {  	s12 =	sadd.s32 $0x18000, s8;
	s13 =	simm.s32 $0x16800  }
0x1cb: {  	[hbm4b:s12+s3] =	stream.linear.scatter [tilespmem:s13], [sflag:$0x3], $0x400, $0x38;
	[tilespmem:$0x18800] =	vst v63  }
0x1cc: {  	s8 =	sadd.s32 $0x1C000, s8;
	s13 =	simm.s32 $0x17800  }
0x1cd: {  	[hbm4b:s8+s3] =	stream.linear.scatter [tilespmem:s13], [sflag:$0x3], $0x400, $0x38;
	[tilespmem:$0x18800] =	vst v63  }
0x1ce: {  	s8 =	sadd.s32 s7, s9;
	s13 =	simm.s32 $0x10C00  }
0x1cf: {  	[hbm4b:s8+s3] =	stream.linear.scatter [tilespmem:s13], [sflag:$0x3], $0x400, $0x38;
	[tilespmem:$0x18800] =	vst v63  }
0x1d0: {  	s12 =	sadd.s32 $0x4000, s8;
	s13 =	simm.s32 $0x11C00  }
0x1d1: {  	[hbm4b:s12+s3] =	stream.linear.scatter [tilespmem:s13], [sflag:$0x3], $0x400, $0x38;
	[tilespmem:$0x18800] =	vst v63  }
0x1d2: {  	s12 =	sadd.s32 $0x8000, s8;
	s13 =	simm.s32 $0x12C00  }
0x1d3: {  	[hbm4b:s12+s3] =	stream.linear.scatter [tilespmem:s13], [sflag:$0x3], $0x400, $0x38;
	[tilespmem:$0x18800] =	vst v63  }
0x1d4: {  	s12 =	sadd.s32 $0xC000, s8;
	s13 =	simm.s32 $0x13C00  }
0x1d5: {  	[hbm4b:s12+s3] =	stream.linear.scatter [tilespmem:s13], [sflag:$0x3], $0x400, $0x38;
	[tilespmem:$0x18800] =	vst v63  }
0x1d6: {  	s12 =	sadd.s32 $0x10000, s8;
	s13 =	simm.s32 $0x14C00  }
0x1d7: {  	[hbm4b:s12+s3] =	stream.linear.scatter [tilespmem:s13], [sflag:$0x3], $0x400, $0x38;
	[tilespmem:$0x18800] =	vst v63  }
0x1d8: {  	s12 =	sadd.s32 $0x14000, s8;
	s13 =	simm.s32 $0x15C00  }
0x1d9: {  	[hbm4b:s12+s3] =	stream.linear.scatter [tilespmem:s13], [sflag:$0x3], $0x400, $0x38;
	[tilespmem:$0x18800] =	vst v63  }
0x1da: {  	s12 =	sadd.s32 $0x18000, s8;
	s13 =	simm.s32 $0x16C00  }
0x1db: {  	[hbm4b:s12+s3] =	stream.linear.scatter [tilespmem:s13], [sflag:$0x3], $0x400, $0x38;
	[tilespmem:$0x18800] =	vst v63  }
0x1dc: {  	s8 =	sadd.s32 $0x1C000, s8;
	s13 =	simm.s32 $0x17C00  }
0x1dd: {  	[hbm4b:s8+s3] =	stream.linear.scatter [tilespmem:s13], [sflag:$0x3], $0x400, $0x38;
	[tilespmem:$0x18800] =	vst v63  }
0x1de: {  	s8 =	sadd.s32 s7, s10;
	s13 =	simm.s32 $0x11000  }
0x1df: {  	[hbm4b:s8+s3] =	stream.linear.scatter [tilespmem:s13], [sflag:$0x3], $0x400, $0x38;
	[tilespmem:$0x18800] =	vst v63  }
0x1e0: {  	s12 =	sadd.s32 $0x4000, s8;
	s13 =	simm.s32 $0x12000  }
0x1e1: {  	[hbm4b:s12+s3] =	stream.linear.scatter [tilespmem:s13], [sflag:$0x3], $0x400, $0x38;
	[tilespmem:$0x18800] =	vst v63  }
0x1e2: {  	s12 =	sadd.s32 $0x8000, s8;
	s13 =	simm.s32 $0x13000  }
0x1e3: {  	[hbm4b:s12+s3] =	stream.linear.scatter [tilespmem:s13], [sflag:$0x3], $0x400, $0x38;
	[tilespmem:$0x18800] =	vst v63  }
0x1e4: {  	s12 =	sadd.s32 $0xC000, s8;
	s13 =	simm.s32 $0x14000  }
0x1e5: {  	[hbm4b:s12+s3] =	stream.linear.scatter [tilespmem:s13], [sflag:$0x3], $0x400, $0x38;
	[tilespmem:$0x18800] =	vst v63  }
0x1e6: {  	s12 =	sadd.s32 $0x10000, s8;
	s13 =	simm.s32 $0x15000  }
0x1e7: {  	[hbm4b:s12+s3] =	stream.linear.scatter [tilespmem:s13], [sflag:$0x3], $0x400, $0x38;
	[tilespmem:$0x18800] =	vst v63  }
0x1e8: {  	s12 =	sadd.s32 $0x14000, s8;
	s13 =	simm.s32 $0x16000  }
0x1e9: {  	[hbm4b:s12+s3] =	stream.linear.scatter [tilespmem:s13], [sflag:$0x3], $0x400, $0x38;
	[tilespmem:$0x18800] =	vst v63  }
0x1ea: {  	s13 =	sadd.s32 $0x18000, s8  }
0x1eb: {  	[hbm4b:s13+s3] =	stream.linear.scatter [tilespmem:s20], [sflag:$0x3], $0x400, $0x38;
	[tilespmem:$0x18800] =	vst v63  }
0x1ec: {  	s8 =	sadd.s32 $0x1C000, s8  }
0x1ed: {  	[hbm4b:s8+s3] =	stream.linear.scatter [tilespmem:s21], [sflag:$0x3], $0x400, $0x38;
	[tilespmem:$0x18800] =	vst v63  }
0x1ee: {  	s7 =	sadd.s32 s7, s11  }
0x1ef: {  	[hbm4b:s7+s3] =	stream.linear.scatter [tilespmem:s22], [sflag:$0x3], $0x400, $0x38;
	[tilespmem:$0x18800] =	vst v63  }
0x1f0: {  	s12 =	sadd.s32 $0x4000, s7  }
0x1f1: {  	[hbm4b:s12+s3] =	stream.linear.scatter [tilespmem:s23], [sflag:$0x3], $0x400, $0x38;
	[tilespmem:$0x18800] =	vst v63  }
0x1f2: {  	s13 =	sadd.s32 $0x8000, s7  }
0x1f3: {  	[hbm4b:s13+s3] =	stream.linear.scatter [tilespmem:s24], [sflag:$0x3], $0x400, $0x38;
	[tilespmem:$0x18800] =	vst v63  }
0x1f4: {  	s12 =	sadd.s32 $0xC000, s7  }
0x1f5: {  	[hbm4b:s12+s3] =	stream.linear.scatter [tilespmem:s25], [sflag:$0x3], $0x400, $0x38;
	[tilespmem:$0x18800] =	vst v63  }
0x1f6: {  	s13 =	sadd.s32 $0x10000, s7  }
0x1f7: {  	[hbm4b:s13+s3] =	stream.linear.scatter [tilespmem:s26], [sflag:$0x3], $0x400, $0x38;
	[tilespmem:$0x18800] =	vst v63  }
0x1f8: {  	s12 =	sadd.s32 $0x14000, s7  }
0x1f9: {  	[hbm4b:s12+s3] =	stream.linear.scatter [tilespmem:s28], [sflag:$0x3], $0x400, $0x38;
	[tilespmem:$0x18800] =	vst v63  }
0x1fa: {  	s13 =	sadd.s32 $0x18000, s7  }
0x1fb: {  	[hbm4b:s13+s3] =	stream.linear.scatter [tilespmem:s29], [sflag:$0x3], $0x400, $0x38;
	[tilespmem:$0x18800] =	vst v63  }
0x1fc: {  	s8 =	sshll.u32 s2, $0x10;
	s7 =	sadd.s32 $0x1C000, s7;
	s12 =	rddreg [dreg:$0x5]  }
0x1fd: {  	[hbm4b:s7+s3] =	stream.linear.scatter [tilespmem:s30], [sflag:$0x3], $0x400, $0x38;
	[tilespmem:$0x18800] =	vst v63  }
0x1fe: {  	s7 =	sadd.s32 s12, s8  }
0x1ff: {  	s13 =	rddreg [dreg:$0x0];
	s7 =	sshrl.u32 s7, $0x3  }
0x200: {  	s7 =	sadd.s32 s13, s7  }
0x201: {  	[tilespmem:s3], [sflag:$0x4] =	stream.linear.gather [hbm4b:s7+s3], $0x400, $0x38;
	[tilespmem:$0x18800] =	vst v63  }
0x202: {  	_ =	swait.ge [sflag:s17], $0x400  }
0x203: {  	[sflag:s17] =	ssyncset.done $0x0  }
0x204: {  	[sflag:s17] =	ssyncadd.s32 $0xFFFFFC00  }
0x205: {  	[tilespmem:s19], [sflag:$0x1] =	stream.indirect.gather [hbm4b:s6+s18], $0x20, s3, s18, $0xb8;
	[tilespmem:$0x18800] =	vst v63  }
0x206: {  	s8 =	simm.s32 $0x1800  }
0x207: {  	[tilespmem:s8], [sflag:$0x1] =	stream.indirect.gather [hbm4b:s6+s18], $0x20, s18, s18, $0xb8;
	[tilespmem:$0x18800] =	vst v63  }
0x208: {  	s12 =	simm.s32 $0x100;
	s13 =	simm.s32 $0x2800  }
0x209: {  	[tilespmem:s13], [sflag:$0x1] =	stream.indirect.gather [hbm4b:s6+s18], $0x20, s12, s18, $0xb8;
	[tilespmem:$0x18800] =	vst v63  }
0x20a: {  	s12 =	simm.s32 $0x180;
	s13 =	simm.s32 $0x3800  }
0x20b: {  	[tilespmem:s13], [sflag:$0x1] =	stream.indirect.gather [hbm4b:s6+s18], $0x20, s12, s18, $0xb8;
	[tilespmem:$0x18800] =	vst v63  }
0x20c: {  	s12 =	simm.s32 $0x200;
	s13 =	simm.s32 $0x4800  }
0x20d: {  	[tilespmem:s13], [sflag:$0x1] =	stream.indirect.gather [hbm4b:s6+s18], $0x20, s12, s18, $0xb8;
	[tilespmem:$0x18800] =	vst v63  }
0x20e: {  	s12 =	simm.s32 $0x280;
	s13 =	simm.s32 $0x5800  }
0x20f: {  	[tilespmem:s13], [sflag:$0x1] =	stream.indirect.gather [hbm4b:s6+s18], $0x20, s12, s18, $0xb8;
	[tilespmem:$0x18800] =	vst v63  }
0x210: {  	s12 =	simm.s32 $0x300;
	s13 =	simm.s32 $0x6800  }
0x211: {  	[tilespmem:s13], [sflag:$0x1] =	stream.indirect.gather [hbm4b:s6+s18], $0x20, s12, s18, $0xb8;
	[tilespmem:$0x18800] =	vst v63  }
0x212: {  	s12 =	simm.s32 $0x380;
	s13 =	simm.s32 $0x7800  }
0x213: {  	[tilespmem:s13], [sflag:$0x1] =	stream.indirect.gather [hbm4b:s6+s18], $0x20, s12, s18, $0xb8;
	[tilespmem:$0x18800] =	vst v63  }
0x214: {  	_ =	swait.ge [sflag:s31], $0x1000  }
0x215: {  	[sflag:s31] =	ssyncset.done $0x0  }
0x216: {  	[sflag:s31] =	ssyncadd.s32 $0xFFFFF000  }
0x217: {  	_ =	swait.ge [sflag:s31], $0x1000  }
0x218: {  	[sflag:s31] =	ssyncset.done $0x0  }
0x219: {  	[sflag:s31] =	ssyncadd.s32 $0xFFFFF000  }
0x21a: {  	_ =	swait.ge [sflag:s31], $0x1000  }
0x21b: {  	[sflag:s31] =	ssyncset.done $0x0  }
0x21c: {  	[sflag:s31] =	ssyncadd.s32 $0xFFFFF000  }
0x21d: {  	_ =	swait.ge [sflag:s31], $0x1000  }
0x21e: {  	[sflag:s31] =	ssyncset.done $0x0  }
0x21f: {  	[sflag:s31] =	ssyncadd.s32 $0xFFFFF000  }
0x220: {  	_ =	swait.ge [sflag:s31], $0x1000  }
0x221: {  	[sflag:s31] =	ssyncset.done $0x0  }
0x222: {  	[sflag:s31] =	ssyncadd.s32 $0xFFFFF000  }
0x223: {  	_ =	swait.ge [sflag:s31], $0x1000  }
0x224: {  	[sflag:s31] =	ssyncset.done $0x0  }
0x225: {  	[sflag:s31] =	ssyncadd.s32 $0xFFFFF000  }
0x226: {  	_ =	swait.ge [sflag:s31], $0x1000  }
0x227: {  	[sflag:s31] =	ssyncset.done $0x0  }
0x228: {  	[sflag:s31] =	ssyncadd.s32 $0xFFFFF000  }
0x229: {  	_ =	swait.ge [sflag:s31], $0x1000  }
0x22a: {  	[sflag:s31] =	ssyncset.done $0x0  }
0x22b: {  	[sflag:s31] =	ssyncadd.s32 $0xFFFFF000  }
0x22c: {  	_ =	swait.ge [sflag:s0], $0x2000  }
0x22d: {  	[sflag:s0] =	ssyncset.done $0x0  }
0x22e: {  	[sflag:s0] =	ssyncadd.s32 $0xFFFFE000  }
0x22f: {  	_ =	swait.ge [sflag:s0], $0x2000  }
0x230: {  	[sflag:s0] =	ssyncset.done $0x0  }
0x231: {  	[sflag:s0] =	ssyncadd.s32 $0xFFFFE000  }
0x232: {  	_ =	swait.ge [sflag:s0], $0x2000  }
0x233: {  	[sflag:s0] =	ssyncset.done $0x0  }
0x234: {  	[sflag:s0] =	ssyncadd.s32 $0xFFFFE000  }
0x235: {  	_ =	swait.ge [sflag:s0], $0x2000  }
0x236: {  	[sflag:s0] =	ssyncset.done $0x0  }
0x237: {  	s8 =	simm.s32 $0x0;
	[sflag:s0] =	ssyncadd.s32 $0xFFFFE000  }
.LBB2_7:
0x238: {  	s7 =	sshll.u32 s8, $0x7  }
0x239: {  	v16 =	vmov s7  }
0x23a: {  	v18 =	vadd.s32 s3, v0;
	v24 =	vshll.u32 v16, $0x5  }
0x23b: {  	v26 =	vand.u32 $0xF, v18;
	v16 =	vor.u32 v1, v24  }
0x23c: {  	v19 =	vor.u32 v16, v26;
	_ =	sdelay $0x1  }
0x23d: {  	s12 =	sshll.u32 s8, $0xC;
	v20 =	vshll.u32 v18, $0x7  }
0x23e: {  	v17 =	vmov s12;
	v20 =	vand.u32 $0x780, v20  }
0x23f: {  	v18 =	vor.u32 $0x10, v18;
	v27 =	vor.u32 v17, v20  }
0x240: {  	v28 =	vand.u32 $0x1F, v18;
	v20 =	vor.u32 v0, v27;
	v19 =	vld.idx.msk [tilespmem:v19+s16+$0x0], $0xffff  }
0x241: {  	v21 =	vor.u32 v16, v28;
	_ =	sdelay $0x2  }
0x242: {  	s13 =	simm.s32 $0x1;
	v18 =	vshll.u32 v18, $0x7  }
0x243: {  	v29 =	vadd.s32 v17, v18;
	[tilespmem:v20+s15+$0x0] =	vst.idx.msk $0xffff, v19;
	v19 =	vadd.s32 s13, v0  }
0x244: {  	v20 =	vor.u32 v0, v29;
	v18 =	vld.idx.msk [tilespmem:v21+s16+$0x0], $0xffff;
	v30 =	vand.u32 $0xF, v19  }
0x245: {  	v21 =	vor.u32 v16, v30;
	_ =	sdelay $0x2  }
0x246: {  	v22 =	vor.u32 $0x10, v30;
	v23 =	vshll.u32 v30, $0x7  }
0x247: {  	v31 =	vor.u32 v17, v23;
	[tilespmem:v20+s15+$0x0] =	vst.idx.msk $0xffff, v18;
	v18 =	vand.u32 $0x7, v19;
	v19 =	vand.u32 $0x18, v22  }
0x248: {  	v20 =	vld.idx.msk [tilespmem:v21+s16+$0x0], $0xffff;
	v21 =	vor.u32 v0, v31;
	v32 =	vor.u32 v18, v19  }
0x249: {  	v19 =	vor.u32 v16, v32;
	_ =	sdelay $0x2  }
0x24a: {  	v18 =	vshll.u32 v22, $0x7  }
0x24b: {  	v25 =	vor.u32 v17, v18;
	[tilespmem:v21+s15+$0x0] =	vst.idx.msk $0xffff, v20  }
0x24c: {  	v18 =	vor.u32 v8, v24;
	v20 =	vor.u32 v0, v25;
	v19 =	vld.idx.msk [tilespmem:v19+s16+$0x0], $0xffff  }
0x24d: {  	v21 =	vor.u32 v18, v26;
	_ =	sdelay $0x3  }
0x24e: {  	[tilespmem:v20+s15+$0x0] =	vst.idx.msk $0xffff, v19  }
0x24f: {  	v20 =	vor.u32 v9, v27;
	v19 =	vld.idx.msk [tilespmem:v21+s16+$0x0], $0xffff  }
0x250: {  	v21 =	vor.u32 v18, v28;
	_ =	sdelay $0x3  }
0x251: {  	[tilespmem:v20+s15+$0x0] =	vst.idx.msk $0xffff, v19  }
0x252: {  	v20 =	vor.u32 v9, v29;
	v19 =	vld.idx.msk [tilespmem:v21+s16+$0x0], $0xffff  }
0x253: {  	v21 =	vor.u32 v18, v30;
	_ =	sdelay $0x3  }
0x254: {  	[tilespmem:v20+s15+$0x0] =	vst.idx.msk $0xffff, v19  }
0x255: {  	v20 =	vor.u32 v9, v31;
	v19 =	vld.idx.msk [tilespmem:v21+s16+$0x0], $0xffff  }
0x256: {  	v21 =	vor.u32 v18, v32;
	_ =	sdelay $0x3  }
0x257: {  	[tilespmem:v20+s15+$0x0] =	vst.idx.msk $0xffff, v19  }
0x258: {  	v19 =	vor.u32 v7, v24;
	v20 =	vld.idx.msk [tilespmem:v21+s16+$0x0], $0xffff;
	v21 =	vor.u32 v9, v25  }
0x259: {  	v22 =	vor.u32 v19, v26;
	_ =	sdelay $0x3  }
0x25a: {  	[tilespmem:v21+s15+$0x0] =	vst.idx.msk $0xffff, v20  }
0x25b: {  	v21 =	vor.u32 v10, v27;
	v20 =	vld.idx.msk [tilespmem:v22+s16+$0x0], $0xffff  }
0x25c: {  	v22 =	vor.u32 v19, v28;
	_ =	sdelay $0x3  }
0x25d: {  	[tilespmem:v21+s15+$0x0] =	vst.idx.msk $0xffff, v20  }
0x25e: {  	v21 =	vor.u32 v10, v29;
	v20 =	vld.idx.msk [tilespmem:v22+s16+$0x0], $0xffff  }
0x25f: {  	v22 =	vor.u32 v19, v30;
	_ =	sdelay $0x3  }
0x260: {  	[tilespmem:v21+s15+$0x0] =	vst.idx.msk $0xffff, v20  }
0x261: {  	v21 =	vor.u32 v10, v31;
	v20 =	vld.idx.msk [tilespmem:v22+s16+$0x0], $0xffff  }
0x262: {  	v22 =	vor.u32 v19, v32;
	_ =	sdelay $0x3  }
0x263: {  	[tilespmem:v21+s15+$0x0] =	vst.idx.msk $0xffff, v20  }
0x264: {  	v20 =	vor.u32 v6, v24;
	v21 =	vld.idx.msk [tilespmem:v22+s16+$0x0], $0xffff;
	v22 =	vor.u32 v10, v25  }
0x265: {  	v23 =	vor.u32 v20, v26;
	_ =	sdelay $0x3  }
0x266: {  	[tilespmem:v22+s15+$0x0] =	vst.idx.msk $0xffff, v21  }
0x267: {  	v22 =	vor.u32 v11, v27;
	v21 =	vld.idx.msk [tilespmem:v23+s16+$0x0], $0xffff  }
0x268: {  	v23 =	vor.u32 v20, v28;
	_ =	sdelay $0x3  }
0x269: {  	[tilespmem:v22+s15+$0x0] =	vst.idx.msk $0xffff, v21  }
0x26a: {  	v22 =	vor.u32 v11, v29;
	v21 =	vld.idx.msk [tilespmem:v23+s16+$0x0], $0xffff  }
0x26b: {  	v23 =	vor.u32 v20, v30;
	_ =	sdelay $0x3  }
0x26c: {  	[tilespmem:v22+s15+$0x0] =	vst.idx.msk $0xffff, v21  }
0x26d: {  	v22 =	vor.u32 v11, v31;
	v21 =	vld.idx.msk [tilespmem:v23+s16+$0x0], $0xffff  }
0x26e: {  	v23 =	vor.u32 v20, v32;
	_ =	sdelay $0x3  }
0x26f: {  	[tilespmem:v22+s15+$0x0] =	vst.idx.msk $0xffff, v21  }
0x270: {  	v21 =	vor.u32 v5, v24;
	v22 =	vld.idx.msk [tilespmem:v23+s16+$0x0], $0xffff;
	v23 =	vor.u32 v11, v25  }
0x271: {  	v33 =	vor.u32 v21, v26;
	_ =	sdelay $0x3  }
0x272: {  	[tilespmem:v23+s15+$0x0] =	vst.idx.msk $0xffff, v22  }
0x273: {  	v23 =	vor.u32 v12, v27;
	v22 =	vld.idx.msk [tilespmem:v33+s16+$0x0], $0xffff  }
0x274: {  	v46 =	vor.u32 v21, v28;
	_ =	sdelay $0x3  }
0x275: {  	[tilespmem:v23+s15+$0x0] =	vst.idx.msk $0xffff, v22  }
0x276: {  	v23 =	vor.u32 v12, v29;
	v22 =	vld.idx.msk [tilespmem:v46+s16+$0x0], $0xffff  }
0x277: {  	v47 =	vor.u32 v21, v30;
	_ =	sdelay $0x3  }
0x278: {  	[tilespmem:v23+s15+$0x0] =	vst.idx.msk $0xffff, v22  }
0x279: {  	v23 =	vor.u32 v12, v31;
	v22 =	vld.idx.msk [tilespmem:v47+s16+$0x0], $0xffff  }
0x27a: {  	v48 =	vor.u32 v21, v32;
	_ =	sdelay $0x3  }
0x27b: {  	[tilespmem:v23+s15+$0x0] =	vst.idx.msk $0xffff, v22  }
0x27c: {  	v49 =	vor.u32 v12, v25;
	v22 =	vor.u32 v4, v24;
	v23 =	vld.idx.msk [tilespmem:v48+s16+$0x0], $0xffff  }
0x27d: {  	v34 =	vor.u32 v22, v26;
	_ =	sdelay $0x3  }
0x27e: {  	[tilespmem:v49+s15+$0x0] =	vst.idx.msk $0xffff, v23  }
0x27f: {  	v50 =	vor.u32 v13, v27;
	v23 =	vld.idx.msk [tilespmem:v34+s16+$0x0], $0xffff  }
0x280: {  	v51 =	vor.u32 v22, v28;
	_ =	sdelay $0x3  }
0x281: {  	[tilespmem:v50+s15+$0x0] =	vst.idx.msk $0xffff, v23  }
0x282: {  	v52 =	vor.u32 v13, v29;
	v23 =	vld.idx.msk [tilespmem:v51+s16+$0x0], $0xffff  }
0x283: {  	v53 =	vor.u32 v22, v30;
	_ =	sdelay $0x3  }
0x284: {  	[tilespmem:v52+s15+$0x0] =	vst.idx.msk $0xffff, v23  }
0x285: {  	v54 =	vor.u32 v13, v31;
	v23 =	vld.idx.msk [tilespmem:v53+s16+$0x0], $0xffff  }
0x286: {  	v55 =	vor.u32 v22, v32;
	_ =	sdelay $0x3  }
0x287: {  	[tilespmem:v54+s15+$0x0] =	vst.idx.msk $0xffff, v23  }
0x288: {  	v56 =	vor.u32 v13, v25;
	v23 =	vor.u32 v3, v24;
	v33 =	vld.idx.msk [tilespmem:v55+s16+$0x0], $0xffff  }
0x289: {  	v35 =	vor.u32 v23, v26;
	_ =	sdelay $0x3  }
0x28a: {  	[tilespmem:v56+s15+$0x0] =	vst.idx.msk $0xffff, v33  }
0x28b: {  	v57 =	vor.u32 v14, v27;
	v33 =	vld.idx.msk [tilespmem:v35+s16+$0x0], $0xffff  }
0x28c: {  	v58 =	vor.u32 v23, v28;
	_ =	sdelay $0x3  }
0x28d: {  	[tilespmem:v57+s15+$0x0] =	vst.idx.msk $0xffff, v33  }
0x28e: {  	v59 =	vor.u32 v14, v29;
	v33 =	vld.idx.msk [tilespmem:v58+s16+$0x0], $0xffff  }
0x28f: {  	v60 =	vor.u32 v23, v30;
	_ =	sdelay $0x3  }
0x290: {  	[tilespmem:v59+s15+$0x0] =	vst.idx.msk $0xffff, v33  }
0x291: {  	v61 =	vor.u32 v14, v31;
	v33 =	vld.idx.msk [tilespmem:v60+s16+$0x0], $0xffff  }
0x292: {  	v62 =	vor.u32 v23, v32;
	_ =	sdelay $0x3  }
0x293: {  	[tilespmem:v61+s15+$0x0] =	vst.idx.msk $0xffff, v33  }
0x294: {  	v63 =	vor.u32 v14, v25;
	v24 =	vor.u32 v2, v24;
	v33 =	vld.idx.msk [tilespmem:v62+s16+$0x0], $0xffff  }
0x295: {  	v26 =	vor.u32 v24, v26;
	_ =	sdelay $0x3  }
0x296: {  	[tilespmem:v63+s15+$0x0] =	vst.idx.msk $0xffff, v33  }
0x297: {  	v27 =	vor.u32 v15, v27;
	v26 =	vld.idx.msk [tilespmem:v26+s16+$0x0], $0xffff  }
0x298: {  	v28 =	vor.u32 v24, v28;
	_ =	sdelay $0x3  }
0x299: {  	[tilespmem:v27+s15+$0x0] =	vst.idx.msk $0xffff, v26  }
0x29a: {  	v27 =	vor.u32 v15, v29;
	v26 =	vld.idx.msk [tilespmem:v28+s16+$0x0], $0xffff  }
0x29b: {  	v28 =	vor.u32 v24, v30;
	_ =	sdelay $0x3  }
0x29c: {  	[tilespmem:v27+s15+$0x0] =	vst.idx.msk $0xffff, v26  }
0x29d: {  	v27 =	vor.u32 v15, v31;
	v26 =	vld.idx.msk [tilespmem:v28+s16+$0x0], $0xffff  }
0x29e: {  	v28 =	vor.u32 v24, v32;
	_ =	sdelay $0x3  }
0x29f: {  	s7 =	simm.s32 $0x2;
	[tilespmem:v27+s15+$0x0] =	vst.idx.msk $0xffff, v26  }
0x2a0: {  	s12 =	simm.s32 $0x4;
	v27 =	vadd.s32 s7, v0;
	v28 =	vld.idx.msk [tilespmem:v28+s16+$0x0], $0xffff  }
.LBB2_8:
0x2a1: {  	p0 =	sne.s32 s12, $0xE;
	v26 =	vand.u32 $0xF, v27;
	v25 =	vor.u32 v15, v25  }
0x2a2: {  	v29 =	vor.u32 v16, v26;
	_ =	sdelay $0x2  }
0x2a3: {  	v30 =	vshll.u32 v27, $0x7  }
0x2a4: {  	v30 =	vand.u32 $0x780, v30;
	[tilespmem:v25+s15+$0x0] =	vst.idx.msk $0xffff, v28  }
0x2a5: {  	v25 =	vor.u32 $0x10, v27;
	v27 =	vor.u32 v17, v30;
	v29 =	vld.idx.msk [tilespmem:v29+s16+$0x0], $0xffff  }
0x2a6: {  	v30 =	vor.u32 v0, v27;
	v28 =	vand.u32 $0x1F, v25  }
0x2a7: {  	v31 =	vor.u32 v16, v28;
	_ =	sdelay $0x3  }
0x2a8: {  	s13 =	sadd.s32 $0x1, s7;
	s7 =	smov.u32 s12;
	v25 =	vshll.u32 v25, $0x7;
	[tilespmem:v30+s15+$0x0] =	vst.idx.msk $0xffff, v29  }
0x2a9: {  	v32 =	vadd.s32 s13, v0;
	v30 =	vadd.s32 v17, v25;
	v31 =	vld.idx.msk [tilespmem:v31+s16+$0x0], $0xffff  }
0x2aa: {  	v29 =	vand.u32 $0xF, v32;
	v25 =	vor.u32 v0, v30  }
0x2ab: {  	v33 =	vor.u32 v16, v29;
	_ =	sdelay $0x3  }
0x2ac: {  	v34 =	vor.u32 $0x10, v29;
	[tilespmem:v25+s15+$0x0] =	vst.idx.msk $0xffff, v31;
	v25 =	vshll.u32 v29, $0x7  }
0x2ad: {  	v32 =	vand.u32 $0x7, v32;
	v33 =	vld.idx.msk [tilespmem:v33+s16+$0x0], $0xffff;
	v31 =	vor.u32 v17, v25;
	v25 =	vand.u32 $0x18, v34  }
0x2ae: {  	v35 =	vor.u32 v0, v31;
	v32 =	vor.u32 v32, v25  }
0x2af: {  	v25 =	vor.u32 v16, v32;
	_ =	sdelay $0x3  }
0x2b0: {  	[tilespmem:v35+s15+$0x0] =	vst.idx.msk $0xffff, v33;
	v33 =	vshll.u32 v34, $0x7  }
0x2b1: {  	v34 =	vld.idx.msk [tilespmem:v25+s16+$0x0], $0xffff;
	v25 =	vor.u32 v17, v33  }
0x2b2: {  	v33 =	vor.u32 v0, v25  }
0x2b3: {  	v35 =	vor.u32 v18, v26;
	_ =	sdelay $0x3  }
0x2b4: {  	[tilespmem:v33+s15+$0x0] =	vst.idx.msk $0xffff, v34  }
0x2b5: {  	v33 =	vld.idx.msk [tilespmem:v35+s16+$0x0], $0xffff  }
0x2b6: {  	v34 =	vor.u32 v9, v27  }
0x2b7: {  	v35 =	vor.u32 v18, v28;
	_ =	sdelay $0x3  }
0x2b8: {  	[tilespmem:v34+s15+$0x0] =	vst.idx.msk $0xffff, v33  }
0x2b9: {  	v33 =	vld.idx.msk [tilespmem:v35+s16+$0x0], $0xffff  }
0x2ba: {  	v34 =	vor.u32 v9, v30  }
0x2bb: {  	v35 =	vor.u32 v18, v29;
	_ =	sdelay $0x3  }
0x2bc: {  	[tilespmem:v34+s15+$0x0] =	vst.idx.msk $0xffff, v33  }
0x2bd: {  	v33 =	vld.idx.msk [tilespmem:v35+s16+$0x0], $0xffff  }
0x2be: {  	v34 =	vor.u32 v9, v31  }
0x2bf: {  	v35 =	vor.u32 v18, v32;
	_ =	sdelay $0x3  }
0x2c0: {  	[tilespmem:v34+s15+$0x0] =	vst.idx.msk $0xffff, v33  }
0x2c1: {  	v33 =	vld.idx.msk [tilespmem:v35+s16+$0x0], $0xffff  }
0x2c2: {  	v34 =	vor.u32 v9, v25  }
0x2c3: {  	v35 =	vor.u32 v19, v26;
	_ =	sdelay $0x3  }
0x2c4: {  	[tilespmem:v34+s15+$0x0] =	vst.idx.msk $0xffff, v33  }
0x2c5: {  	v33 =	vld.idx.msk [tilespmem:v35+s16+$0x0], $0xffff  }
0x2c6: {  	v34 =	vor.u32 v10, v27  }
0x2c7: {  	v35 =	vor.u32 v19, v28;
	_ =	sdelay $0x3  }
0x2c8: {  	[tilespmem:v34+s15+$0x0] =	vst.idx.msk $0xffff, v33  }
0x2c9: {  	v33 =	vld.idx.msk [tilespmem:v35+s16+$0x0], $0xffff  }
0x2ca: {  	v34 =	vor.u32 v10, v30  }
0x2cb: {  	v35 =	vor.u32 v19, v29;
	_ =	sdelay $0x3  }
0x2cc: {  	[tilespmem:v34+s15+$0x0] =	vst.idx.msk $0xffff, v33  }
0x2cd: {  	v33 =	vld.idx.msk [tilespmem:v35+s16+$0x0], $0xffff  }
0x2ce: {  	v34 =	vor.u32 v10, v31  }
0x2cf: {  	v35 =	vor.u32 v19, v32;
	_ =	sdelay $0x3  }
0x2d0: {  	[tilespmem:v34+s15+$0x0] =	vst.idx.msk $0xffff, v33  }
0x2d1: {  	v33 =	vld.idx.msk [tilespmem:v35+s16+$0x0], $0xffff  }
0x2d2: {  	v34 =	vor.u32 v10, v25  }
0x2d3: {  	v35 =	vor.u32 v20, v26;
	_ =	sdelay $0x3  }
0x2d4: {  	[tilespmem:v34+s15+$0x0] =	vst.idx.msk $0xffff, v33  }
0x2d5: {  	v33 =	vld.idx.msk [tilespmem:v35+s16+$0x0], $0xffff  }
0x2d6: {  	v34 =	vor.u32 v11, v27  }
0x2d7: {  	v35 =	vor.u32 v20, v28;
	_ =	sdelay $0x3  }
0x2d8: {  	[tilespmem:v34+s15+$0x0] =	vst.idx.msk $0xffff, v33  }
0x2d9: {  	v33 =	vld.idx.msk [tilespmem:v35+s16+$0x0], $0xffff  }
0x2da: {  	v34 =	vor.u32 v11, v30  }
0x2db: {  	v35 =	vor.u32 v20, v29;
	_ =	sdelay $0x3  }
0x2dc: {  	[tilespmem:v34+s15+$0x0] =	vst.idx.msk $0xffff, v33  }
0x2dd: {  	v33 =	vld.idx.msk [tilespmem:v35+s16+$0x0], $0xffff  }
0x2de: {  	v34 =	vor.u32 v11, v31  }
0x2df: {  	v35 =	vor.u32 v20, v32;
	_ =	sdelay $0x3  }
0x2e0: {  	[tilespmem:v34+s15+$0x0] =	vst.idx.msk $0xffff, v33  }
0x2e1: {  	v33 =	vld.idx.msk [tilespmem:v35+s16+$0x0], $0xffff  }
0x2e2: {  	v34 =	vor.u32 v11, v25  }
0x2e3: {  	v35 =	vor.u32 v21, v26;
	_ =	sdelay $0x3  }
0x2e4: {  	[tilespmem:v34+s15+$0x0] =	vst.idx.msk $0xffff, v33  }
0x2e5: {  	v33 =	vld.idx.msk [tilespmem:v35+s16+$0x0], $0xffff  }
0x2e6: {  	v34 =	vor.u32 v12, v27  }
0x2e7: {  	v35 =	vor.u32 v21, v28;
	_ =	sdelay $0x3  }
0x2e8: {  	[tilespmem:v34+s15+$0x0] =	vst.idx.msk $0xffff, v33  }
0x2e9: {  	v33 =	vld.idx.msk [tilespmem:v35+s16+$0x0], $0xffff  }
0x2ea: {  	v34 =	vor.u32 v12, v30  }
0x2eb: {  	v35 =	vor.u32 v21, v29;
	_ =	sdelay $0x3  }
0x2ec: {  	[tilespmem:v34+s15+$0x0] =	vst.idx.msk $0xffff, v33  }
0x2ed: {  	v33 =	vld.idx.msk [tilespmem:v35+s16+$0x0], $0xffff  }
0x2ee: {  	v34 =	vor.u32 v12, v31  }
0x2ef: {  	v35 =	vor.u32 v21, v32;
	_ =	sdelay $0x3  }
0x2f0: {  	[tilespmem:v34+s15+$0x0] =	vst.idx.msk $0xffff, v33  }
0x2f1: {  	v33 =	vld.idx.msk [tilespmem:v35+s16+$0x0], $0xffff  }
0x2f2: {  	v34 =	vor.u32 v12, v25  }
0x2f3: {  	v35 =	vor.u32 v22, v26;
	_ =	sdelay $0x3  }
0x2f4: {  	[tilespmem:v34+s15+$0x0] =	vst.idx.msk $0xffff, v33  }
0x2f5: {  	v33 =	vld.idx.msk [tilespmem:v35+s16+$0x0], $0xffff  }
0x2f6: {  	v34 =	vor.u32 v13, v27  }
0x2f7: {  	v35 =	vor.u32 v22, v28;
	_ =	sdelay $0x3  }
0x2f8: {  	[tilespmem:v34+s15+$0x0] =	vst.idx.msk $0xffff, v33  }
0x2f9: {  	v33 =	vld.idx.msk [tilespmem:v35+s16+$0x0], $0xffff  }
0x2fa: {  	v34 =	vor.u32 v13, v30  }
0x2fb: {  	v35 =	vor.u32 v22, v29;
	_ =	sdelay $0x3  }
0x2fc: {  	[tilespmem:v34+s15+$0x0] =	vst.idx.msk $0xffff, v33  }
0x2fd: {  	v33 =	vld.idx.msk [tilespmem:v35+s16+$0x0], $0xffff  }
0x2fe: {  	v34 =	vor.u32 v13, v31  }
0x2ff: {  	v35 =	vor.u32 v22, v32;
	_ =	sdelay $0x3  }
0x300: {  	[tilespmem:v34+s15+$0x0] =	vst.idx.msk $0xffff, v33  }
0x301: {  	v33 =	vld.idx.msk [tilespmem:v35+s16+$0x0], $0xffff  }
0x302: {  	v34 =	vor.u32 v13, v25  }
0x303: {  	v35 =	vor.u32 v23, v26;
	_ =	sdelay $0x3  }
0x304: {  	[tilespmem:v34+s15+$0x0] =	vst.idx.msk $0xffff, v33  }
0x305: {  	v33 =	vld.idx.msk [tilespmem:v35+s16+$0x0], $0xffff  }
0x306: {  	v34 =	vor.u32 v14, v27  }
0x307: {  	v35 =	vor.u32 v23, v28;
	_ =	sdelay $0x3  }
0x308: {  	[tilespmem:v34+s15+$0x0] =	vst.idx.msk $0xffff, v33  }
0x309: {  	v33 =	vld.idx.msk [tilespmem:v35+s16+$0x0], $0xffff  }
0x30a: {  	v34 =	vor.u32 v14, v30  }
0x30b: {  	v35 =	vor.u32 v23, v29;
	_ =	sdelay $0x3  }
0x30c: {  	[tilespmem:v34+s15+$0x0] =	vst.idx.msk $0xffff, v33  }
0x30d: {  	v33 =	vld.idx.msk [tilespmem:v35+s16+$0x0], $0xffff  }
0x30e: {  	v34 =	vor.u32 v14, v31  }
0x30f: {  	v35 =	vor.u32 v23, v32;
	_ =	sdelay $0x3  }
0x310: {  	[tilespmem:v34+s15+$0x0] =	vst.idx.msk $0xffff, v33  }
0x311: {  	v33 =	vld.idx.msk [tilespmem:v35+s16+$0x0], $0xffff  }
0x312: {  	v34 =	vor.u32 v14, v25  }
0x313: {  	v26 =	vor.u32 v24, v26;
	_ =	sdelay $0x3  }
0x314: {  	[tilespmem:v34+s15+$0x0] =	vst.idx.msk $0xffff, v33  }
0x315: {  	v26 =	vld.idx.msk [tilespmem:v26+s16+$0x0], $0xffff  }
0x316: {  	v27 =	vor.u32 v15, v27  }
0x317: {  	v28 =	vor.u32 v24, v28;
	_ =	sdelay $0x3  }
0x318: {  	[tilespmem:v27+s15+$0x0] =	vst.idx.msk $0xffff, v26  }
0x319: {  	v26 =	vld.idx.msk [tilespmem:v28+s16+$0x0], $0xffff  }
0x31a: {  	v27 =	vor.u32 v15, v30  }
0x31b: {  	v28 =	vor.u32 v24, v29;
	_ =	sdelay $0x3  }
0x31c: {  	[tilespmem:v27+s15+$0x0] =	vst.idx.msk $0xffff, v26  }
0x31d: {  	v26 =	vld.idx.msk [tilespmem:v28+s16+$0x0], $0xffff  }
0x31e: {  	v27 =	vor.u32 v15, v31  }
0x31f: {  	v28 =	vor.u32 v24, v32  }
.Ltmp2:
0x320: {  	(pc) =	sbr.rel @p0 .LBB2_8-.Ltmp2, $3  }
0x321: {  	_ =	sdelay $0x1  }
0x322: {  	[tilespmem:v27+s15+$0x0] =	vst.idx.msk $0xffff, v26  }
0x323: {  	s12 =	sadd.s32 $0x2, s12;
	v27 =	vadd.s32 s7, v0;
	v28 =	vld.idx.msk [tilespmem:v28+s16+$0x0], $0xffff  }
0x324: {  	v26 =	vand.u32 $0xF, v27;
	v25 =	vor.u32 v15, v25  }
0x325: {  	v29 =	vor.u32 v16, v26;
	_ =	sdelay $0x1  }
0x326: {  	v30 =	vshll.u32 v27, $0x7  }
0x327: {  	v30 =	vand.u32 $0x780, v30  }
0x328: {  	v36 =	vor.u32 $0x10, v27;
	v27 =	vor.u32 v17, v30;
	[tilespmem:v25+s15+$0x0] =	vst.idx.msk $0xffff, v28  }
0x329: {  	v30 =	vand.u32 $0x1F, v36;
	v37 =	vor.u32 v0, v27;
	v28 =	vld.idx.msk [tilespmem:v29+s16+$0x0], $0xffff  }
0x32a: {  	v31 =	vor.u32 v16, v30;
	_ =	sdelay $0x2  }
0x32b: {  	s7 =	sadd.s32 $0x1, s7;
	v25 =	vshll.u32 v36, $0x7  }
0x32c: {  	v38 =	vadd.s32 s7, v0;
	v25 =	vadd.s32 v17, v25;
	[tilespmem:v37+s15+$0x0] =	vst.idx.msk $0xffff, v28  }
0x32d: {  	v32 =	vor.u32 v0, v25;
	v29 =	vld.idx.msk [tilespmem:v31+s16+$0x0], $0xffff;
	v31 =	vand.u32 $0xF, v38  }
0x32e: {  	v33 =	vor.u32 v16, v31;
	_ =	sdelay $0x2  }
0x32f: {  	v34 =	vor.u32 $0x10, v31;
	v35 =	vshll.u32 v31, $0x7  }
0x330: {  	v28 =	vand.u32 $0x7, v38;
	v39 =	vand.u32 $0x18, v34;
	[tilespmem:v32+s15+$0x0] =	vst.idx.msk $0xffff, v29;
	v29 =	vor.u32 v17, v35  }
0x331: {  	v28 =	vor.u32 v28, v39;
	v33 =	vld.idx.msk [tilespmem:v33+s16+$0x0], $0xffff;
	v35 =	vor.u32 v0, v29  }
0x332: {  	v16 =	vor.u32 v16, v28;
	_ =	sdelay $0x2  }
0x333: {  	v40 =	vshll.u32 v34, $0x7  }
0x334: {  	v17 =	vor.u32 v17, v40;
	[tilespmem:v35+s15+$0x0] =	vst.idx.msk $0xffff, v33  }
0x335: {  	v32 =	vor.u32 v0, v17;
	v16 =	vld.idx.msk [tilespmem:v16+s16+$0x0], $0xffff  }
0x336: {  	v41 =	vor.u32 v18, v26;
	_ =	sdelay $0x3  }
0x337: {  	[tilespmem:v32+s15+$0x0] =	vst.idx.msk $0xffff, v16  }
0x338: {  	v42 =	vor.u32 v9, v27;
	v16 =	vld.idx.msk [tilespmem:v41+s16+$0x0], $0xffff  }
0x339: {  	v43 =	vor.u32 v18, v30;
	_ =	sdelay $0x3  }
0x33a: {  	[tilespmem:v42+s15+$0x0] =	vst.idx.msk $0xffff, v16  }
0x33b: {  	v44 =	vor.u32 v9, v25;
	v16 =	vld.idx.msk [tilespmem:v43+s16+$0x0], $0xffff  }
0x33c: {  	v45 =	vor.u32 v18, v31;
	_ =	sdelay $0x3  }
0x33d: {  	[tilespmem:v44+s15+$0x0] =	vst.idx.msk $0xffff, v16  }
0x33e: {  	v46 =	vor.u32 v9, v29;
	v16 =	vld.idx.msk [tilespmem:v45+s16+$0x0], $0xffff  }
0x33f: {  	v47 =	vor.u32 v18, v28;
	_ =	sdelay $0x3  }
0x340: {  	[tilespmem:v46+s15+$0x0] =	vst.idx.msk $0xffff, v16  }
0x341: {  	v48 =	vor.u32 v9, v17;
	v16 =	vld.idx.msk [tilespmem:v47+s16+$0x0], $0xffff  }
0x342: {  	v49 =	vor.u32 v19, v26;
	_ =	sdelay $0x3  }
0x343: {  	[tilespmem:v48+s15+$0x0] =	vst.idx.msk $0xffff, v16  }
0x344: {  	v50 =	vor.u32 v10, v27;
	v16 =	vld.idx.msk [tilespmem:v49+s16+$0x0], $0xffff  }
0x345: {  	v51 =	vor.u32 v19, v30;
	_ =	sdelay $0x3  }
0x346: {  	[tilespmem:v50+s15+$0x0] =	vst.idx.msk $0xffff, v16  }
0x347: {  	v52 =	vor.u32 v10, v25;
	v16 =	vld.idx.msk [tilespmem:v51+s16+$0x0], $0xffff  }
0x348: {  	v53 =	vor.u32 v19, v31;
	_ =	sdelay $0x3  }
0x349: {  	[tilespmem:v52+s15+$0x0] =	vst.idx.msk $0xffff, v16  }
0x34a: {  	v54 =	vor.u32 v10, v29;
	v16 =	vld.idx.msk [tilespmem:v53+s16+$0x0], $0xffff  }
0x34b: {  	v55 =	vor.u32 v19, v28;
	_ =	sdelay $0x3  }
0x34c: {  	[tilespmem:v54+s15+$0x0] =	vst.idx.msk $0xffff, v16  }
0x34d: {  	v56 =	vor.u32 v10, v17;
	v16 =	vld.idx.msk [tilespmem:v55+s16+$0x0], $0xffff  }
0x34e: {  	v57 =	vor.u32 v20, v26;
	_ =	sdelay $0x3  }
0x34f: {  	[tilespmem:v56+s15+$0x0] =	vst.idx.msk $0xffff, v16  }
0x350: {  	v58 =	vor.u32 v11, v27;
	v16 =	vld.idx.msk [tilespmem:v57+s16+$0x0], $0xffff  }
0x351: {  	v59 =	vor.u32 v20, v30;
	_ =	sdelay $0x3  }
0x352: {  	[tilespmem:v58+s15+$0x0] =	vst.idx.msk $0xffff, v16  }
0x353: {  	v60 =	vor.u32 v11, v25;
	v16 =	vld.idx.msk [tilespmem:v59+s16+$0x0], $0xffff  }
0x354: {  	v61 =	vor.u32 v20, v31;
	_ =	sdelay $0x3  }
0x355: {  	[tilespmem:v60+s15+$0x0] =	vst.idx.msk $0xffff, v16  }
0x356: {  	v62 =	vor.u32 v11, v29;
	v16 =	vld.idx.msk [tilespmem:v61+s16+$0x0], $0xffff  }
0x357: {  	v63 =	vor.u32 v20, v28;
	_ =	sdelay $0x3  }
0x358: {  	[tilespmem:v62+s15+$0x0] =	vst.idx.msk $0xffff, v16  }
0x359: {  	v32 =	vor.u32 v11, v17;
	v16 =	vld.idx.msk [tilespmem:v63+s16+$0x0], $0xffff  }
0x35a: {  	v33 =	vor.u32 v21, v26;
	_ =	sdelay $0x3  }
0x35b: {  	[tilespmem:v32+s15+$0x0] =	vst.idx.msk $0xffff, v16  }
0x35c: {  	v34 =	vor.u32 v12, v27;
	v16 =	vld.idx.msk [tilespmem:v33+s16+$0x0], $0xffff  }
0x35d: {  	v35 =	vor.u32 v21, v30;
	_ =	sdelay $0x3  }
0x35e: {  	[tilespmem:v34+s15+$0x0] =	vst.idx.msk $0xffff, v16  }
0x35f: {  	v36 =	vor.u32 v12, v25;
	v16 =	vld.idx.msk [tilespmem:v35+s16+$0x0], $0xffff  }
0x360: {  	v37 =	vor.u32 v21, v31;
	_ =	sdelay $0x3  }
0x361: {  	[tilespmem:v36+s15+$0x0] =	vst.idx.msk $0xffff, v16  }
0x362: {  	v38 =	vor.u32 v12, v29;
	v16 =	vld.idx.msk [tilespmem:v37+s16+$0x0], $0xffff  }
0x363: {  	v39 =	vor.u32 v21, v28;
	_ =	sdelay $0x3  }
0x364: {  	[tilespmem:v38+s15+$0x0] =	vst.idx.msk $0xffff, v16  }
0x365: {  	v40 =	vor.u32 v12, v17;
	v16 =	vld.idx.msk [tilespmem:v39+s16+$0x0], $0xffff  }
0x366: {  	v41 =	vor.u32 v22, v26;
	_ =	sdelay $0x3  }
0x367: {  	[tilespmem:v40+s15+$0x0] =	vst.idx.msk $0xffff, v16  }
0x368: {  	v42 =	vor.u32 v13, v27;
	v16 =	vld.idx.msk [tilespmem:v41+s16+$0x0], $0xffff  }
0x369: {  	v43 =	vor.u32 v22, v30;
	_ =	sdelay $0x3  }
0x36a: {  	[tilespmem:v42+s15+$0x0] =	vst.idx.msk $0xffff, v16  }
0x36b: {  	v44 =	vor.u32 v13, v25;
	v16 =	vld.idx.msk [tilespmem:v43+s16+$0x0], $0xffff  }
0x36c: {  	v45 =	vor.u32 v22, v31;
	_ =	sdelay $0x3  }
0x36d: {  	[tilespmem:v44+s15+$0x0] =	vst.idx.msk $0xffff, v16  }
0x36e: {  	v46 =	vor.u32 v13, v29;
	v16 =	vld.idx.msk [tilespmem:v45+s16+$0x0], $0xffff  }
0x36f: {  	v47 =	vor.u32 v22, v28;
	_ =	sdelay $0x3  }
0x370: {  	[tilespmem:v46+s15+$0x0] =	vst.idx.msk $0xffff, v16  }
0x371: {  	v48 =	vor.u32 v13, v17;
	v16 =	vld.idx.msk [tilespmem:v47+s16+$0x0], $0xffff  }
0x372: {  	v49 =	vor.u32 v23, v26;
	_ =	sdelay $0x3  }
0x373: {  	[tilespmem:v48+s15+$0x0] =	vst.idx.msk $0xffff, v16  }
0x374: {  	v50 =	vor.u32 v14, v27;
	v16 =	vld.idx.msk [tilespmem:v49+s16+$0x0], $0xffff  }
0x375: {  	v51 =	vor.u32 v23, v30;
	_ =	sdelay $0x3  }
0x376: {  	[tilespmem:v50+s15+$0x0] =	vst.idx.msk $0xffff, v16  }
0x377: {  	v52 =	vor.u32 v14, v25;
	v16 =	vld.idx.msk [tilespmem:v51+s16+$0x0], $0xffff  }
0x378: {  	v53 =	vor.u32 v23, v31;
	_ =	sdelay $0x3  }
0x379: {  	[tilespmem:v52+s15+$0x0] =	vst.idx.msk $0xffff, v16  }
0x37a: {  	v54 =	vor.u32 v14, v29;
	v16 =	vld.idx.msk [tilespmem:v53+s16+$0x0], $0xffff  }
0x37b: {  	v55 =	vor.u32 v23, v28;
	_ =	sdelay $0x3  }
0x37c: {  	[tilespmem:v54+s15+$0x0] =	vst.idx.msk $0xffff, v16  }
0x37d: {  	v56 =	vor.u32 v14, v17;
	v16 =	vld.idx.msk [tilespmem:v55+s16+$0x0], $0xffff  }
0x37e: {  	v57 =	vor.u32 v24, v26;
	_ =	sdelay $0x3  }
0x37f: {  	[tilespmem:v56+s15+$0x0] =	vst.idx.msk $0xffff, v16  }
0x380: {  	v58 =	vor.u32 v15, v27;
	v16 =	vld.idx.msk [tilespmem:v57+s16+$0x0], $0xffff  }
0x381: {  	v59 =	vor.u32 v24, v30;
	_ =	sdelay $0x3  }
0x382: {  	[tilespmem:v58+s15+$0x0] =	vst.idx.msk $0xffff, v16  }
0x383: {  	v60 =	vor.u32 v15, v25;
	v16 =	vld.idx.msk [tilespmem:v59+s16+$0x0], $0xffff  }
0x384: {  	v61 =	vor.u32 v24, v31;
	_ =	sdelay $0x3  }
0x385: {  	[tilespmem:v60+s15+$0x0] =	vst.idx.msk $0xffff, v16  }
0x386: {  	v62 =	vor.u32 v15, v29;
	v16 =	vld.idx.msk [tilespmem:v61+s16+$0x0], $0xffff  }
0x387: {  	v63 =	vor.u32 v24, v28;
	_ =	sdelay $0x3  }
0x388: {  	s8 =	sadd.s32 $0x1, s8;
	[tilespmem:v62+s15+$0x0] =	vst.idx.msk $0xffff, v16  }
0x389: {  	p0 =	sne.s32 s8, $0x8;
	v17 =	vor.u32 v15, v17;
	v16 =	vld.idx.msk [tilespmem:v63+s16+$0x0], $0xffff  }
.Ltmp3:
0x38a: {  	_ = 	snop;
	(pc) =	sbr.rel @p0 .LBB2_7-.Ltmp3, $2  }
0x38b: {  	_ =	sdelay $0x2  }
0x38c: {  	[tilespmem:v17+s15+$0x0] =	vst.idx.msk $0xffff, v16  }
0x38d: {  	s1 =	sshll.u32 s1, $0x14  }
0x38e: {  	s1 =	sor.u32 s5, s1  }
0x38f: {  	s3 =	rddreg [dreg:$0x2];
	s1 =	sshrl.u32 s1, $0x3  }
0x390: {  	s3 =	sadd.s32 s3, s1  }
0x391: {  	[hbm4b:s3+s4] =	stream.linear.scatter [tilespmem:s15], [sflag:$0x3], $0x400, $0x38;
	[tilespmem:$0x18800] =	vst v63  }
0x392: {  	s8 =	simm.s32 $0x11800;
	s7 =	sadd.s32 $0x4000, s3  }
0x393: {  	[hbm4b:s7+s4] =	stream.linear.scatter [tilespmem:s8], [sflag:$0x3], $0x400, $0x38;
	[tilespmem:$0x18800] =	vst v63  }
0x394: {  	s13 =	simm.s32 $0x12800;
	s12 =	sadd.s32 $0x8000, s3  }
0x395: {  	[hbm4b:s12+s4] =	stream.linear.scatter [tilespmem:s13], [sflag:$0x3], $0x400, $0x38;
	[tilespmem:$0x18800] =	vst v63  }
0x396: {  	s12 =	sadd.s32 $0xC000, s3;
	s13 =	simm.s32 $0x13800  }
0x397: {  	[hbm4b:s12+s4] =	stream.linear.scatter [tilespmem:s13], [sflag:$0x3], $0x400, $0x38;
	[tilespmem:$0x18800] =	vst v63  }
0x398: {  	s12 =	sadd.s32 $0x10000, s3;
	s13 =	simm.s32 $0x14800  }
0x399: {  	[hbm4b:s12+s4] =	stream.linear.scatter [tilespmem:s13], [sflag:$0x3], $0x400, $0x38;
	[tilespmem:$0x18800] =	vst v63  }
0x39a: {  	s12 =	sadd.s32 $0x14000, s3;
	s13 =	simm.s32 $0x15800  }
0x39b: {  	[hbm4b:s12+s4] =	stream.linear.scatter [tilespmem:s13], [sflag:$0x3], $0x400, $0x38;
	[tilespmem:$0x18800] =	vst v63  }
0x39c: {  	s8 =	sadd.s32 $0x18000, s3;
	s12 =	simm.s32 $0x16800  }
0x39d: {  	[hbm4b:s8+s4] =	stream.linear.scatter [tilespmem:s12], [sflag:$0x3], $0x400, $0x38;
	[tilespmem:$0x18800] =	vst v63  }
0x39e: {  	s3 =	sadd.s32 $0x1C000, s3;
	s13 =	simm.s32 $0x17800  }
0x39f: {  	[hbm4b:s3+s4] =	stream.linear.scatter [tilespmem:s13], [sflag:$0x3], $0x400, $0x38;
	[tilespmem:$0x18800] =	vst v63  }
0x3a0: {  	s8 =	simm.s32 $0x10C00;
	s3 =	sadd.s32 s1, s9  }
0x3a1: {  	[hbm4b:s3+s4] =	stream.linear.scatter [tilespmem:s8], [sflag:$0x3], $0x400, $0x38;
	[tilespmem:$0x18800] =	vst v63  }
0x3a2: {  	s13 =	simm.s32 $0x11C00;
	s12 =	sadd.s32 $0x4000, s3  }
0x3a3: {  	[hbm4b:s12+s4] =	stream.linear.scatter [tilespmem:s13], [sflag:$0x3], $0x400, $0x38;
	[tilespmem:$0x18800] =	vst v63  }
0x3a4: {  	s12 =	sadd.s32 $0x8000, s3;
	s13 =	simm.s32 $0x12C00  }
0x3a5: {  	[hbm4b:s12+s4] =	stream.linear.scatter [tilespmem:s13], [sflag:$0x3], $0x400, $0x38;
	[tilespmem:$0x18800] =	vst v63  }
0x3a6: {  	s12 =	sadd.s32 $0xC000, s3;
	s13 =	simm.s32 $0x13C00  }
0x3a7: {  	[hbm4b:s12+s4] =	stream.linear.scatter [tilespmem:s13], [sflag:$0x3], $0x400, $0x38;
	[tilespmem:$0x18800] =	vst v63  }
0x3a8: {  	s12 =	sadd.s32 $0x10000, s3;
	s13 =	simm.s32 $0x14C00  }
0x3a9: {  	[hbm4b:s12+s4] =	stream.linear.scatter [tilespmem:s13], [sflag:$0x3], $0x400, $0x38;
	[tilespmem:$0x18800] =	vst v63  }
0x3aa: {  	s12 =	sadd.s32 $0x14000, s3;
	s13 =	simm.s32 $0x15C00  }
0x3ab: {  	[hbm4b:s12+s4] =	stream.linear.scatter [tilespmem:s13], [sflag:$0x3], $0x400, $0x38;
	[tilespmem:$0x18800] =	vst v63  }
0x3ac: {  	s8 =	sadd.s32 $0x18000, s3;
	s12 =	simm.s32 $0x16C00  }
0x3ad: {  	[hbm4b:s8+s4] =	stream.linear.scatter [tilespmem:s12], [sflag:$0x3], $0x400, $0x38;
	[tilespmem:$0x18800] =	vst v63  }
0x3ae: {  	s3 =	sadd.s32 $0x1C000, s3;
	s13 =	simm.s32 $0x17C00  }
0x3af: {  	[hbm4b:s3+s4] =	stream.linear.scatter [tilespmem:s13], [sflag:$0x3], $0x400, $0x38;
	[tilespmem:$0x18800] =	vst v63  }
0x3b0: {  	s8 =	simm.s32 $0x11000;
	s3 =	sadd.s32 s1, s10  }
0x3b1: {  	[hbm4b:s3+s4] =	stream.linear.scatter [tilespmem:s8], [sflag:$0x3], $0x400, $0x38;
	[tilespmem:$0x18800] =	vst v63  }
0x3b2: {  	s13 =	simm.s32 $0x12000;
	s12 =	sadd.s32 $0x4000, s3  }
0x3b3: {  	[hbm4b:s12+s4] =	stream.linear.scatter [tilespmem:s13], [sflag:$0x3], $0x400, $0x38;
	[tilespmem:$0x18800] =	vst v63  }
0x3b4: {  	s12 =	sadd.s32 $0x8000, s3;
	s13 =	simm.s32 $0x13000  }
0x3b5: {  	[hbm4b:s12+s4] =	stream.linear.scatter [tilespmem:s13], [sflag:$0x3], $0x400, $0x38;
	[tilespmem:$0x18800] =	vst v63  }
0x3b6: {  	s12 =	sadd.s32 $0xC000, s3;
	s13 =	simm.s32 $0x14000  }
0x3b7: {  	[hbm4b:s12+s4] =	stream.linear.scatter [tilespmem:s13], [sflag:$0x3], $0x400, $0x38;
	[tilespmem:$0x18800] =	vst v63  }
0x3b8: {  	s12 =	sadd.s32 $0x10000, s3;
	s13 =	simm.s32 $0x15000  }
0x3b9: {  	[hbm4b:s12+s4] =	stream.linear.scatter [tilespmem:s13], [sflag:$0x3], $0x400, $0x38;
	[tilespmem:$0x18800] =	vst v63  }
0x3ba: {  	s12 =	sadd.s32 $0x14000, s3;
	s13 =	simm.s32 $0x16000  }
0x3bb: {  	[hbm4b:s12+s4] =	stream.linear.scatter [tilespmem:s13], [sflag:$0x3], $0x400, $0x38;
	[tilespmem:$0x18800] =	vst v63  }
0x3bc: {  	s8 =	sadd.s32 $0x18000, s3  }
0x3bd: {  	[hbm4b:s8+s4] =	stream.linear.scatter [tilespmem:s20], [sflag:$0x3], $0x400, $0x38;
	[tilespmem:$0x18800] =	vst v63  }
0x3be: {  	s3 =	sadd.s32 $0x1C000, s3  }
0x3bf: {  	[hbm4b:s3+s4] =	stream.linear.scatter [tilespmem:s21], [sflag:$0x3], $0x400, $0x38;
	[tilespmem:$0x18800] =	vst v63  }
0x3c0: {  	s1 =	sadd.s32 s1, s11  }
0x3c1: {  	[hbm4b:s1+s4] =	stream.linear.scatter [tilespmem:s22], [sflag:$0x3], $0x400, $0x38;
	[tilespmem:$0x18800] =	vst v63  }
0x3c2: {  	s12 =	sadd.s32 $0x4000, s1  }
0x3c3: {  	[hbm4b:s12+s4] =	stream.linear.scatter [tilespmem:s23], [sflag:$0x3], $0x400, $0x38;
	[tilespmem:$0x18800] =	vst v63  }
0x3c4: {  	s13 =	sadd.s32 $0x8000, s1  }
0x3c5: {  	[hbm4b:s13+s4] =	stream.linear.scatter [tilespmem:s24], [sflag:$0x3], $0x400, $0x38;
	[tilespmem:$0x18800] =	vst v63  }
0x3c6: {  	s7 =	sadd.s32 $0xC000, s1  }
0x3c7: {  	[hbm4b:s7+s4] =	stream.linear.scatter [tilespmem:s25], [sflag:$0x3], $0x400, $0x38;
	[tilespmem:$0x18800] =	vst v63  }
0x3c8: {  	s2 =	sadd.s32 $0x1, s2;
	s8 =	sadd.s32 $0x10000, s1  }
0x3c9: {  	[hbm4b:s8+s4] =	stream.linear.scatter [tilespmem:s26], [sflag:$0x3], $0x400, $0x38;
	[tilespmem:$0x18800] =	vst v63  }
0x3ca: {  	p0 =	sne.s32 s2, $0xC;
	s12 =	sadd.s32 $0x14000, s1  }
0x3cb: {  	[hbm4b:s12+s4] =	stream.linear.scatter [tilespmem:s28], [sflag:$0x3], $0x400, $0x38;
	[tilespmem:$0x18800] =	vst v63  }
.Ltmp4:
0x3cc: {  	_ = 	snop;
	(pc) =	sbr.rel @p0 .LBB2_2-.Ltmp4, $4  }
0x3cd: {  	s13 =	sadd.s32 $0x18000, s1  }
0x3ce: {  	[hbm4b:s13+s4] =	stream.linear.scatter [tilespmem:s29], [sflag:$0x3], $0x400, $0x38;
	[tilespmem:$0x18800] =	vst v63  }
0x3cf: {  	s1 =	sadd.s32 $0x1C000, s1  }
0x3d0: {  	[hbm4b:s1+s4] =	stream.linear.scatter [tilespmem:s30], [sflag:$0x3], $0x400, $0x38;
	[tilespmem:$0x18800] =	vst v63  }
0x3d1: {  	_ =	swait.ge [sflag:s14], $0x1000  }
0x3d2: {  	[sflag:s14] =	ssyncset.done $0x0  }
0x3d3: {  	[sflag:s14] =	ssyncadd.s32 $0xFFFFF000  }
0x3d4: {  	_ =	swait.ge [sflag:s14], $0x1000  }
0x3d5: {  	[sflag:s14] =	ssyncset.done $0x0  }
0x3d6: {  	[sflag:s14] =	ssyncadd.s32 $0xFFFFF000  }
0x3d7: {  	_ =	swait.ge [sflag:s14], $0x1000  }
0x3d8: {  	[sflag:s14] =	ssyncset.done $0x0  }
0x3d9: {  	[sflag:s14] =	ssyncadd.s32 $0xFFFFF000  }
0x3da: {  	_ =	swait.ge [sflag:s14], $0x1000  }
0x3db: {  	[sflag:s14] =	ssyncset.done $0x0  }
0x3dc: {  	[sflag:s14] =	ssyncadd.s32 $0xFFFFF000  }
0x3dd: {  	_ =	swait.ge [sflag:s14], $0x1000  }
0x3de: {  	[sflag:s14] =	ssyncset.done $0x0  }
0x3df: {  	[sflag:s14] =	ssyncadd.s32 $0xFFFFF000  }
0x3e0: {  	_ =	swait.ge [sflag:s14], $0x1000  }
0x3e1: {  	[sflag:s14] =	ssyncset.done $0x0  }
0x3e2: {  	[sflag:s14] =	ssyncadd.s32 $0xFFFFF000  }
0x3e3: {  	_ =	swait.ge [sflag:s14], $0x1000  }
0x3e4: {  	[sflag:s14] =	ssyncset.done $0x0  }
0x3e5: {  	[sflag:s14] =	ssyncadd.s32 $0xFFFFF000  }
0x3e6: {  	_ =	swait.ge [sflag:s14], $0x1000  }
0x3e7: {  	[sflag:s14] =	ssyncset.done $0x0  }
0x3e8: {  	[sflag:s14] =	ssyncadd.s32 $0xFFFFF000  }
0x3e9: {  	_ =	swait.ge [sflag:s0], $0x2000  }
0x3ea: {  	[sflag:s0] =	ssyncset.done $0x0  }
0x3eb: {  	[sflag:s0] =	ssyncadd.s32 $0xFFFFE000  }
0x3ec: {  	_ =	swait.ge [sflag:s0], $0x2000  }
0x3ed: {  	[sflag:s0] =	ssyncset.done $0x0  }
0x3ee: {  	[sflag:s0] =	ssyncadd.s32 $0xFFFFE000  }
0x3ef: {  	_ =	swait.ge [sflag:s0], $0x2000  }
0x3f0: {  	[sflag:s0] =	ssyncset.done $0x0  }
0x3f1: {  	[sflag:s0] =	ssyncadd.s32 $0xFFFFE000  }
0x3f2: {  	_ =	swait.ge [sflag:s0], $0x2000  }
0x3f3: {  	[sflag:s0] =	ssyncset.done $0x0  }
0x3f4: {  	s1 =	simm.s32 $0x0;
	s2 =	simm.s32 $0x0;
	[sflag:s0] =	ssyncadd.s32 $0xFFFFE000  }
.LBB2_12:
0x3f5: {  	s3 =	sshll.u32 s2, $0x7  }
0x3f6: {  	v16 =	vmov s3  }
0x3f7: {  	v18 =	vadd.s32 s1, v0;
	v24 =	vshll.u32 v16, $0x5  }
0x3f8: {  	v26 =	vand.u32 $0xF, v18;
	v16 =	vor.u32 v1, v24  }
0x3f9: {  	v19 =	vor.u32 v16, v26;
	_ =	sdelay $0x1  }
0x3fa: {  	s12 =	sshll.u32 s2, $0xC;
	v20 =	vshll.u32 v18, $0x7  }
0x3fb: {  	v17 =	vmov s12;
	v20 =	vand.u32 $0x780, v20  }
0x3fc: {  	v18 =	vor.u32 $0x10, v18;
	v27 =	vor.u32 v17, v20  }
0x3fd: {  	v28 =	vand.u32 $0x1F, v18;
	v20 =	vor.u32 v0, v27;
	v19 =	vld.idx.msk [tilespmem:v19+s19+$0x0], $0xffff  }
0x3fe: {  	v21 =	vor.u32 v16, v28;
	_ =	sdelay $0x2  }
0x3ff: {  	s13 =	simm.s32 $0x1;
	v18 =	vshll.u32 v18, $0x7  }
0x400: {  	v29 =	vadd.s32 v17, v18;
	[tilespmem:v20+s15+$0x0] =	vst.idx.msk $0xffff, v19;
	v19 =	vadd.s32 s13, v0  }
0x401: {  	v20 =	vor.u32 v0, v29;
	v18 =	vld.idx.msk [tilespmem:v21+s19+$0x0], $0xffff;
	v30 =	vand.u32 $0xF, v19  }
0x402: {  	v21 =	vor.u32 v16, v30;
	_ =	sdelay $0x2  }
0x403: {  	v22 =	vor.u32 $0x10, v30;
	v23 =	vshll.u32 v30, $0x7  }
0x404: {  	v31 =	vor.u32 v17, v23;
	[tilespmem:v20+s15+$0x0] =	vst.idx.msk $0xffff, v18;
	v18 =	vand.u32 $0x7, v19;
	v19 =	vand.u32 $0x18, v22  }
0x405: {  	v20 =	vld.idx.msk [tilespmem:v21+s19+$0x0], $0xffff;
	v21 =	vor.u32 v0, v31;
	v32 =	vor.u32 v18, v19  }
0x406: {  	v19 =	vor.u32 v16, v32;
	_ =	sdelay $0x2  }
0x407: {  	v18 =	vshll.u32 v22, $0x7  }
0x408: {  	v25 =	vor.u32 v17, v18;
	[tilespmem:v21+s15+$0x0] =	vst.idx.msk $0xffff, v20  }
0x409: {  	v18 =	vor.u32 v8, v24;
	v20 =	vor.u32 v0, v25;
	v19 =	vld.idx.msk [tilespmem:v19+s19+$0x0], $0xffff  }
0x40a: {  	v21 =	vor.u32 v18, v26;
	_ =	sdelay $0x3  }
0x40b: {  	[tilespmem:v20+s15+$0x0] =	vst.idx.msk $0xffff, v19  }
0x40c: {  	v20 =	vor.u32 v9, v27;
	v19 =	vld.idx.msk [tilespmem:v21+s19+$0x0], $0xffff  }
0x40d: {  	v21 =	vor.u32 v18, v28;
	_ =	sdelay $0x3  }
0x40e: {  	[tilespmem:v20+s15+$0x0] =	vst.idx.msk $0xffff, v19  }
0x40f: {  	v20 =	vor.u32 v9, v29;
	v19 =	vld.idx.msk [tilespmem:v21+s19+$0x0], $0xffff  }
0x410: {  	v21 =	vor.u32 v18, v30;
	_ =	sdelay $0x3  }
0x411: {  	[tilespmem:v20+s15+$0x0] =	vst.idx.msk $0xffff, v19  }
0x412: {  	v20 =	vor.u32 v9, v31;
	v19 =	vld.idx.msk [tilespmem:v21+s19+$0x0], $0xffff  }
0x413: {  	v21 =	vor.u32 v18, v32;
	_ =	sdelay $0x3  }
0x414: {  	[tilespmem:v20+s15+$0x0] =	vst.idx.msk $0xffff, v19  }
0x415: {  	v19 =	vor.u32 v7, v24;
	v20 =	vld.idx.msk [tilespmem:v21+s19+$0x0], $0xffff;
	v21 =	vor.u32 v9, v25  }
0x416: {  	v22 =	vor.u32 v19, v26;
	_ =	sdelay $0x3  }
0x417: {  	[tilespmem:v21+s15+$0x0] =	vst.idx.msk $0xffff, v20  }
0x418: {  	v21 =	vor.u32 v10, v27;
	v20 =	vld.idx.msk [tilespmem:v22+s19+$0x0], $0xffff  }
0x419: {  	v22 =	vor.u32 v19, v28;
	_ =	sdelay $0x3  }
0x41a: {  	[tilespmem:v21+s15+$0x0] =	vst.idx.msk $0xffff, v20  }
0x41b: {  	v21 =	vor.u32 v10, v29;
	v20 =	vld.idx.msk [tilespmem:v22+s19+$0x0], $0xffff  }
0x41c: {  	v22 =	vor.u32 v19, v30;
	_ =	sdelay $0x3  }
0x41d: {  	[tilespmem:v21+s15+$0x0] =	vst.idx.msk $0xffff, v20  }
0x41e: {  	v21 =	vor.u32 v10, v31;
	v20 =	vld.idx.msk [tilespmem:v22+s19+$0x0], $0xffff  }
0x41f: {  	v22 =	vor.u32 v19, v32;
	_ =	sdelay $0x3  }
0x420: {  	[tilespmem:v21+s15+$0x0] =	vst.idx.msk $0xffff, v20  }
0x421: {  	v20 =	vor.u32 v6, v24;
	v21 =	vld.idx.msk [tilespmem:v22+s19+$0x0], $0xffff;
	v22 =	vor.u32 v10, v25  }
0x422: {  	v23 =	vor.u32 v20, v26;
	_ =	sdelay $0x3  }
0x423: {  	[tilespmem:v22+s15+$0x0] =	vst.idx.msk $0xffff, v21  }
0x424: {  	v22 =	vor.u32 v11, v27;
	v21 =	vld.idx.msk [tilespmem:v23+s19+$0x0], $0xffff  }
0x425: {  	v23 =	vor.u32 v20, v28;
	_ =	sdelay $0x3  }
0x426: {  	[tilespmem:v22+s15+$0x0] =	vst.idx.msk $0xffff, v21  }
0x427: {  	v22 =	vor.u32 v11, v29;
	v21 =	vld.idx.msk [tilespmem:v23+s19+$0x0], $0xffff  }
0x428: {  	v23 =	vor.u32 v20, v30;
	_ =	sdelay $0x3  }
0x429: {  	[tilespmem:v22+s15+$0x0] =	vst.idx.msk $0xffff, v21  }
0x42a: {  	v22 =	vor.u32 v11, v31;
	v21 =	vld.idx.msk [tilespmem:v23+s19+$0x0], $0xffff  }
0x42b: {  	v23 =	vor.u32 v20, v32;
	_ =	sdelay $0x3  }
0x42c: {  	[tilespmem:v22+s15+$0x0] =	vst.idx.msk $0xffff, v21  }
0x42d: {  	v21 =	vor.u32 v5, v24;
	v22 =	vld.idx.msk [tilespmem:v23+s19+$0x0], $0xffff;
	v23 =	vor.u32 v11, v25  }
0x42e: {  	v33 =	vor.u32 v21, v26;
	_ =	sdelay $0x3  }
0x42f: {  	[tilespmem:v23+s15+$0x0] =	vst.idx.msk $0xffff, v22  }
0x430: {  	v23 =	vor.u32 v12, v27;
	v22 =	vld.idx.msk [tilespmem:v33+s19+$0x0], $0xffff  }
0x431: {  	v46 =	vor.u32 v21, v28;
	_ =	sdelay $0x3  }
0x432: {  	[tilespmem:v23+s15+$0x0] =	vst.idx.msk $0xffff, v22  }
0x433: {  	v23 =	vor.u32 v12, v29;
	v22 =	vld.idx.msk [tilespmem:v46+s19+$0x0], $0xffff  }
0x434: {  	v47 =	vor.u32 v21, v30;
	_ =	sdelay $0x3  }
0x435: {  	[tilespmem:v23+s15+$0x0] =	vst.idx.msk $0xffff, v22  }
0x436: {  	v23 =	vor.u32 v12, v31;
	v22 =	vld.idx.msk [tilespmem:v47+s19+$0x0], $0xffff  }
0x437: {  	v48 =	vor.u32 v21, v32;
	_ =	sdelay $0x3  }
0x438: {  	[tilespmem:v23+s15+$0x0] =	vst.idx.msk $0xffff, v22  }
0x439: {  	v49 =	vor.u32 v12, v25;
	v22 =	vor.u32 v4, v24;
	v23 =	vld.idx.msk [tilespmem:v48+s19+$0x0], $0xffff  }
0x43a: {  	v34 =	vor.u32 v22, v26;
	_ =	sdelay $0x3  }
0x43b: {  	[tilespmem:v49+s15+$0x0] =	vst.idx.msk $0xffff, v23  }
0x43c: {  	v50 =	vor.u32 v13, v27;
	v23 =	vld.idx.msk [tilespmem:v34+s19+$0x0], $0xffff  }
0x43d: {  	v51 =	vor.u32 v22, v28;
	_ =	sdelay $0x3  }
0x43e: {  	[tilespmem:v50+s15+$0x0] =	vst.idx.msk $0xffff, v23  }
0x43f: {  	v52 =	vor.u32 v13, v29;
	v23 =	vld.idx.msk [tilespmem:v51+s19+$0x0], $0xffff  }
0x440: {  	v53 =	vor.u32 v22, v30;
	_ =	sdelay $0x3  }
0x441: {  	[tilespmem:v52+s15+$0x0] =	vst.idx.msk $0xffff, v23  }
0x442: {  	v54 =	vor.u32 v13, v31;
	v23 =	vld.idx.msk [tilespmem:v53+s19+$0x0], $0xffff  }
0x443: {  	v55 =	vor.u32 v22, v32;
	_ =	sdelay $0x3  }
0x444: {  	[tilespmem:v54+s15+$0x0] =	vst.idx.msk $0xffff, v23  }
0x445: {  	v56 =	vor.u32 v13, v25;
	v23 =	vor.u32 v3, v24;
	v33 =	vld.idx.msk [tilespmem:v55+s19+$0x0], $0xffff  }
0x446: {  	v35 =	vor.u32 v23, v26;
	_ =	sdelay $0x3  }
0x447: {  	[tilespmem:v56+s15+$0x0] =	vst.idx.msk $0xffff, v33  }
0x448: {  	v57 =	vor.u32 v14, v27;
	v33 =	vld.idx.msk [tilespmem:v35+s19+$0x0], $0xffff  }
0x449: {  	v58 =	vor.u32 v23, v28;
	_ =	sdelay $0x3  }
0x44a: {  	[tilespmem:v57+s15+$0x0] =	vst.idx.msk $0xffff, v33  }
0x44b: {  	v59 =	vor.u32 v14, v29;
	v33 =	vld.idx.msk [tilespmem:v58+s19+$0x0], $0xffff  }
0x44c: {  	v60 =	vor.u32 v23, v30;
	_ =	sdelay $0x3  }
0x44d: {  	[tilespmem:v59+s15+$0x0] =	vst.idx.msk $0xffff, v33  }
0x44e: {  	v61 =	vor.u32 v14, v31;
	v33 =	vld.idx.msk [tilespmem:v60+s19+$0x0], $0xffff  }
0x44f: {  	v62 =	vor.u32 v23, v32;
	_ =	sdelay $0x3  }
0x450: {  	[tilespmem:v61+s15+$0x0] =	vst.idx.msk $0xffff, v33  }
0x451: {  	v63 =	vor.u32 v14, v25;
	v24 =	vor.u32 v2, v24;
	v33 =	vld.idx.msk [tilespmem:v62+s19+$0x0], $0xffff  }
0x452: {  	v26 =	vor.u32 v24, v26;
	_ =	sdelay $0x3  }
0x453: {  	[tilespmem:v63+s15+$0x0] =	vst.idx.msk $0xffff, v33  }
0x454: {  	v27 =	vor.u32 v15, v27;
	v26 =	vld.idx.msk [tilespmem:v26+s19+$0x0], $0xffff  }
0x455: {  	v28 =	vor.u32 v24, v28;
	_ =	sdelay $0x3  }
0x456: {  	[tilespmem:v27+s15+$0x0] =	vst.idx.msk $0xffff, v26  }
0x457: {  	v27 =	vor.u32 v15, v29;
	v26 =	vld.idx.msk [tilespmem:v28+s19+$0x0], $0xffff  }
0x458: {  	v28 =	vor.u32 v24, v30;
	_ =	sdelay $0x3  }
0x459: {  	[tilespmem:v27+s15+$0x0] =	vst.idx.msk $0xffff, v26  }
0x45a: {  	v27 =	vor.u32 v15, v31;
	v26 =	vld.idx.msk [tilespmem:v28+s19+$0x0], $0xffff  }
0x45b: {  	v28 =	vor.u32 v24, v32;
	_ =	sdelay $0x3  }
0x45c: {  	s3 =	simm.s32 $0x2;
	[tilespmem:v27+s15+$0x0] =	vst.idx.msk $0xffff, v26  }
0x45d: {  	s7 =	simm.s32 $0x4;
	v27 =	vadd.s32 s3, v0;
	v28 =	vld.idx.msk [tilespmem:v28+s19+$0x0], $0xffff  }
.LBB2_13:
0x45e: {  	p0 =	sne.s32 s7, $0xE;
	v26 =	vand.u32 $0xF, v27;
	v25 =	vor.u32 v15, v25  }
0x45f: {  	v29 =	vor.u32 v16, v26;
	_ =	sdelay $0x2  }
0x460: {  	v30 =	vshll.u32 v27, $0x7  }
0x461: {  	v30 =	vand.u32 $0x780, v30;
	[tilespmem:v25+s15+$0x0] =	vst.idx.msk $0xffff, v28  }
0x462: {  	v25 =	vor.u32 $0x10, v27;
	v27 =	vor.u32 v17, v30;
	v29 =	vld.idx.msk [tilespmem:v29+s19+$0x0], $0xffff  }
0x463: {  	v30 =	vor.u32 v0, v27;
	v28 =	vand.u32 $0x1F, v25  }
0x464: {  	v31 =	vor.u32 v16, v28;
	_ =	sdelay $0x3  }
0x465: {  	s8 =	sadd.s32 $0x1, s3;
	s3 =	smov.u32 s7;
	v25 =	vshll.u32 v25, $0x7;
	[tilespmem:v30+s15+$0x0] =	vst.idx.msk $0xffff, v29  }
0x466: {  	v32 =	vadd.s32 s8, v0;
	v30 =	vadd.s32 v17, v25;
	v31 =	vld.idx.msk [tilespmem:v31+s19+$0x0], $0xffff  }
0x467: {  	v29 =	vand.u32 $0xF, v32;
	v25 =	vor.u32 v0, v30  }
0x468: {  	v33 =	vor.u32 v16, v29;
	_ =	sdelay $0x3  }
0x469: {  	v34 =	vor.u32 $0x10, v29;
	[tilespmem:v25+s15+$0x0] =	vst.idx.msk $0xffff, v31;
	v25 =	vshll.u32 v29, $0x7  }
0x46a: {  	v32 =	vand.u32 $0x7, v32;
	v33 =	vld.idx.msk [tilespmem:v33+s19+$0x0], $0xffff;
	v31 =	vor.u32 v17, v25;
	v25 =	vand.u32 $0x18, v34  }
0x46b: {  	v35 =	vor.u32 v0, v31;
	v32 =	vor.u32 v32, v25  }
0x46c: {  	v25 =	vor.u32 v16, v32;
	_ =	sdelay $0x3  }
0x46d: {  	[tilespmem:v35+s15+$0x0] =	vst.idx.msk $0xffff, v33;
	v33 =	vshll.u32 v34, $0x7  }
0x46e: {  	v34 =	vld.idx.msk [tilespmem:v25+s19+$0x0], $0xffff;
	v25 =	vor.u32 v17, v33  }
0x46f: {  	v33 =	vor.u32 v0, v25  }
0x470: {  	v35 =	vor.u32 v18, v26;
	_ =	sdelay $0x3  }
0x471: {  	[tilespmem:v33+s15+$0x0] =	vst.idx.msk $0xffff, v34  }
0x472: {  	v33 =	vld.idx.msk [tilespmem:v35+s19+$0x0], $0xffff  }
0x473: {  	v34 =	vor.u32 v9, v27  }
0x474: {  	v35 =	vor.u32 v18, v28;
	_ =	sdelay $0x3  }
0x475: {  	[tilespmem:v34+s15+$0x0] =	vst.idx.msk $0xffff, v33  }
0x476: {  	v33 =	vld.idx.msk [tilespmem:v35+s19+$0x0], $0xffff  }
0x477: {  	v34 =	vor.u32 v9, v30  }
0x478: {  	v35 =	vor.u32 v18, v29;
	_ =	sdelay $0x3  }
0x479: {  	[tilespmem:v34+s15+$0x0] =	vst.idx.msk $0xffff, v33  }
0x47a: {  	v33 =	vld.idx.msk [tilespmem:v35+s19+$0x0], $0xffff  }
0x47b: {  	v34 =	vor.u32 v9, v31  }
0x47c: {  	v35 =	vor.u32 v18, v32;
	_ =	sdelay $0x3  }
0x47d: {  	[tilespmem:v34+s15+$0x0] =	vst.idx.msk $0xffff, v33  }
0x47e: {  	v33 =	vld.idx.msk [tilespmem:v35+s19+$0x0], $0xffff  }
0x47f: {  	v34 =	vor.u32 v9, v25  }
0x480: {  	v35 =	vor.u32 v19, v26;
	_ =	sdelay $0x3  }
0x481: {  	[tilespmem:v34+s15+$0x0] =	vst.idx.msk $0xffff, v33  }
0x482: {  	v33 =	vld.idx.msk [tilespmem:v35+s19+$0x0], $0xffff  }
0x483: {  	v34 =	vor.u32 v10, v27  }
0x484: {  	v35 =	vor.u32 v19, v28;
	_ =	sdelay $0x3  }
0x485: {  	[tilespmem:v34+s15+$0x0] =	vst.idx.msk $0xffff, v33  }
0x486: {  	v33 =	vld.idx.msk [tilespmem:v35+s19+$0x0], $0xffff  }
0x487: {  	v34 =	vor.u32 v10, v30  }
0x488: {  	v35 =	vor.u32 v19, v29;
	_ =	sdelay $0x3  }
0x489: {  	[tilespmem:v34+s15+$0x0] =	vst.idx.msk $0xffff, v33  }
0x48a: {  	v33 =	vld.idx.msk [tilespmem:v35+s19+$0x0], $0xffff  }
0x48b: {  	v34 =	vor.u32 v10, v31  }
0x48c: {  	v35 =	vor.u32 v19, v32;
	_ =	sdelay $0x3  }
0x48d: {  	[tilespmem:v34+s15+$0x0] =	vst.idx.msk $0xffff, v33  }
0x48e: {  	v33 =	vld.idx.msk [tilespmem:v35+s19+$0x0], $0xffff  }
0x48f: {  	v34 =	vor.u32 v10, v25  }
0x490: {  	v35 =	vor.u32 v20, v26;
	_ =	sdelay $0x3  }
0x491: {  	[tilespmem:v34+s15+$0x0] =	vst.idx.msk $0xffff, v33  }
0x492: {  	v33 =	vld.idx.msk [tilespmem:v35+s19+$0x0], $0xffff  }
0x493: {  	v34 =	vor.u32 v11, v27  }
0x494: {  	v35 =	vor.u32 v20, v28;
	_ =	sdelay $0x3  }
0x495: {  	[tilespmem:v34+s15+$0x0] =	vst.idx.msk $0xffff, v33  }
0x496: {  	v33 =	vld.idx.msk [tilespmem:v35+s19+$0x0], $0xffff  }
0x497: {  	v34 =	vor.u32 v11, v30  }
0x498: {  	v35 =	vor.u32 v20, v29;
	_ =	sdelay $0x3  }
0x499: {  	[tilespmem:v34+s15+$0x0] =	vst.idx.msk $0xffff, v33  }
0x49a: {  	v33 =	vld.idx.msk [tilespmem:v35+s19+$0x0], $0xffff  }
0x49b: {  	v34 =	vor.u32 v11, v31  }
0x49c: {  	v35 =	vor.u32 v20, v32;
	_ =	sdelay $0x3  }
0x49d: {  	[tilespmem:v34+s15+$0x0] =	vst.idx.msk $0xffff, v33  }
0x49e: {  	v33 =	vld.idx.msk [tilespmem:v35+s19+$0x0], $0xffff  }
0x49f: {  	v34 =	vor.u32 v11, v25  }
0x4a0: {  	v35 =	vor.u32 v21, v26;
	_ =	sdelay $0x3  }
0x4a1: {  	[tilespmem:v34+s15+$0x0] =	vst.idx.msk $0xffff, v33  }
0x4a2: {  	v33 =	vld.idx.msk [tilespmem:v35+s19+$0x0], $0xffff  }
0x4a3: {  	v34 =	vor.u32 v12, v27  }
0x4a4: {  	v35 =	vor.u32 v21, v28;
	_ =	sdelay $0x3  }
0x4a5: {  	[tilespmem:v34+s15+$0x0] =	vst.idx.msk $0xffff, v33  }
0x4a6: {  	v33 =	vld.idx.msk [tilespmem:v35+s19+$0x0], $0xffff  }
0x4a7: {  	v34 =	vor.u32 v12, v30  }
0x4a8: {  	v35 =	vor.u32 v21, v29;
	_ =	sdelay $0x3  }
0x4a9: {  	[tilespmem:v34+s15+$0x0] =	vst.idx.msk $0xffff, v33  }
0x4aa: {  	v33 =	vld.idx.msk [tilespmem:v35+s19+$0x0], $0xffff  }
0x4ab: {  	v34 =	vor.u32 v12, v31  }
0x4ac: {  	v35 =	vor.u32 v21, v32;
	_ =	sdelay $0x3  }
0x4ad: {  	[tilespmem:v34+s15+$0x0] =	vst.idx.msk $0xffff, v33  }
0x4ae: {  	v33 =	vld.idx.msk [tilespmem:v35+s19+$0x0], $0xffff  }
0x4af: {  	v34 =	vor.u32 v12, v25  }
0x4b0: {  	v35 =	vor.u32 v22, v26;
	_ =	sdelay $0x3  }
0x4b1: {  	[tilespmem:v34+s15+$0x0] =	vst.idx.msk $0xffff, v33  }
0x4b2: {  	v33 =	vld.idx.msk [tilespmem:v35+s19+$0x0], $0xffff  }
0x4b3: {  	v34 =	vor.u32 v13, v27  }
0x4b4: {  	v35 =	vor.u32 v22, v28;
	_ =	sdelay $0x3  }
0x4b5: {  	[tilespmem:v34+s15+$0x0] =	vst.idx.msk $0xffff, v33  }
0x4b6: {  	v33 =	vld.idx.msk [tilespmem:v35+s19+$0x0], $0xffff  }
0x4b7: {  	v34 =	vor.u32 v13, v30  }
0x4b8: {  	v35 =	vor.u32 v22, v29;
	_ =	sdelay $0x3  }
0x4b9: {  	[tilespmem:v34+s15+$0x0] =	vst.idx.msk $0xffff, v33  }
0x4ba: {  	v33 =	vld.idx.msk [tilespmem:v35+s19+$0x0], $0xffff  }
0x4bb: {  	v34 =	vor.u32 v13, v31  }
0x4bc: {  	v35 =	vor.u32 v22, v32;
	_ =	sdelay $0x3  }
0x4bd: {  	[tilespmem:v34+s15+$0x0] =	vst.idx.msk $0xffff, v33  }
0x4be: {  	v33 =	vld.idx.msk [tilespmem:v35+s19+$0x0], $0xffff  }
0x4bf: {  	v34 =	vor.u32 v13, v25  }
0x4c0: {  	v35 =	vor.u32 v23, v26;
	_ =	sdelay $0x3  }
0x4c1: {  	[tilespmem:v34+s15+$0x0] =	vst.idx.msk $0xffff, v33  }
0x4c2: {  	v33 =	vld.idx.msk [tilespmem:v35+s19+$0x0], $0xffff  }
0x4c3: {  	v34 =	vor.u32 v14, v27  }
0x4c4: {  	v35 =	vor.u32 v23, v28;
	_ =	sdelay $0x3  }
0x4c5: {  	[tilespmem:v34+s15+$0x0] =	vst.idx.msk $0xffff, v33  }
0x4c6: {  	v33 =	vld.idx.msk [tilespmem:v35+s19+$0x0], $0xffff  }
0x4c7: {  	v34 =	vor.u32 v14, v30  }
0x4c8: {  	v35 =	vor.u32 v23, v29;
	_ =	sdelay $0x3  }
0x4c9: {  	[tilespmem:v34+s15+$0x0] =	vst.idx.msk $0xffff, v33  }
0x4ca: {  	v33 =	vld.idx.msk [tilespmem:v35+s19+$0x0], $0xffff  }
0x4cb: {  	v34 =	vor.u32 v14, v31  }
0x4cc: {  	v35 =	vor.u32 v23, v32;
	_ =	sdelay $0x3  }
0x4cd: {  	[tilespmem:v34+s15+$0x0] =	vst.idx.msk $0xffff, v33  }
0x4ce: {  	v33 =	vld.idx.msk [tilespmem:v35+s19+$0x0], $0xffff  }
0x4cf: {  	v34 =	vor.u32 v14, v25  }
0x4d0: {  	v26 =	vor.u32 v24, v26;
	_ =	sdelay $0x3  }
0x4d1: {  	[tilespmem:v34+s15+$0x0] =	vst.idx.msk $0xffff, v33  }
0x4d2: {  	v26 =	vld.idx.msk [tilespmem:v26+s19+$0x0], $0xffff  }
0x4d3: {  	v27 =	vor.u32 v15, v27  }
0x4d4: {  	v28 =	vor.u32 v24, v28;
	_ =	sdelay $0x3  }
0x4d5: {  	[tilespmem:v27+s15+$0x0] =	vst.idx.msk $0xffff, v26  }
0x4d6: {  	v26 =	vld.idx.msk [tilespmem:v28+s19+$0x0], $0xffff  }
0x4d7: {  	v27 =	vor.u32 v15, v30  }
0x4d8: {  	v28 =	vor.u32 v24, v29;
	_ =	sdelay $0x3  }
0x4d9: {  	[tilespmem:v27+s15+$0x0] =	vst.idx.msk $0xffff, v26  }
0x4da: {  	v26 =	vld.idx.msk [tilespmem:v28+s19+$0x0], $0xffff  }
0x4db: {  	v27 =	vor.u32 v15, v31  }
0x4dc: {  	v28 =	vor.u32 v24, v32  }
.Ltmp5:
0x4dd: {  	(pc) =	sbr.rel @p0 .LBB2_13-.Ltmp5, $3  }
0x4de: {  	_ =	sdelay $0x1  }
0x4df: {  	[tilespmem:v27+s15+$0x0] =	vst.idx.msk $0xffff, v26  }
0x4e0: {  	s7 =	sadd.s32 $0x2, s7;
	v27 =	vadd.s32 s3, v0;
	v28 =	vld.idx.msk [tilespmem:v28+s19+$0x0], $0xffff  }
0x4e1: {  	v26 =	vand.u32 $0xF, v27;
	v25 =	vor.u32 v15, v25  }
0x4e2: {  	v29 =	vor.u32 v16, v26;
	_ =	sdelay $0x1  }
0x4e3: {  	v30 =	vshll.u32 v27, $0x7  }
0x4e4: {  	v30 =	vand.u32 $0x780, v30  }
0x4e5: {  	v36 =	vor.u32 $0x10, v27;
	v27 =	vor.u32 v17, v30;
	[tilespmem:v25+s15+$0x0] =	vst.idx.msk $0xffff, v28  }
0x4e6: {  	v30 =	vand.u32 $0x1F, v36;
	v37 =	vor.u32 v0, v27;
	v28 =	vld.idx.msk [tilespmem:v29+s19+$0x0], $0xffff  }
0x4e7: {  	v31 =	vor.u32 v16, v30;
	_ =	sdelay $0x2  }
0x4e8: {  	s3 =	sadd.s32 $0x1, s3;
	v25 =	vshll.u32 v36, $0x7  }
0x4e9: {  	v38 =	vadd.s32 s3, v0;
	v25 =	vadd.s32 v17, v25;
	[tilespmem:v37+s15+$0x0] =	vst.idx.msk $0xffff, v28  }
0x4ea: {  	v32 =	vor.u32 v0, v25;
	v29 =	vld.idx.msk [tilespmem:v31+s19+$0x0], $0xffff;
	v31 =	vand.u32 $0xF, v38  }
0x4eb: {  	v33 =	vor.u32 v16, v31;
	_ =	sdelay $0x2  }
0x4ec: {  	v34 =	vor.u32 $0x10, v31;
	v35 =	vshll.u32 v31, $0x7  }
0x4ed: {  	v28 =	vand.u32 $0x7, v38;
	v39 =	vand.u32 $0x18, v34;
	[tilespmem:v32+s15+$0x0] =	vst.idx.msk $0xffff, v29;
	v29 =	vor.u32 v17, v35  }
0x4ee: {  	v28 =	vor.u32 v28, v39;
	v33 =	vld.idx.msk [tilespmem:v33+s19+$0x0], $0xffff;
	v35 =	vor.u32 v0, v29  }
0x4ef: {  	v16 =	vor.u32 v16, v28;
	_ =	sdelay $0x2  }
0x4f0: {  	v40 =	vshll.u32 v34, $0x7  }
0x4f1: {  	v17 =	vor.u32 v17, v40;
	[tilespmem:v35+s15+$0x0] =	vst.idx.msk $0xffff, v33  }
0x4f2: {  	v32 =	vor.u32 v0, v17;
	v16 =	vld.idx.msk [tilespmem:v16+s19+$0x0], $0xffff  }
0x4f3: {  	v41 =	vor.u32 v18, v26;
	_ =	sdelay $0x3  }
0x4f4: {  	[tilespmem:v32+s15+$0x0] =	vst.idx.msk $0xffff, v16  }
0x4f5: {  	v42 =	vor.u32 v9, v27;
	v16 =	vld.idx.msk [tilespmem:v41+s19+$0x0], $0xffff  }
0x4f6: {  	v43 =	vor.u32 v18, v30;
	_ =	sdelay $0x3  }
0x4f7: {  	[tilespmem:v42+s15+$0x0] =	vst.idx.msk $0xffff, v16  }
0x4f8: {  	v44 =	vor.u32 v9, v25;
	v16 =	vld.idx.msk [tilespmem:v43+s19+$0x0], $0xffff  }
0x4f9: {  	v45 =	vor.u32 v18, v31;
	_ =	sdelay $0x3  }
0x4fa: {  	[tilespmem:v44+s15+$0x0] =	vst.idx.msk $0xffff, v16  }
0x4fb: {  	v46 =	vor.u32 v9, v29;
	v16 =	vld.idx.msk [tilespmem:v45+s19+$0x0], $0xffff  }
0x4fc: {  	v47 =	vor.u32 v18, v28;
	_ =	sdelay $0x3  }
0x4fd: {  	[tilespmem:v46+s15+$0x0] =	vst.idx.msk $0xffff, v16  }
0x4fe: {  	v48 =	vor.u32 v9, v17;
	v16 =	vld.idx.msk [tilespmem:v47+s19+$0x0], $0xffff  }
0x4ff: {  	v49 =	vor.u32 v19, v26;
	_ =	sdelay $0x3  }
0x500: {  	[tilespmem:v48+s15+$0x0] =	vst.idx.msk $0xffff, v16  }
0x501: {  	v50 =	vor.u32 v10, v27;
	v16 =	vld.idx.msk [tilespmem:v49+s19+$0x0], $0xffff  }
0x502: {  	v51 =	vor.u32 v19, v30;
	_ =	sdelay $0x3  }
0x503: {  	[tilespmem:v50+s15+$0x0] =	vst.idx.msk $0xffff, v16  }
0x504: {  	v52 =	vor.u32 v10, v25;
	v16 =	vld.idx.msk [tilespmem:v51+s19+$0x0], $0xffff  }
0x505: {  	v53 =	vor.u32 v19, v31;
	_ =	sdelay $0x3  }
0x506: {  	[tilespmem:v52+s15+$0x0] =	vst.idx.msk $0xffff, v16  }
0x507: {  	v54 =	vor.u32 v10, v29;
	v16 =	vld.idx.msk [tilespmem:v53+s19+$0x0], $0xffff  }
0x508: {  	v55 =	vor.u32 v19, v28;
	_ =	sdelay $0x3  }
0x509: {  	[tilespmem:v54+s15+$0x0] =	vst.idx.msk $0xffff, v16  }
0x50a: {  	v56 =	vor.u32 v10, v17;
	v16 =	vld.idx.msk [tilespmem:v55+s19+$0x0], $0xffff  }
0x50b: {  	v57 =	vor.u32 v20, v26;
	_ =	sdelay $0x3  }
0x50c: {  	[tilespmem:v56+s15+$0x0] =	vst.idx.msk $0xffff, v16  }
0x50d: {  	v58 =	vor.u32 v11, v27;
	v16 =	vld.idx.msk [tilespmem:v57+s19+$0x0], $0xffff  }
0x50e: {  	v59 =	vor.u32 v20, v30;
	_ =	sdelay $0x3  }
0x50f: {  	[tilespmem:v58+s15+$0x0] =	vst.idx.msk $0xffff, v16  }
0x510: {  	v60 =	vor.u32 v11, v25;
	v16 =	vld.idx.msk [tilespmem:v59+s19+$0x0], $0xffff  }
0x511: {  	v61 =	vor.u32 v20, v31;
	_ =	sdelay $0x3  }
0x512: {  	[tilespmem:v60+s15+$0x0] =	vst.idx.msk $0xffff, v16  }
0x513: {  	v62 =	vor.u32 v11, v29;
	v16 =	vld.idx.msk [tilespmem:v61+s19+$0x0], $0xffff  }
0x514: {  	v63 =	vor.u32 v20, v28;
	_ =	sdelay $0x3  }
0x515: {  	[tilespmem:v62+s15+$0x0] =	vst.idx.msk $0xffff, v16  }
0x516: {  	v32 =	vor.u32 v11, v17;
	v16 =	vld.idx.msk [tilespmem:v63+s19+$0x0], $0xffff  }
0x517: {  	v33 =	vor.u32 v21, v26;
	_ =	sdelay $0x3  }
0x518: {  	[tilespmem:v32+s15+$0x0] =	vst.idx.msk $0xffff, v16  }
0x519: {  	v34 =	vor.u32 v12, v27;
	v16 =	vld.idx.msk [tilespmem:v33+s19+$0x0], $0xffff  }
0x51a: {  	v35 =	vor.u32 v21, v30;
	_ =	sdelay $0x3  }
0x51b: {  	[tilespmem:v34+s15+$0x0] =	vst.idx.msk $0xffff, v16  }
0x51c: {  	v36 =	vor.u32 v12, v25;
	v16 =	vld.idx.msk [tilespmem:v35+s19+$0x0], $0xffff  }
0x51d: {  	v37 =	vor.u32 v21, v31;
	_ =	sdelay $0x3  }
0x51e: {  	[tilespmem:v36+s15+$0x0] =	vst.idx.msk $0xffff, v16  }
0x51f: {  	v38 =	vor.u32 v12, v29;
	v16 =	vld.idx.msk [tilespmem:v37+s19+$0x0], $0xffff  }
0x520: {  	v39 =	vor.u32 v21, v28;
	_ =	sdelay $0x3  }
0x521: {  	[tilespmem:v38+s15+$0x0] =	vst.idx.msk $0xffff, v16  }
0x522: {  	v40 =	vor.u32 v12, v17;
	v16 =	vld.idx.msk [tilespmem:v39+s19+$0x0], $0xffff  }
0x523: {  	v41 =	vor.u32 v22, v26;
	_ =	sdelay $0x3  }
0x524: {  	[tilespmem:v40+s15+$0x0] =	vst.idx.msk $0xffff, v16  }
0x525: {  	v42 =	vor.u32 v13, v27;
	v16 =	vld.idx.msk [tilespmem:v41+s19+$0x0], $0xffff  }
0x526: {  	v43 =	vor.u32 v22, v30;
	_ =	sdelay $0x3  }
0x527: {  	[tilespmem:v42+s15+$0x0] =	vst.idx.msk $0xffff, v16  }
0x528: {  	v44 =	vor.u32 v13, v25;
	v16 =	vld.idx.msk [tilespmem:v43+s19+$0x0], $0xffff  }
0x529: {  	v45 =	vor.u32 v22, v31;
	_ =	sdelay $0x3  }
0x52a: {  	[tilespmem:v44+s15+$0x0] =	vst.idx.msk $0xffff, v16  }
0x52b: {  	v46 =	vor.u32 v13, v29;
	v16 =	vld.idx.msk [tilespmem:v45+s19+$0x0], $0xffff  }
0x52c: {  	v47 =	vor.u32 v22, v28;
	_ =	sdelay $0x3  }
0x52d: {  	[tilespmem:v46+s15+$0x0] =	vst.idx.msk $0xffff, v16  }
0x52e: {  	v48 =	vor.u32 v13, v17;
	v16 =	vld.idx.msk [tilespmem:v47+s19+$0x0], $0xffff  }
0x52f: {  	v49 =	vor.u32 v23, v26;
	_ =	sdelay $0x3  }
0x530: {  	[tilespmem:v48+s15+$0x0] =	vst.idx.msk $0xffff, v16  }
0x531: {  	v50 =	vor.u32 v14, v27;
	v16 =	vld.idx.msk [tilespmem:v49+s19+$0x0], $0xffff  }
0x532: {  	v51 =	vor.u32 v23, v30;
	_ =	sdelay $0x3  }
0x533: {  	[tilespmem:v50+s15+$0x0] =	vst.idx.msk $0xffff, v16  }
0x534: {  	v52 =	vor.u32 v14, v25;
	v16 =	vld.idx.msk [tilespmem:v51+s19+$0x0], $0xffff  }
0x535: {  	v53 =	vor.u32 v23, v31;
	_ =	sdelay $0x3  }
0x536: {  	[tilespmem:v52+s15+$0x0] =	vst.idx.msk $0xffff, v16  }
0x537: {  	v54 =	vor.u32 v14, v29;
	v16 =	vld.idx.msk [tilespmem:v53+s19+$0x0], $0xffff  }
0x538: {  	v55 =	vor.u32 v23, v28;
	_ =	sdelay $0x3  }
0x539: {  	[tilespmem:v54+s15+$0x0] =	vst.idx.msk $0xffff, v16  }
0x53a: {  	v56 =	vor.u32 v14, v17;
	v16 =	vld.idx.msk [tilespmem:v55+s19+$0x0], $0xffff  }
0x53b: {  	v57 =	vor.u32 v24, v26;
	_ =	sdelay $0x3  }
0x53c: {  	[tilespmem:v56+s15+$0x0] =	vst.idx.msk $0xffff, v16  }
0x53d: {  	v58 =	vor.u32 v15, v27;
	v16 =	vld.idx.msk [tilespmem:v57+s19+$0x0], $0xffff  }
0x53e: {  	v59 =	vor.u32 v24, v30;
	_ =	sdelay $0x3  }
0x53f: {  	[tilespmem:v58+s15+$0x0] =	vst.idx.msk $0xffff, v16  }
0x540: {  	v60 =	vor.u32 v15, v25;
	v16 =	vld.idx.msk [tilespmem:v59+s19+$0x0], $0xffff  }
0x541: {  	v61 =	vor.u32 v24, v31;
	_ =	sdelay $0x3  }
0x542: {  	[tilespmem:v60+s15+$0x0] =	vst.idx.msk $0xffff, v16  }
0x543: {  	v62 =	vor.u32 v15, v29;
	v16 =	vld.idx.msk [tilespmem:v61+s19+$0x0], $0xffff  }
0x544: {  	v63 =	vor.u32 v24, v28;
	_ =	sdelay $0x3  }
0x545: {  	s2 =	sadd.s32 $0x1, s2;
	[tilespmem:v62+s15+$0x0] =	vst.idx.msk $0xffff, v16  }
0x546: {  	p0 =	sne.s32 s2, $0x8;
	v17 =	vor.u32 v15, v17;
	v16 =	vld.idx.msk [tilespmem:v63+s19+$0x0], $0xffff  }
.Ltmp6:
0x547: {  	_ = 	snop;
	(pc) =	sbr.rel @p0 .LBB2_12-.Ltmp6, $2  }
0x548: {  	_ =	sdelay $0x2  }
0x549: {  	[tilespmem:v17+s15+$0x0] =	vst.idx.msk $0xffff, v16  }
0x54a: {  	s2 =	rddreg [dreg:$0x6]  }
0x54b: {  	[hbm4b:s2+s4] =	stream.linear.scatter [tilespmem:s15], [sflag:$0x3], $0x400, $0x38;
	[tilespmem:$0x18800] =	vst v63  }
0x54c: {  	s3 =	simm.s32 $0x11800;
	s1 =	sadd.s32 $0x4000, s2  }
0x54d: {  	[hbm4b:s1+s4] =	stream.linear.scatter [tilespmem:s3], [sflag:$0x3], $0x400, $0x38;
	[tilespmem:$0x18800] =	vst v63  }
0x54e: {  	s8 =	simm.s32 $0x12800;
	s7 =	sadd.s32 $0x8000, s2  }
0x54f: {  	[hbm4b:s7+s4] =	stream.linear.scatter [tilespmem:s8], [sflag:$0x3], $0x400, $0x38;
	[tilespmem:$0x18800] =	vst v63  }
0x550: {  	s13 =	simm.s32 $0x13800;
	s12 =	sadd.s32 $0xC000, s2  }
0x551: {  	[hbm4b:s12+s4] =	stream.linear.scatter [tilespmem:s13], [sflag:$0x3], $0x400, $0x38;
	[tilespmem:$0x18800] =	vst v63  }
0x552: {  	s7 =	sadd.s32 $0x10000, s2;
	s8 =	simm.s32 $0x14800  }
0x553: {  	[hbm4b:s7+s4] =	stream.linear.scatter [tilespmem:s8], [sflag:$0x3], $0x400, $0x38;
	[tilespmem:$0x18800] =	vst v63  }
0x554: {  	s12 =	sadd.s32 $0x14000, s2;
	s13 =	simm.s32 $0x15800  }
0x555: {  	[hbm4b:s12+s4] =	stream.linear.scatter [tilespmem:s13], [sflag:$0x3], $0x400, $0x38;
	[tilespmem:$0x18800] =	vst v63  }
0x556: {  	s7 =	sadd.s32 $0x18000, s2;
	s8 =	simm.s32 $0x16800  }
0x557: {  	[hbm4b:s7+s4] =	stream.linear.scatter [tilespmem:s8], [sflag:$0x3], $0x400, $0x38;
	[tilespmem:$0x18800] =	vst v63  }
0x558: {  	s12 =	sadd.s32 $0x1C000, s2;
	s13 =	simm.s32 $0x17800  }
0x559: {  	[hbm4b:s12+s4] =	stream.linear.scatter [tilespmem:s13], [sflag:$0x3], $0x400, $0x38;
	[tilespmem:$0x18800] =	vst v63  }
0x55a: {  	s3 =	simm.s32 $0x10C00;
	s2 =	rddreg [dreg:$0x7]  }
0x55b: {  	[hbm4b:s2+s4] =	stream.linear.scatter [tilespmem:s3], [sflag:$0x3], $0x400, $0x38;
	[tilespmem:$0x18800] =	vst v63  }
0x55c: {  	s7 =	sadd.s32 $0x4000, s2;
	s8 =	simm.s32 $0x11C00  }
0x55d: {  	[hbm4b:s7+s4] =	stream.linear.scatter [tilespmem:s8], [sflag:$0x3], $0x400, $0x38;
	[tilespmem:$0x18800] =	vst v63  }
0x55e: {  	s12 =	sadd.s32 $0x8000, s2;
	s13 =	simm.s32 $0x12C00  }
0x55f: {  	[hbm4b:s12+s4] =	stream.linear.scatter [tilespmem:s13], [sflag:$0x3], $0x400, $0x38;
	[tilespmem:$0x18800] =	vst v63  }
0x560: {  	s7 =	sadd.s32 $0xC000, s2;
	s8 =	simm.s32 $0x13C00  }
0x561: {  	[hbm4b:s7+s4] =	stream.linear.scatter [tilespmem:s8], [sflag:$0x3], $0x400, $0x38;
	[tilespmem:$0x18800] =	vst v63  }
0x562: {  	s12 =	sadd.s32 $0x10000, s2;
	s13 =	simm.s32 $0x14C00  }
0x563: {  	[hbm4b:s12+s4] =	stream.linear.scatter [tilespmem:s13], [sflag:$0x3], $0x400, $0x38;
	[tilespmem:$0x18800] =	vst v63  }
0x564: {  	s7 =	sadd.s32 $0x14000, s2;
	s8 =	simm.s32 $0x15C00  }
0x565: {  	[hbm4b:s7+s4] =	stream.linear.scatter [tilespmem:s8], [sflag:$0x3], $0x400, $0x38;
	[tilespmem:$0x18800] =	vst v63  }
0x566: {  	s12 =	sadd.s32 $0x18000, s2;
	s13 =	simm.s32 $0x16C00  }
0x567: {  	[hbm4b:s12+s4] =	stream.linear.scatter [tilespmem:s13], [sflag:$0x3], $0x400, $0x38;
	[tilespmem:$0x18800] =	vst v63  }
0x568: {  	s3 =	sadd.s32 $0x1C000, s2;
	s7 =	simm.s32 $0x17C00  }
0x569: {  	[hbm4b:s3+s4] =	stream.linear.scatter [tilespmem:s7], [sflag:$0x3], $0x400, $0x38;
	[tilespmem:$0x18800] =	vst v63  }
0x56a: {  	s2 =	rddreg [dreg:$0x8];
	s8 =	simm.s32 $0x11000  }
0x56b: {  	[hbm4b:s2+s4] =	stream.linear.scatter [tilespmem:s8], [sflag:$0x3], $0x400, $0x38;
	[tilespmem:$0x18800] =	vst v63  }
0x56c: {  	s12 =	sadd.s32 $0x4000, s2;
	s13 =	simm.s32 $0x12000  }
0x56d: {  	[hbm4b:s12+s4] =	stream.linear.scatter [tilespmem:s13], [sflag:$0x3], $0x400, $0x38;
	[tilespmem:$0x18800] =	vst v63  }
0x56e: {  	s7 =	sadd.s32 $0x8000, s2;
	s8 =	simm.s32 $0x13000  }
0x56f: {  	[hbm4b:s7+s4] =	stream.linear.scatter [tilespmem:s8], [sflag:$0x3], $0x400, $0x38;
	[tilespmem:$0x18800] =	vst v63  }
0x570: {  	s12 =	sadd.s32 $0xC000, s2;
	s13 =	simm.s32 $0x14000  }
0x571: {  	[hbm4b:s12+s4] =	stream.linear.scatter [tilespmem:s13], [sflag:$0x3], $0x400, $0x38;
	[tilespmem:$0x18800] =	vst v63  }
0x572: {  	s3 =	sadd.s32 $0x10000, s2;
	s7 =	simm.s32 $0x15000  }
0x573: {  	[hbm4b:s3+s4] =	stream.linear.scatter [tilespmem:s7], [sflag:$0x3], $0x400, $0x38;
	[tilespmem:$0x18800] =	vst v63  }
0x574: {  	s8 =	sadd.s32 $0x14000, s2;
	s12 =	simm.s32 $0x16000  }
0x575: {  	[hbm4b:s8+s4] =	stream.linear.scatter [tilespmem:s12], [sflag:$0x3], $0x400, $0x38;
	[tilespmem:$0x18800] =	vst v63  }
0x576: {  	s13 =	sadd.s32 $0x18000, s2  }
0x577: {  	[hbm4b:s13+s4] =	stream.linear.scatter [tilespmem:s20], [sflag:$0x3], $0x400, $0x38;
	[tilespmem:$0x18800] =	vst v63  }
0x578: {  	s3 =	sadd.s32 $0x1C000, s2  }
0x579: {  	[hbm4b:s3+s4] =	stream.linear.scatter [tilespmem:s21], [sflag:$0x3], $0x400, $0x38;
	[tilespmem:$0x18800] =	vst v63  }
0x57a: {  	s2 =	rddreg [dreg:$0x9]  }
0x57b: {  	[hbm4b:s2+s4] =	stream.linear.scatter [tilespmem:s22], [sflag:$0x3], $0x400, $0x38;
	[tilespmem:$0x18800] =	vst v63  }
0x57c: {  	s7 =	sadd.s32 $0x4000, s2  }
0x57d: {  	[hbm4b:s7+s4] =	stream.linear.scatter [tilespmem:s23], [sflag:$0x3], $0x400, $0x38;
	[tilespmem:$0x18800] =	vst v63  }
0x57e: {  	s8 =	sadd.s32 $0x8000, s2  }
0x57f: {  	[hbm4b:s8+s4] =	stream.linear.scatter [tilespmem:s24], [sflag:$0x3], $0x400, $0x38;
	[tilespmem:$0x18800] =	vst v63  }
0x580: {  	s12 =	sadd.s32 $0xC000, s2  }
0x581: {  	[hbm4b:s12+s4] =	stream.linear.scatter [tilespmem:s25], [sflag:$0x3], $0x400, $0x38;
	[tilespmem:$0x18800] =	vst v63  }
0x582: {  	s13 =	sadd.s32 $0x10000, s2  }
0x583: {  	[hbm4b:s13+s4] =	stream.linear.scatter [tilespmem:s26], [sflag:$0x3], $0x400, $0x38;
	[tilespmem:$0x18800] =	vst v63  }
0x584: {  	s3 =	sadd.s32 $0x14000, s2  }
0x585: {  	[hbm4b:s3+s4] =	stream.linear.scatter [tilespmem:s28], [sflag:$0x3], $0x400, $0x38;
	[tilespmem:$0x18800] =	vst v63  }
0x586: {  	s7 =	sadd.s32 $0x18000, s2  }
0x587: {  	[hbm4b:s7+s4] =	stream.linear.scatter [tilespmem:s29], [sflag:$0x3], $0x400, $0x38;
	[tilespmem:$0x18800] =	vst v63  }
0x588: {  	s8 =	sadd.s32 $0x1C000, s2  }
0x589: {  	[hbm4b:s8+s4] =	stream.linear.scatter [tilespmem:s30], [sflag:$0x3], $0x400, $0x38;
	[tilespmem:$0x18800] =	vst v63  }
0x58a: {  	_ =	swait.ge [sflag:s0], $0x2000  }
0x58b: {  	[sflag:s0] =	ssyncset.done $0x0  }
0x58c: {  	[sflag:s0] =	ssyncadd.s32 $0xFFFFE000  }
0x58d: {  	_ =	swait.ge [sflag:s0], $0x2000  }
0x58e: {  	[sflag:s0] =	ssyncset.done $0x0  }
0x58f: {  	[sflag:s0] =	ssyncadd.s32 $0xFFFFE000  }
0x590: {  	_ =	swait.ge [sflag:s0], $0x2000  }
0x591: {  	[sflag:s0] =	ssyncset.done $0x0  }
0x592: {  	[sflag:s0] =	ssyncadd.s32 $0xFFFFE000  }
0x593: {  	_ =	swait.ge [sflag:s0], $0x2000  }
0x594: {  	s12 =	rddreg [dreg:$0xb]  }
0x595: {  	s13 =	rddreg [dreg:$0xa];
	s2 =	sadd.s32 $0x1, s12  }
0x596: {  	p0 =	sne.s32 s2, s13  }
.Ltmp7:
0x597: {  	_ = 	snop;
	(pc) =	sbr.rel @p0 .LBB2_1-.Ltmp7, $3  }
0x598: {  	_ =	sdelay $0x1  }
0x599: {  	[sflag:s0] =	ssyncset.done $0x0  }
0x59a: {  	[sflag:s0] =	ssyncadd.s32 $0xFFFFE000  }
0x59b: {  	_ =	sfence.sel $0x180000  }
0x59c: {  	[bflag:$0x0] =	sbarrier.arrive $0xFFFF  }
0x59d: {  	_ =	strace $0x90000047  }
0x59e: {  	s0 =	stileid.u32;
	[bflag:$0x2] =	sbarrier.arrive $0xFFFF  }
0x59f: {  	p0 =	sne.s32 s0, $0x0;
	s0 =	rddreg [dreg:$0x3]  }
0x5a0: {  	s0 =	sadd.s32 @!p0 $0x100000, s0  }
0x5a1: {  	[sflag:s0] =	ssyncadd.tile.s32 @!p0 $0x1;
	_ =	shalt  }
.Lfunc_end2:
_tile_overlayer_lowered:
.L_overlay_start_2:
0x5a2: {  	(tag) =	ssettag $0x2  }
0x5a3: {  	s0 =	rddreg [dreg:$0x0];
	s2 =	stileid.u32  }
0x5a4: {  	s1 =	rddreg [dreg:$0x1];
	p0 =	sne.s32 s2, $0x0  }
0x5a5: {  	s3 =	rddreg [dreg:$0x2];
	[bflag:$0x3] =	sbarrier.arrive $0xFFFF;
	s2 =	simm.s32 @!p0 $0x1C04  }
0x5a6: {  	[timem:s3], [sflag:s2] =	dma.local @!p0 [hbm:s0], s1  }
0x5a7: {  	s0 =	simm.s32 @!p0 $0x4  }
0x5a8: {  	_ =	swait.ge @!p0 [sflag:s0], s1  }
0x5a9: {  	s1 =	ssub.s32 @!p0 $0x0, s1;
	[sflag:s0] =	ssyncset.done @!p0 $0x0  }
0x5aa: {  	[sflag:s0] =	ssyncadd.s32 @!p0 s1  }
0x5ab: {  	[bflag:$0x3] =	sbarrier.arrive $0xFFFF  }
0x5ac: {  	_ =	shalt  }

</sc_bundles>
